<compile_context>
chip_gen: v7x
topology: tpu7x:2x2x1
jax: 0.10.2.dev20260603
libtpu: 0.0.44.dev20260713+nightly
codegen_flags: <defaults>
</compile_context>

<pallas_src>
import functools

import jax
import jax.numpy as jnp
from jax import lax
from jax.experimental import pallas as pl
from jax.experimental.pallas import tpu as pltpu
from jax.experimental.pallas import tpu_sc as plsc

N = 10000
E = 320000
G = 100
D_IN = 128
D_H = 256
H = 10240
ET = E + N
K = 128
NS = 16
NC = 2
EPAD = ((ET + NS * K - 1) // (NS * K)) * (NS * K)
CHUNK = EPAD // NS
NWIN = CHUNK // K
CHUNK_D = EPAD // (NS * NC)
NWIN_D = CHUNK_D // K
RPT = H // NS
RB = 2048
NRB = H // RB
FP = jnp.float32

_mesh = plsc.VectorSubcoreMesh(core_axis_name="c", subcore_axis_name="s")


def _zero_vmem_2d(ref, nrows, ncols):
    z = jnp.zeros((16,), FP)

    def body(i, _):
        for j in range(ncols // 16):
            ref[i, pl.ds(j * 16, 16)] = z
        return 0

    lax.fori_loop(0, nrows, body, 0)


@functools.partial(
    pl.kernel,
    mesh=_mesh,
    out_type=jax.ShapeDtypeStruct((NC * H,), FP),
    scratch_types=[
        pltpu.VMEM((NWIN_D, K), jnp.int32),
        pltpu.VMEM((K,), FP),
        pltpu.VMEM((RPT,), FP),
        pltpu.VMEM_SHARED((H,), FP),
        pltpu.SemaphoreType.DMA,
    ],
)
def _deg_kernel(dst_hbm, deg_hbm, didx_all, ones, zbuf, acc, sem):
    c = lax.axis_index("c")
    s = lax.axis_index("s")
    one = jnp.full((16,), 1.0, FP)
    zero = jnp.zeros((16,), FP)

    def fill(i, _):
        ones[pl.ds(i * 16, 16)] = one
        return 0

    lax.fori_loop(0, K // 16, fill, 0)

    def zfill(i, _):
        zbuf[pl.ds(i * 16, 16)] = zero
        return 0

    lax.fori_loop(0, RPT // 16, zfill, 0)
    pltpu.sync_copy(zbuf, acc.at[pl.ds(s * RPT, RPT)])
    pltpu.sync_copy(dst_hbm.at[c, s], didx_all)
    plsc.subcore_barrier()

    DEPTH = 8

    def body(w, _):
        pltpu.async_copy(ones, acc.at[didx_all.at[w]], sem, add=True)

        @pl.when(w >= DEPTH)
        def _():
            pltpu.make_async_copy(ones, acc.at[didx_all.at[w - DEPTH]],
                                  sem).wait()

        return 0

    lax.fori_loop(0, NWIN_D, body, 0)

    def drain(w, _):
        pltpu.make_async_copy(ones, acc.at[didx_all.at[w]], sem).wait()
        return 0

    lax.fori_loop(NWIN_D - DEPTH, NWIN_D, drain, 0)
    plsc.subcore_barrier()
    pltpu.sync_copy(acc.at[pl.ds(s * RPT, RPT)],
                    deg_hbm.at[pl.ds(c * H + s * RPT, RPT)])


SW = 18
NSUP = NWIN // SW


@functools.partial(
    pl.kernel,
    mesh=_mesh,
    out_type=jax.ShapeDtypeStruct((NC * H, D_H // 2), FP),
    scratch_types=[
        pltpu.VMEM((2, SW, K), jnp.int32),
        pltpu.VMEM((2, SW, K), jnp.int32),
        pltpu.VMEM((2, K, D_H // 2), FP),
        pltpu.VMEM_SHARED((H, D_H // 2), FP),
        pltpu.SemaphoreType.DMA,
        pltpu.SemaphoreType.DMA,
        pltpu.SemaphoreType.DMA,
    ],
)
def _agg_kernel(y_hbm, src2_hbm, dst_hbm, out_hbm, sidxS, didxS,
                rows, acc, semG0, semG1, semI):
    c = lax.axis_index("c")
    s = lax.axis_index("s")

    _zero_vmem_2d(rows.at[0], K, D_H // 2)
    for b in range(RPT // K):
        pltpu.sync_copy(rows.at[0], acc.at[pl.ds(s * RPT + b * K, K)])
    pltpu.sync_copy(src2_hbm.at[c, s, 0], sidxS.at[0])
    pltpu.sync_copy(dst_hbm.at[s, 0], didxS.at[0])
    plsc.subcore_barrier()

    pltpu.async_copy(y_hbm.at[sidxS.at[0, 0]], rows.at[0], semG0)

    def outer(sup, _):
        b = sup % 2

        @pl.when(sup < NSUP - 1)
        def _():
            pltpu.async_copy(src2_hbm.at[c, s, sup + 1], sidxS.at[1 - b], semI)
            pltpu.async_copy(dst_hbm.at[s, sup + 1], didxS.at[1 - b], semI)

        def inner(p, _):
            w0 = 2 * p
            pltpu.async_copy(y_hbm.at[sidxS.at[b, w0 + 1]], rows.at[1], semG1)
            pltpu.make_async_copy(y_hbm.at[sidxS.at[b, w0]],
                                  rows.at[0], semG0).wait()
            pltpu.sync_copy(rows.at[0], acc.at[didxS.at[b, w0]], add=True)
            pltpu.async_copy(y_hbm.at[sidxS.at[b, w0 + 2]], rows.at[0], semG0)
            pltpu.make_async_copy(y_hbm.at[sidxS.at[b, w0 + 1]],
                                  rows.at[1], semG1).wait()
            pltpu.sync_copy(rows.at[1], acc.at[didxS.at[b, w0 + 1]], add=True)
            return 0

        lax.fori_loop(0, SW // 2 - 1, inner, 0)
        wt = SW - 2

        @pl.when(sup < NSUP - 1)
        def _():
            pltpu.make_async_copy(src2_hbm.at[c, s, sup + 1],
                                  sidxS.at[1 - b], semI).wait()
            pltpu.make_async_copy(dst_hbm.at[s, sup + 1],
                                  didxS.at[1 - b], semI).wait()

        pltpu.async_copy(y_hbm.at[sidxS.at[b, wt + 1]], rows.at[1], semG1)
        pltpu.make_async_copy(y_hbm.at[sidxS.at[b, wt]],
                              rows.at[0], semG0).wait()
        pltpu.sync_copy(rows.at[0], acc.at[didxS.at[b, wt]], add=True)

        @pl.when(sup < NSUP - 1)
        def _():
            pltpu.async_copy(y_hbm.at[sidxS.at[1 - b, 0]], rows.at[0], semG0)

        pltpu.make_async_copy(y_hbm.at[sidxS.at[b, wt + 1]],
                              rows.at[1], semG1).wait()
        pltpu.sync_copy(rows.at[1], acc.at[didxS.at[b, wt + 1]], add=True)
        return 0

    lax.fori_loop(0, NSUP, outer, 0)
    plsc.subcore_barrier()
    pltpu.sync_copy(acc.at[pl.ds(s * RPT, RPT)],
                    out_hbm.at[pl.ds(c * H + s * RPT, RPT)])


def _dinv(deg_lo, deg_hi):
    d = deg_lo + deg_hi
    return jnp.where(d > 0, lax.rsqrt(d), 0.0)


def _dot(a, b):
    return lax.dot_general(a, b, (((1,), (0,)), ((), ())),
                           precision=lax.Precision.DEFAULT,
                           preferred_element_type=FP)


def _dot0(a, b):
    return lax.dot_general(a, b, (((0,), (0,)), ((), ())),
                           precision=lax.Precision.HIGHEST,
                           preferred_element_type=FP)


def _tc1_body(x_ref, w_ref, dlo_ref, dhi_ref, out_ref):
    di = _dinv(dlo_ref[...], dhi_ref[...])
    y = _dot(x_ref[...], w_ref[...]) * di[:, None]
    out_ref[0] = y[:, : D_H // 2]
    out_ref[1] = y[:, D_H // 2:]


def _tc_mid_body(a_ref, w_ref, b_ref, dlo_ref, dhi_ref, out_ref):
    di = _dinv(dlo_ref[...], dhi_ref[...])
    hlo = jnp.maximum(a_ref[0] * di[:, None] + b_ref[0, : D_H // 2], 0.0)
    hhi = jnp.maximum(a_ref[1] * di[:, None] + b_ref[0, D_H // 2:], 0.0)
    y = _dot(jnp.concatenate([hlo, hhi], axis=1), w_ref[...]) * di[:, None]
    out_ref[0] = y[:, : D_H // 2]
    out_ref[1] = y[:, D_H // 2:]


def _tc_final_body(a_ref, b3_ref, dlo_ref, dhi_ref, bidx_ref,
                   l1w_ref, l1b_ref, l2w_ref, l2b_ref, out_ref,
                   sums_ref, cnts_ref):
    i = pl.program_id(0)

    @pl.when(i == 0)
    def _():
        sums_ref[...] = jnp.zeros_like(sums_ref)
        cnts_ref[...] = jnp.zeros_like(cnts_ref)

    di = _dinv(dlo_ref[...], dhi_ref[...])
    hlo = jnp.maximum(a_ref[0] * di[:, None] + b3_ref[0, : D_H // 2], 0.0)
    hhi = jnp.maximum(a_ref[1] * di[:, None] + b3_ref[0, D_H // 2:], 0.0)
    seg = bidx_ref[...]
    onehot = (seg[:, None] == lax.broadcasted_iota(jnp.int32, (RB, 128), 1)
              ).astype(FP)
    ct = _dot0(onehot, jnp.ones((RB, 8), FP))
    slo = _dot0(onehot, hlo)
    shi = _dot0(onehot, hhi)
    sums_ref[...] += jnp.concatenate([slo, shi], axis=1)
    cnts_ref[...] += ct

    @pl.when(i == NRB - 1)
    def _():
        pooled = sums_ref[...] / jnp.maximum(cnts_ref[:, 0:1], 1.0)
        g = jnp.maximum(_dot(pooled, l1w_ref[...]) + l1b_ref[...], 0.0)
        out_ref[...] = _dot(g, l2w_ref[...]) + l2b_ref[...]


def _row_spec(block_cols):
    return pl.BlockSpec((RB, block_cols), lambda i: (i, 0))


def _full_spec(shape):
    return pl.BlockSpec(shape, lambda i: tuple(0 for _ in shape))


_vec_spec = pl.BlockSpec((RB,), lambda i: (i,))
_both_halves = pl.BlockSpec((2, RB, D_H // 2), lambda i: (0, i, 0))
_out_split = pl.BlockSpec((2, RB, D_H // 2), lambda i: (0, i, 0))


def _tc1(x_pad, W1, deg_lo, deg_hi):
    return pl.pallas_call(
        _tc1_body,
        grid=(NRB,),
        in_specs=[_row_spec(D_IN), _full_spec((D_IN, D_H)), _vec_spec, _vec_spec],
        out_specs=_out_split,
        out_shape=jax.ShapeDtypeStruct((2, H, D_H // 2), FP),
    )(x_pad, W1, deg_lo, deg_hi)


def _tc_mid(agg, W, b, deg_lo, deg_hi):
    return pl.pallas_call(
        _tc_mid_body,
        grid=(NRB,),
        in_specs=[_both_halves, _full_spec((D_H, D_H)),
                  _full_spec((1, D_H)), _vec_spec, _vec_spec],
        out_specs=_out_split,
        out_shape=jax.ShapeDtypeStruct((2, H, D_H // 2), FP),
    )(agg, W, b, deg_lo, deg_hi)


def _tc_final(agg, b3, deg_lo, deg_hi, bidx, l1w, l1b, l2w_p, l2b_p):
    return pl.pallas_call(
        _tc_final_body,
        grid=(NRB,),
        in_specs=[_both_halves, _full_spec((1, D_H)), _vec_spec, _vec_spec,
                  _vec_spec, _full_spec((D_H, D_H)), _full_spec((1, D_H)),
                  _full_spec((D_H, 128)), _full_spec((1, 128))],
        out_specs=_full_spec((128, 128)),
        out_shape=jax.ShapeDtypeStruct((128, 128), FP),
        scratch_shapes=[pltpu.VMEM((128, D_H), FP), pltpu.VMEM((128, 8), FP)],
    )(agg, b3, deg_lo, deg_hi, bidx, l1w, l1b, l2w_p, l2b_p)


def kernel(x, edge_index, batch_idx, W1, b1, W2, b2, W3, b3,
           lin1_W, lin1_b, lin2_W, lin2_b):
    i32 = jnp.int32
    ei = edge_index.astype(i32)
    loop = jnp.arange(N, dtype=i32)
    npad = EPAD - ET
    padrow = N + (jnp.arange(npad, dtype=i32) % 128)
    src = jnp.concatenate([ei[0], loop, padrow])
    dst = jnp.concatenate([ei[1], loop, padrow])
    src2 = jnp.stack([src, src + H]).reshape(2, NS, NSUP, SW, K)
    dst_w = dst.reshape(NS, NSUP, SW, K)

    deg_flat = _deg_kernel(dst.reshape(NC, NS, NWIN_D, K))
    deg_lo, deg_hi = deg_flat[:H], deg_flat[H:]

    x_pad = jnp.pad(x.astype(FP), ((0, H - N), (0, 0)))
    b1r, b2r, b3r = b1[None, :], b2[None, :], b3[None, :]
    l1b = lin1_b[None, :]
    l2w_p = jnp.pad(lin2_W, ((0, 0), (0, 127)))
    l2b_p = jnp.pad(lin2_b, (0, 127))[None, :]
    bidx = jnp.concatenate(
        [batch_idx.astype(i32),
         G + (jnp.arange(H - N, dtype=i32) % (128 - G))])

    y = _tc1(x_pad, W1, deg_lo, deg_hi)
    agg = _agg_kernel(y.reshape(2 * H, D_H // 2), src2, dst_w).reshape(2, H, D_H // 2)
    y = _tc_mid(agg, W2, b1r, deg_lo, deg_hi)
    agg = _agg_kernel(y.reshape(2 * H, D_H // 2), src2, dst_w).reshape(2, H, D_H // 2)
    y = _tc_mid(agg, W3, b2r, deg_lo, deg_hi)
    agg = _agg_kernel(y.reshape(2 * H, D_H // 2), src2, dst_w).reshape(2, H, D_H // 2)
    out = _tc_final(agg, b3r, deg_lo, deg_hi, bidx, lin1_W, l1b, l2w_p, l2b_p)
    return out[:G, :1]

# --- scband reference (transcript-rebuilt; emitter-appended) ---
"""Pipeline reference for scband-gcngraph-regression-79525614452903 (READ-ONLY COPY).

The authoritative reference and input builder live on the scoring server;
editing this copy changes nothing except your own understanding.
"""

import jax, jax.numpy as jnp
import numpy as np

N_NODES = 10000
N_EDGES = 320000
NUM_GRAPHS = 100
D_IN = 128
D_H = 256


def _glorot(key, shape):
    fan_in, fan_out = shape[0], shape[1]
    lim = np.sqrt(6.0 / (fan_in + fan_out))
    return jax.random.uniform(key, shape, jnp.float32, -lim, lim)


def setup_inputs(seed: int = 0) -> dict:
    key = jax.random.key(seed)
    ks = jax.random.split(key, 16)
    x = jax.random.normal(ks[0], (N_NODES, D_IN), dtype=jnp.float32)
    edge_index = jax.random.randint(ks[1], (2, N_EDGES), 0, N_NODES, dtype=jnp.int64)
    batch_idx = jnp.sort(jax.random.randint(ks[2], (N_NODES,), 0, NUM_GRAPHS, dtype=jnp.int64))
    W1 = _glorot(ks[3], (D_IN, D_H))
    b1 = jnp.zeros((D_H,), jnp.float32)
    W2 = _glorot(ks[4], (D_H, D_H))
    b2 = jnp.zeros((D_H,), jnp.float32)
    W3 = _glorot(ks[5], (D_H, D_H))
    b3 = jnp.zeros((D_H,), jnp.float32)
    lin1_W = _glorot(ks[6], (D_H, D_H))
    lin1_b = jnp.zeros((D_H,), jnp.float32)
    lin2_W = _glorot(ks[7], (D_H, 1))
    lin2_b = jnp.zeros((1,), jnp.float32)
    return {"x": x, "edge_index": edge_index, "batch_idx": batch_idx,
            "W1": W1, "b1": b1, "W2": W2, "b2": b2, "W3": W3, "b3": b3,
            "lin1_W": lin1_W, "lin1_b": lin1_b, "lin2_W": lin2_W, "lin2_b": lin2_b}


def _gcn_conv(x, src, dst, norm, W, b, n):
    # GCNConv: D^{-1/2} (A + I) D^{-1/2} X W + b  (self loops already in src/dst)
    xw = x @ W
    msg = xw[src] * norm[:, None]
    out = jnp.zeros((n, W.shape[1]), dtype=x.dtype).at[dst].add(msg)
    return out + b


def reference(x, edge_index, batch_idx, W1, b1, W2, b2, W3, b3, lin1_W, lin1_b, lin2_W, lin2_b):
    n = x.shape[0]
    loop = jnp.arange(n, dtype=edge_index.dtype)
    src = jnp.concatenate([edge_index[0], loop])
    dst = jnp.concatenate([edge_index[1], loop])
    deg = jnp.zeros((n,), dtype=jnp.float32).at[dst].add(1.0)
    dinv = jnp.where(deg > 0, jax.lax.rsqrt(deg), 0.0)
    norm = dinv[src] * dinv[dst]

    h = _gcn_conv(x.astype(jnp.float32), src, dst, norm, W1, b1, n)
    h = jax.nn.relu(h)
    h = _gcn_conv(h, src, dst, norm, W2, b2, n)
    h = jax.nn.relu(h)
    h = _gcn_conv(h, src, dst, norm, W3, b3, n)
    h = jax.nn.relu(h)

    # global_mean_pool
    sums = jax.ops.segment_sum(h, batch_idx, num_segments=NUM_GRAPHS)
    counts = jax.ops.segment_sum(jnp.ones((n,), jnp.float32), batch_idx, num_segments=NUM_GRAPHS)
    pooled = sums / jnp.clip(counts, 1.0)[:, None]

    g = jax.nn.relu(pooled @ lin1_W + lin1_b)
    out = g @ lin2_W + lin2_b
    return out

if __name__ == "__main__":
    import jax
    _d = setup_inputs()
    print(jax.jit(kernel)(*tuple(_d.values())))

</pallas_src>

<mosaic_0001>
#map = affine_map<(d0, d1) -> (0, 0)>
#map1 = affine_map<(d0, d1) -> (0, 0, 0, 0, 0)>
#map2 = affine_map<(d0, d1) -> (0, 0, 0, 0)>
module attributes {stable_mosaic.version = 14 : i64} {
  func.func @_agg_kernel(%arg0: i32, %arg1: i32, %arg2: memref<20480x128xf32, #tpu.memory_space<hbm>>, %arg3: memref<2x16x9x18x128xi32, #tpu.memory_space<hbm>>, %arg4: memref<16x9x18x128xi32, #tpu.memory_space<hbm>>, %arg5: memref<20480x128xf32, #tpu.memory_space<hbm>>, %arg6: memref<2x18x128xi32, #tpu.memory_space<vmem>>, %arg7: memref<2x18x128xi32, #tpu.memory_space<vmem>>, %arg8: memref<2x128x128xf32, #tpu.memory_space<vmem>>, %arg9: memref<10240x128xf32, #tpu.memory_space<vmem_shared>>, %arg10: memref<!tpu.dma_semaphore, #tpu.memory_space<semaphore_mem>>, %arg11: memref<!tpu.dma_semaphore, #tpu.memory_space<semaphore_mem>>, %arg12: memref<!tpu.dma_semaphore, #tpu.memory_space<semaphore_mem>>) attributes {dimension_semantics = [#tpu.dimension_semantics<core_parallel>, #tpu.dimension_semantics<subcore_parallel>], iteration_bounds = array<i64: 2, 16>, scalar_prefetch = 0 : i64, scratch_operands = 7 : i64, tpu.core_type = #tpu.core_type<sc_vector_subcore>, window_params = [{transform_indices = #map}, {transform_indices = #map1}, {transform_indices = #map2}, {transform_indices = #map}]} {
    %broadcast_in_dim3A = arith.constant 0.000000e+00 : f32
    %broadcast_in_dim3A_0 = vector.broadcast %broadcast_in_dim3A : f32 to vector<16xf32>
    %scan3A = arith.constant 0 : i32
    %scan3A_1 = arith.constant 0 : i32
    %scan3A_2 = arith.constant 0 : i32
    %scan3A_3 = arith.constant 128 : i32
    %scan3A_4 = arith.addi %scan3A_2, %scan3A_3 : i32
    %scan3A_5 = arith.constant 1 : i32
    %scan3A_6 = scf.for %scan3A_61 = %scan3A_2 to %scan3A_4 step %scan3A_5 iter_args(%scan3A_62 = %scan3A_1) -> (i32)  : i32 {
      %swap3A = arith.constant 0 : i32
      %swap3A_63 = arith.constant 0 : i32
      %swap3A_64 = tpu.memref_slice %arg8[%scan3A, %swap3A, %swap3A_63] : memref<2x128x128xf32, #tpu.memory_space<vmem>> -> memref<1x128x128xf32, #tpu.memory_space<vmem>>
      %swap3A_65 = tpu.memref_squeeze %swap3A_64 : memref<1x128x128xf32, #tpu.memory_space<vmem>> -> memref<128x128xf32, #tpu.memory_space<vmem>>
      %swap3A_66 = arith.index_cast %scan3A_61 : i32 to index
      %swap3A_67 = arith.constant 0 : index
      %swap3A_68 = tpu.vector_load %swap3A_65[%swap3A_66, %swap3A_67] {strides = array<i32>} : memref<128x128xf32, #tpu.memory_space<vmem>>, vector<1x16xf32>,
      %swap3A_69 = vector.shape_cast %swap3A_68 : vector<1x16xf32> to vector<16xf32>
      %swap3A_70 = vector.shape_cast %broadcast_in_dim3A_0 : vector<16xf32> to vector<1x16xf32>
      tpu.vector_store %swap3A_65[%swap3A_66, %swap3A_67], %swap3A_70 {strides = array<i32>} : memref<128x128xf32, #tpu.memory_space<vmem>>, vector<1x16xf32>,
      %swap3A_71 = arith.constant 0 : i32
      %swap3A_72 = arith.constant 0 : i32
      %swap3A_73 = tpu.memref_slice %arg8[%scan3A, %swap3A_71, %swap3A_72] : memref<2x128x128xf32, #tpu.memory_space<vmem>> -> memref<1x128x128xf32, #tpu.memory_space<vmem>>
      %swap3A_74 = tpu.memref_squeeze %swap3A_73 : memref<1x128x128xf32, #tpu.memory_space<vmem>> -> memref<128x128xf32, #tpu.memory_space<vmem>>
      %swap3A_75 = arith.index_cast %scan3A_61 : i32 to index
      %swap3A_76 = arith.constant 16 : index
      %swap3A_77 = tpu.vector_load %swap3A_74[%swap3A_75, %swap3A_76] {strides = array<i32>} : memref<128x128xf32, #tpu.memory_space<vmem>>, vector<1x16xf32>,
      %swap3A_78 = vector.shape_cast %swap3A_77 : vector<1x16xf32> to vector<16xf32>
      %swap3A_79 = vector.shape_cast %broadcast_in_dim3A_0 : vector<16xf32> to vector<1x16xf32>
      tpu.vector_store %swap3A_74[%swap3A_75, %swap3A_76], %swap3A_79 {strides = array<i32>} : memref<128x128xf32, #tpu.memory_space<vmem>>, vector<1x16xf32>,
      %swap3A_80 = arith.constant 0 : i32
      %swap3A_81 = arith.constant 0 : i32
      %swap3A_82 = tpu.memref_slice %arg8[%scan3A, %swap3A_80, %swap3A_81] : memref<2x128x128xf32, #tpu.memory_space<vmem>> -> memref<1x128x128xf32, #tpu.memory_space<vmem>>
      %swap3A_83 = tpu.memref_squeeze %swap3A_82 : memref<1x128x128xf32, #tpu.memory_space<vmem>> -> memref<128x128xf32, #tpu.memory_space<vmem>>
      %swap3A_84 = arith.index_cast %scan3A_61 : i32 to index
      %swap3A_85 = arith.constant 32 : index
      %swap3A_86 = tpu.vector_load %swap3A_83[%swap3A_84, %swap3A_85] {strides = array<i32>} : memref<128x128xf32, #tpu.memory_space<vmem>>, vector<1x16xf32>,
      %swap3A_87 = vector.shape_cast %swap3A_86 : vector<1x16xf32> to vector<16xf32>
      %swap3A_88 = vector.shape_cast %broadcast_in_dim3A_0 : vector<16xf32> to vector<1x16xf32>
      tpu.vector_store %swap3A_83[%swap3A_84, %swap3A_85], %swap3A_88 {strides = array<i32>} : memref<128x128xf32, #tpu.memory_space<vmem>>, vector<1x16xf32>,
      %swap3A_89 = arith.constant 0 : i32
      %swap3A_90 = arith.constant 0 : i32
      %swap3A_91 = tpu.memref_slice %arg8[%scan3A, %swap3A_89, %swap3A_90] : memref<2x128x128xf32, #tpu.memory_space<vmem>> -> memref<1x128x128xf32, #tpu.memory_space<vmem>>
      %swap3A_92 = tpu.memref_squeeze %swap3A_91 : memref<1x128x128xf32, #tpu.memory_space<vmem>> -> memref<128x128xf32, #tpu.memory_space<vmem>>
      %swap3A_93 = arith.index_cast %scan3A_61 : i32 to index
      %swap3A_94 = arith.constant 48 : index
      %swap3A_95 = tpu.vector_load %swap3A_92[%swap3A_93, %swap3A_94] {strides = array<i32>} : memref<128x128xf32, #tpu.memory_space<vmem>>, vector<1x16xf32>,
      %swap3A_96 = vector.shape_cast %swap3A_95 : vector<1x16xf32> to vector<16xf32>
      %swap3A_97 = vector.shape_cast %broadcast_in_dim3A_0 : vector<16xf32> to vector<1x16xf32>
      tpu.vector_store %swap3A_92[%swap3A_93, %swap3A_94], %swap3A_97 {strides = array<i32>} : memref<128x128xf32, #tpu.memory_space<vmem>>, vector<1x16xf32>,
      %swap3A_98 = arith.constant 0 : i32
      %swap3A_99 = arith.constant 0 : i32
      %swap3A_100 = tpu.memref_slice %arg8[%scan3A, %swap3A_98, %swap3A_99] : memref<2x128x128xf32, #tpu.memory_space<vmem>> -> memref<1x128x128xf32, #tpu.memory_space<vmem>>
      %swap3A_101 = tpu.memref_squeeze %swap3A_100 : memref<1x128x128xf32, #tpu.memory_space<vmem>> -> memref<128x128xf32, #tpu.memory_space<vmem>>
      %swap3A_102 = arith.index_cast %scan3A_61 : i32 to index
      %swap3A_103 = arith.constant 64 : index
      %swap3A_104 = tpu.vector_load %swap3A_101[%swap3A_102, %swap3A_103] {strides = array<i32>} : memref<128x128xf32, #tpu.memory_space<vmem>>, vector<1x16xf32>,
      %swap3A_105 = vector.shape_cast %swap3A_104 : vector<1x16xf32> to vector<16xf32>
      %swap3A_106 = vector.shape_cast %broadcast_in_dim3A_0 : vector<16xf32> to vector<1x16xf32>
      tpu.vector_store %swap3A_101[%swap3A_102, %swap3A_103], %swap3A_106 {strides = array<i32>} : memref<128x128xf32, #tpu.memory_space<vmem>>, vector<1x16xf32>,
      %swap3A_107 = arith.constant 0 : i32
      %swap3A_108 = arith.constant 0 : i32
      %swap3A_109 = tpu.memref_slice %arg8[%scan3A, %swap3A_107, %swap3A_108] : memref<2x128x128xf32, #tpu.memory_space<vmem>> -> memref<1x128x128xf32, #tpu.memory_space<vmem>>
      %swap3A_110 = tpu.memref_squeeze %swap3A_109 : memref<1x128x128xf32, #tpu.memory_space<vmem>> -> memref<128x128xf32, #tpu.memory_space<vmem>>
      %swap3A_111 = arith.index_cast %scan3A_61 : i32 to index
      %swap3A_112 = arith.constant 80 : index
      %swap3A_113 = tpu.vector_load %swap3A_110[%swap3A_111, %swap3A_112] {strides = array<i32>} : memref<128x128xf32, #tpu.memory_space<vmem>>, vector<1x16xf32>,
      %swap3A_114 = vector.shape_cast %swap3A_113 : vector<1x16xf32> to vector<16xf32>
      %swap3A_115 = vector.shape_cast %broadcast_in_dim3A_0 : vector<16xf32> to vector<1x16xf32>
      tpu.vector_store %swap3A_110[%swap3A_111, %swap3A_112], %swap3A_115 {strides = array<i32>} : memref<128x128xf32, #tpu.memory_space<vmem>>, vector<1x16xf32>,
      %swap3A_116 = arith.constant 0 : i32
      %swap3A_117 = arith.constant 0 : i32
      %swap3A_118 = tpu.memref_slice %arg8[%scan3A, %swap3A_116, %swap3A_117] : memref<2x128x128xf32, #tpu.memory_space<vmem>> -> memref<1x128x128xf32, #tpu.memory_space<vmem>>
      %swap3A_119 = tpu.memref_squeeze %swap3A_118 : memref<1x128x128xf32, #tpu.memory_space<vmem>> -> memref<128x128xf32, #tpu.memory_space<vmem>>
      %swap3A_120 = arith.index_cast %scan3A_61 : i32 to index
      %swap3A_121 = arith.constant 96 : index
      %swap3A_122 = tpu.vector_load %swap3A_119[%swap3A_120, %swap3A_121] {strides = array<i32>} : memref<128x128xf32, #tpu.memory_space<vmem>>, vector<1x16xf32>,
      %swap3A_123 = vector.shape_cast %swap3A_122 : vector<1x16xf32> to vector<16xf32>
      %swap3A_124 = vector.shape_cast %broadcast_in_dim3A_0 : vector<16xf32> to vector<1x16xf32>
      tpu.vector_store %swap3A_119[%swap3A_120, %swap3A_121], %swap3A_124 {strides = array<i32>} : memref<128x128xf32, #tpu.memory_space<vmem>>, vector<1x16xf32>,
      %swap3A_125 = arith.constant 0 : i32
      %swap3A_126 = arith.constant 0 : i32
      %swap3A_127 = tpu.memref_slice %arg8[%scan3A, %swap3A_125, %swap3A_126] : memref<2x128x128xf32, #tpu.memory_space<vmem>> -> memref<1x128x128xf32, #tpu.memory_space<vmem>>
      %swap3A_128 = tpu.memref_squeeze %swap3A_127 : memref<1x128x128xf32, #tpu.memory_space<vmem>> -> memref<128x128xf32, #tpu.memory_space<vmem>>
      %swap3A_129 = arith.index_cast %scan3A_61 : i32 to index
      %swap3A_130 = arith.constant 112 : index
      %swap3A_131 = tpu.vector_load %swap3A_128[%swap3A_129, %swap3A_130] {strides = array<i32>} : memref<128x128xf32, #tpu.memory_space<vmem>>, vector<1x16xf32>,
      %swap3A_132 = vector.shape_cast %swap3A_131 : vector<1x16xf32> to vector<16xf32>
      %swap3A_133 = vector.shape_cast %broadcast_in_dim3A_0 : vector<16xf32> to vector<1x16xf32>
      tpu.vector_store %swap3A_128[%swap3A_129, %swap3A_130], %swap3A_133 {strides = array<i32>} : memref<128x128xf32, #tpu.memory_space<vmem>>, vector<1x16xf32>,
      %scan3A_134 = arith.constant 0 : i32
      scf.yield %scan3A_134 : i32
    }
    %scan3A_7 = arith.constant 128 : i32
    %mul3A = arith.constant 640 : i32
    %mul3A_8 = arith.muli %arg1, %mul3A : i32
    %add3A = arith.constant 0 : i32
    %add3A_9 = arith.addi %mul3A_8, %add3A : i32
    %run_scoped3A = arith.constant 0 : i32
    "tpu.region"() ({
      %run_scoped3A_61 = tpu.sem_alloc : memref<!tpu.dma_semaphore, #tpu.memory_space<semaphore_mem>>
      %dma_start3A_62 = arith.constant 0 : i32
      %dma_start3A_63 = arith.constant 0 : i32
      %dma_start3A_64 = tpu.memref_slice %arg8[%run_scoped3A, %dma_start3A_62, %dma_start3A_63] : memref<2x128x128xf32, #tpu.memory_space<vmem>> -> memref<1x128x128xf32, #tpu.memory_space<vmem>>
      %dma_start3A_65 = tpu.memref_squeeze %dma_start3A_64 : memref<1x128x128xf32, #tpu.memory_space<vmem>> -> memref<128x128xf32, #tpu.memory_space<vmem>>
      %dma_start3A_66 = arith.constant 0 : i32
      %dma_start3A_67 = tpu.memref_slice %arg9[%add3A_9, %dma_start3A_66] : memref<10240x128xf32, #tpu.memory_space<vmem_shared>> -> memref<128x128xf32, #tpu.memory_space<vmem_shared>>
      %dma_start3A_68 = arith.constant 0 : i32
      %dma_start3A_69 = tpu.memref_slice %arg9[%add3A_9, %dma_start3A_68] : memref<10240x128xf32, #tpu.memory_space<vmem_shared>> -> memref<128x128xf32, #tpu.memory_space<vmem_shared>>
      %dma_start3A_70 = arith.constant 0 : i32
      %dma_start3A_71 = arith.constant 0 : i32
      %dma_start3A_72 = tpu.memref_slice %arg8[%run_scoped3A, %dma_start3A_70, %dma_start3A_71] : memref<2x128x128xf32, #tpu.memory_space<vmem>> -> memref<1x128x128xf32, #tpu.memory_space<vmem>>
      %dma_start3A_73 = tpu.memref_squeeze %dma_start3A_72 : memref<1x128x128xf32, #tpu.memory_space<vmem>> -> memref<128x128xf32, #tpu.memory_space<vmem>>
      tpu.enqueue_dma source(%dma_start3A_73 : memref<128x128xf32, #tpu.memory_space<vmem>>) target(%dma_start3A_69 : memref<128x128xf32, #tpu.memory_space<vmem_shared>>) target_semaphore(%run_scoped3A_61 : memref<!tpu.dma_semaphore, #tpu.memory_space<semaphore_mem>>)
      %dma_wait3A = arith.constant 0 : i32
      %dma_wait3A_74 = arith.constant 0 : i32
      %dma_wait3A_75 = tpu.memref_slice %arg8[%run_scoped3A, %dma_wait3A, %dma_wait3A_74] : memref<2x128x128xf32, #tpu.memory_space<vmem>> -> memref<1x128x128xf32, #tpu.memory_space<vmem>>
      %dma_wait3A_76 = tpu.memref_squeeze %dma_wait3A_75 : memref<1x128x128xf32, #tpu.memory_space<vmem>> -> memref<128x128xf32, #tpu.memory_space<vmem>>
      %dma_wait3A_77 = arith.constant 0 : i32
      %dma_wait3A_78 = tpu.memref_slice %arg9[%add3A_9, %dma_wait3A_77] : memref<10240x128xf32, #tpu.memory_space<vmem_shared>> -> memref<128x128xf32, #tpu.memory_space<vmem_shared>>
      %dma_wait3A_79 = arith.constant 0 : i32
      %dma_wait3A_80 = tpu.memref_slice %arg9[%add3A_9, %dma_wait3A_79] : memref<10240x128xf32, #tpu.memory_space<vmem_shared>> -> memref<128x128xf32, #tpu.memory_space<vmem_shared>>
      %dma_wait3A_81 = arith.constant 0 : i32
      %dma_wait3A_82 = arith.constant 0 : i32
      %dma_wait3A_83 = tpu.memref_slice %arg8[%run_scoped3A, %dma_wait3A_81, %dma_wait3A_82] : memref<2x128x128xf32, #tpu.memory_space<vmem>> -> memref<1x128x128xf32, #tpu.memory_space<vmem>>
      %dma_wait3A_84 = tpu.memref_squeeze %dma_wait3A_83 : memref<1x128x128xf32, #tpu.memory_space<vmem>> -> memref<128x128xf32, #tpu.memory_space<vmem>>
      tpu.wait_dma2 semaphore(%run_scoped3A_61 : memref<!tpu.dma_semaphore, #tpu.memory_space<semaphore_mem>>) src(%dma_wait3A_84 : memref<128x128xf32, #tpu.memory_space<vmem>>) dst(%dma_wait3A_80 : memref<128x128xf32, #tpu.memory_space<vmem_shared>>)
      tpu.yield
    }) : () -> ()
    %mul3A_10 = arith.constant 640 : i32
    %mul3A_11 = arith.muli %arg1, %mul3A_10 : i32
    %add3A_12 = arith.constant 128 : i32
    %add3A_13 = arith.addi %mul3A_11, %add3A_12 : i32
    %run_scoped3A_14 = arith.constant 0 : i32
    "tpu.region"() ({
      %run_scoped3A_61 = tpu.sem_alloc : memref<!tpu.dma_semaphore, #tpu.memory_space<semaphore_mem>>
      %dma_start3A_62 = arith.constant 0 : i32
      %dma_start3A_63 = arith.constant 0 : i32
      %dma_start3A_64 = tpu.memref_slice %arg8[%run_scoped3A_14, %dma_start3A_62, %dma_start3A_63] : memref<2x128x128xf32, #tpu.memory_space<vmem>> -> memref<1x128x128xf32, #tpu.memory_space<vmem>>
      %dma_start3A_65 = tpu.memref_squeeze %dma_start3A_64 : memref<1x128x128xf32, #tpu.memory_space<vmem>> -> memref<128x128xf32, #tpu.memory_space<vmem>>
      %dma_start3A_66 = arith.constant 0 : i32
      %dma_start3A_67 = tpu.memref_slice %arg9[%add3A_13, %dma_start3A_66] : memref<10240x128xf32, #tpu.memory_space<vmem_shared>> -> memref<128x128xf32, #tpu.memory_space<vmem_shared>>
      %dma_start3A_68 = arith.constant 0 : i32
      %dma_start3A_69 = tpu.memref_slice %arg9[%add3A_13, %dma_start3A_68] : memref<10240x128xf32, #tpu.memory_space<vmem_shared>> -> memref<128x128xf32, #tpu.memory_space<vmem_shared>>
      %dma_start3A_70 = arith.constant 0 : i32
      %dma_start3A_71 = arith.constant 0 : i32
      %dma_start3A_72 = tpu.memref_slice %arg8[%run_scoped3A_14, %dma_start3A_70, %dma_start3A_71] : memref<2x128x128xf32, #tpu.memory_space<vmem>> -> memref<1x128x128xf32, #tpu.memory_space<vmem>>
      %dma_start3A_73 = tpu.memref_squeeze %dma_start3A_72 : memref<1x128x128xf32, #tpu.memory_space<vmem>> -> memref<128x128xf32, #tpu.memory_space<vmem>>
      tpu.enqueue_dma source(%dma_start3A_73 : memref<128x128xf32, #tpu.memory_space<vmem>>) target(%dma_start3A_69 : memref<128x128xf32, #tpu.memory_space<vmem_shared>>) target_semaphore(%run_scoped3A_61 : memref<!tpu.dma_semaphore, #tpu.memory_space<semaphore_mem>>)
      %dma_wait3A = arith.constant 0 : i32
      %dma_wait3A_74 = arith.constant 0 : i32
      %dma_wait3A_75 = tpu.memref_slice %arg8[%run_scoped3A_14, %dma_wait3A, %dma_wait3A_74] : memref<2x128x128xf32, #tpu.memory_space<vmem>> -> memref<1x128x128xf32, #tpu.memory_space<vmem>>
      %dma_wait3A_76 = tpu.memref_squeeze %dma_wait3A_75 : memref<1x128x128xf32, #tpu.memory_space<vmem>> -> memref<128x128xf32, #tpu.memory_space<vmem>>
      %dma_wait3A_77 = arith.constant 0 : i32
      %dma_wait3A_78 = tpu.memref_slice %arg9[%add3A_13, %dma_wait3A_77] : memref<10240x128xf32, #tpu.memory_space<vmem_shared>> -> memref<128x128xf32, #tpu.memory_space<vmem_shared>>
      %dma_wait3A_79 = arith.constant 0 : i32
      %dma_wait3A_80 = tpu.memref_slice %arg9[%add3A_13, %dma_wait3A_79] : memref<10240x128xf32, #tpu.memory_space<vmem_shared>> -> memref<128x128xf32, #tpu.memory_space<vmem_shared>>
      %dma_wait3A_81 = arith.constant 0 : i32
      %dma_wait3A_82 = arith.constant 0 : i32
      %dma_wait3A_83 = tpu.memref_slice %arg8[%run_scoped3A_14, %dma_wait3A_81, %dma_wait3A_82] : memref<2x128x128xf32, #tpu.memory_space<vmem>> -> memref<1x128x128xf32, #tpu.memory_space<vmem>>
      %dma_wait3A_84 = tpu.memref_squeeze %dma_wait3A_83 : memref<1x128x128xf32, #tpu.memory_space<vmem>> -> memref<128x128xf32, #tpu.memory_space<vmem>>
      tpu.wait_dma2 semaphore(%run_scoped3A_61 : memref<!tpu.dma_semaphore, #tpu.memory_space<semaphore_mem>>) src(%dma_wait3A_84 : memref<128x128xf32, #tpu.memory_space<vmem>>) dst(%dma_wait3A_80 : memref<128x128xf32, #tpu.memory_space<vmem_shared>>)
      tpu.yield
    }) : () -> ()
    %mul3A_15 = arith.constant 640 : i32
    %mul3A_16 = arith.muli %arg1, %mul3A_15 : i32
    %add3A_17 = arith.constant 256 : i32
    %add3A_18 = arith.addi %mul3A_16, %add3A_17 : i32
    %run_scoped3A_19 = arith.constant 0 : i32
    "tpu.region"() ({
      %run_scoped3A_61 = tpu.sem_alloc : memref<!tpu.dma_semaphore, #tpu.memory_space<semaphore_mem>>
      %dma_start3A_62 = arith.constant 0 : i32
      %dma_start3A_63 = arith.constant 0 : i32
      %dma_start3A_64 = tpu.memref_slice %arg8[%run_scoped3A_19, %dma_start3A_62, %dma_start3A_63] : memref<2x128x128xf32, #tpu.memory_space<vmem>> -> memref<1x128x128xf32, #tpu.memory_space<vmem>>
      %dma_start3A_65 = tpu.memref_squeeze %dma_start3A_64 : memref<1x128x128xf32, #tpu.memory_space<vmem>> -> memref<128x128xf32, #tpu.memory_space<vmem>>
      %dma_start3A_66 = arith.constant 0 : i32
      %dma_start3A_67 = tpu.memref_slice %arg9[%add3A_18, %dma_start3A_66] : memref<10240x128xf32, #tpu.memory_space<vmem_shared>> -> memref<128x128xf32, #tpu.memory_space<vmem_shared>>
      %dma_start3A_68 = arith.constant 0 : i32
      %dma_start3A_69 = tpu.memref_slice %arg9[%add3A_18, %dma_start3A_68] : memref<10240x128xf32, #tpu.memory_space<vmem_shared>> -> memref<128x128xf32, #tpu.memory_space<vmem_shared>>
      %dma_start3A_70 = arith.constant 0 : i32
      %dma_start3A_71 = arith.constant 0 : i32
      %dma_start3A_72 = tpu.memref_slice %arg8[%run_scoped3A_19, %dma_start3A_70, %dma_start3A_71] : memref<2x128x128xf32, #tpu.memory_space<vmem>> -> memref<1x128x128xf32, #tpu.memory_space<vmem>>
      %dma_start3A_73 = tpu.memref_squeeze %dma_start3A_72 : memref<1x128x128xf32, #tpu.memory_space<vmem>> -> memref<128x128xf32, #tpu.memory_space<vmem>>
      tpu.enqueue_dma source(%dma_start3A_73 : memref<128x128xf32, #tpu.memory_space<vmem>>) target(%dma_start3A_69 : memref<128x128xf32, #tpu.memory_space<vmem_shared>>) target_semaphore(%run_scoped3A_61 : memref<!tpu.dma_semaphore, #tpu.memory_space<semaphore_mem>>)
      %dma_wait3A = arith.constant 0 : i32
      %dma_wait3A_74 = arith.constant 0 : i32
      %dma_wait3A_75 = tpu.memref_slice %arg8[%run_scoped3A_19, %dma_wait3A, %dma_wait3A_74] : memref<2x128x128xf32, #tpu.memory_space<vmem>> -> memref<1x128x128xf32, #tpu.memory_space<vmem>>
      %dma_wait3A_76 = tpu.memref_squeeze %dma_wait3A_75 : memref<1x128x128xf32, #tpu.memory_space<vmem>> -> memref<128x128xf32, #tpu.memory_space<vmem>>
      %dma_wait3A_77 = arith.constant 0 : i32
      %dma_wait3A_78 = tpu.memref_slice %arg9[%add3A_18, %dma_wait3A_77] : memref<10240x128xf32, #tpu.memory_space<vmem_shared>> -> memref<128x128xf32, #tpu.memory_space<vmem_shared>>
      %dma_wait3A_79 = arith.constant 0 : i32
      %dma_wait3A_80 = tpu.memref_slice %arg9[%add3A_18, %dma_wait3A_79] : memref<10240x128xf32, #tpu.memory_space<vmem_shared>> -> memref<128x128xf32, #tpu.memory_space<vmem_shared>>
      %dma_wait3A_81 = arith.constant 0 : i32
      %dma_wait3A_82 = arith.constant 0 : i32
      %dma_wait3A_83 = tpu.memref_slice %arg8[%run_scoped3A_19, %dma_wait3A_81, %dma_wait3A_82] : memref<2x128x128xf32, #tpu.memory_space<vmem>> -> memref<1x128x128xf32, #tpu.memory_space<vmem>>
      %dma_wait3A_84 = tpu.memref_squeeze %dma_wait3A_83 : memref<1x128x128xf32, #tpu.memory_space<vmem>> -> memref<128x128xf32, #tpu.memory_space<vmem>>
      tpu.wait_dma2 semaphore(%run_scoped3A_61 : memref<!tpu.dma_semaphore, #tpu.memory_space<semaphore_mem>>) src(%dma_wait3A_84 : memref<128x128xf32, #tpu.memory_space<vmem>>) dst(%dma_wait3A_80 : memref<128x128xf32, #tpu.memory_space<vmem_shared>>)
      tpu.yield
    }) : () -> ()
    %mul3A_20 = arith.constant 640 : i32
    %mul3A_21 = arith.muli %arg1, %mul3A_20 : i32
    %add3A_22 = arith.constant 384 : i32
    %add3A_23 = arith.addi %mul3A_21, %add3A_22 : i32
    %run_scoped3A_24 = arith.constant 0 : i32
    "tpu.region"() ({
      %run_scoped3A_61 = tpu.sem_alloc : memref<!tpu.dma_semaphore, #tpu.memory_space<semaphore_mem>>
      %dma_start3A_62 = arith.constant 0 : i32
      %dma_start3A_63 = arith.constant 0 : i32
      %dma_start3A_64 = tpu.memref_slice %arg8[%run_scoped3A_24, %dma_start3A_62, %dma_start3A_63] : memref<2x128x128xf32, #tpu.memory_space<vmem>> -> memref<1x128x128xf32, #tpu.memory_space<vmem>>
      %dma_start3A_65 = tpu.memref_squeeze %dma_start3A_64 : memref<1x128x128xf32, #tpu.memory_space<vmem>> -> memref<128x128xf32, #tpu.memory_space<vmem>>
      %dma_start3A_66 = arith.constant 0 : i32
      %dma_start3A_67 = tpu.memref_slice %arg9[%add3A_23, %dma_start3A_66] : memref<10240x128xf32, #tpu.memory_space<vmem_shared>> -> memref<128x128xf32, #tpu.memory_space<vmem_shared>>
      %dma_start3A_68 = arith.constant 0 : i32
      %dma_start3A_69 = tpu.memref_slice %arg9[%add3A_23, %dma_start3A_68] : memref<10240x128xf32, #tpu.memory_space<vmem_shared>> -> memref<128x128xf32, #tpu.memory_space<vmem_shared>>
      %dma_start3A_70 = arith.constant 0 : i32
      %dma_start3A_71 = arith.constant 0 : i32
      %dma_start3A_72 = tpu.memref_slice %arg8[%run_scoped3A_24, %dma_start3A_70, %dma_start3A_71] : memref<2x128x128xf32, #tpu.memory_space<vmem>> -> memref<1x128x128xf32, #tpu.memory_space<vmem>>
      %dma_start3A_73 = tpu.memref_squeeze %dma_start3A_72 : memref<1x128x128xf32, #tpu.memory_space<vmem>> -> memref<128x128xf32, #tpu.memory_space<vmem>>
      tpu.enqueue_dma source(%dma_start3A_73 : memref<128x128xf32, #tpu.memory_space<vmem>>) target(%dma_start3A_69 : memref<128x128xf32, #tpu.memory_space<vmem_shared>>) target_semaphore(%run_scoped3A_61 : memref<!tpu.dma_semaphore, #tpu.memory_space<semaphore_mem>>)
      %dma_wait3A = arith.constant 0 : i32
      %dma_wait3A_74 = arith.constant 0 : i32
      %dma_wait3A_75 = tpu.memref_slice %arg8[%run_scoped3A_24, %dma_wait3A, %dma_wait3A_74] : memref<2x128x128xf32, #tpu.memory_space<vmem>> -> memref<1x128x128xf32, #tpu.memory_space<vmem>>
      %dma_wait3A_76 = tpu.memref_squeeze %dma_wait3A_75 : memref<1x128x128xf32, #tpu.memory_space<vmem>> -> memref<128x128xf32, #tpu.memory_space<vmem>>
      %dma_wait3A_77 = arith.constant 0 : i32
      %dma_wait3A_78 = tpu.memref_slice %arg9[%add3A_23, %dma_wait3A_77] : memref<10240x128xf32, #tpu.memory_space<vmem_shared>> -> memref<128x128xf32, #tpu.memory_space<vmem_shared>>
      %dma_wait3A_79 = arith.constant 0 : i32
      %dma_wait3A_80 = tpu.memref_slice %arg9[%add3A_23, %dma_wait3A_79] : memref<10240x128xf32, #tpu.memory_space<vmem_shared>> -> memref<128x128xf32, #tpu.memory_space<vmem_shared>>
      %dma_wait3A_81 = arith.constant 0 : i32
      %dma_wait3A_82 = arith.constant 0 : i32
      %dma_wait3A_83 = tpu.memref_slice %arg8[%run_scoped3A_24, %dma_wait3A_81, %dma_wait3A_82] : memref<2x128x128xf32, #tpu.memory_space<vmem>> -> memref<1x128x128xf32, #tpu.memory_space<vmem>>
      %dma_wait3A_84 = tpu.memref_squeeze %dma_wait3A_83 : memref<1x128x128xf32, #tpu.memory_space<vmem>> -> memref<128x128xf32, #tpu.memory_space<vmem>>
      tpu.wait_dma2 semaphore(%run_scoped3A_61 : memref<!tpu.dma_semaphore, #tpu.memory_space<semaphore_mem>>) src(%dma_wait3A_84 : memref<128x128xf32, #tpu.memory_space<vmem>>) dst(%dma_wait3A_80 : memref<128x128xf32, #tpu.memory_space<vmem_shared>>)
      tpu.yield
    }) : () -> ()
    %mul3A_25 = arith.constant 640 : i32
    %mul3A_26 = arith.muli %arg1, %mul3A_25 : i32
    %add3A_27 = arith.constant 512 : i32
    %add3A_28 = arith.addi %mul3A_26, %add3A_27 : i32
    %run_scoped3A_29 = arith.constant 0 : i32
    "tpu.region"() ({
      %run_scoped3A_61 = tpu.sem_alloc : memref<!tpu.dma_semaphore, #tpu.memory_space<semaphore_mem>>
      %dma_start3A_62 = arith.constant 0 : i32
      %dma_start3A_63 = arith.constant 0 : i32
      %dma_start3A_64 = tpu.memref_slice %arg8[%run_scoped3A_29, %dma_start3A_62, %dma_start3A_63] : memref<2x128x128xf32, #tpu.memory_space<vmem>> -> memref<1x128x128xf32, #tpu.memory_space<vmem>>
      %dma_start3A_65 = tpu.memref_squeeze %dma_start3A_64 : memref<1x128x128xf32, #tpu.memory_space<vmem>> -> memref<128x128xf32, #tpu.memory_space<vmem>>
      %dma_start3A_66 = arith.constant 0 : i32
      %dma_start3A_67 = tpu.memref_slice %arg9[%add3A_28, %dma_start3A_66] : memref<10240x128xf32, #tpu.memory_space<vmem_shared>> -> memref<128x128xf32, #tpu.memory_space<vmem_shared>>
      %dma_start3A_68 = arith.constant 0 : i32
      %dma_start3A_69 = tpu.memref_slice %arg9[%add3A_28, %dma_start3A_68] : memref<10240x128xf32, #tpu.memory_space<vmem_shared>> -> memref<128x128xf32, #tpu.memory_space<vmem_shared>>
      %dma_start3A_70 = arith.constant 0 : i32
      %dma_start3A_71 = arith.constant 0 : i32
      %dma_start3A_72 = tpu.memref_slice %arg8[%run_scoped3A_29, %dma_start3A_70, %dma_start3A_71] : memref<2x128x128xf32, #tpu.memory_space<vmem>> -> memref<1x128x128xf32, #tpu.memory_space<vmem>>
      %dma_start3A_73 = tpu.memref_squeeze %dma_start3A_72 : memref<1x128x128xf32, #tpu.memory_space<vmem>> -> memref<128x128xf32, #tpu.memory_space<vmem>>
      tpu.enqueue_dma source(%dma_start3A_73 : memref<128x128xf32, #tpu.memory_space<vmem>>) target(%dma_start3A_69 : memref<128x128xf32, #tpu.memory_space<vmem_shared>>) target_semaphore(%run_scoped3A_61 : memref<!tpu.dma_semaphore, #tpu.memory_space<semaphore_mem>>)
      %dma_wait3A = arith.constant 0 : i32
      %dma_wait3A_74 = arith.constant 0 : i32
      %dma_wait3A_75 = tpu.memref_slice %arg8[%run_scoped3A_29, %dma_wait3A, %dma_wait3A_74] : memref<2x128x128xf32, #tpu.memory_space<vmem>> -> memref<1x128x128xf32, #tpu.memory_space<vmem>>
      %dma_wait3A_76 = tpu.memref_squeeze %dma_wait3A_75 : memref<1x128x128xf32, #tpu.memory_space<vmem>> -> memref<128x128xf32, #tpu.memory_space<vmem>>
      %dma_wait3A_77 = arith.constant 0 : i32
      %dma_wait3A_78 = tpu.memref_slice %arg9[%add3A_28, %dma_wait3A_77] : memref<10240x128xf32, #tpu.memory_space<vmem_shared>> -> memref<128x128xf32, #tpu.memory_space<vmem_shared>>
      %dma_wait3A_79 = arith.constant 0 : i32
      %dma_wait3A_80 = tpu.memref_slice %arg9[%add3A_28, %dma_wait3A_79] : memref<10240x128xf32, #tpu.memory_space<vmem_shared>> -> memref<128x128xf32, #tpu.memory_space<vmem_shared>>
      %dma_wait3A_81 = arith.constant 0 : i32
      %dma_wait3A_82 = arith.constant 0 : i32
      %dma_wait3A_83 = tpu.memref_slice %arg8[%run_scoped3A_29, %dma_wait3A_81, %dma_wait3A_82] : memref<2x128x128xf32, #tpu.memory_space<vmem>> -> memref<1x128x128xf32, #tpu.memory_space<vmem>>
      %dma_wait3A_84 = tpu.memref_squeeze %dma_wait3A_83 : memref<1x128x128xf32, #tpu.memory_space<vmem>> -> memref<128x128xf32, #tpu.memory_space<vmem>>
      tpu.wait_dma2 semaphore(%run_scoped3A_61 : memref<!tpu.dma_semaphore, #tpu.memory_space<semaphore_mem>>) src(%dma_wait3A_84 : memref<128x128xf32, #tpu.memory_space<vmem>>) dst(%dma_wait3A_80 : memref<128x128xf32, #tpu.memory_space<vmem_shared>>)
      tpu.yield
    }) : () -> ()
    %run_scoped3A_30 = arith.constant 0 : i32
    %run_scoped3A_31 = arith.constant 0 : i32
    "tpu.region"() ({
      %run_scoped3A_61 = tpu.sem_alloc : memref<!tpu.dma_semaphore, #tpu.memory_space<semaphore_mem>>
      %dma_start3A_62 = arith.constant 0 : i32
      %dma_start3A_63 = arith.constant 0 : i32
      %dma_start3A_64 = tpu.memref_slice %arg6[%run_scoped3A_31, %dma_start3A_62, %dma_start3A_63] : memref<2x18x128xi32, #tpu.memory_space<vmem>> -> memref<1x18x128xi32, #tpu.memory_space<vmem>>
      %dma_start3A_65 = tpu.memref_squeeze %dma_start3A_64 : memref<1x18x128xi32, #tpu.memory_space<vmem>> -> memref<18x128xi32, #tpu.memory_space<vmem>>
      %dma_start3A_66 = arith.constant 0 : i32
      %dma_start3A_67 = arith.constant 0 : i32
      %dma_start3A_68 = tpu.memref_slice %arg3[%arg0, %arg1, %run_scoped3A_30, %dma_start3A_66, %dma_start3A_67] : memref<2x16x9x18x128xi32, #tpu.memory_space<hbm>> -> memref<1x1x1x18x128xi32, #tpu.memory_space<hbm>>
      %dma_start3A_69 = tpu.memref_squeeze %dma_start3A_68 : memref<1x1x1x18x128xi32, #tpu.memory_space<hbm>> -> memref<18x128xi32, #tpu.memory_space<hbm>>
      %dma_start3A_70 = arith.constant 0 : i32
      %dma_start3A_71 = arith.constant 0 : i32
      %dma_start3A_72 = tpu.memref_slice %arg6[%run_scoped3A_31, %dma_start3A_70, %dma_start3A_71] : memref<2x18x128xi32, #tpu.memory_space<vmem>> -> memref<1x18x128xi32, #tpu.memory_space<vmem>>
      %dma_start3A_73 = tpu.memref_squeeze %dma_start3A_72 : memref<1x18x128xi32, #tpu.memory_space<vmem>> -> memref<18x128xi32, #tpu.memory_space<vmem>>
      %dma_start3A_74 = arith.constant 0 : i32
      %dma_start3A_75 = arith.constant 0 : i32
      %dma_start3A_76 = tpu.memref_slice %arg3[%arg0, %arg1, %run_scoped3A_30, %dma_start3A_74, %dma_start3A_75] : memref<2x16x9x18x128xi32, #tpu.memory_space<hbm>> -> memref<1x1x1x18x128xi32, #tpu.memory_space<hbm>>
      %dma_start3A_77 = tpu.memref_squeeze %dma_start3A_76 : memref<1x1x1x18x128xi32, #tpu.memory_space<hbm>> -> memref<18x128xi32, #tpu.memory_space<hbm>>
      tpu.enqueue_dma source(%dma_start3A_77 : memref<18x128xi32, #tpu.memory_space<hbm>>) target(%dma_start3A_73 : memref<18x128xi32, #tpu.memory_space<vmem>>) target_semaphore(%run_scoped3A_61 : memref<!tpu.dma_semaphore, #tpu.memory_space<semaphore_mem>>)
      %dma_wait3A = arith.constant 0 : i32
      %dma_wait3A_78 = arith.constant 0 : i32
      %dma_wait3A_79 = tpu.memref_slice %arg6[%run_scoped3A_31, %dma_wait3A, %dma_wait3A_78] : memref<2x18x128xi32, #tpu.memory_space<vmem>> -> memref<1x18x128xi32, #tpu.memory_space<vmem>>
      %dma_wait3A_80 = tpu.memref_squeeze %dma_wait3A_79 : memref<1x18x128xi32, #tpu.memory_space<vmem>> -> memref<18x128xi32, #tpu.memory_space<vmem>>
      %dma_wait3A_81 = arith.constant 0 : i32
      %dma_wait3A_82 = arith.constant 0 : i32
      %dma_wait3A_83 = tpu.memref_slice %arg3[%arg0, %arg1, %run_scoped3A_30, %dma_wait3A_81, %dma_wait3A_82] : memref<2x16x9x18x128xi32, #tpu.memory_space<hbm>> -> memref<1x1x1x18x128xi32, #tpu.memory_space<hbm>>
      %dma_wait3A_84 = tpu.memref_squeeze %dma_wait3A_83 : memref<1x1x1x18x128xi32, #tpu.memory_space<hbm>> -> memref<18x128xi32, #tpu.memory_space<hbm>>
      %dma_wait3A_85 = arith.constant 0 : i32
      %dma_wait3A_86 = arith.constant 0 : i32
      %dma_wait3A_87 = tpu.memref_slice %arg6[%run_scoped3A_31, %dma_wait3A_85, %dma_wait3A_86] : memref<2x18x128xi32, #tpu.memory_space<vmem>> -> memref<1x18x128xi32, #tpu.memory_space<vmem>>
      %dma_wait3A_88 = tpu.memref_squeeze %dma_wait3A_87 : memref<1x18x128xi32, #tpu.memory_space<vmem>> -> memref<18x128xi32, #tpu.memory_space<vmem>>
      %dma_wait3A_89 = arith.constant 0 : i32
      %dma_wait3A_90 = arith.constant 0 : i32
      %dma_wait3A_91 = tpu.memref_slice %arg3[%arg0, %arg1, %run_scoped3A_30, %dma_wait3A_89, %dma_wait3A_90] : memref<2x16x9x18x128xi32, #tpu.memory_space<hbm>> -> memref<1x1x1x18x128xi32, #tpu.memory_space<hbm>>
      %dma_wait3A_92 = tpu.memref_squeeze %dma_wait3A_91 : memref<1x1x1x18x128xi32, #tpu.memory_space<hbm>> -> memref<18x128xi32, #tpu.memory_space<hbm>>
      tpu.wait_dma2 semaphore(%run_scoped3A_61 : memref<!tpu.dma_semaphore, #tpu.memory_space<semaphore_mem>>) src(%dma_wait3A_92 : memref<18x128xi32, #tpu.memory_space<hbm>>) dst(%dma_wait3A_88 : memref<18x128xi32, #tpu.memory_space<vmem>>)
      tpu.yield
    }) : () -> ()
    %run_scoped3A_32 = arith.constant 0 : i32
    %run_scoped3A_33 = arith.constant 0 : i32
    "tpu.region"() ({
      %run_scoped3A_61 = tpu.sem_alloc : memref<!tpu.dma_semaphore, #tpu.memory_space<semaphore_mem>>
      %dma_start3A_62 = arith.constant 0 : i32
      %dma_start3A_63 = arith.constant 0 : i32
      %dma_start3A_64 = tpu.memref_slice %arg7[%run_scoped3A_33, %dma_start3A_62, %dma_start3A_63] : memref<2x18x128xi32, #tpu.memory_space<vmem>> -> memref<1x18x128xi32, #tpu.memory_space<vmem>>
      %dma_start3A_65 = tpu.memref_squeeze %dma_start3A_64 : memref<1x18x128xi32, #tpu.memory_space<vmem>> -> memref<18x128xi32, #tpu.memory_space<vmem>>
      %dma_start3A_66 = arith.constant 0 : i32
      %dma_start3A_67 = arith.constant 0 : i32
      %dma_start3A_68 = tpu.memref_slice %arg4[%arg1, %run_scoped3A_32, %dma_start3A_66, %dma_start3A_67] : memref<16x9x18x128xi32, #tpu.memory_space<hbm>> -> memref<1x1x18x128xi32, #tpu.memory_space<hbm>>
      %dma_start3A_69 = tpu.memref_squeeze %dma_start3A_68 : memref<1x1x18x128xi32, #tpu.memory_space<hbm>> -> memref<18x128xi32, #tpu.memory_space<hbm>>
      %dma_start3A_70 = arith.constant 0 : i32
      %dma_start3A_71 = arith.constant 0 : i32
      %dma_start3A_72 = tpu.memref_slice %arg7[%run_scoped3A_33, %dma_start3A_70, %dma_start3A_71] : memref<2x18x128xi32, #tpu.memory_space<vmem>> -> memref<1x18x128xi32, #tpu.memory_space<vmem>>
      %dma_start3A_73 = tpu.memref_squeeze %dma_start3A_72 : memref<1x18x128xi32, #tpu.memory_space<vmem>> -> memref<18x128xi32, #tpu.memory_space<vmem>>
      %dma_start3A_74 = arith.constant 0 : i32
      %dma_start3A_75 = arith.constant 0 : i32
      %dma_start3A_76 = tpu.memref_slice %arg4[%arg1, %run_scoped3A_32, %dma_start3A_74, %dma_start3A_75] : memref<16x9x18x128xi32, #tpu.memory_space<hbm>> -> memref<1x1x18x128xi32, #tpu.memory_space<hbm>>
      %dma_start3A_77 = tpu.memref_squeeze %dma_start3A_76 : memref<1x1x18x128xi32, #tpu.memory_space<hbm>> -> memref<18x128xi32, #tpu.memory_space<hbm>>
      tpu.enqueue_dma source(%dma_start3A_77 : memref<18x128xi32, #tpu.memory_space<hbm>>) target(%dma_start3A_73 : memref<18x128xi32, #tpu.memory_space<vmem>>) target_semaphore(%run_scoped3A_61 : memref<!tpu.dma_semaphore, #tpu.memory_space<semaphore_mem>>)
      %dma_wait3A = arith.constant 0 : i32
      %dma_wait3A_78 = arith.constant 0 : i32
      %dma_wait3A_79 = tpu.memref_slice %arg7[%run_scoped3A_33, %dma_wait3A, %dma_wait3A_78] : memref<2x18x128xi32, #tpu.memory_space<vmem>> -> memref<1x18x128xi32, #tpu.memory_space<vmem>>
      %dma_wait3A_80 = tpu.memref_squeeze %dma_wait3A_79 : memref<1x18x128xi32, #tpu.memory_space<vmem>> -> memref<18x128xi32, #tpu.memory_space<vmem>>
      %dma_wait3A_81 = arith.constant 0 : i32
      %dma_wait3A_82 = arith.constant 0 : i32
      %dma_wait3A_83 = tpu.memref_slice %arg4[%arg1, %run_scoped3A_32, %dma_wait3A_81, %dma_wait3A_82] : memref<16x9x18x128xi32, #tpu.memory_space<hbm>> -> memref<1x1x18x128xi32, #tpu.memory_space<hbm>>
      %dma_wait3A_84 = tpu.memref_squeeze %dma_wait3A_83 : memref<1x1x18x128xi32, #tpu.memory_space<hbm>> -> memref<18x128xi32, #tpu.memory_space<hbm>>
      %dma_wait3A_85 = arith.constant 0 : i32
      %dma_wait3A_86 = arith.constant 0 : i32
      %dma_wait3A_87 = tpu.memref_slice %arg7[%run_scoped3A_33, %dma_wait3A_85, %dma_wait3A_86] : memref<2x18x128xi32, #tpu.memory_space<vmem>> -> memref<1x18x128xi32, #tpu.memory_space<vmem>>
      %dma_wait3A_88 = tpu.memref_squeeze %dma_wait3A_87 : memref<1x18x128xi32, #tpu.memory_space<vmem>> -> memref<18x128xi32, #tpu.memory_space<vmem>>
      %dma_wait3A_89 = arith.constant 0 : i32
      %dma_wait3A_90 = arith.constant 0 : i32
      %dma_wait3A_91 = tpu.memref_slice %arg4[%arg1, %run_scoped3A_32, %dma_wait3A_89, %dma_wait3A_90] : memref<16x9x18x128xi32, #tpu.memory_space<hbm>> -> memref<1x1x18x128xi32, #tpu.memory_space<hbm>>
      %dma_wait3A_92 = tpu.memref_squeeze %dma_wait3A_91 : memref<1x1x18x128xi32, #tpu.memory_space<hbm>> -> memref<18x128xi32, #tpu.memory_space<hbm>>
      tpu.wait_dma2 semaphore(%run_scoped3A_61 : memref<!tpu.dma_semaphore, #tpu.memory_space<semaphore_mem>>) src(%dma_wait3A_92 : memref<18x128xi32, #tpu.memory_space<hbm>>) dst(%dma_wait3A_88 : memref<18x128xi32, #tpu.memory_space<vmem>>)
      tpu.yield
    }) : () -> ()
    %barrier3A = arith.constant 0 : index
    tpu.barrier barrier_id(%barrier3A)
    %dma_start3A = arith.constant 0 : i32
    %dma_start3A_34 = arith.constant 0 : i32
    %dma_start3A_35 = arith.constant 0 : i32
    %dma_start3A_36 = arith.constant 0 : i32
    %dma_start3A_37 = arith.constant 0 : i32
    %dma_start3A_38 = tpu.memref_slice %arg8[%dma_start3A_35, %dma_start3A_36, %dma_start3A_37] : memref<2x128x128xf32, #tpu.memory_space<vmem>> -> memref<1x128x128xf32, #tpu.memory_space<vmem>>
    %dma_start3A_39 = tpu.memref_squeeze %dma_start3A_38 : memref<1x128x128xf32, #tpu.memory_space<vmem>> -> memref<128x128xf32, #tpu.memory_space<vmem>>
    %dma_start3A_40 = arith.constant 0 : i32
    %dma_start3A_41 = tpu.memref_slice %arg6[%dma_start3A, %dma_start3A_34, %dma_start3A_40] : memref<2x18x128xi32, #tpu.memory_space<vmem>> -> memref<1x1x128xi32, #tpu.memory_space<vmem>>
    %dma_start3A_42 = tpu.memref_squeeze %dma_start3A_41 : memref<1x1x128xi32, #tpu.memory_space<vmem>> -> memref<128xi32, #tpu.memory_space<vmem>>
    %dma_start3A_43 = arith.constant 0 : i32
    %dma_start3A_44 = arith.constant 0 : i32
    %dma_start3A_45 = tpu.memref_slice %arg2[%dma_start3A_43, %dma_start3A_44] : memref<20480x128xf32, #tpu.memory_space<hbm>> -> memref<20480x128xf32, #tpu.memory_space<hbm>>
    tpu.enqueue_indirect_dma source(%dma_start3A_45 : memref<20480x128xf32, #tpu.memory_space<hbm>>) target(%dma_start3A_39 : memref<128x128xf32, #tpu.memory_space<vmem>>) offsets(%dma_start3A_42 : memref<128xi32, #tpu.memory_space<vmem>>) semaphore(%arg10 : memref<!tpu.dma_semaphore, #tpu.memory_space<semaphore_mem>>)
    %scan3A_46 = arith.constant 0 : i32
    %scan3A_47 = arith.constant 0 : i32
    %scan3A_48 = arith.constant 9 : i32
    %scan3A_49 = arith.addi %scan3A_47, %scan3A_48 : i32
    %scan3A_50 = arith.constant 1 : i32
    %scan3A_51 = scf.for %scan3A_61 = %scan3A_47 to %scan3A_49 step %scan3A_50 iter_args(%scan3A_62 = %scan3A_46) -> (i32)  : i32 {
      %jit3A = arith.constant 2 : i32
      %eq3A = arith.constant 0 : i32
      %eq3A_63 = arith.cmpi eq, %jit3A, %eq3A : i32
      %jit3A_64 = arith.constant 1 : i32
      %select_n3A = arith.select %eq3A_63, %jit3A_64, %jit3A : i32
      %rem3A = arith.remsi %scan3A_61, %select_n3A : i32
      %ne3A = arith.constant 0 : i32
      %ne3A_65 = arith.cmpi ne, %rem3A, %ne3A : i32
      %lt3A = arith.constant 0 : i32
      %lt3A_66 = arith.cmpi slt, %rem3A, %lt3A : i32
      %lt3A_67 = arith.constant 0 : i32
      %lt3A_68 = arith.cmpi slt, %select_n3A, %lt3A_67 : i32
      %ne3A_69 = arith.xori %lt3A_66, %lt3A_68 : i1
      %and3A = arith.andi %ne3A_69, %ne3A_65 : i1
      %add3A_70 = arith.addi %rem3A, %select_n3A : i32
      %select_n3A_71 = arith.select %and3A, %add3A_70, %rem3A : i32
      %lt3A_72 = arith.constant 8 : i32
      %lt3A_73 = arith.cmpi slt, %scan3A_61, %lt3A_72 : i32
      %convert_element_type3A = arith.extui %lt3A_73 : i1 to i32
      %cond3A = arith.constant 0 : i32
      %cond3A_74 = arith.cmpi ne, %convert_element_type3A, %cond3A : i32
      scf.if %cond3A_74 {
        %add3A_132 = arith.constant 1 : i32
        %add3A_133 = arith.addi %scan3A_61, %add3A_132 : i32
        %sub3A = arith.constant 1 : i32
        %sub3A_134 = arith.subi %sub3A, %select_n3A_71 : i32
        %dma_start3A_135 = arith.constant 0 : i32
        %dma_start3A_136 = arith.constant 0 : i32
        %dma_start3A_137 = tpu.memref_slice %arg6[%sub3A_134, %dma_start3A_135, %dma_start3A_136] : memref<2x18x128xi32, #tpu.memory_space<vmem>> -> memref<1x18x128xi32, #tpu.memory_space<vmem>>
        %dma_start3A_138 = tpu.memref_squeeze %dma_start3A_137 : memref<1x18x128xi32, #tpu.memory_space<vmem>> -> memref<18x128xi32, #tpu.memory_space<vmem>>
        %dma_start3A_139 = arith.constant 0 : i32
        %dma_start3A_140 = arith.constant 0 : i32
        %dma_start3A_141 = tpu.memref_slice %arg3[%arg0, %arg1, %add3A_133, %dma_start3A_139, %dma_start3A_140] : memref<2x16x9x18x128xi32, #tpu.memory_space<hbm>> -> memref<1x1x1x18x128xi32, #tpu.memory_space<hbm>>
        %dma_start3A_142 = tpu.memref_squeeze %dma_start3A_141 : memref<1x1x1x18x128xi32, #tpu.memory_space<hbm>> -> memref<18x128xi32, #tpu.memory_space<hbm>>
        %dma_start3A_143 = arith.constant 0 : i32
        %dma_start3A_144 = arith.constant 0 : i32
        %dma_start3A_145 = tpu.memref_slice %arg6[%sub3A_134, %dma_start3A_143, %dma_start3A_144] : memref<2x18x128xi32, #tpu.memory_space<vmem>> -> memref<1x18x128xi32, #tpu.memory_space<vmem>>
        %dma_start3A_146 = tpu.memref_squeeze %dma_start3A_145 : memref<1x18x128xi32, #tpu.memory_space<vmem>> -> memref<18x128xi32, #tpu.memory_space<vmem>>
        %dma_start3A_147 = arith.constant 0 : i32
        %dma_start3A_148 = arith.constant 0 : i32
        %dma_start3A_149 = tpu.memref_slice %arg3[%arg0, %arg1, %add3A_133, %dma_start3A_147, %dma_start3A_148] : memref<2x16x9x18x128xi32, #tpu.memory_space<hbm>> -> memref<1x1x1x18x128xi32, #tpu.memory_space<hbm>>
        %dma_start3A_150 = tpu.memref_squeeze %dma_start3A_149 : memref<1x1x1x18x128xi32, #tpu.memory_space<hbm>> -> memref<18x128xi32, #tpu.memory_space<hbm>>
        tpu.enqueue_dma source(%dma_start3A_150 : memref<18x128xi32, #tpu.memory_space<hbm>>) target(%dma_start3A_146 : memref<18x128xi32, #tpu.memory_space<vmem>>) target_semaphore(%arg12 : memref<!tpu.dma_semaphore, #tpu.memory_space<semaphore_mem>>)
        %add3A_151 = arith.constant 1 : i32
        %add3A_152 = arith.addi %scan3A_61, %add3A_151 : i32
        %sub3A_153 = arith.constant 1 : i32
        %sub3A_154 = arith.subi %sub3A_153, %select_n3A_71 : i32
        %dma_start3A_155 = arith.constant 0 : i32
        %dma_start3A_156 = arith.constant 0 : i32
        %dma_start3A_157 = tpu.memref_slice %arg7[%sub3A_154, %dma_start3A_155, %dma_start3A_156] : memref<2x18x128xi32, #tpu.memory_space<vmem>> -> memref<1x18x128xi32, #tpu.memory_space<vmem>>
        %dma_start3A_158 = tpu.memref_squeeze %dma_start3A_157 : memref<1x18x128xi32, #tpu.memory_space<vmem>> -> memref<18x128xi32, #tpu.memory_space<vmem>>
        %dma_start3A_159 = arith.constant 0 : i32
        %dma_start3A_160 = arith.constant 0 : i32
        %dma_start3A_161 = tpu.memref_slice %arg4[%arg1, %add3A_152, %dma_start3A_159, %dma_start3A_160] : memref<16x9x18x128xi32, #tpu.memory_space<hbm>> -> memref<1x1x18x128xi32, #tpu.memory_space<hbm>>
        %dma_start3A_162 = tpu.memref_squeeze %dma_start3A_161 : memref<1x1x18x128xi32, #tpu.memory_space<hbm>> -> memref<18x128xi32, #tpu.memory_space<hbm>>
        %dma_start3A_163 = arith.constant 0 : i32
        %dma_start3A_164 = arith.constant 0 : i32
        %dma_start3A_165 = tpu.memref_slice %arg7[%sub3A_154, %dma_start3A_163, %dma_start3A_164] : memref<2x18x128xi32, #tpu.memory_space<vmem>> -> memref<1x18x128xi32, #tpu.memory_space<vmem>>
        %dma_start3A_166 = tpu.memref_squeeze %dma_start3A_165 : memref<1x18x128xi32, #tpu.memory_space<vmem>> -> memref<18x128xi32, #tpu.memory_space<vmem>>
        %dma_start3A_167 = arith.constant 0 : i32
        %dma_start3A_168 = arith.constant 0 : i32
        %dma_start3A_169 = tpu.memref_slice %arg4[%arg1, %add3A_152, %dma_start3A_167, %dma_start3A_168] : memref<16x9x18x128xi32, #tpu.memory_space<hbm>> -> memref<1x1x18x128xi32, #tpu.memory_space<hbm>>
        %dma_start3A_170 = tpu.memref_squeeze %dma_start3A_169 : memref<1x1x18x128xi32, #tpu.memory_space<hbm>> -> memref<18x128xi32, #tpu.memory_space<hbm>>
        tpu.enqueue_dma source(%dma_start3A_170 : memref<18x128xi32, #tpu.memory_space<hbm>>) target(%dma_start3A_166 : memref<18x128xi32, #tpu.memory_space<vmem>>) target_semaphore(%arg12 : memref<!tpu.dma_semaphore, #tpu.memory_space<semaphore_mem>>)
      } else {
      }
      %scan3A_75 = arith.constant 0 : i32
      %scan3A_76 = arith.constant 0 : i32
      %scan3A_77 = arith.constant 8 : i32
      %scan3A_78 = arith.addi %scan3A_76, %scan3A_77 : i32
      %scan3A_79 = arith.constant 1 : i32
      %scan3A_80 = scf.for %scan3A_132 = %scan3A_76 to %scan3A_78 step %scan3A_79 iter_args(%scan3A_133 = %scan3A_75) -> (i32)  : i32 {
        %mul3A_134 = arith.constant 2 : i32
        %mul3A_135 = arith.muli %mul3A_134, %scan3A_132 : i32
        %add3A_136 = arith.constant 1 : i32
        %add3A_137 = arith.addi %mul3A_135, %add3A_136 : i32
        %dma_start3A_138 = arith.constant 1 : i32
        %dma_start3A_139 = arith.constant 0 : i32
        %dma_start3A_140 = arith.constant 0 : i32
        %dma_start3A_141 = tpu.memref_slice %arg8[%dma_start3A_138, %dma_start3A_139, %dma_start3A_140] : memref<2x128x128xf32, #tpu.memory_space<vmem>> -> memref<1x128x128xf32, #tpu.memory_space<vmem>>
        %dma_start3A_142 = tpu.memref_squeeze %dma_start3A_141 : memref<1x128x128xf32, #tpu.memory_space<vmem>> -> memref<128x128xf32, #tpu.memory_space<vmem>>
        %dma_start3A_143 = arith.constant 0 : i32
        %dma_start3A_144 = tpu.memref_slice %arg6[%select_n3A_71, %add3A_137, %dma_start3A_143] : memref<2x18x128xi32, #tpu.memory_space<vmem>> -> memref<1x1x128xi32, #tpu.memory_space<vmem>>
        %dma_start3A_145 = tpu.memref_squeeze %dma_start3A_144 : memref<1x1x128xi32, #tpu.memory_space<vmem>> -> memref<128xi32, #tpu.memory_space<vmem>>
        %dma_start3A_146 = arith.constant 0 : i32
        %dma_start3A_147 = arith.constant 0 : i32
        %dma_start3A_148 = tpu.memref_slice %arg2[%dma_start3A_146, %dma_start3A_147] : memref<20480x128xf32, #tpu.memory_space<hbm>> -> memref<20480x128xf32, #tpu.memory_space<hbm>>
        tpu.enqueue_indirect_dma source(%dma_start3A_148 : memref<20480x128xf32, #tpu.memory_space<hbm>>) target(%dma_start3A_142 : memref<128x128xf32, #tpu.memory_space<vmem>>) offsets(%dma_start3A_145 : memref<128xi32, #tpu.memory_space<vmem>>) semaphore(%arg11 : memref<!tpu.dma_semaphore, #tpu.memory_space<semaphore_mem>>)
        %dma_wait3A_149 = arith.constant 0 : i32
        %dma_wait3A_150 = arith.constant 0 : i32
        %dma_wait3A_151 = arith.constant 0 : i32
        %dma_wait3A_152 = tpu.memref_slice %arg8[%dma_wait3A_149, %dma_wait3A_150, %dma_wait3A_151] : memref<2x128x128xf32, #tpu.memory_space<vmem>> -> memref<1x128x128xf32, #tpu.memory_space<vmem>>
        %dma_wait3A_153 = tpu.memref_squeeze %dma_wait3A_152 : memref<1x128x128xf32, #tpu.memory_space<vmem>> -> memref<128x128xf32, #tpu.memory_space<vmem>>
        %dma_wait3A_154 = arith.constant 0 : i32
        %dma_wait3A_155 = tpu.memref_slice %arg6[%select_n3A_71, %mul3A_135, %dma_wait3A_154] : memref<2x18x128xi32, #tpu.memory_space<vmem>> -> memref<1x1x128xi32, #tpu.memory_space<vmem>>
        %dma_wait3A_156 = tpu.memref_squeeze %dma_wait3A_155 : memref<1x1x128xi32, #tpu.memory_space<vmem>> -> memref<128xi32, #tpu.memory_space<vmem>>
        %dma_wait3A_157 = arith.constant 0 : i32
        %dma_wait3A_158 = arith.constant 0 : i32
        %dma_wait3A_159 = tpu.memref_slice %arg2[%dma_wait3A_157, %dma_wait3A_158] : memref<20480x128xf32, #tpu.memory_space<hbm>> -> memref<20480x128xf32, #tpu.memory_space<hbm>>
        tpu.wait_indirect_dma semaphore(%arg10 : memref<!tpu.dma_semaphore, #tpu.memory_space<semaphore_mem>>) src(%dma_wait3A_159 : memref<20480x128xf32, #tpu.memory_space<hbm>>) dst(%dma_wait3A_153 : memref<128x128xf32, #tpu.memory_space<vmem>>)
        %run_scoped3A_160 = arith.constant 0 : i32
        "tpu.region"() ({
          %run_scoped3A_191 = tpu.sem_alloc : memref<!tpu.dma_semaphore, #tpu.memory_space<semaphore_mem>>
          %dma_start3A_192 = arith.constant 0 : i32
          %dma_start3A_193 = arith.constant 0 : i32
          %dma_start3A_194 = tpu.memref_slice %arg8[%run_scoped3A_160, %dma_start3A_192, %dma_start3A_193] : memref<2x128x128xf32, #tpu.memory_space<vmem>> -> memref<1x128x128xf32, #tpu.memory_space<vmem>>
          %dma_start3A_195 = tpu.memref_squeeze %dma_start3A_194 : memref<1x128x128xf32, #tpu.memory_space<vmem>> -> memref<128x128xf32, #tpu.memory_space<vmem>>
          %dma_start3A_196 = arith.constant 0 : i32
          %dma_start3A_197 = tpu.memref_slice %arg7[%select_n3A_71, %mul3A_135, %dma_start3A_196] : memref<2x18x128xi32, #tpu.memory_space<vmem>> -> memref<1x1x128xi32, #tpu.memory_space<vmem>>
          %dma_start3A_198 = tpu.memref_squeeze %dma_start3A_197 : memref<1x1x128xi32, #tpu.memory_space<vmem>> -> memref<128xi32, #tpu.memory_space<vmem>>
          %dma_start3A_199 = arith.constant 0 : i32
          %dma_start3A_200 = arith.constant 0 : i32
          %dma_start3A_201 = tpu.memref_slice %arg9[%dma_start3A_199, %dma_start3A_200] : memref<10240x128xf32, #tpu.memory_space<vmem_shared>> -> memref<10240x128xf32, #tpu.memory_space<vmem_shared>>
          tpu.enqueue_indirect_dma source(%dma_start3A_195 : memref<128x128xf32, #tpu.memory_space<vmem>>) target(%dma_start3A_201 : memref<10240x128xf32, #tpu.memory_space<vmem_shared>>) offsets(%dma_start3A_198 : memref<128xi32, #tpu.memory_space<vmem>>) semaphore(%run_scoped3A_191 : memref<!tpu.dma_semaphore, #tpu.memory_space<semaphore_mem>>) {add = true}
          %dma_wait3A_202 = arith.constant 0 : i32
          %dma_wait3A_203 = arith.constant 0 : i32
          %dma_wait3A_204 = tpu.memref_slice %arg8[%run_scoped3A_160, %dma_wait3A_202, %dma_wait3A_203] : memref<2x128x128xf32, #tpu.memory_space<vmem>> -> memref<1x128x128xf32, #tpu.memory_space<vmem>>
          %dma_wait3A_205 = tpu.memref_squeeze %dma_wait3A_204 : memref<1x128x128xf32, #tpu.memory_space<vmem>> -> memref<128x128xf32, #tpu.memory_space<vmem>>
          %dma_wait3A_206 = arith.constant 0 : i32
          %dma_wait3A_207 = tpu.memref_slice %arg7[%select_n3A_71, %mul3A_135, %dma_wait3A_206] : memref<2x18x128xi32, #tpu.memory_space<vmem>> -> memref<1x1x128xi32, #tpu.memory_space<vmem>>
          %dma_wait3A_208 = tpu.memref_squeeze %dma_wait3A_207 : memref<1x1x128xi32, #tpu.memory_space<vmem>> -> memref<128xi32, #tpu.memory_space<vmem>>
          %dma_wait3A_209 = arith.constant 0 : i32
          %dma_wait3A_210 = arith.constant 0 : i32
          %dma_wait3A_211 = tpu.memref_slice %arg9[%dma_wait3A_209, %dma_wait3A_210] : memref<10240x128xf32, #tpu.memory_space<vmem_shared>> -> memref<10240x128xf32, #tpu.memory_space<vmem_shared>>
          tpu.wait_indirect_dma semaphore(%run_scoped3A_191 : memref<!tpu.dma_semaphore, #tpu.memory_space<semaphore_mem>>) src(%dma_wait3A_205 : memref<128x128xf32, #tpu.memory_space<vmem>>) dst(%dma_wait3A_211 : memref<10240x128xf32, #tpu.memory_space<vmem_shared>>)
          tpu.yield
        }) : () -> ()
        %add3A_161 = arith.constant 2 : i32
        %add3A_162 = arith.addi %mul3A_135, %add3A_161 : i32
        %dma_start3A_163 = arith.constant 0 : i32
        %dma_start3A_164 = arith.constant 0 : i32
        %dma_start3A_165 = arith.constant 0 : i32
        %dma_start3A_166 = tpu.memref_slice %arg8[%dma_start3A_163, %dma_start3A_164, %dma_start3A_165] : memref<2x128x128xf32, #tpu.memory_space<vmem>> -> memref<1x128x128xf32, #tpu.memory_space<vmem>>
        %dma_start3A_167 = tpu.memref_squeeze %dma_start3A_166 : memref<1x128x128xf32, #tpu.memory_space<vmem>> -> memref<128x128xf32, #tpu.memory_space<vmem>>
        %dma_start3A_168 = arith.constant 0 : i32
        %dma_start3A_169 = tpu.memref_slice %arg6[%select_n3A_71, %add3A_162, %dma_start3A_168] : memref<2x18x128xi32, #tpu.memory_space<vmem>> -> memref<1x1x128xi32, #tpu.memory_space<vmem>>
        %dma_start3A_170 = tpu.memref_squeeze %dma_start3A_169 : memref<1x1x128xi32, #tpu.memory_space<vmem>> -> memref<128xi32, #tpu.memory_space<vmem>>
        %dma_start3A_171 = arith.constant 0 : i32
        %dma_start3A_172 = arith.constant 0 : i32
        %dma_start3A_173 = tpu.memref_slice %arg2[%dma_start3A_171, %dma_start3A_172] : memref<20480x128xf32, #tpu.memory_space<hbm>> -> memref<20480x128xf32, #tpu.memory_space<hbm>>
        tpu.enqueue_indirect_dma source(%dma_start3A_173 : memref<20480x128xf32, #tpu.memory_space<hbm>>) target(%dma_start3A_167 : memref<128x128xf32, #tpu.memory_space<vmem>>) offsets(%dma_start3A_170 : memref<128xi32, #tpu.memory_space<vmem>>) semaphore(%arg10 : memref<!tpu.dma_semaphore, #tpu.memory_space<semaphore_mem>>)
        %add3A_174 = arith.constant 1 : i32
        %add3A_175 = arith.addi %mul3A_135, %add3A_174 : i32
        %dma_wait3A_176 = arith.constant 1 : i32
        %dma_wait3A_177 = arith.constant 0 : i32
        %dma_wait3A_178 = arith.constant 0 : i32
        %dma_wait3A_179 = tpu.memref_slice %arg8[%dma_wait3A_176, %dma_wait3A_177, %dma_wait3A_178] : memref<2x128x128xf32, #tpu.memory_space<vmem>> -> memref<1x128x128xf32, #tpu.memory_space<vmem>>
        %dma_wait3A_180 = tpu.memref_squeeze %dma_wait3A_179 : memref<1x128x128xf32, #tpu.memory_space<vmem>> -> memref<128x128xf32, #tpu.memory_space<vmem>>
        %dma_wait3A_181 = arith.constant 0 : i32
        %dma_wait3A_182 = tpu.memref_slice %arg6[%select_n3A_71, %add3A_175, %dma_wait3A_181] : memref<2x18x128xi32, #tpu.memory_space<vmem>> -> memref<1x1x128xi32, #tpu.memory_space<vmem>>
        %dma_wait3A_183 = tpu.memref_squeeze %dma_wait3A_182 : memref<1x1x128xi32, #tpu.memory_space<vmem>> -> memref<128xi32, #tpu.memory_space<vmem>>
        %dma_wait3A_184 = arith.constant 0 : i32
        %dma_wait3A_185 = arith.constant 0 : i32
        %dma_wait3A_186 = tpu.memref_slice %arg2[%dma_wait3A_184, %dma_wait3A_185] : memref<20480x128xf32, #tpu.memory_space<hbm>> -> memref<20480x128xf32, #tpu.memory_space<hbm>>
        tpu.wait_indirect_dma semaphore(%arg11 : memref<!tpu.dma_semaphore, #tpu.memory_space<semaphore_mem>>) src(%dma_wait3A_186 : memref<20480x128xf32, #tpu.memory_space<hbm>>) dst(%dma_wait3A_180 : memref<128x128xf32, #tpu.memory_space<vmem>>)
        %add3A_187 = arith.constant 1 : i32
        %add3A_188 = arith.addi %mul3A_135, %add3A_187 : i32
        %run_scoped3A_189 = arith.constant 1 : i32
        "tpu.region"() ({
          %run_scoped3A_191 = tpu.sem_alloc : memref<!tpu.dma_semaphore, #tpu.memory_space<semaphore_mem>>
          %dma_start3A_192 = arith.constant 0 : i32
          %dma_start3A_193 = arith.constant 0 : i32
          %dma_start3A_194 = tpu.memref_slice %arg8[%run_scoped3A_189, %dma_start3A_192, %dma_start3A_193] : memref<2x128x128xf32, #tpu.memory_space<vmem>> -> memref<1x128x128xf32, #tpu.memory_space<vmem>>
          %dma_start3A_195 = tpu.memref_squeeze %dma_start3A_194 : memref<1x128x128xf32, #tpu.memory_space<vmem>> -> memref<128x128xf32, #tpu.memory_space<vmem>>
          %dma_start3A_196 = arith.constant 0 : i32
          %dma_start3A_197 = tpu.memref_slice %arg7[%select_n3A_71, %add3A_188, %dma_start3A_196] : memref<2x18x128xi32, #tpu.memory_space<vmem>> -> memref<1x1x128xi32, #tpu.memory_space<vmem>>
          %dma_start3A_198 = tpu.memref_squeeze %dma_start3A_197 : memref<1x1x128xi32, #tpu.memory_space<vmem>> -> memref<128xi32, #tpu.memory_space<vmem>>
          %dma_start3A_199 = arith.constant 0 : i32
          %dma_start3A_200 = arith.constant 0 : i32
          %dma_start3A_201 = tpu.memref_slice %arg9[%dma_start3A_199, %dma_start3A_200] : memref<10240x128xf32, #tpu.memory_space<vmem_shared>> -> memref<10240x128xf32, #tpu.memory_space<vmem_shared>>
          tpu.enqueue_indirect_dma source(%dma_start3A_195 : memref<128x128xf32, #tpu.memory_space<vmem>>) target(%dma_start3A_201 : memref<10240x128xf32, #tpu.memory_space<vmem_shared>>) offsets(%dma_start3A_198 : memref<128xi32, #tpu.memory_space<vmem>>) semaphore(%run_scoped3A_191 : memref<!tpu.dma_semaphore, #tpu.memory_space<semaphore_mem>>) {add = true}
          %dma_wait3A_202 = arith.constant 0 : i32
          %dma_wait3A_203 = arith.constant 0 : i32
          %dma_wait3A_204 = tpu.memref_slice %arg8[%run_scoped3A_189, %dma_wait3A_202, %dma_wait3A_203] : memref<2x128x128xf32, #tpu.memory_space<vmem>> -> memref<1x128x128xf32, #tpu.memory_space<vmem>>
          %dma_wait3A_205 = tpu.memref_squeeze %dma_wait3A_204 : memref<1x128x128xf32, #tpu.memory_space<vmem>> -> memref<128x128xf32, #tpu.memory_space<vmem>>
          %dma_wait3A_206 = arith.constant 0 : i32
          %dma_wait3A_207 = tpu.memref_slice %arg7[%select_n3A_71, %add3A_188, %dma_wait3A_206] : memref<2x18x128xi32, #tpu.memory_space<vmem>> -> memref<1x1x128xi32, #tpu.memory_space<vmem>>
          %dma_wait3A_208 = tpu.memref_squeeze %dma_wait3A_207 : memref<1x1x128xi32, #tpu.memory_space<vmem>> -> memref<128xi32, #tpu.memory_space<vmem>>
          %dma_wait3A_209 = arith.constant 0 : i32
          %dma_wait3A_210 = arith.constant 0 : i32
          %dma_wait3A_211 = tpu.memref_slice %arg9[%dma_wait3A_209, %dma_wait3A_210] : memref<10240x128xf32, #tpu.memory_space<vmem_shared>> -> memref<10240x128xf32, #tpu.memory_space<vmem_shared>>
          tpu.wait_indirect_dma semaphore(%run_scoped3A_191 : memref<!tpu.dma_semaphore, #tpu.memory_space<semaphore_mem>>) src(%dma_wait3A_205 : memref<128x128xf32, #tpu.memory_space<vmem>>) dst(%dma_wait3A_211 : memref<10240x128xf32, #tpu.memory_space<vmem_shared>>)
          tpu.yield
        }) : () -> ()
        %scan3A_190 = arith.constant 0 : i32
        scf.yield %scan3A_190 : i32
      }
      %scan3A_81 = arith.constant 8 : i32
      %lt3A_82 = arith.constant 8 : i32
      %lt3A_83 = arith.cmpi slt, %scan3A_61, %lt3A_82 : i32
      %convert_element_type3A_84 = arith.extui %lt3A_83 : i1 to i32
      %cond3A_85 = arith.constant 0 : i32
      %cond3A_86 = arith.cmpi ne, %convert_element_type3A_84, %cond3A_85 : i32
      scf.if %cond3A_86 {
        %add3A_132 = arith.constant 1 : i32
        %add3A_133 = arith.addi %scan3A_61, %add3A_132 : i32
        %sub3A = arith.constant 1 : i32
        %sub3A_134 = arith.subi %sub3A, %select_n3A_71 : i32
        %dma_wait3A_135 = arith.constant 0 : i32
        %dma_wait3A_136 = arith.constant 0 : i32
        %dma_wait3A_137 = tpu.memref_slice %arg6[%sub3A_134, %dma_wait3A_135, %dma_wait3A_136] : memref<2x18x128xi32, #tpu.memory_space<vmem>> -> memref<1x18x128xi32, #tpu.memory_space<vmem>>
        %dma_wait3A_138 = tpu.memref_squeeze %dma_wait3A_137 : memref<1x18x128xi32, #tpu.memory_space<vmem>> -> memref<18x128xi32, #tpu.memory_space<vmem>>
        %dma_wait3A_139 = arith.constant 0 : i32
        %dma_wait3A_140 = arith.constant 0 : i32
        %dma_wait3A_141 = tpu.memref_slice %arg3[%arg0, %arg1, %add3A_133, %dma_wait3A_139, %dma_wait3A_140] : memref<2x16x9x18x128xi32, #tpu.memory_space<hbm>> -> memref<1x1x1x18x128xi32, #tpu.memory_space<hbm>>
        %dma_wait3A_142 = tpu.memref_squeeze %dma_wait3A_141 : memref<1x1x1x18x128xi32, #tpu.memory_space<hbm>> -> memref<18x128xi32, #tpu.memory_space<hbm>>
        %dma_wait3A_143 = arith.constant 0 : i32
        %dma_wait3A_144 = arith.constant 0 : i32
        %dma_wait3A_145 = tpu.memref_slice %arg6[%sub3A_134, %dma_wait3A_143, %dma_wait3A_144] : memref<2x18x128xi32, #tpu.memory_space<vmem>> -> memref<1x18x128xi32, #tpu.memory_space<vmem>>
        %dma_wait3A_146 = tpu.memref_squeeze %dma_wait3A_145 : memref<1x18x128xi32, #tpu.memory_space<vmem>> -> memref<18x128xi32, #tpu.memory_space<vmem>>
        %dma_wait3A_147 = arith.constant 0 : i32
        %dma_wait3A_148 = arith.constant 0 : i32
        %dma_wait3A_149 = tpu.memref_slice %arg3[%arg0, %arg1, %add3A_133, %dma_wait3A_147, %dma_wait3A_148] : memref<2x16x9x18x128xi32, #tpu.memory_space<hbm>> -> memref<1x1x1x18x128xi32, #tpu.memory_space<hbm>>
        %dma_wait3A_150 = tpu.memref_squeeze %dma_wait3A_149 : memref<1x1x1x18x128xi32, #tpu.memory_space<hbm>> -> memref<18x128xi32, #tpu.memory_space<hbm>>
        tpu.wait_dma2 semaphore(%arg12 : memref<!tpu.dma_semaphore, #tpu.memory_space<semaphore_mem>>) src(%dma_wait3A_150 : memref<18x128xi32, #tpu.memory_space<hbm>>) dst(%dma_wait3A_146 : memref<18x128xi32, #tpu.memory_space<vmem>>)
        %add3A_151 = arith.constant 1 : i32
        %add3A_152 = arith.addi %scan3A_61, %add3A_151 : i32
        %sub3A_153 = arith.constant 1 : i32
        %sub3A_154 = arith.subi %sub3A_153, %select_n3A_71 : i32
        %dma_wait3A_155 = arith.constant 0 : i32
        %dma_wait3A_156 = arith.constant 0 : i32
        %dma_wait3A_157 = tpu.memref_slice %arg7[%sub3A_154, %dma_wait3A_155, %dma_wait3A_156] : memref<2x18x128xi32, #tpu.memory_space<vmem>> -> memref<1x18x128xi32, #tpu.memory_space<vmem>>
        %dma_wait3A_158 = tpu.memref_squeeze %dma_wait3A_157 : memref<1x18x128xi32, #tpu.memory_space<vmem>> -> memref<18x128xi32, #tpu.memory_space<vmem>>
        %dma_wait3A_159 = arith.constant 0 : i32
        %dma_wait3A_160 = arith.constant 0 : i32
        %dma_wait3A_161 = tpu.memref_slice %arg4[%arg1, %add3A_152, %dma_wait3A_159, %dma_wait3A_160] : memref<16x9x18x128xi32, #tpu.memory_space<hbm>> -> memref<1x1x18x128xi32, #tpu.memory_space<hbm>>
        %dma_wait3A_162 = tpu.memref_squeeze %dma_wait3A_161 : memref<1x1x18x128xi32, #tpu.memory_space<hbm>> -> memref<18x128xi32, #tpu.memory_space<hbm>>
        %dma_wait3A_163 = arith.constant 0 : i32
        %dma_wait3A_164 = arith.constant 0 : i32
        %dma_wait3A_165 = tpu.memref_slice %arg7[%sub3A_154, %dma_wait3A_163, %dma_wait3A_164] : memref<2x18x128xi32, #tpu.memory_space<vmem>> -> memref<1x18x128xi32, #tpu.memory_space<vmem>>
        %dma_wait3A_166 = tpu.memref_squeeze %dma_wait3A_165 : memref<1x18x128xi32, #tpu.memory_space<vmem>> -> memref<18x128xi32, #tpu.memory_space<vmem>>
        %dma_wait3A_167 = arith.constant 0 : i32
        %dma_wait3A_168 = arith.constant 0 : i32
        %dma_wait3A_169 = tpu.memref_slice %arg4[%arg1, %add3A_152, %dma_wait3A_167, %dma_wait3A_168] : memref<16x9x18x128xi32, #tpu.memory_space<hbm>> -> memref<1x1x18x128xi32, #tpu.memory_space<hbm>>
        %dma_wait3A_170 = tpu.memref_squeeze %dma_wait3A_169 : memref<1x1x18x128xi32, #tpu.memory_space<hbm>> -> memref<18x128xi32, #tpu.memory_space<hbm>>
        tpu.wait_dma2 semaphore(%arg12 : memref<!tpu.dma_semaphore, #tpu.memory_space<semaphore_mem>>) src(%dma_wait3A_170 : memref<18x128xi32, #tpu.memory_space<hbm>>) dst(%dma_wait3A_166 : memref<18x128xi32, #tpu.memory_space<vmem>>)
      } else {
      }
      %dma_start3A_87 = arith.constant 17 : i32
      %dma_start3A_88 = arith.constant 1 : i32
      %dma_start3A_89 = arith.constant 0 : i32
      %dma_start3A_90 = arith.constant 0 : i32
      %dma_start3A_91 = tpu.memref_slice %arg8[%dma_start3A_88, %dma_start3A_89, %dma_start3A_90] : memref<2x128x128xf32, #tpu.memory_space<vmem>> -> memref<1x128x128xf32, #tpu.memory_space<vmem>>
      %dma_start3A_92 = tpu.memref_squeeze %dma_start3A_91 : memref<1x128x128xf32, #tpu.memory_space<vmem>> -> memref<128x128xf32, #tpu.memory_space<vmem>>
      %dma_start3A_93 = arith.constant 0 : i32
      %dma_start3A_94 = tpu.memref_slice %arg6[%select_n3A_71, %dma_start3A_87, %dma_start3A_93] : memref<2x18x128xi32, #tpu.memory_space<vmem>> -> memref<1x1x128xi32, #tpu.memory_space<vmem>>
      %dma_start3A_95 = tpu.memref_squeeze %dma_start3A_94 : memref<1x1x128xi32, #tpu.memory_space<vmem>> -> memref<128xi32, #tpu.memory_space<vmem>>
      %dma_start3A_96 = arith.constant 0 : i32
      %dma_start3A_97 = arith.constant 0 : i32
      %dma_start3A_98 = tpu.memref_slice %arg2[%dma_start3A_96, %dma_start3A_97] : memref<20480x128xf32, #tpu.memory_space<hbm>> -> memref<20480x128xf32, #tpu.memory_space<hbm>>
      tpu.enqueue_indirect_dma source(%dma_start3A_98 : memref<20480x128xf32, #tpu.memory_space<hbm>>) target(%dma_start3A_92 : memref<128x128xf32, #tpu.memory_space<vmem>>) offsets(%dma_start3A_95 : memref<128xi32, #tpu.memory_space<vmem>>) semaphore(%arg11 : memref<!tpu.dma_semaphore, #tpu.memory_space<semaphore_mem>>)
      %dma_wait3A = arith.constant 16 : i32
      %dma_wait3A_99 = arith.constant 0 : i32
      %dma_wait3A_100 = arith.constant 0 : i32
      %dma_wait3A_101 = arith.constant 0 : i32
      %dma_wait3A_102 = tpu.memref_slice %arg8[%dma_wait3A_99, %dma_wait3A_100, %dma_wait3A_101] : memref<2x128x128xf32, #tpu.memory_space<vmem>> -> memref<1x128x128xf32, #tpu.memory_space<vmem>>
      %dma_wait3A_103 = tpu.memref_squeeze %dma_wait3A_102 : memref<1x128x128xf32, #tpu.memory_space<vmem>> -> memref<128x128xf32, #tpu.memory_space<vmem>>
      %dma_wait3A_104 = arith.constant 0 : i32
      %dma_wait3A_105 = tpu.memref_slice %arg6[%select_n3A_71, %dma_wait3A, %dma_wait3A_104] : memref<2x18x128xi32, #tpu.memory_space<vmem>> -> memref<1x1x128xi32, #tpu.memory_space<vmem>>
      %dma_wait3A_106 = tpu.memref_squeeze %dma_wait3A_105 : memref<1x1x128xi32, #tpu.memory_space<vmem>> -> memref<128xi32, #tpu.memory_space<vmem>>
      %dma_wait3A_107 = arith.constant 0 : i32
      %dma_wait3A_108 = arith.constant 0 : i32
      %dma_wait3A_109 = tpu.memref_slice %arg2[%dma_wait3A_107, %dma_wait3A_108] : memref<20480x128xf32, #tpu.memory_space<hbm>> -> memref<20480x128xf32, #tpu.memory_space<hbm>>
      tpu.wait_indirect_dma semaphore(%arg10 : memref<!tpu.dma_semaphore, #tpu.memory_space<semaphore_mem>>) src(%dma_wait3A_109 : memref<20480x128xf32, #tpu.memory_space<hbm>>) dst(%dma_wait3A_103 : memref<128x128xf32, #tpu.memory_space<vmem>>)
      %run_scoped3A_110 = arith.constant 0 : i32
      %run_scoped3A_111 = arith.constant 16 : i32
      "tpu.region"() ({
        %run_scoped3A_132 = tpu.sem_alloc : memref<!tpu.dma_semaphore, #tpu.memory_space<semaphore_mem>>
        %dma_start3A_133 = arith.constant 0 : i32
        %dma_start3A_134 = arith.constant 0 : i32
        %dma_start3A_135 = tpu.memref_slice %arg8[%run_scoped3A_110, %dma_start3A_133, %dma_start3A_134] : memref<2x128x128xf32, #tpu.memory_space<vmem>> -> memref<1x128x128xf32, #tpu.memory_space<vmem>>
        %dma_start3A_136 = tpu.memref_squeeze %dma_start3A_135 : memref<1x128x128xf32, #tpu.memory_space<vmem>> -> memref<128x128xf32, #tpu.memory_space<vmem>>
        %dma_start3A_137 = arith.constant 0 : i32
        %dma_start3A_138 = tpu.memref_slice %arg7[%select_n3A_71, %run_scoped3A_111, %dma_start3A_137] : memref<2x18x128xi32, #tpu.memory_space<vmem>> -> memref<1x1x128xi32, #tpu.memory_space<vmem>>
        %dma_start3A_139 = tpu.memref_squeeze %dma_start3A_138 : memref<1x1x128xi32, #tpu.memory_space<vmem>> -> memref<128xi32, #tpu.memory_space<vmem>>
        %dma_start3A_140 = arith.constant 0 : i32
        %dma_start3A_141 = arith.constant 0 : i32
        %dma_start3A_142 = tpu.memref_slice %arg9[%dma_start3A_140, %dma_start3A_141] : memref<10240x128xf32, #tpu.memory_space<vmem_shared>> -> memref<10240x128xf32, #tpu.memory_space<vmem_shared>>
        tpu.enqueue_indirect_dma source(%dma_start3A_136 : memref<128x128xf32, #tpu.memory_space<vmem>>) target(%dma_start3A_142 : memref<10240x128xf32, #tpu.memory_space<vmem_shared>>) offsets(%dma_start3A_139 : memref<128xi32, #tpu.memory_space<vmem>>) semaphore(%run_scoped3A_132 : memref<!tpu.dma_semaphore, #tpu.memory_space<semaphore_mem>>) {add = true}
        %dma_wait3A_143 = arith.constant 0 : i32
        %dma_wait3A_144 = arith.constant 0 : i32
        %dma_wait3A_145 = tpu.memref_slice %arg8[%run_scoped3A_110, %dma_wait3A_143, %dma_wait3A_144] : memref<2x128x128xf32, #tpu.memory_space<vmem>> -> memref<1x128x128xf32, #tpu.memory_space<vmem>>
        %dma_wait3A_146 = tpu.memref_squeeze %dma_wait3A_145 : memref<1x128x128xf32, #tpu.memory_space<vmem>> -> memref<128x128xf32, #tpu.memory_space<vmem>>
        %dma_wait3A_147 = arith.constant 0 : i32
        %dma_wait3A_148 = tpu.memref_slice %arg7[%select_n3A_71, %run_scoped3A_111, %dma_wait3A_147] : memref<2x18x128xi32, #tpu.memory_space<vmem>> -> memref<1x1x128xi32, #tpu.memory_space<vmem>>
        %dma_wait3A_149 = tpu.memref_squeeze %dma_wait3A_148 : memref<1x1x128xi32, #tpu.memory_space<vmem>> -> memref<128xi32, #tpu.memory_space<vmem>>
        %dma_wait3A_150 = arith.constant 0 : i32
        %dma_wait3A_151 = arith.constant 0 : i32
        %dma_wait3A_152 = tpu.memref_slice %arg9[%dma_wait3A_150, %dma_wait3A_151] : memref<10240x128xf32, #tpu.memory_space<vmem_shared>> -> memref<10240x128xf32, #tpu.memory_space<vmem_shared>>
        tpu.wait_indirect_dma semaphore(%run_scoped3A_132 : memref<!tpu.dma_semaphore, #tpu.memory_space<semaphore_mem>>) src(%dma_wait3A_146 : memref<128x128xf32, #tpu.memory_space<vmem>>) dst(%dma_wait3A_152 : memref<10240x128xf32, #tpu.memory_space<vmem_shared>>)
        tpu.yield
      }) : () -> ()
      %lt3A_112 = arith.constant 8 : i32
      %lt3A_113 = arith.cmpi slt, %scan3A_61, %lt3A_112 : i32
      %convert_element_type3A_114 = arith.extui %lt3A_113 : i1 to i32
      %cond3A_115 = arith.constant 0 : i32
      %cond3A_116 = arith.cmpi ne, %convert_element_type3A_114, %cond3A_115 : i32
      scf.if %cond3A_116 {
        %sub3A = arith.constant 1 : i32
        %sub3A_132 = arith.subi %sub3A, %select_n3A_71 : i32
        %dma_start3A_133 = arith.constant 0 : i32
        %dma_start3A_134 = arith.constant 0 : i32
        %dma_start3A_135 = arith.constant 0 : i32
        %dma_start3A_136 = arith.constant 0 : i32
        %dma_start3A_137 = tpu.memref_slice %arg8[%dma_start3A_134, %dma_start3A_135, %dma_start3A_136] : memref<2x128x128xf32, #tpu.memory_space<vmem>> -> memref<1x128x128xf32, #tpu.memory_space<vmem>>
        %dma_start3A_138 = tpu.memref_squeeze %dma_start3A_137 : memref<1x128x128xf32, #tpu.memory_space<vmem>> -> memref<128x128xf32, #tpu.memory_space<vmem>>
        %dma_start3A_139 = arith.constant 0 : i32
        %dma_start3A_140 = tpu.memref_slice %arg6[%sub3A_132, %dma_start3A_133, %dma_start3A_139] : memref<2x18x128xi32, #tpu.memory_space<vmem>> -> memref<1x1x128xi32, #tpu.memory_space<vmem>>
        %dma_start3A_141 = tpu.memref_squeeze %dma_start3A_140 : memref<1x1x128xi32, #tpu.memory_space<vmem>> -> memref<128xi32, #tpu.memory_space<vmem>>
        %dma_start3A_142 = arith.constant 0 : i32
        %dma_start3A_143 = arith.constant 0 : i32
        %dma_start3A_144 = tpu.memref_slice %arg2[%dma_start3A_142, %dma_start3A_143] : memref<20480x128xf32, #tpu.memory_space<hbm>> -> memref<20480x128xf32, #tpu.memory_space<hbm>>
        tpu.enqueue_indirect_dma source(%dma_start3A_144 : memref<20480x128xf32, #tpu.memory_space<hbm>>) target(%dma_start3A_138 : memref<128x128xf32, #tpu.memory_space<vmem>>) offsets(%dma_start3A_141 : memref<128xi32, #tpu.memory_space<vmem>>) semaphore(%arg10 : memref<!tpu.dma_semaphore, #tpu.memory_space<semaphore_mem>>)
      } else {
      }
      %dma_wait3A_117 = arith.constant 17 : i32
      %dma_wait3A_118 = arith.constant 1 : i32
      %dma_wait3A_119 = arith.constant 0 : i32
      %dma_wait3A_120 = arith.constant 0 : i32
      %dma_wait3A_121 = tpu.memref_slice %arg8[%dma_wait3A_118, %dma_wait3A_119, %dma_wait3A_120] : memref<2x128x128xf32, #tpu.memory_space<vmem>> -> memref<1x128x128xf32, #tpu.memory_space<vmem>>
      %dma_wait3A_122 = tpu.memref_squeeze %dma_wait3A_121 : memref<1x128x128xf32, #tpu.memory_space<vmem>> -> memref<128x128xf32, #tpu.memory_space<vmem>>
      %dma_wait3A_123 = arith.constant 0 : i32
      %dma_wait3A_124 = tpu.memref_slice %arg6[%select_n3A_71, %dma_wait3A_117, %dma_wait3A_123] : memref<2x18x128xi32, #tpu.memory_space<vmem>> -> memref<1x1x128xi32, #tpu.memory_space<vmem>>
      %dma_wait3A_125 = tpu.memref_squeeze %dma_wait3A_124 : memref<1x1x128xi32, #tpu.memory_space<vmem>> -> memref<128xi32, #tpu.memory_space<vmem>>
      %dma_wait3A_126 = arith.constant 0 : i32
      %dma_wait3A_127 = arith.constant 0 : i32
      %dma_wait3A_128 = tpu.memref_slice %arg2[%dma_wait3A_126, %dma_wait3A_127] : memref<20480x128xf32, #tpu.memory_space<hbm>> -> memref<20480x128xf32, #tpu.memory_space<hbm>>
      tpu.wait_indirect_dma semaphore(%arg11 : memref<!tpu.dma_semaphore, #tpu.memory_space<semaphore_mem>>) src(%dma_wait3A_128 : memref<20480x128xf32, #tpu.memory_space<hbm>>) dst(%dma_wait3A_122 : memref<128x128xf32, #tpu.memory_space<vmem>>)
      %run_scoped3A_129 = arith.constant 1 : i32
      %run_scoped3A_130 = arith.constant 17 : i32
      "tpu.region"() ({
        %run_scoped3A_132 = tpu.sem_alloc : memref<!tpu.dma_semaphore, #tpu.memory_space<semaphore_mem>>
        %dma_start3A_133 = arith.constant 0 : i32
        %dma_start3A_134 = arith.constant 0 : i32
        %dma_start3A_135 = tpu.memref_slice %arg8[%run_scoped3A_129, %dma_start3A_133, %dma_start3A_134] : memref<2x128x128xf32, #tpu.memory_space<vmem>> -> memref<1x128x128xf32, #tpu.memory_space<vmem>>
        %dma_start3A_136 = tpu.memref_squeeze %dma_start3A_135 : memref<1x128x128xf32, #tpu.memory_space<vmem>> -> memref<128x128xf32, #tpu.memory_space<vmem>>
        %dma_start3A_137 = arith.constant 0 : i32
        %dma_start3A_138 = tpu.memref_slice %arg7[%select_n3A_71, %run_scoped3A_130, %dma_start3A_137] : memref<2x18x128xi32, #tpu.memory_space<vmem>> -> memref<1x1x128xi32, #tpu.memory_space<vmem>>
        %dma_start3A_139 = tpu.memref_squeeze %dma_start3A_138 : memref<1x1x128xi32, #tpu.memory_space<vmem>> -> memref<128xi32, #tpu.memory_space<vmem>>
        %dma_start3A_140 = arith.constant 0 : i32
        %dma_start3A_141 = arith.constant 0 : i32
        %dma_start3A_142 = tpu.memref_slice %arg9[%dma_start3A_140, %dma_start3A_141] : memref<10240x128xf32, #tpu.memory_space<vmem_shared>> -> memref<10240x128xf32, #tpu.memory_space<vmem_shared>>
        tpu.enqueue_indirect_dma source(%dma_start3A_136 : memref<128x128xf32, #tpu.memory_space<vmem>>) target(%dma_start3A_142 : memref<10240x128xf32, #tpu.memory_space<vmem_shared>>) offsets(%dma_start3A_139 : memref<128xi32, #tpu.memory_space<vmem>>) semaphore(%run_scoped3A_132 : memref<!tpu.dma_semaphore, #tpu.memory_space<semaphore_mem>>) {add = true}
        %dma_wait3A_143 = arith.constant 0 : i32
        %dma_wait3A_144 = arith.constant 0 : i32
        %dma_wait3A_145 = tpu.memref_slice %arg8[%run_scoped3A_129, %dma_wait3A_143, %dma_wait3A_144] : memref<2x128x128xf32, #tpu.memory_space<vmem>> -> memref<1x128x128xf32, #tpu.memory_space<vmem>>
        %dma_wait3A_146 = tpu.memref_squeeze %dma_wait3A_145 : memref<1x128x128xf32, #tpu.memory_space<vmem>> -> memref<128x128xf32, #tpu.memory_space<vmem>>
        %dma_wait3A_147 = arith.constant 0 : i32
        %dma_wait3A_148 = tpu.memref_slice %arg7[%select_n3A_71, %run_scoped3A_130, %dma_wait3A_147] : memref<2x18x128xi32, #tpu.memory_space<vmem>> -> memref<1x1x128xi32, #tpu.memory_space<vmem>>
        %dma_wait3A_149 = tpu.memref_squeeze %dma_wait3A_148 : memref<1x1x128xi32, #tpu.memory_space<vmem>> -> memref<128xi32, #tpu.memory_space<vmem>>
        %dma_wait3A_150 = arith.constant 0 : i32
        %dma_wait3A_151 = arith.constant 0 : i32
        %dma_wait3A_152 = tpu.memref_slice %arg9[%dma_wait3A_150, %dma_wait3A_151] : memref<10240x128xf32, #tpu.memory_space<vmem_shared>> -> memref<10240x128xf32, #tpu.memory_space<vmem_shared>>
        tpu.wait_indirect_dma semaphore(%run_scoped3A_132 : memref<!tpu.dma_semaphore, #tpu.memory_space<semaphore_mem>>) src(%dma_wait3A_146 : memref<128x128xf32, #tpu.memory_space<vmem>>) dst(%dma_wait3A_152 : memref<10240x128xf32, #tpu.memory_space<vmem_shared>>)
        tpu.yield
      }) : () -> ()
      %scan3A_131 = arith.constant 0 : i32
      scf.yield %scan3A_131 : i32
    }
    %scan3A_52 = arith.constant 9 : i32
    %barrier3A_53 = arith.constant 0 : index
    tpu.barrier barrier_id(%barrier3A_53)
    %mul3A_54 = arith.constant 640 : i32
    %mul3A_55 = arith.muli %arg1, %mul3A_54 : i32
    %mul3A_56 = arith.constant 10240 : i32
    %mul3A_57 = arith.muli %arg0, %mul3A_56 : i32
    %mul3A_58 = arith.constant 640 : i32
    %mul3A_59 = arith.muli %arg1, %mul3A_58 : i32
    %add3A_60 = arith.addi %mul3A_57, %mul3A_59 : i32
    "tpu.region"() ({
      %run_scoped3A_61 = tpu.sem_alloc : memref<!tpu.dma_semaphore, #tpu.memory_space<semaphore_mem>>
      %dma_start3A_62 = arith.constant 0 : i32
      %dma_start3A_63 = tpu.memref_slice %arg5[%add3A_60, %dma_start3A_62] : memref<20480x128xf32, #tpu.memory_space<hbm>> -> memref<640x128xf32, #tpu.memory_space<hbm>>
      %dma_start3A_64 = arith.constant 0 : i32
      %dma_start3A_65 = tpu.memref_slice %arg9[%mul3A_55, %dma_start3A_64] : memref<10240x128xf32, #tpu.memory_space<vmem_shared>> -> memref<640x128xf32, #tpu.memory_space<vmem_shared>>
      tpu.enqueue_dma source(%dma_start3A_65 : memref<640x128xf32, #tpu.memory_space<vmem_shared>>) target(%dma_start3A_63 : memref<640x128xf32, #tpu.memory_space<hbm>>) target_semaphore(%run_scoped3A_61 : memref<!tpu.dma_semaphore, #tpu.memory_space<semaphore_mem>>)
      %dma_wait3A = arith.constant 0 : i32
      %dma_wait3A_66 = tpu.memref_slice %arg5[%add3A_60, %dma_wait3A] : memref<20480x128xf32, #tpu.memory_space<hbm>> -> memref<640x128xf32, #tpu.memory_space<hbm>>
      %dma_wait3A_67 = arith.constant 0 : i32
      %dma_wait3A_68 = tpu.memref_slice %arg9[%mul3A_55, %dma_wait3A_67] : memref<10240x128xf32, #tpu.memory_space<vmem_shared>> -> memref<640x128xf32, #tpu.memory_space<vmem_shared>>
      tpu.wait_dma2 semaphore(%run_scoped3A_61 : memref<!tpu.dma_semaphore, #tpu.memory_space<semaphore_mem>>) src(%dma_wait3A_68 : memref<640x128xf32, #tpu.memory_space<vmem_shared>>) dst(%dma_wait3A_66 : memref<640x128xf32, #tpu.memory_space<hbm>>)
      tpu.yield
    }) : () -> ()
    return
  }
}

#map = affine_map<(d0, d1) -> (0, 0, 0, 0)>
#map1 = affine_map<(d0, d1) -> (0)>
module attributes {stable_mosaic.version = 14 : i64} {
  func.func @_deg_kernel(%arg0: i32, %arg1: i32, %arg2: memref<2x16x81x128xi32, #tpu.memory_space<hbm>>, %arg3: memref<20480xf32, #tpu.memory_space<hbm>>, %arg4: memref<81x128xi32, #tpu.memory_space<vmem>>, %arg5: memref<128xf32, #tpu.memory_space<vmem>>, %arg6: memref<640xf32, #tpu.memory_space<vmem>>, %arg7: memref<10240xf32, #tpu.memory_space<vmem_shared>>, %arg8: memref<!tpu.dma_semaphore, #tpu.memory_space<semaphore_mem>>) attributes {dimension_semantics = [#tpu.dimension_semantics<core_parallel>, #tpu.dimension_semantics<subcore_parallel>], iteration_bounds = array<i64: 2, 16>, scalar_prefetch = 0 : i64, scratch_operands = 5 : i64, tpu.core_type = #tpu.core_type<sc_vector_subcore>, window_params = [{transform_indices = #map}, {transform_indices = #map1}]} {
    %broadcast_in_dim3A = arith.constant 1.000000e+00 : f32
    %broadcast_in_dim3A_0 = vector.broadcast %broadcast_in_dim3A : f32 to vector<16xf32>
    %broadcast_in_dim3A_1 = arith.constant 0.000000e+00 : f32
    %broadcast_in_dim3A_2 = vector.broadcast %broadcast_in_dim3A_1 : f32 to vector<16xf32>
    %scan3A = arith.constant 0 : i32
    %scan3A_3 = arith.constant 0 : i32
    %scan3A_4 = arith.constant 8 : i32
    %scan3A_5 = arith.addi %scan3A_3, %scan3A_4 : i32
    %scan3A_6 = arith.constant 1 : i32
    %scan3A_7 = scf.for %scan3A_38 = %scan3A_3 to %scan3A_5 step %scan3A_6 iter_args(%scan3A_39 = %scan3A) -> (i32)  : i32 {
      %mul3A_40 = arith.constant 16 : i32
      %mul3A_41 = arith.muli %scan3A_38, %mul3A_40 : i32
      %swap3A = arith.index_cast %mul3A_41 : i32 to index
      %swap3A_42 = tpu.vector_load %arg5[%swap3A] {strides = array<i32>} : memref<128xf32, #tpu.memory_space<vmem>>, vector<16xf32>,
      %swap3A_43 = vector.shape_cast %swap3A_42 : vector<16xf32> to vector<16xf32>
      %swap3A_44 = vector.shape_cast %broadcast_in_dim3A_0 : vector<16xf32> to vector<16xf32>
      tpu.vector_store %arg5[%swap3A], %swap3A_44 {strides = array<i32>} : memref<128xf32, #tpu.memory_space<vmem>>, vector<16xf32>,
      %scan3A_45 = arith.constant 0 : i32
      scf.yield %scan3A_45 : i32
    }
    %scan3A_8 = arith.constant 8 : i32
    %scan3A_9 = arith.constant 0 : i32
    %scan3A_10 = arith.constant 0 : i32
    %scan3A_11 = arith.constant 40 : i32
    %scan3A_12 = arith.addi %scan3A_10, %scan3A_11 : i32
    %scan3A_13 = arith.constant 1 : i32
    %scan3A_14 = scf.for %scan3A_38 = %scan3A_10 to %scan3A_12 step %scan3A_13 iter_args(%scan3A_39 = %scan3A_9) -> (i32)  : i32 {
      %mul3A_40 = arith.constant 16 : i32
      %mul3A_41 = arith.muli %scan3A_38, %mul3A_40 : i32
      %swap3A = arith.index_cast %mul3A_41 : i32 to index
      %swap3A_42 = tpu.vector_load %arg6[%swap3A] {strides = array<i32>} : memref<640xf32, #tpu.memory_space<vmem>>, vector<16xf32>,
      %swap3A_43 = vector.shape_cast %swap3A_42 : vector<16xf32> to vector<16xf32>
      %swap3A_44 = vector.shape_cast %broadcast_in_dim3A_2 : vector<16xf32> to vector<16xf32>
      tpu.vector_store %arg6[%swap3A], %swap3A_44 {strides = array<i32>} : memref<640xf32, #tpu.memory_space<vmem>>, vector<16xf32>,
      %scan3A_45 = arith.constant 0 : i32
      scf.yield %scan3A_45 : i32
    }
    %scan3A_15 = arith.constant 40 : i32
    %mul3A = arith.constant 640 : i32
    %mul3A_16 = arith.muli %arg1, %mul3A : i32
    "tpu.region"() ({
      %run_scoped3A = tpu.sem_alloc : memref<!tpu.dma_semaphore, #tpu.memory_space<semaphore_mem>>
      %dma_start3A = tpu.memref_slice %arg7[%mul3A_16] : memref<10240xf32, #tpu.memory_space<vmem_shared>> -> memref<640xf32, #tpu.memory_space<vmem_shared>>
      %dma_start3A_38 = tpu.memref_slice %arg7[%mul3A_16] : memref<10240xf32, #tpu.memory_space<vmem_shared>> -> memref<640xf32, #tpu.memory_space<vmem_shared>>
      tpu.enqueue_dma source(%arg6 : memref<640xf32, #tpu.memory_space<vmem>>) target(%dma_start3A_38 : memref<640xf32, #tpu.memory_space<vmem_shared>>) target_semaphore(%run_scoped3A : memref<!tpu.dma_semaphore, #tpu.memory_space<semaphore_mem>>)
      %dma_wait3A = tpu.memref_slice %arg7[%mul3A_16] : memref<10240xf32, #tpu.memory_space<vmem_shared>> -> memref<640xf32, #tpu.memory_space<vmem_shared>>
      %dma_wait3A_39 = tpu.memref_slice %arg7[%mul3A_16] : memref<10240xf32, #tpu.memory_space<vmem_shared>> -> memref<640xf32, #tpu.memory_space<vmem_shared>>
      tpu.wait_dma2 semaphore(%run_scoped3A : memref<!tpu.dma_semaphore, #tpu.memory_space<semaphore_mem>>) src(%arg6 : memref<640xf32, #tpu.memory_space<vmem>>) dst(%dma_wait3A_39 : memref<640xf32, #tpu.memory_space<vmem_shared>>)
      tpu.yield
    }) : () -> ()
    "tpu.region"() ({
      %run_scoped3A = tpu.sem_alloc : memref<!tpu.dma_semaphore, #tpu.memory_space<semaphore_mem>>
      %dma_start3A = arith.constant 0 : i32
      %dma_start3A_38 = arith.constant 0 : i32
      %dma_start3A_39 = tpu.memref_slice %arg2[%arg0, %arg1, %dma_start3A, %dma_start3A_38] : memref<2x16x81x128xi32, #tpu.memory_space<hbm>> -> memref<1x1x81x128xi32, #tpu.memory_space<hbm>>
      %dma_start3A_40 = tpu.memref_squeeze %dma_start3A_39 : memref<1x1x81x128xi32, #tpu.memory_space<hbm>> -> memref<81x128xi32, #tpu.memory_space<hbm>>
      %dma_start3A_41 = arith.constant 0 : i32
      %dma_start3A_42 = arith.constant 0 : i32
      %dma_start3A_43 = tpu.memref_slice %arg2[%arg0, %arg1, %dma_start3A_41, %dma_start3A_42] : memref<2x16x81x128xi32, #tpu.memory_space<hbm>> -> memref<1x1x81x128xi32, #tpu.memory_space<hbm>>
      %dma_start3A_44 = tpu.memref_squeeze %dma_start3A_43 : memref<1x1x81x128xi32, #tpu.memory_space<hbm>> -> memref<81x128xi32, #tpu.memory_space<hbm>>
      tpu.enqueue_dma source(%dma_start3A_44 : memref<81x128xi32, #tpu.memory_space<hbm>>) target(%arg4 : memref<81x128xi32, #tpu.memory_space<vmem>>) target_semaphore(%run_scoped3A : memref<!tpu.dma_semaphore, #tpu.memory_space<semaphore_mem>>)
      %dma_wait3A = arith.constant 0 : i32
      %dma_wait3A_45 = arith.constant 0 : i32
      %dma_wait3A_46 = tpu.memref_slice %arg2[%arg0, %arg1, %dma_wait3A, %dma_wait3A_45] : memref<2x16x81x128xi32, #tpu.memory_space<hbm>> -> memref<1x1x81x128xi32, #tpu.memory_space<hbm>>
      %dma_wait3A_47 = tpu.memref_squeeze %dma_wait3A_46 : memref<1x1x81x128xi32, #tpu.memory_space<hbm>> -> memref<81x128xi32, #tpu.memory_space<hbm>>
      %dma_wait3A_48 = arith.constant 0 : i32
      %dma_wait3A_49 = arith.constant 0 : i32
      %dma_wait3A_50 = tpu.memref_slice %arg2[%arg0, %arg1, %dma_wait3A_48, %dma_wait3A_49] : memref<2x16x81x128xi32, #tpu.memory_space<hbm>> -> memref<1x1x81x128xi32, #tpu.memory_space<hbm>>
      %dma_wait3A_51 = tpu.memref_squeeze %dma_wait3A_50 : memref<1x1x81x128xi32, #tpu.memory_space<hbm>> -> memref<81x128xi32, #tpu.memory_space<hbm>>
      tpu.wait_dma2 semaphore(%run_scoped3A : memref<!tpu.dma_semaphore, #tpu.memory_space<semaphore_mem>>) src(%dma_wait3A_51 : memref<81x128xi32, #tpu.memory_space<hbm>>) dst(%arg4 : memref<81x128xi32, #tpu.memory_space<vmem>>)
      tpu.yield
    }) : () -> ()
    %barrier3A = arith.constant 0 : index
    tpu.barrier barrier_id(%barrier3A)
    %scan3A_17 = arith.constant 0 : i32
    %scan3A_18 = arith.constant 0 : i32
    %scan3A_19 = arith.constant 81 : i32
    %scan3A_20 = arith.addi %scan3A_18, %scan3A_19 : i32
    %scan3A_21 = arith.constant 1 : i32
    %scan3A_22 = scf.for %scan3A_38 = %scan3A_18 to %scan3A_20 step %scan3A_21 iter_args(%scan3A_39 = %scan3A_17) -> (i32)  : i32 {
      %dma_start3A = arith.constant 0 : i32
      %dma_start3A_40 = tpu.memref_slice %arg4[%scan3A_38, %dma_start3A] : memref<81x128xi32, #tpu.memory_space<vmem>> -> memref<1x128xi32, #tpu.memory_space<vmem>>
      %dma_start3A_41 = tpu.memref_squeeze %dma_start3A_40 : memref<1x128xi32, #tpu.memory_space<vmem>> -> memref<128xi32, #tpu.memory_space<vmem>>
      %dma_start3A_42 = arith.constant 0 : i32
      %dma_start3A_43 = tpu.memref_slice %arg7[%dma_start3A_42] : memref<10240xf32, #tpu.memory_space<vmem_shared>> -> memref<10240xf32, #tpu.memory_space<vmem_shared>>
      tpu.enqueue_indirect_dma source(%arg5 : memref<128xf32, #tpu.memory_space<vmem>>) target(%dma_start3A_43 : memref<10240xf32, #tpu.memory_space<vmem_shared>>) offsets(%dma_start3A_41 : memref<128xi32, #tpu.memory_space<vmem>>) semaphore(%arg8 : memref<!tpu.dma_semaphore, #tpu.memory_space<semaphore_mem>>) {add = true}
      %ge3A = arith.constant 8 : i32
      %ge3A_44 = arith.cmpi sge, %scan3A_38, %ge3A : i32
      %convert_element_type3A = arith.extui %ge3A_44 : i1 to i32
      %cond3A = arith.constant 0 : i32
      %cond3A_45 = arith.cmpi ne, %convert_element_type3A, %cond3A : i32
      scf.if %cond3A_45 {
        %sub3A = arith.constant 8 : i32
        %sub3A_47 = arith.subi %scan3A_38, %sub3A : i32
        %dma_wait3A = arith.constant 0 : i32
        %dma_wait3A_48 = tpu.memref_slice %arg4[%sub3A_47, %dma_wait3A] : memref<81x128xi32, #tpu.memory_space<vmem>> -> memref<1x128xi32, #tpu.memory_space<vmem>>
        %dma_wait3A_49 = tpu.memref_squeeze %dma_wait3A_48 : memref<1x128xi32, #tpu.memory_space<vmem>> -> memref<128xi32, #tpu.memory_space<vmem>>
        %dma_wait3A_50 = arith.constant 0 : i32
        %dma_wait3A_51 = tpu.memref_slice %arg7[%dma_wait3A_50] : memref<10240xf32, #tpu.memory_space<vmem_shared>> -> memref<10240xf32, #tpu.memory_space<vmem_shared>>
        tpu.wait_indirect_dma semaphore(%arg8 : memref<!tpu.dma_semaphore, #tpu.memory_space<semaphore_mem>>) src(%arg5 : memref<128xf32, #tpu.memory_space<vmem>>) dst(%dma_wait3A_51 : memref<10240xf32, #tpu.memory_space<vmem_shared>>)
      } else {
      }
      %scan3A_46 = arith.constant 0 : i32
      scf.yield %scan3A_46 : i32
    }
    %scan3A_23 = arith.constant 81 : i32
    %scan3A_24 = arith.constant 0 : i32
    %scan3A_25 = arith.constant 73 : i32
    %scan3A_26 = arith.constant 8 : i32
    %scan3A_27 = arith.addi %scan3A_25, %scan3A_26 : i32
    %scan3A_28 = arith.constant 1 : i32
    %scan3A_29 = scf.for %scan3A_38 = %scan3A_25 to %scan3A_27 step %scan3A_28 iter_args(%scan3A_39 = %scan3A_24) -> (i32)  : i32 {
      %dma_wait3A = arith.constant 0 : i32
      %dma_wait3A_40 = tpu.memref_slice %arg4[%scan3A_38, %dma_wait3A] : memref<81x128xi32, #tpu.memory_space<vmem>> -> memref<1x128xi32, #tpu.memory_space<vmem>>
      %dma_wait3A_41 = tpu.memref_squeeze %dma_wait3A_40 : memref<1x128xi32, #tpu.memory_space<vmem>> -> memref<128xi32, #tpu.memory_space<vmem>>
      %dma_wait3A_42 = arith.constant 0 : i32
      %dma_wait3A_43 = tpu.memref_slice %arg7[%dma_wait3A_42] : memref<10240xf32, #tpu.memory_space<vmem_shared>> -> memref<10240xf32, #tpu.memory_space<vmem_shared>>
      tpu.wait_indirect_dma semaphore(%arg8 : memref<!tpu.dma_semaphore, #tpu.memory_space<semaphore_mem>>) src(%arg5 : memref<128xf32, #tpu.memory_space<vmem>>) dst(%dma_wait3A_43 : memref<10240xf32, #tpu.memory_space<vmem_shared>>)
      %scan3A_44 = arith.constant 0 : i32
      scf.yield %scan3A_44 : i32
    }
    %scan3A_30 = arith.constant 8 : i32
    %barrier3A_31 = arith.constant 0 : index
    tpu.barrier barrier_id(%barrier3A_31)
    %mul3A_32 = arith.constant 640 : i32
    %mul3A_33 = arith.muli %arg1, %mul3A_32 : i32
    %mul3A_34 = arith.constant 10240 : i32
    %mul3A_35 = arith.muli %arg0, %mul3A_34 : i32
    %mul3A_36 = arith.constant 640 : i32
    %mul3A_37 = arith.muli %arg1, %mul3A_36 : i32
    %add3A = arith.addi %mul3A_35, %mul3A_37 : i32
    "tpu.region"() ({
      %run_scoped3A = tpu.sem_alloc : memref<!tpu.dma_semaphore, #tpu.memory_space<semaphore_mem>>
      %dma_start3A = tpu.memref_slice %arg3[%add3A] : memref<20480xf32, #tpu.memory_space<hbm>> -> memref<640xf32, #tpu.memory_space<hbm>>
      %dma_start3A_38 = tpu.memref_slice %arg7[%mul3A_33] : memref<10240xf32, #tpu.memory_space<vmem_shared>> -> memref<640xf32, #tpu.memory_space<vmem_shared>>
      tpu.enqueue_dma source(%dma_start3A_38 : memref<640xf32, #tpu.memory_space<vmem_shared>>) target(%dma_start3A : memref<640xf32, #tpu.memory_space<hbm>>) target_semaphore(%run_scoped3A : memref<!tpu.dma_semaphore, #tpu.memory_space<semaphore_mem>>)
      %dma_wait3A = tpu.memref_slice %arg3[%add3A] : memref<20480xf32, #tpu.memory_space<hbm>> -> memref<640xf32, #tpu.memory_space<hbm>>
      %dma_wait3A_39 = tpu.memref_slice %arg7[%mul3A_33] : memref<10240xf32, #tpu.memory_space<vmem_shared>> -> memref<640xf32, #tpu.memory_space<vmem_shared>>
      tpu.wait_dma2 semaphore(%run_scoped3A : memref<!tpu.dma_semaphore, #tpu.memory_space<semaphore_mem>>) src(%dma_wait3A_39 : memref<640xf32, #tpu.memory_space<vmem_shared>>) dst(%dma_wait3A : memref<640xf32, #tpu.memory_space<hbm>>)
      tpu.yield
    }) : () -> ()
    return
  }
}

#map = affine_map<(d0, d1) -> (0, 0)>
#map1 = affine_map<(d0, d1) -> (0, 0, 0, 0, 0)>
#map2 = affine_map<(d0, d1) -> (0, 0, 0, 0)>
module attributes {stable_mosaic.version = 14 : i64} {
  func.func @_agg_kernel(%arg0: i32, %arg1: i32, %arg2: memref<20480x128xf32, #tpu.memory_space<hbm>>, %arg3: memref<2x16x9x18x128xi32, #tpu.memory_space<hbm>>, %arg4: memref<16x9x18x128xi32, #tpu.memory_space<hbm>>, %arg5: memref<20480x128xf32, #tpu.memory_space<hbm>>, %arg6: memref<2x18x128xi32, #tpu.memory_space<vmem>>, %arg7: memref<2x18x128xi32, #tpu.memory_space<vmem>>, %arg8: memref<2x128x128xf32, #tpu.memory_space<vmem>>, %arg9: memref<10240x128xf32, #tpu.memory_space<vmem_shared>>, %arg10: memref<!tpu.dma_semaphore, #tpu.memory_space<semaphore_mem>>, %arg11: memref<!tpu.dma_semaphore, #tpu.memory_space<semaphore_mem>>, %arg12: memref<!tpu.dma_semaphore, #tpu.memory_space<semaphore_mem>>) attributes {dimension_semantics = [#tpu.dimension_semantics<core_parallel>, #tpu.dimension_semantics<subcore_parallel>], iteration_bounds = array<i64: 2, 16>, scalar_prefetch = 0 : i64, scratch_operands = 7 : i64, tpu.core_type = #tpu.core_type<sc_vector_subcore>, window_params = [{transform_indices = #map}, {transform_indices = #map1}, {transform_indices = #map2}, {transform_indices = #map}]} {
    %broadcast_in_dim3A = arith.constant 0.000000e+00 : f32
    %broadcast_in_dim3A_0 = vector.broadcast %broadcast_in_dim3A : f32 to vector<16xf32>
    %scan3A = arith.constant 0 : i32
    %scan3A_1 = arith.constant 0 : i32
    %scan3A_2 = arith.constant 0 : i32
    %scan3A_3 = arith.constant 128 : i32
    %scan3A_4 = arith.addi %scan3A_2, %scan3A_3 : i32
    %scan3A_5 = arith.constant 1 : i32
    %scan3A_6 = scf.for %scan3A_61 = %scan3A_2 to %scan3A_4 step %scan3A_5 iter_args(%scan3A_62 = %scan3A_1) -> (i32)  : i32 {
      %swap3A = arith.constant 0 : i32
      %swap3A_63 = arith.constant 0 : i32
      %swap3A_64 = tpu.memref_slice %arg8[%scan3A, %swap3A, %swap3A_63] : memref<2x128x128xf32, #tpu.memory_space<vmem>> -> memref<1x128x128xf32, #tpu.memory_space<vmem>>
      %swap3A_65 = tpu.memref_squeeze %swap3A_64 : memref<1x128x128xf32, #tpu.memory_space<vmem>> -> memref<128x128xf32, #tpu.memory_space<vmem>>
      %swap3A_66 = arith.index_cast %scan3A_61 : i32 to index
      %swap3A_67 = arith.constant 0 : index
      %swap3A_68 = tpu.vector_load %swap3A_65[%swap3A_66, %swap3A_67] {strides = array<i32>} : memref<128x128xf32, #tpu.memory_space<vmem>>, vector<1x16xf32>,
      %swap3A_69 = vector.shape_cast %swap3A_68 : vector<1x16xf32> to vector<16xf32>
      %swap3A_70 = vector.shape_cast %broadcast_in_dim3A_0 : vector<16xf32> to vector<1x16xf32>
      tpu.vector_store %swap3A_65[%swap3A_66, %swap3A_67], %swap3A_70 {strides = array<i32>} : memref<128x128xf32, #tpu.memory_space<vmem>>, vector<1x16xf32>,
      %swap3A_71 = arith.constant 0 : i32
      %swap3A_72 = arith.constant 0 : i32
      %swap3A_73 = tpu.memref_slice %arg8[%scan3A, %swap3A_71, %swap3A_72] : memref<2x128x128xf32, #tpu.memory_space<vmem>> -> memref<1x128x128xf32, #tpu.memory_space<vmem>>
      %swap3A_74 = tpu.memref_squeeze %swap3A_73 : memref<1x128x128xf32, #tpu.memory_space<vmem>> -> memref<128x128xf32, #tpu.memory_space<vmem>>
      %swap3A_75 = arith.index_cast %scan3A_61 : i32 to index
      %swap3A_76 = arith.constant 16 : index
      %swap3A_77 = tpu.vector_load %swap3A_74[%swap3A_75, %swap3A_76] {strides = array<i32>} : memref<128x128xf32, #tpu.memory_space<vmem>>, vector<1x16xf32>,
      %swap3A_78 = vector.shape_cast %swap3A_77 : vector<1x16xf32> to vector<16xf32>
      %swap3A_79 = vector.shape_cast %broadcast_in_dim3A_0 : vector<16xf32> to vector<1x16xf32>
      tpu.vector_store %swap3A_74[%swap3A_75, %swap3A_76], %swap3A_79 {strides = array<i32>} : memref<128x128xf32, #tpu.memory_space<vmem>>, vector<1x16xf32>,
      %swap3A_80 = arith.constant 0 : i32
      %swap3A_81 = arith.constant 0 : i32
      %swap3A_82 = tpu.memref_slice %arg8[%scan3A, %swap3A_80, %swap3A_81] : memref<2x128x128xf32, #tpu.memory_space<vmem>> -> memref<1x128x128xf32, #tpu.memory_space<vmem>>
      %swap3A_83 = tpu.memref_squeeze %swap3A_82 : memref<1x128x128xf32, #tpu.memory_space<vmem>> -> memref<128x128xf32, #tpu.memory_space<vmem>>
      %swap3A_84 = arith.index_cast %scan3A_61 : i32 to index
      %swap3A_85 = arith.constant 32 : index
      %swap3A_86 = tpu.vector_load %swap3A_83[%swap3A_84, %swap3A_85] {strides = array<i32>} : memref<128x128xf32, #tpu.memory_space<vmem>>, vector<1x16xf32>,
      %swap3A_87 = vector.shape_cast %swap3A_86 : vector<1x16xf32> to vector<16xf32>
      %swap3A_88 = vector.shape_cast %broadcast_in_dim3A_0 : vector<16xf32> to vector<1x16xf32>
      tpu.vector_store %swap3A_83[%swap3A_84, %swap3A_85], %swap3A_88 {strides = array<i32>} : memref<128x128xf32, #tpu.memory_space<vmem>>, vector<1x16xf32>,
      %swap3A_89 = arith.constant 0 : i32
      %swap3A_90 = arith.constant 0 : i32
      %swap3A_91 = tpu.memref_slice %arg8[%scan3A, %swap3A_89, %swap3A_90] : memref<2x128x128xf32, #tpu.memory_space<vmem>> -> memref<1x128x128xf32, #tpu.memory_space<vmem>>
      %swap3A_92 = tpu.memref_squeeze %swap3A_91 : memref<1x128x128xf32, #tpu.memory_space<vmem>> -> memref<128x128xf32, #tpu.memory_space<vmem>>
      %swap3A_93 = arith.index_cast %scan3A_61 : i32 to index
      %swap3A_94 = arith.constant 48 : index
      %swap3A_95 = tpu.vector_load %swap3A_92[%swap3A_93, %swap3A_94] {strides = array<i32>} : memref<128x128xf32, #tpu.memory_space<vmem>>, vector<1x16xf32>,
      %swap3A_96 = vector.shape_cast %swap3A_95 : vector<1x16xf32> to vector<16xf32>
      %swap3A_97 = vector.shape_cast %broadcast_in_dim3A_0 : vector<16xf32> to vector<1x16xf32>
      tpu.vector_store %swap3A_92[%swap3A_93, %swap3A_94], %swap3A_97 {strides = array<i32>} : memref<128x128xf32, #tpu.memory_space<vmem>>, vector<1x16xf32>,
      %swap3A_98 = arith.constant 0 : i32
      %swap3A_99 = arith.constant 0 : i32
      %swap3A_100 = tpu.memref_slice %arg8[%scan3A, %swap3A_98, %swap3A_99] : memref<2x128x128xf32, #tpu.memory_space<vmem>> -> memref<1x128x128xf32, #tpu.memory_space<vmem>>
      %swap3A_101 = tpu.memref_squeeze %swap3A_100 : memref<1x128x128xf32, #tpu.memory_space<vmem>> -> memref<128x128xf32, #tpu.memory_space<vmem>>
      %swap3A_102 = arith.index_cast %scan3A_61 : i32 to index
      %swap3A_103 = arith.constant 64 : index
      %swap3A_104 = tpu.vector_load %swap3A_101[%swap3A_102, %swap3A_103] {strides = array<i32>} : memref<128x128xf32, #tpu.memory_space<vmem>>, vector<1x16xf32>,
      %swap3A_105 = vector.shape_cast %swap3A_104 : vector<1x16xf32> to vector<16xf32>
      %swap3A_106 = vector.shape_cast %broadcast_in_dim3A_0 : vector<16xf32> to vector<1x16xf32>
      tpu.vector_store %swap3A_101[%swap3A_102, %swap3A_103], %swap3A_106 {strides = array<i32>} : memref<128x128xf32, #tpu.memory_space<vmem>>, vector<1x16xf32>,
      %swap3A_107 = arith.constant 0 : i32
      %swap3A_108 = arith.constant 0 : i32
      %swap3A_109 = tpu.memref_slice %arg8[%scan3A, %swap3A_107, %swap3A_108] : memref<2x128x128xf32, #tpu.memory_space<vmem>> -> memref<1x128x128xf32, #tpu.memory_space<vmem>>
      %swap3A_110 = tpu.memref_squeeze %swap3A_109 : memref<1x128x128xf32, #tpu.memory_space<vmem>> -> memref<128x128xf32, #tpu.memory_space<vmem>>
      %swap3A_111 = arith.index_cast %scan3A_61 : i32 to index
      %swap3A_112 = arith.constant 80 : index
      %swap3A_113 = tpu.vector_load %swap3A_110[%swap3A_111, %swap3A_112] {strides = array<i32>} : memref<128x128xf32, #tpu.memory_space<vmem>>, vector<1x16xf32>,
      %swap3A_114 = vector.shape_cast %swap3A_113 : vector<1x16xf32> to vector<16xf32>
      %swap3A_115 = vector.shape_cast %broadcast_in_dim3A_0 : vector<16xf32> to vector<1x16xf32>
      tpu.vector_store %swap3A_110[%swap3A_111, %swap3A_112], %swap3A_115 {strides = array<i32>} : memref<128x128xf32, #tpu.memory_space<vmem>>, vector<1x16xf32>,
      %swap3A_116 = arith.constant 0 : i32
      %swap3A_117 = arith.constant 0 : i32
      %swap3A_118 = tpu.memref_slice %arg8[%scan3A, %swap3A_116, %swap3A_117] : memref<2x128x128xf32, #tpu.memory_space<vmem>> -> memref<1x128x128xf32, #tpu.memory_space<vmem>>
      %swap3A_119 = tpu.memref_squeeze %swap3A_118 : memref<1x128x128xf32, #tpu.memory_space<vmem>> -> memref<128x128xf32, #tpu.memory_space<vmem>>
      %swap3A_120 = arith.index_cast %scan3A_61 : i32 to index
      %swap3A_121 = arith.constant 96 : index
      %swap3A_122 = tpu.vector_load %swap3A_119[%swap3A_120, %swap3A_121] {strides = array<i32>} : memref<128x128xf32, #tpu.memory_space<vmem>>, vector<1x16xf32>,
      %swap3A_123 = vector.shape_cast %swap3A_122 : vector<1x16xf32> to vector<16xf32>
      %swap3A_124 = vector.shape_cast %broadcast_in_dim3A_0 : vector<16xf32> to vector<1x16xf32>
      tpu.vector_store %swap3A_119[%swap3A_120, %swap3A_121], %swap3A_124 {strides = array<i32>} : memref<128x128xf32, #tpu.memory_space<vmem>>, vector<1x16xf32>,
      %swap3A_125 = arith.constant 0 : i32
      %swap3A_126 = arith.constant 0 : i32
      %swap3A_127 = tpu.memref_slice %arg8[%scan3A, %swap3A_125, %swap3A_126] : memref<2x128x128xf32, #tpu.memory_space<vmem>> -> memref<1x128x128xf32, #tpu.memory_space<vmem>>
      %swap3A_128 = tpu.memref_squeeze %swap3A_127 : memref<1x128x128xf32, #tpu.memory_space<vmem>> -> memref<128x128xf32, #tpu.memory_space<vmem>>
      %swap3A_129 = arith.index_cast %scan3A_61 : i32 to index
      %swap3A_130 = arith.constant 112 : index
      %swap3A_131 = tpu.vector_load %swap3A_128[%swap3A_129, %swap3A_130] {strides = array<i32>} : memref<128x128xf32, #tpu.memory_space<vmem>>, vector<1x16xf32>,
      %swap3A_132 = vector.shape_cast %swap3A_131 : vector<1x16xf32> to vector<16xf32>
      %swap3A_133 = vector.shape_cast %broadcast_in_dim3A_0 : vector<16xf32> to vector<1x16xf32>
      tpu.vector_store %swap3A_128[%swap3A_129, %swap3A_130], %swap3A_133 {strides = array<i32>} : memref<128x128xf32, #tpu.memory_space<vmem>>, vector<1x16xf32>,
      %scan3A_134 = arith.constant 0 : i32
      scf.yield %scan3A_134 : i32
    }
    %scan3A_7 = arith.constant 128 : i32
    %mul3A = arith.constant 640 : i32
    %mul3A_8 = arith.muli %arg1, %mul3A : i32
    %add3A = arith.constant 0 : i32
    %add3A_9 = arith.addi %mul3A_8, %add3A : i32
    %run_scoped3A = arith.constant 0 : i32
    "tpu.region"() ({
      %run_scoped3A_61 = tpu.sem_alloc : memref<!tpu.dma_semaphore, #tpu.memory_space<semaphore_mem>>
      %dma_start3A_62 = arith.constant 0 : i32
      %dma_start3A_63 = arith.constant 0 : i32
      %dma_start3A_64 = tpu.memref_slice %arg8[%run_scoped3A, %dma_start3A_62, %dma_start3A_63] : memref<2x128x128xf32, #tpu.memory_space<vmem>> -> memref<1x128x128xf32, #tpu.memory_space<vmem>>
      %dma_start3A_65 = tpu.memref_squeeze %dma_start3A_64 : memref<1x128x128xf32, #tpu.memory_space<vmem>> -> memref<128x128xf32, #tpu.memory_space<vmem>>
      %dma_start3A_66 = arith.constant 0 : i32
      %dma_start3A_67 = tpu.memref_slice %arg9[%add3A_9, %dma_start3A_66] : memref<10240x128xf32, #tpu.memory_space<vmem_shared>> -> memref<128x128xf32, #tpu.memory_space<vmem_shared>>
      %dma_start3A_68 = arith.constant 0 : i32
      %dma_start3A_69 = tpu.memref_slice %arg9[%add3A_9, %dma_start3A_68] : memref<10240x128xf32, #tpu.memory_space<vmem_shared>> -> memref<128x128xf32, #tpu.memory_space<vmem_shared>>
      %dma_start3A_70 = arith.constant 0 : i32
      %dma_start3A_71 = arith.constant 0 : i32
      %dma_start3A_72 = tpu.memref_slice %arg8[%run_scoped3A, %dma_start3A_70, %dma_start3A_71] : memref<2x128x128xf32, #tpu.memory_space<vmem>> -> memref<1x128x128xf32, #tpu.memory_space<vmem>>
      %dma_start3A_73 = tpu.memref_squeeze %dma_start3A_72 : memref<1x128x128xf32, #tpu.memory_space<vmem>> -> memref<128x128xf32, #tpu.memory_space<vmem>>
      tpu.enqueue_dma source(%dma_start3A_73 : memref<128x128xf32, #tpu.memory_space<vmem>>) target(%dma_start3A_69 : memref<128x128xf32, #tpu.memory_space<vmem_shared>>) target_semaphore(%run_scoped3A_61 : memref<!tpu.dma_semaphore, #tpu.memory_space<semaphore_mem>>)
      %dma_wait3A = arith.constant 0 : i32
      %dma_wait3A_74 = arith.constant 0 : i32
      %dma_wait3A_75 = tpu.memref_slice %arg8[%run_scoped3A, %dma_wait3A, %dma_wait3A_74] : memref<2x128x128xf32, #tpu.memory_space<vmem>> -> memref<1x128x128xf32, #tpu.memory_space<vmem>>
      %dma_wait3A_76 = tpu.memref_squeeze %dma_wait3A_75 : memref<1x128x128xf32, #tpu.memory_space<vmem>> -> memref<128x128xf32, #tpu.memory_space<vmem>>
      %dma_wait3A_77 = arith.constant 0 : i32
      %dma_wait3A_78 = tpu.memref_slice %arg9[%add3A_9, %dma_wait3A_77] : memref<10240x128xf32, #tpu.memory_space<vmem_shared>> -> memref<128x128xf32, #tpu.memory_space<vmem_shared>>
      %dma_wait3A_79 = arith.constant 0 : i32
      %dma_wait3A_80 = tpu.memref_slice %arg9[%add3A_9, %dma_wait3A_79] : memref<10240x128xf32, #tpu.memory_space<vmem_shared>> -> memref<128x128xf32, #tpu.memory_space<vmem_shared>>
      %dma_wait3A_81 = arith.constant 0 : i32
      %dma_wait3A_82 = arith.constant 0 : i32
      %dma_wait3A_83 = tpu.memref_slice %arg8[%run_scoped3A, %dma_wait3A_81, %dma_wait3A_82] : memref<2x128x128xf32, #tpu.memory_space<vmem>> -> memref<1x128x128xf32, #tpu.memory_space<vmem>>
      %dma_wait3A_84 = tpu.memref_squeeze %dma_wait3A_83 : memref<1x128x128xf32, #tpu.memory_space<vmem>> -> memref<128x128xf32, #tpu.memory_space<vmem>>
      tpu.wait_dma2 semaphore(%run_scoped3A_61 : memref<!tpu.dma_semaphore, #tpu.memory_space<semaphore_mem>>) src(%dma_wait3A_84 : memref<128x128xf32, #tpu.memory_space<vmem>>) dst(%dma_wait3A_80 : memref<128x128xf32, #tpu.memory_space<vmem_shared>>)
      tpu.yield
    }) : () -> ()
    %mul3A_10 = arith.constant 640 : i32
    %mul3A_11 = arith.muli %arg1, %mul3A_10 : i32
    %add3A_12 = arith.constant 128 : i32
    %add3A_13 = arith.addi %mul3A_11, %add3A_12 : i32
    %run_scoped3A_14 = arith.constant 0 : i32
    "tpu.region"() ({
      %run_scoped3A_61 = tpu.sem_alloc : memref<!tpu.dma_semaphore, #tpu.memory_space<semaphore_mem>>
      %dma_start3A_62 = arith.constant 0 : i32
      %dma_start3A_63 = arith.constant 0 : i32
      %dma_start3A_64 = tpu.memref_slice %arg8[%run_scoped3A_14, %dma_start3A_62, %dma_start3A_63] : memref<2x128x128xf32, #tpu.memory_space<vmem>> -> memref<1x128x128xf32, #tpu.memory_space<vmem>>
      %dma_start3A_65 = tpu.memref_squeeze %dma_start3A_64 : memref<1x128x128xf32, #tpu.memory_space<vmem>> -> memref<128x128xf32, #tpu.memory_space<vmem>>
      %dma_start3A_66 = arith.constant 0 : i32
      %dma_start3A_67 = tpu.memref_slice %arg9[%add3A_13, %dma_start3A_66] : memref<10240x128xf32, #tpu.memory_space<vmem_shared>> -> memref<128x128xf32, #tpu.memory_space<vmem_shared>>
      %dma_start3A_68 = arith.constant 0 : i32
      %dma_start3A_69 = tpu.memref_slice %arg9[%add3A_13, %dma_start3A_68] : memref<10240x128xf32, #tpu.memory_space<vmem_shared>> -> memref<128x128xf32, #tpu.memory_space<vmem_shared>>
      %dma_start3A_70 = arith.constant 0 : i32
      %dma_start3A_71 = arith.constant 0 : i32
      %dma_start3A_72 = tpu.memref_slice %arg8[%run_scoped3A_14, %dma_start3A_70, %dma_start3A_71] : memref<2x128x128xf32, #tpu.memory_space<vmem>> -> memref<1x128x128xf32, #tpu.memory_space<vmem>>
      %dma_start3A_73 = tpu.memref_squeeze %dma_start3A_72 : memref<1x128x128xf32, #tpu.memory_space<vmem>> -> memref<128x128xf32, #tpu.memory_space<vmem>>
      tpu.enqueue_dma source(%dma_start3A_73 : memref<128x128xf32, #tpu.memory_space<vmem>>) target(%dma_start3A_69 : memref<128x128xf32, #tpu.memory_space<vmem_shared>>) target_semaphore(%run_scoped3A_61 : memref<!tpu.dma_semaphore, #tpu.memory_space<semaphore_mem>>)
      %dma_wait3A = arith.constant 0 : i32
      %dma_wait3A_74 = arith.constant 0 : i32
      %dma_wait3A_75 = tpu.memref_slice %arg8[%run_scoped3A_14, %dma_wait3A, %dma_wait3A_74] : memref<2x128x128xf32, #tpu.memory_space<vmem>> -> memref<1x128x128xf32, #tpu.memory_space<vmem>>
      %dma_wait3A_76 = tpu.memref_squeeze %dma_wait3A_75 : memref<1x128x128xf32, #tpu.memory_space<vmem>> -> memref<128x128xf32, #tpu.memory_space<vmem>>
      %dma_wait3A_77 = arith.constant 0 : i32
      %dma_wait3A_78 = tpu.memref_slice %arg9[%add3A_13, %dma_wait3A_77] : memref<10240x128xf32, #tpu.memory_space<vmem_shared>> -> memref<128x128xf32, #tpu.memory_space<vmem_shared>>
      %dma_wait3A_79 = arith.constant 0 : i32
      %dma_wait3A_80 = tpu.memref_slice %arg9[%add3A_13, %dma_wait3A_79] : memref<10240x128xf32, #tpu.memory_space<vmem_shared>> -> memref<128x128xf32, #tpu.memory_space<vmem_shared>>
      %dma_wait3A_81 = arith.constant 0 : i32
      %dma_wait3A_82 = arith.constant 0 : i32
      %dma_wait3A_83 = tpu.memref_slice %arg8[%run_scoped3A_14, %dma_wait3A_81, %dma_wait3A_82] : memref<2x128x128xf32, #tpu.memory_space<vmem>> -> memref<1x128x128xf32, #tpu.memory_space<vmem>>
      %dma_wait3A_84 = tpu.memref_squeeze %dma_wait3A_83 : memref<1x128x128xf32, #tpu.memory_space<vmem>> -> memref<128x128xf32, #tpu.memory_space<vmem>>
      tpu.wait_dma2 semaphore(%run_scoped3A_61 : memref<!tpu.dma_semaphore, #tpu.memory_space<semaphore_mem>>) src(%dma_wait3A_84 : memref<128x128xf32, #tpu.memory_space<vmem>>) dst(%dma_wait3A_80 : memref<128x128xf32, #tpu.memory_space<vmem_shared>>)
      tpu.yield
    }) : () -> ()
    %mul3A_15 = arith.constant 640 : i32
    %mul3A_16 = arith.muli %arg1, %mul3A_15 : i32
    %add3A_17 = arith.constant 256 : i32
    %add3A_18 = arith.addi %mul3A_16, %add3A_17 : i32
    %run_scoped3A_19 = arith.constant 0 : i32
    "tpu.region"() ({
      %run_scoped3A_61 = tpu.sem_alloc : memref<!tpu.dma_semaphore, #tpu.memory_space<semaphore_mem>>
      %dma_start3A_62 = arith.constant 0 : i32
      %dma_start3A_63 = arith.constant 0 : i32
      %dma_start3A_64 = tpu.memref_slice %arg8[%run_scoped3A_19, %dma_start3A_62, %dma_start3A_63] : memref<2x128x128xf32, #tpu.memory_space<vmem>> -> memref<1x128x128xf32, #tpu.memory_space<vmem>>
      %dma_start3A_65 = tpu.memref_squeeze %dma_start3A_64 : memref<1x128x128xf32, #tpu.memory_space<vmem>> -> memref<128x128xf32, #tpu.memory_space<vmem>>
      %dma_start3A_66 = arith.constant 0 : i32
      %dma_start3A_67 = tpu.memref_slice %arg9[%add3A_18, %dma_start3A_66] : memref<10240x128xf32, #tpu.memory_space<vmem_shared>> -> memref<128x128xf32, #tpu.memory_space<vmem_shared>>
      %dma_start3A_68 = arith.constant 0 : i32
      %dma_start3A_69 = tpu.memref_slice %arg9[%add3A_18, %dma_start3A_68] : memref<10240x128xf32, #tpu.memory_space<vmem_shared>> -> memref<128x128xf32, #tpu.memory_space<vmem_shared>>
      %dma_start3A_70 = arith.constant 0 : i32
      %dma_start3A_71 = arith.constant 0 : i32
      %dma_start3A_72 = tpu.memref_slice %arg8[%run_scoped3A_19, %dma_start3A_70, %dma_start3A_71] : memref<2x128x128xf32, #tpu.memory_space<vmem>> -> memref<1x128x128xf32, #tpu.memory_space<vmem>>
      %dma_start3A_73 = tpu.memref_squeeze %dma_start3A_72 : memref<1x128x128xf32, #tpu.memory_space<vmem>> -> memref<128x128xf32, #tpu.memory_space<vmem>>
      tpu.enqueue_dma source(%dma_start3A_73 : memref<128x128xf32, #tpu.memory_space<vmem>>) target(%dma_start3A_69 : memref<128x128xf32, #tpu.memory_space<vmem_shared>>) target_semaphore(%run_scoped3A_61 : memref<!tpu.dma_semaphore, #tpu.memory_space<semaphore_mem>>)
      %dma_wait3A = arith.constant 0 : i32
      %dma_wait3A_74 = arith.constant 0 : i32
      %dma_wait3A_75 = tpu.memref_slice %arg8[%run_scoped3A_19, %dma_wait3A, %dma_wait3A_74] : memref<2x128x128xf32, #tpu.memory_space<vmem>> -> memref<1x128x128xf32, #tpu.memory_space<vmem>>
      %dma_wait3A_76 = tpu.memref_squeeze %dma_wait3A_75 : memref<1x128x128xf32, #tpu.memory_space<vmem>> -> memref<128x128xf32, #tpu.memory_space<vmem>>
      %dma_wait3A_77 = arith.constant 0 : i32
      %dma_wait3A_78 = tpu.memref_slice %arg9[%add3A_18, %dma_wait3A_77] : memref<10240x128xf32, #tpu.memory_space<vmem_shared>> -> memref<128x128xf32, #tpu.memory_space<vmem_shared>>
      %dma_wait3A_79 = arith.constant 0 : i32
      %dma_wait3A_80 = tpu.memref_slice %arg9[%add3A_18, %dma_wait3A_79] : memref<10240x128xf32, #tpu.memory_space<vmem_shared>> -> memref<128x128xf32, #tpu.memory_space<vmem_shared>>
      %dma_wait3A_81 = arith.constant 0 : i32
      %dma_wait3A_82 = arith.constant 0 : i32
      %dma_wait3A_83 = tpu.memref_slice %arg8[%run_scoped3A_19, %dma_wait3A_81, %dma_wait3A_82] : memref<2x128x128xf32, #tpu.memory_space<vmem>> -> memref<1x128x128xf32, #tpu.memory_space<vmem>>
      %dma_wait3A_84 = tpu.memref_squeeze %dma_wait3A_83 : memref<1x128x128xf32, #tpu.memory_space<vmem>> -> memref<128x128xf32, #tpu.memory_space<vmem>>
      tpu.wait_dma2 semaphore(%run_scoped3A_61 : memref<!tpu.dma_semaphore, #tpu.memory_space<semaphore_mem>>) src(%dma_wait3A_84 : memref<128x128xf32, #tpu.memory_space<vmem>>) dst(%dma_wait3A_80 : memref<128x128xf32, #tpu.memory_space<vmem_shared>>)
      tpu.yield
    }) : () -> ()
    %mul3A_20 = arith.constant 640 : i32
    %mul3A_21 = arith.muli %arg1, %mul3A_20 : i32
    %add3A_22 = arith.constant 384 : i32
    %add3A_23 = arith.addi %mul3A_21, %add3A_22 : i32
    %run_scoped3A_24 = arith.constant 0 : i32
    "tpu.region"() ({
      %run_scoped3A_61 = tpu.sem_alloc : memref<!tpu.dma_semaphore, #tpu.memory_space<semaphore_mem>>
      %dma_start3A_62 = arith.constant 0 : i32
      %dma_start3A_63 = arith.constant 0 : i32
      %dma_start3A_64 = tpu.memref_slice %arg8[%run_scoped3A_24, %dma_start3A_62, %dma_start3A_63] : memref<2x128x128xf32, #tpu.memory_space<vmem>> -> memref<1x128x128xf32, #tpu.memory_space<vmem>>
      %dma_start3A_65 = tpu.memref_squeeze %dma_start3A_64 : memref<1x128x128xf32, #tpu.memory_space<vmem>> -> memref<128x128xf32, #tpu.memory_space<vmem>>
      %dma_start3A_66 = arith.constant 0 : i32
      %dma_start3A_67 = tpu.memref_slice %arg9[%add3A_23, %dma_start3A_66] : memref<10240x128xf32, #tpu.memory_space<vmem_shared>> -> memref<128x128xf32, #tpu.memory_space<vmem_shared>>
      %dma_start3A_68 = arith.constant 0 : i32
      %dma_start3A_69 = tpu.memref_slice %arg9[%add3A_23, %dma_start3A_68] : memref<10240x128xf32, #tpu.memory_space<vmem_shared>> -> memref<128x128xf32, #tpu.memory_space<vmem_shared>>
      %dma_start3A_70 = arith.constant 0 : i32
      %dma_start3A_71 = arith.constant 0 : i32
      %dma_start3A_72 = tpu.memref_slice %arg8[%run_scoped3A_24, %dma_start3A_70, %dma_start3A_71] : memref<2x128x128xf32, #tpu.memory_space<vmem>> -> memref<1x128x128xf32, #tpu.memory_space<vmem>>
      %dma_start3A_73 = tpu.memref_squeeze %dma_start3A_72 : memref<1x128x128xf32, #tpu.memory_space<vmem>> -> memref<128x128xf32, #tpu.memory_space<vmem>>
      tpu.enqueue_dma source(%dma_start3A_73 : memref<128x128xf32, #tpu.memory_space<vmem>>) target(%dma_start3A_69 : memref<128x128xf32, #tpu.memory_space<vmem_shared>>) target_semaphore(%run_scoped3A_61 : memref<!tpu.dma_semaphore, #tpu.memory_space<semaphore_mem>>)
      %dma_wait3A = arith.constant 0 : i32
      %dma_wait3A_74 = arith.constant 0 : i32
      %dma_wait3A_75 = tpu.memref_slice %arg8[%run_scoped3A_24, %dma_wait3A, %dma_wait3A_74] : memref<2x128x128xf32, #tpu.memory_space<vmem>> -> memref<1x128x128xf32, #tpu.memory_space<vmem>>
      %dma_wait3A_76 = tpu.memref_squeeze %dma_wait3A_75 : memref<1x128x128xf32, #tpu.memory_space<vmem>> -> memref<128x128xf32, #tpu.memory_space<vmem>>
      %dma_wait3A_77 = arith.constant 0 : i32
      %dma_wait3A_78 = tpu.memref_slice %arg9[%add3A_23, %dma_wait3A_77] : memref<10240x128xf32, #tpu.memory_space<vmem_shared>> -> memref<128x128xf32, #tpu.memory_space<vmem_shared>>
      %dma_wait3A_79 = arith.constant 0 : i32
      %dma_wait3A_80 = tpu.memref_slice %arg9[%add3A_23, %dma_wait3A_79] : memref<10240x128xf32, #tpu.memory_space<vmem_shared>> -> memref<128x128xf32, #tpu.memory_space<vmem_shared>>
      %dma_wait3A_81 = arith.constant 0 : i32
      %dma_wait3A_82 = arith.constant 0 : i32
      %dma_wait3A_83 = tpu.memref_slice %arg8[%run_scoped3A_24, %dma_wait3A_81, %dma_wait3A_82] : memref<2x128x128xf32, #tpu.memory_space<vmem>> -> memref<1x128x128xf32, #tpu.memory_space<vmem>>
      %dma_wait3A_84 = tpu.memref_squeeze %dma_wait3A_83 : memref<1x128x128xf32, #tpu.memory_space<vmem>> -> memref<128x128xf32, #tpu.memory_space<vmem>>
      tpu.wait_dma2 semaphore(%run_scoped3A_61 : memref<!tpu.dma_semaphore, #tpu.memory_space<semaphore_mem>>) src(%dma_wait3A_84 : memref<128x128xf32, #tpu.memory_space<vmem>>) dst(%dma_wait3A_80 : memref<128x128xf32, #tpu.memory_space<vmem_shared>>)
      tpu.yield
    }) : () -> ()
    %mul3A_25 = arith.constant 640 : i32
    %mul3A_26 = arith.muli %arg1, %mul3A_25 : i32
    %add3A_27 = arith.constant 512 : i32
    %add3A_28 = arith.addi %mul3A_26, %add3A_27 : i32
    %run_scoped3A_29 = arith.constant 0 : i32
    "tpu.region"() ({
      %run_scoped3A_61 = tpu.sem_alloc : memref<!tpu.dma_semaphore, #tpu.memory_space<semaphore_mem>>
      %dma_start3A_62 = arith.constant 0 : i32
      %dma_start3A_63 = arith.constant 0 : i32
      %dma_start3A_64 = tpu.memref_slice %arg8[%run_scoped3A_29, %dma_start3A_62, %dma_start3A_63] : memref<2x128x128xf32, #tpu.memory_space<vmem>> -> memref<1x128x128xf32, #tpu.memory_space<vmem>>
      %dma_start3A_65 = tpu.memref_squeeze %dma_start3A_64 : memref<1x128x128xf32, #tpu.memory_space<vmem>> -> memref<128x128xf32, #tpu.memory_space<vmem>>
      %dma_start3A_66 = arith.constant 0 : i32
      %dma_start3A_67 = tpu.memref_slice %arg9[%add3A_28, %dma_start3A_66] : memref<10240x128xf32, #tpu.memory_space<vmem_shared>> -> memref<128x128xf32, #tpu.memory_space<vmem_shared>>
      %dma_start3A_68 = arith.constant 0 : i32
      %dma_start3A_69 = tpu.memref_slice %arg9[%add3A_28, %dma_start3A_68] : memref<10240x128xf32, #tpu.memory_space<vmem_shared>> -> memref<128x128xf32, #tpu.memory_space<vmem_shared>>
      %dma_start3A_70 = arith.constant 0 : i32
      %dma_start3A_71 = arith.constant 0 : i32
      %dma_start3A_72 = tpu.memref_slice %arg8[%run_scoped3A_29, %dma_start3A_70, %dma_start3A_71] : memref<2x128x128xf32, #tpu.memory_space<vmem>> -> memref<1x128x128xf32, #tpu.memory_space<vmem>>
      %dma_start3A_73 = tpu.memref_squeeze %dma_start3A_72 : memref<1x128x128xf32, #tpu.memory_space<vmem>> -> memref<128x128xf32, #tpu.memory_space<vmem>>
      tpu.enqueue_dma source(%dma_start3A_73 : memref<128x128xf32, #tpu.memory_space<vmem>>) target(%dma_start3A_69 : memref<128x128xf32, #tpu.memory_space<vmem_shared>>) target_semaphore(%run_scoped3A_61 : memref<!tpu.dma_semaphore, #tpu.memory_space<semaphore_mem>>)
      %dma_wait3A = arith.constant 0 : i32
      %dma_wait3A_74 = arith.constant 0 : i32
      %dma_wait3A_75 = tpu.memref_slice %arg8[%run_scoped3A_29, %dma_wait3A, %dma_wait3A_74] : memref<2x128x128xf32, #tpu.memory_space<vmem>> -> memref<1x128x128xf32, #tpu.memory_space<vmem>>
      %dma_wait3A_76 = tpu.memref_squeeze %dma_wait3A_75 : memref<1x128x128xf32, #tpu.memory_space<vmem>> -> memref<128x128xf32, #tpu.memory_space<vmem>>
      %dma_wait3A_77 = arith.constant 0 : i32
      %dma_wait3A_78 = tpu.memref_slice %arg9[%add3A_28, %dma_wait3A_77] : memref<10240x128xf32, #tpu.memory_space<vmem_shared>> -> memref<128x128xf32, #tpu.memory_space<vmem_shared>>
      %dma_wait3A_79 = arith.constant 0 : i32
      %dma_wait3A_80 = tpu.memref_slice %arg9[%add3A_28, %dma_wait3A_79] : memref<10240x128xf32, #tpu.memory_space<vmem_shared>> -> memref<128x128xf32, #tpu.memory_space<vmem_shared>>
      %dma_wait3A_81 = arith.constant 0 : i32
      %dma_wait3A_82 = arith.constant 0 : i32
      %dma_wait3A_83 = tpu.memref_slice %arg8[%run_scoped3A_29, %dma_wait3A_81, %dma_wait3A_82] : memref<2x128x128xf32, #tpu.memory_space<vmem>> -> memref<1x128x128xf32, #tpu.memory_space<vmem>>
      %dma_wait3A_84 = tpu.memref_squeeze %dma_wait3A_83 : memref<1x128x128xf32, #tpu.memory_space<vmem>> -> memref<128x128xf32, #tpu.memory_space<vmem>>
      tpu.wait_dma2 semaphore(%run_scoped3A_61 : memref<!tpu.dma_semaphore, #tpu.memory_space<semaphore_mem>>) src(%dma_wait3A_84 : memref<128x128xf32, #tpu.memory_space<vmem>>) dst(%dma_wait3A_80 : memref<128x128xf32, #tpu.memory_space<vmem_shared>>)
      tpu.yield
    }) : () -> ()
    %run_scoped3A_30 = arith.constant 0 : i32
    %run_scoped3A_31 = arith.constant 0 : i32
    "tpu.region"() ({
      %run_scoped3A_61 = tpu.sem_alloc : memref<!tpu.dma_semaphore, #tpu.memory_space<semaphore_mem>>
      %dma_start3A_62 = arith.constant 0 : i32
      %dma_start3A_63 = arith.constant 0 : i32
      %dma_start3A_64 = tpu.memref_slice %arg6[%run_scoped3A_31, %dma_start3A_62, %dma_start3A_63] : memref<2x18x128xi32, #tpu.memory_space<vmem>> -> memref<1x18x128xi32, #tpu.memory_space<vmem>>
      %dma_start3A_65 = tpu.memref_squeeze %dma_start3A_64 : memref<1x18x128xi32, #tpu.memory_space<vmem>> -> memref<18x128xi32, #tpu.memory_space<vmem>>
      %dma_start3A_66 = arith.constant 0 : i32
      %dma_start3A_67 = arith.constant 0 : i32
      %dma_start3A_68 = tpu.memref_slice %arg3[%arg0, %arg1, %run_scoped3A_30, %dma_start3A_66, %dma_start3A_67] : memref<2x16x9x18x128xi32, #tpu.memory_space<hbm>> -> memref<1x1x1x18x128xi32, #tpu.memory_space<hbm>>
      %dma_start3A_69 = tpu.memref_squeeze %dma_start3A_68 : memref<1x1x1x18x128xi32, #tpu.memory_space<hbm>> -> memref<18x128xi32, #tpu.memory_space<hbm>>
      %dma_start3A_70 = arith.constant 0 : i32
      %dma_start3A_71 = arith.constant 0 : i32
      %dma_start3A_72 = tpu.memref_slice %arg6[%run_scoped3A_31, %dma_start3A_70, %dma_start3A_71] : memref<2x18x128xi32, #tpu.memory_space<vmem>> -> memref<1x18x128xi32, #tpu.memory_space<vmem>>
      %dma_start3A_73 = tpu.memref_squeeze %dma_start3A_72 : memref<1x18x128xi32, #tpu.memory_space<vmem>> -> memref<18x128xi32, #tpu.memory_space<vmem>>
      %dma_start3A_74 = arith.constant 0 : i32
      %dma_start3A_75 = arith.constant 0 : i32
      %dma_start3A_76 = tpu.memref_slice %arg3[%arg0, %arg1, %run_scoped3A_30, %dma_start3A_74, %dma_start3A_75] : memref<2x16x9x18x128xi32, #tpu.memory_space<hbm>> -> memref<1x1x1x18x128xi32, #tpu.memory_space<hbm>>
      %dma_start3A_77 = tpu.memref_squeeze %dma_start3A_76 : memref<1x1x1x18x128xi32, #tpu.memory_space<hbm>> -> memref<18x128xi32, #tpu.memory_space<hbm>>
      tpu.enqueue_dma source(%dma_start3A_77 : memref<18x128xi32, #tpu.memory_space<hbm>>) target(%dma_start3A_73 : memref<18x128xi32, #tpu.memory_space<vmem>>) target_semaphore(%run_scoped3A_61 : memref<!tpu.dma_semaphore, #tpu.memory_space<semaphore_mem>>)
      %dma_wait3A = arith.constant 0 : i32
      %dma_wait3A_78 = arith.constant 0 : i32
      %dma_wait3A_79 = tpu.memref_slice %arg6[%run_scoped3A_31, %dma_wait3A, %dma_wait3A_78] : memref<2x18x128xi32, #tpu.memory_space<vmem>> -> memref<1x18x128xi32, #tpu.memory_space<vmem>>
      %dma_wait3A_80 = tpu.memref_squeeze %dma_wait3A_79 : memref<1x18x128xi32, #tpu.memory_space<vmem>> -> memref<18x128xi32, #tpu.memory_space<vmem>>
      %dma_wait3A_81 = arith.constant 0 : i32
      %dma_wait3A_82 = arith.constant 0 : i32
      %dma_wait3A_83 = tpu.memref_slice %arg3[%arg0, %arg1, %run_scoped3A_30, %dma_wait3A_81, %dma_wait3A_82] : memref<2x16x9x18x128xi32, #tpu.memory_space<hbm>> -> memref<1x1x1x18x128xi32, #tpu.memory_space<hbm>>
      %dma_wait3A_84 = tpu.memref_squeeze %dma_wait3A_83 : memref<1x1x1x18x128xi32, #tpu.memory_space<hbm>> -> memref<18x128xi32, #tpu.memory_space<hbm>>
      %dma_wait3A_85 = arith.constant 0 : i32
      %dma_wait3A_86 = arith.constant 0 : i32
      %dma_wait3A_87 = tpu.memref_slice %arg6[%run_scoped3A_31, %dma_wait3A_85, %dma_wait3A_86] : memref<2x18x128xi32, #tpu.memory_space<vmem>> -> memref<1x18x128xi32, #tpu.memory_space<vmem>>
      %dma_wait3A_88 = tpu.memref_squeeze %dma_wait3A_87 : memref<1x18x128xi32, #tpu.memory_space<vmem>> -> memref<18x128xi32, #tpu.memory_space<vmem>>
      %dma_wait3A_89 = arith.constant 0 : i32
      %dma_wait3A_90 = arith.constant 0 : i32
      %dma_wait3A_91 = tpu.memref_slice %arg3[%arg0, %arg1, %run_scoped3A_30, %dma_wait3A_89, %dma_wait3A_90] : memref<2x16x9x18x128xi32, #tpu.memory_space<hbm>> -> memref<1x1x1x18x128xi32, #tpu.memory_space<hbm>>
      %dma_wait3A_92 = tpu.memref_squeeze %dma_wait3A_91 : memref<1x1x1x18x128xi32, #tpu.memory_space<hbm>> -> memref<18x128xi32, #tpu.memory_space<hbm>>
      tpu.wait_dma2 semaphore(%run_scoped3A_61 : memref<!tpu.dma_semaphore, #tpu.memory_space<semaphore_mem>>) src(%dma_wait3A_92 : memref<18x128xi32, #tpu.memory_space<hbm>>) dst(%dma_wait3A_88 : memref<18x128xi32, #tpu.memory_space<vmem>>)
      tpu.yield
    }) : () -> ()
    %run_scoped3A_32 = arith.constant 0 : i32
    %run_scoped3A_33 = arith.constant 0 : i32
    "tpu.region"() ({
      %run_scoped3A_61 = tpu.sem_alloc : memref<!tpu.dma_semaphore, #tpu.memory_space<semaphore_mem>>
      %dma_start3A_62 = arith.constant 0 : i32
      %dma_start3A_63 = arith.constant 0 : i32
      %dma_start3A_64 = tpu.memref_slice %arg7[%run_scoped3A_33, %dma_start3A_62, %dma_start3A_63] : memref<2x18x128xi32, #tpu.memory_space<vmem>> -> memref<1x18x128xi32, #tpu.memory_space<vmem>>
      %dma_start3A_65 = tpu.memref_squeeze %dma_start3A_64 : memref<1x18x128xi32, #tpu.memory_space<vmem>> -> memref<18x128xi32, #tpu.memory_space<vmem>>
      %dma_start3A_66 = arith.constant 0 : i32
      %dma_start3A_67 = arith.constant 0 : i32
      %dma_start3A_68 = tpu.memref_slice %arg4[%arg1, %run_scoped3A_32, %dma_start3A_66, %dma_start3A_67] : memref<16x9x18x128xi32, #tpu.memory_space<hbm>> -> memref<1x1x18x128xi32, #tpu.memory_space<hbm>>
      %dma_start3A_69 = tpu.memref_squeeze %dma_start3A_68 : memref<1x1x18x128xi32, #tpu.memory_space<hbm>> -> memref<18x128xi32, #tpu.memory_space<hbm>>
      %dma_start3A_70 = arith.constant 0 : i32
      %dma_start3A_71 = arith.constant 0 : i32
      %dma_start3A_72 = tpu.memref_slice %arg7[%run_scoped3A_33, %dma_start3A_70, %dma_start3A_71] : memref<2x18x128xi32, #tpu.memory_space<vmem>> -> memref<1x18x128xi32, #tpu.memory_space<vmem>>
      %dma_start3A_73 = tpu.memref_squeeze %dma_start3A_72 : memref<1x18x128xi32, #tpu.memory_space<vmem>> -> memref<18x128xi32, #tpu.memory_space<vmem>>
      %dma_start3A_74 = arith.constant 0 : i32
      %dma_start3A_75 = arith.constant 0 : i32
      %dma_start3A_76 = tpu.memref_slice %arg4[%arg1, %run_scoped3A_32, %dma_start3A_74, %dma_start3A_75] : memref<16x9x18x128xi32, #tpu.memory_space<hbm>> -> memref<1x1x18x128xi32, #tpu.memory_space<hbm>>
      %dma_start3A_77 = tpu.memref_squeeze %dma_start3A_76 : memref<1x1x18x128xi32, #tpu.memory_space<hbm>> -> memref<18x128xi32, #tpu.memory_space<hbm>>
      tpu.enqueue_dma source(%dma_start3A_77 : memref<18x128xi32, #tpu.memory_space<hbm>>) target(%dma_start3A_73 : memref<18x128xi32, #tpu.memory_space<vmem>>) target_semaphore(%run_scoped3A_61 : memref<!tpu.dma_semaphore, #tpu.memory_space<semaphore_mem>>)
      %dma_wait3A = arith.constant 0 : i32
      %dma_wait3A_78 = arith.constant 0 : i32
      %dma_wait3A_79 = tpu.memref_slice %arg7[%run_scoped3A_33, %dma_wait3A, %dma_wait3A_78] : memref<2x18x128xi32, #tpu.memory_space<vmem>> -> memref<1x18x128xi32, #tpu.memory_space<vmem>>
      %dma_wait3A_80 = tpu.memref_squeeze %dma_wait3A_79 : memref<1x18x128xi32, #tpu.memory_space<vmem>> -> memref<18x128xi32, #tpu.memory_space<vmem>>
      %dma_wait3A_81 = arith.constant 0 : i32
      %dma_wait3A_82 = arith.constant 0 : i32
      %dma_wait3A_83 = tpu.memref_slice %arg4[%arg1, %run_scoped3A_32, %dma_wait3A_81, %dma_wait3A_82] : memref<16x9x18x128xi32, #tpu.memory_space<hbm>> -> memref<1x1x18x128xi32, #tpu.memory_space<hbm>>
      %dma_wait3A_84 = tpu.memref_squeeze %dma_wait3A_83 : memref<1x1x18x128xi32, #tpu.memory_space<hbm>> -> memref<18x128xi32, #tpu.memory_space<hbm>>
      %dma_wait3A_85 = arith.constant 0 : i32
      %dma_wait3A_86 = arith.constant 0 : i32
      %dma_wait3A_87 = tpu.memref_slice %arg7[%run_scoped3A_33, %dma_wait3A_85, %dma_wait3A_86] : memref<2x18x128xi32, #tpu.memory_space<vmem>> -> memref<1x18x128xi32, #tpu.memory_space<vmem>>
      %dma_wait3A_88 = tpu.memref_squeeze %dma_wait3A_87 : memref<1x18x128xi32, #tpu.memory_space<vmem>> -> memref<18x128xi32, #tpu.memory_space<vmem>>
      %dma_wait3A_89 = arith.constant 0 : i32
      %dma_wait3A_90 = arith.constant 0 : i32
      %dma_wait3A_91 = tpu.memref_slice %arg4[%arg1, %run_scoped3A_32, %dma_wait3A_89, %dma_wait3A_90] : memref<16x9x18x128xi32, #tpu.memory_space<hbm>> -> memref<1x1x18x128xi32, #tpu.memory_space<hbm>>
      %dma_wait3A_92 = tpu.memref_squeeze %dma_wait3A_91 : memref<1x1x18x128xi32, #tpu.memory_space<hbm>> -> memref<18x128xi32, #tpu.memory_space<hbm>>
      tpu.wait_dma2 semaphore(%run_scoped3A_61 : memref<!tpu.dma_semaphore, #tpu.memory_space<semaphore_mem>>) src(%dma_wait3A_92 : memref<18x128xi32, #tpu.memory_space<hbm>>) dst(%dma_wait3A_88 : memref<18x128xi32, #tpu.memory_space<vmem>>)
      tpu.yield
    }) : () -> ()
    %barrier3A = arith.constant 0 : index
    tpu.barrier barrier_id(%barrier3A)
    %dma_start3A = arith.constant 0 : i32
    %dma_start3A_34 = arith.constant 0 : i32
    %dma_start3A_35 = arith.constant 0 : i32
    %dma_start3A_36 = arith.constant 0 : i32
    %dma_start3A_37 = arith.constant 0 : i32
    %dma_start3A_38 = tpu.memref_slice %arg8[%dma_start3A_35, %dma_start3A_36, %dma_start3A_37] : memref<2x128x128xf32, #tpu.memory_space<vmem>> -> memref<1x128x128xf32, #tpu.memory_space<vmem>>
    %dma_start3A_39 = tpu.memref_squeeze %dma_start3A_38 : memref<1x128x128xf32, #tpu.memory_space<vmem>> -> memref<128x128xf32, #tpu.memory_space<vmem>>
    %dma_start3A_40 = arith.constant 0 : i32
    %dma_start3A_41 = tpu.memref_slice %arg6[%dma_start3A, %dma_start3A_34, %dma_start3A_40] : memref<2x18x128xi32, #tpu.memory_space<vmem>> -> memref<1x1x128xi32, #tpu.memory_space<vmem>>
    %dma_start3A_42 = tpu.memref_squeeze %dma_start3A_41 : memref<1x1x128xi32, #tpu.memory_space<vmem>> -> memref<128xi32, #tpu.memory_space<vmem>>
    %dma_start3A_43 = arith.constant 0 : i32
    %dma_start3A_44 = arith.constant 0 : i32
    %dma_start3A_45 = tpu.memref_slice %arg2[%dma_start3A_43, %dma_start3A_44] : memref<20480x128xf32, #tpu.memory_space<hbm>> -> memref<20480x128xf32, #tpu.memory_space<hbm>>
    tpu.enqueue_indirect_dma source(%dma_start3A_45 : memref<20480x128xf32, #tpu.memory_space<hbm>>) target(%dma_start3A_39 : memref<128x128xf32, #tpu.memory_space<vmem>>) offsets(%dma_start3A_42 : memref<128xi32, #tpu.memory_space<vmem>>) semaphore(%arg10 : memref<!tpu.dma_semaphore, #tpu.memory_space<semaphore_mem>>)
    %scan3A_46 = arith.constant 0 : i32
    %scan3A_47 = arith.constant 0 : i32
    %scan3A_48 = arith.constant 9 : i32
    %scan3A_49 = arith.addi %scan3A_47, %scan3A_48 : i32
    %scan3A_50 = arith.constant 1 : i32
    %scan3A_51 = scf.for %scan3A_61 = %scan3A_47 to %scan3A_49 step %scan3A_50 iter_args(%scan3A_62 = %scan3A_46) -> (i32)  : i32 {
      %jit3A = arith.constant 2 : i32
      %eq3A = arith.constant 0 : i32
      %eq3A_63 = arith.cmpi eq, %jit3A, %eq3A : i32
      %jit3A_64 = arith.constant 1 : i32
      %select_n3A = arith.select %eq3A_63, %jit3A_64, %jit3A : i32
      %rem3A = arith.remsi %scan3A_61, %select_n3A : i32
      %ne3A = arith.constant 0 : i32
      %ne3A_65 = arith.cmpi ne, %rem3A, %ne3A : i32
      %lt3A = arith.constant 0 : i32
      %lt3A_66 = arith.cmpi slt, %rem3A, %lt3A : i32
      %lt3A_67 = arith.constant 0 : i32
      %lt3A_68 = arith.cmpi slt, %select_n3A, %lt3A_67 : i32
      %ne3A_69 = arith.xori %lt3A_66, %lt3A_68 : i1
      %and3A = arith.andi %ne3A_69, %ne3A_65 : i1
      %add3A_70 = arith.addi %rem3A, %select_n3A : i32
      %select_n3A_71 = arith.select %and3A, %add3A_70, %rem3A : i32
      %lt3A_72 = arith.constant 8 : i32
      %lt3A_73 = arith.cmpi slt, %scan3A_61, %lt3A_72 : i32
      %convert_element_type3A = arith.extui %lt3A_73 : i1 to i32
      %cond3A = arith.constant 0 : i32
      %cond3A_74 = arith.cmpi ne, %convert_element_type3A, %cond3A : i32
      scf.if %cond3A_74 {
        %add3A_132 = arith.constant 1 : i32
        %add3A_133 = arith.addi %scan3A_61, %add3A_132 : i32
        %sub3A = arith.constant 1 : i32
        %sub3A_134 = arith.subi %sub3A, %select_n3A_71 : i32
        %dma_start3A_135 = arith.constant 0 : i32
        %dma_start3A_136 = arith.constant 0 : i32
        %dma_start3A_137 = tpu.memref_slice %arg6[%sub3A_134, %dma_start3A_135, %dma_start3A_136] : memref<2x18x128xi32, #tpu.memory_space<vmem>> -> memref<1x18x128xi32, #tpu.memory_space<vmem>>
        %dma_start3A_138 = tpu.memref_squeeze %dma_start3A_137 : memref<1x18x128xi32, #tpu.memory_space<vmem>> -> memref<18x128xi32, #tpu.memory_space<vmem>>
        %dma_start3A_139 = arith.constant 0 : i32
        %dma_start3A_140 = arith.constant 0 : i32
        %dma_start3A_141 = tpu.memref_slice %arg3[%arg0, %arg1, %add3A_133, %dma_start3A_139, %dma_start3A_140] : memref<2x16x9x18x128xi32, #tpu.memory_space<hbm>> -> memref<1x1x1x18x128xi32, #tpu.memory_space<hbm>>
        %dma_start3A_142 = tpu.memref_squeeze %dma_start3A_141 : memref<1x1x1x18x128xi32, #tpu.memory_space<hbm>> -> memref<18x128xi32, #tpu.memory_space<hbm>>
        %dma_start3A_143 = arith.constant 0 : i32
        %dma_start3A_144 = arith.constant 0 : i32
        %dma_start3A_145 = tpu.memref_slice %arg6[%sub3A_134, %dma_start3A_143, %dma_start3A_144] : memref<2x18x128xi32, #tpu.memory_space<vmem>> -> memref<1x18x128xi32, #tpu.memory_space<vmem>>
        %dma_start3A_146 = tpu.memref_squeeze %dma_start3A_145 : memref<1x18x128xi32, #tpu.memory_space<vmem>> -> memref<18x128xi32, #tpu.memory_space<vmem>>
        %dma_start3A_147 = arith.constant 0 : i32
        %dma_start3A_148 = arith.constant 0 : i32
        %dma_start3A_149 = tpu.memref_slice %arg3[%arg0, %arg1, %add3A_133, %dma_start3A_147, %dma_start3A_148] : memref<2x16x9x18x128xi32, #tpu.memory_space<hbm>> -> memref<1x1x1x18x128xi32, #tpu.memory_space<hbm>>
        %dma_start3A_150 = tpu.memref_squeeze %dma_start3A_149 : memref<1x1x1x18x128xi32, #tpu.memory_space<hbm>> -> memref<18x128xi32, #tpu.memory_space<hbm>>
        tpu.enqueue_dma source(%dma_start3A_150 : memref<18x128xi32, #tpu.memory_space<hbm>>) target(%dma_start3A_146 : memref<18x128xi32, #tpu.memory_space<vmem>>) target_semaphore(%arg12 : memref<!tpu.dma_semaphore, #tpu.memory_space<semaphore_mem>>)
        %add3A_151 = arith.constant 1 : i32
        %add3A_152 = arith.addi %scan3A_61, %add3A_151 : i32
        %sub3A_153 = arith.constant 1 : i32
        %sub3A_154 = arith.subi %sub3A_153, %select_n3A_71 : i32
        %dma_start3A_155 = arith.constant 0 : i32
        %dma_start3A_156 = arith.constant 0 : i32
        %dma_start3A_157 = tpu.memref_slice %arg7[%sub3A_154, %dma_start3A_155, %dma_start3A_156] : memref<2x18x128xi32, #tpu.memory_space<vmem>> -> memref<1x18x128xi32, #tpu.memory_space<vmem>>
        %dma_start3A_158 = tpu.memref_squeeze %dma_start3A_157 : memref<1x18x128xi32, #tpu.memory_space<vmem>> -> memref<18x128xi32, #tpu.memory_space<vmem>>
        %dma_start3A_159 = arith.constant 0 : i32
        %dma_start3A_160 = arith.constant 0 : i32
        %dma_start3A_161 = tpu.memref_slice %arg4[%arg1, %add3A_152, %dma_start3A_159, %dma_start3A_160] : memref<16x9x18x128xi32, #tpu.memory_space<hbm>> -> memref<1x1x18x128xi32, #tpu.memory_space<hbm>>
        %dma_start3A_162 = tpu.memref_squeeze %dma_start3A_161 : memref<1x1x18x128xi32, #tpu.memory_space<hbm>> -> memref<18x128xi32, #tpu.memory_space<hbm>>
        %dma_start3A_163 = arith.constant 0 : i32
        %dma_start3A_164 = arith.constant 0 : i32
        %dma_start3A_165 = tpu.memref_slice %arg7[%sub3A_154, %dma_start3A_163, %dma_start3A_164] : memref<2x18x128xi32, #tpu.memory_space<vmem>> -> memref<1x18x128xi32, #tpu.memory_space<vmem>>
        %dma_start3A_166 = tpu.memref_squeeze %dma_start3A_165 : memref<1x18x128xi32, #tpu.memory_space<vmem>> -> memref<18x128xi32, #tpu.memory_space<vmem>>
        %dma_start3A_167 = arith.constant 0 : i32
        %dma_start3A_168 = arith.constant 0 : i32
        %dma_start3A_169 = tpu.memref_slice %arg4[%arg1, %add3A_152, %dma_start3A_167, %dma_start3A_168] : memref<16x9x18x128xi32, #tpu.memory_space<hbm>> -> memref<1x1x18x128xi32, #tpu.memory_space<hbm>>
        %dma_start3A_170 = tpu.memref_squeeze %dma_start3A_169 : memref<1x1x18x128xi32, #tpu.memory_space<hbm>> -> memref<18x128xi32, #tpu.memory_space<hbm>>
        tpu.enqueue_dma source(%dma_start3A_170 : memref<18x128xi32, #tpu.memory_space<hbm>>) target(%dma_start3A_166 : memref<18x128xi32, #tpu.memory_space<vmem>>) target_semaphore(%arg12 : memref<!tpu.dma_semaphore, #tpu.memory_space<semaphore_mem>>)
      } else {
      }
      %scan3A_75 = arith.constant 0 : i32
      %scan3A_76 = arith.constant 0 : i32
      %scan3A_77 = arith.constant 8 : i32
      %scan3A_78 = arith.addi %scan3A_76, %scan3A_77 : i32
      %scan3A_79 = arith.constant 1 : i32
      %scan3A_80 = scf.for %scan3A_132 = %scan3A_76 to %scan3A_78 step %scan3A_79 iter_args(%scan3A_133 = %scan3A_75) -> (i32)  : i32 {
        %mul3A_134 = arith.constant 2 : i32
        %mul3A_135 = arith.muli %mul3A_134, %scan3A_132 : i32
        %add3A_136 = arith.constant 1 : i32
        %add3A_137 = arith.addi %mul3A_135, %add3A_136 : i32
        %dma_start3A_138 = arith.constant 1 : i32
        %dma_start3A_139 = arith.constant 0 : i32
        %dma_start3A_140 = arith.constant 0 : i32
        %dma_start3A_141 = tpu.memref_slice %arg8[%dma_start3A_138, %dma_start3A_139, %dma_start3A_140] : memref<2x128x128xf32, #tpu.memory_space<vmem>> -> memref<1x128x128xf32, #tpu.memory_space<vmem>>
        %dma_start3A_142 = tpu.memref_squeeze %dma_start3A_141 : memref<1x128x128xf32, #tpu.memory_space<vmem>> -> memref<128x128xf32, #tpu.memory_space<vmem>>
        %dma_start3A_143 = arith.constant 0 : i32
        %dma_start3A_144 = tpu.memref_slice %arg6[%select_n3A_71, %add3A_137, %dma_start3A_143] : memref<2x18x128xi32, #tpu.memory_space<vmem>> -> memref<1x1x128xi32, #tpu.memory_space<vmem>>
        %dma_start3A_145 = tpu.memref_squeeze %dma_start3A_144 : memref<1x1x128xi32, #tpu.memory_space<vmem>> -> memref<128xi32, #tpu.memory_space<vmem>>
        %dma_start3A_146 = arith.constant 0 : i32
        %dma_start3A_147 = arith.constant 0 : i32
        %dma_start3A_148 = tpu.memref_slice %arg2[%dma_start3A_146, %dma_start3A_147] : memref<20480x128xf32, #tpu.memory_space<hbm>> -> memref<20480x128xf32, #tpu.memory_space<hbm>>
        tpu.enqueue_indirect_dma source(%dma_start3A_148 : memref<20480x128xf32, #tpu.memory_space<hbm>>) target(%dma_start3A_142 : memref<128x128xf32, #tpu.memory_space<vmem>>) offsets(%dma_start3A_145 : memref<128xi32, #tpu.memory_space<vmem>>) semaphore(%arg11 : memref<!tpu.dma_semaphore, #tpu.memory_space<semaphore_mem>>)
        %dma_wait3A_149 = arith.constant 0 : i32
        %dma_wait3A_150 = arith.constant 0 : i32
        %dma_wait3A_151 = arith.constant 0 : i32
        %dma_wait3A_152 = tpu.memref_slice %arg8[%dma_wait3A_149, %dma_wait3A_150, %dma_wait3A_151] : memref<2x128x128xf32, #tpu.memory_space<vmem>> -> memref<1x128x128xf32, #tpu.memory_space<vmem>>
        %dma_wait3A_153 = tpu.memref_squeeze %dma_wait3A_152 : memref<1x128x128xf32, #tpu.memory_space<vmem>> -> memref<128x128xf32, #tpu.memory_space<vmem>>
        %dma_wait3A_154 = arith.constant 0 : i32
        %dma_wait3A_155 = tpu.memref_slice %arg6[%select_n3A_71, %mul3A_135, %dma_wait3A_154] : memref<2x18x128xi32, #tpu.memory_space<vmem>> -> memref<1x1x128xi32, #tpu.memory_space<vmem>>
        %dma_wait3A_156 = tpu.memref_squeeze %dma_wait3A_155 : memref<1x1x128xi32, #tpu.memory_space<vmem>> -> memref<128xi32, #tpu.memory_space<vmem>>
        %dma_wait3A_157 = arith.constant 0 : i32
        %dma_wait3A_158 = arith.constant 0 : i32
        %dma_wait3A_159 = tpu.memref_slice %arg2[%dma_wait3A_157, %dma_wait3A_158] : memref<20480x128xf32, #tpu.memory_space<hbm>> -> memref<20480x128xf32, #tpu.memory_space<hbm>>
        tpu.wait_indirect_dma semaphore(%arg10 : memref<!tpu.dma_semaphore, #tpu.memory_space<semaphore_mem>>) src(%dma_wait3A_159 : memref<20480x128xf32, #tpu.memory_space<hbm>>) dst(%dma_wait3A_153 : memref<128x128xf32, #tpu.memory_space<vmem>>)
        %run_scoped3A_160 = arith.constant 0 : i32
        "tpu.region"() ({
          %run_scoped3A_191 = tpu.sem_alloc : memref<!tpu.dma_semaphore, #tpu.memory_space<semaphore_mem>>
          %dma_start3A_192 = arith.constant 0 : i32
          %dma_start3A_193 = arith.constant 0 : i32
          %dma_start3A_194 = tpu.memref_slice %arg8[%run_scoped3A_160, %dma_start3A_192, %dma_start3A_193] : memref<2x128x128xf32, #tpu.memory_space<vmem>> -> memref<1x128x128xf32, #tpu.memory_space<vmem>>
          %dma_start3A_195 = tpu.memref_squeeze %dma_start3A_194 : memref<1x128x128xf32, #tpu.memory_space<vmem>> -> memref<128x128xf32, #tpu.memory_space<vmem>>
          %dma_start3A_196 = arith.constant 0 : i32
          %dma_start3A_197 = tpu.memref_slice %arg7[%select_n3A_71, %mul3A_135, %dma_start3A_196] : memref<2x18x128xi32, #tpu.memory_space<vmem>> -> memref<1x1x128xi32, #tpu.memory_space<vmem>>
          %dma_start3A_198 = tpu.memref_squeeze %dma_start3A_197 : memref<1x1x128xi32, #tpu.memory_space<vmem>> -> memref<128xi32, #tpu.memory_space<vmem>>
          %dma_start3A_199 = arith.constant 0 : i32
          %dma_start3A_200 = arith.constant 0 : i32
          %dma_start3A_201 = tpu.memref_slice %arg9[%dma_start3A_199, %dma_start3A_200] : memref<10240x128xf32, #tpu.memory_space<vmem_shared>> -> memref<10240x128xf32, #tpu.memory_space<vmem_shared>>
          tpu.enqueue_indirect_dma source(%dma_start3A_195 : memref<128x128xf32, #tpu.memory_space<vmem>>) target(%dma_start3A_201 : memref<10240x128xf32, #tpu.memory_space<vmem_shared>>) offsets(%dma_start3A_198 : memref<128xi32, #tpu.memory_space<vmem>>) semaphore(%run_scoped3A_191 : memref<!tpu.dma_semaphore, #tpu.memory_space<semaphore_mem>>) {add = true}
          %dma_wait3A_202 = arith.constant 0 : i32
          %dma_wait3A_203 = arith.constant 0 : i32
          %dma_wait3A_204 = tpu.memref_slice %arg8[%run_scoped3A_160, %dma_wait3A_202, %dma_wait3A_203] : memref<2x128x128xf32, #tpu.memory_space<vmem>> -> memref<1x128x128xf32, #tpu.memory_space<vmem>>
          %dma_wait3A_205 = tpu.memref_squeeze %dma_wait3A_204 : memref<1x128x128xf32, #tpu.memory_space<vmem>> -> memref<128x128xf32, #tpu.memory_space<vmem>>
          %dma_wait3A_206 = arith.constant 0 : i32
          %dma_wait3A_207 = tpu.memref_slice %arg7[%select_n3A_71, %mul3A_135, %dma_wait3A_206] : memref<2x18x128xi32, #tpu.memory_space<vmem>> -> memref<1x1x128xi32, #tpu.memory_space<vmem>>
          %dma_wait3A_208 = tpu.memref_squeeze %dma_wait3A_207 : memref<1x1x128xi32, #tpu.memory_space<vmem>> -> memref<128xi32, #tpu.memory_space<vmem>>
          %dma_wait3A_209 = arith.constant 0 : i32
          %dma_wait3A_210 = arith.constant 0 : i32
          %dma_wait3A_211 = tpu.memref_slice %arg9[%dma_wait3A_209, %dma_wait3A_210] : memref<10240x128xf32, #tpu.memory_space<vmem_shared>> -> memref<10240x128xf32, #tpu.memory_space<vmem_shared>>
          tpu.wait_indirect_dma semaphore(%run_scoped3A_191 : memref<!tpu.dma_semaphore, #tpu.memory_space<semaphore_mem>>) src(%dma_wait3A_205 : memref<128x128xf32, #tpu.memory_space<vmem>>) dst(%dma_wait3A_211 : memref<10240x128xf32, #tpu.memory_space<vmem_shared>>)
          tpu.yield
        }) : () -> ()
        %add3A_161 = arith.constant 2 : i32
        %add3A_162 = arith.addi %mul3A_135, %add3A_161 : i32
        %dma_start3A_163 = arith.constant 0 : i32
        %dma_start3A_164 = arith.constant 0 : i32
        %dma_start3A_165 = arith.constant 0 : i32
        %dma_start3A_166 = tpu.memref_slice %arg8[%dma_start3A_163, %dma_start3A_164, %dma_start3A_165] : memref<2x128x128xf32, #tpu.memory_space<vmem>> -> memref<1x128x128xf32, #tpu.memory_space<vmem>>
        %dma_start3A_167 = tpu.memref_squeeze %dma_start3A_166 : memref<1x128x128xf32, #tpu.memory_space<vmem>> -> memref<128x128xf32, #tpu.memory_space<vmem>>
        %dma_start3A_168 = arith.constant 0 : i32
        %dma_start3A_169 = tpu.memref_slice %arg6[%select_n3A_71, %add3A_162, %dma_start3A_168] : memref<2x18x128xi32, #tpu.memory_space<vmem>> -> memref<1x1x128xi32, #tpu.memory_space<vmem>>
        %dma_start3A_170 = tpu.memref_squeeze %dma_start3A_169 : memref<1x1x128xi32, #tpu.memory_space<vmem>> -> memref<128xi32, #tpu.memory_space<vmem>>
        %dma_start3A_171 = arith.constant 0 : i32
        %dma_start3A_172 = arith.constant 0 : i32
        %dma_start3A_173 = tpu.memref_slice %arg2[%dma_start3A_171, %dma_start3A_172] : memref<20480x128xf32, #tpu.memory_space<hbm>> -> memref<20480x128xf32, #tpu.memory_space<hbm>>
        tpu.enqueue_indirect_dma source(%dma_start3A_173 : memref<20480x128xf32, #tpu.memory_space<hbm>>) target(%dma_start3A_167 : memref<128x128xf32, #tpu.memory_space<vmem>>) offsets(%dma_start3A_170 : memref<128xi32, #tpu.memory_space<vmem>>) semaphore(%arg10 : memref<!tpu.dma_semaphore, #tpu.memory_space<semaphore_mem>>)
        %add3A_174 = arith.constant 1 : i32
        %add3A_175 = arith.addi %mul3A_135, %add3A_174 : i32
        %dma_wait3A_176 = arith.constant 1 : i32
        %dma_wait3A_177 = arith.constant 0 : i32
        %dma_wait3A_178 = arith.constant 0 : i32
        %dma_wait3A_179 = tpu.memref_slice %arg8[%dma_wait3A_176, %dma_wait3A_177, %dma_wait3A_178] : memref<2x128x128xf32, #tpu.memory_space<vmem>> -> memref<1x128x128xf32, #tpu.memory_space<vmem>>
        %dma_wait3A_180 = tpu.memref_squeeze %dma_wait3A_179 : memref<1x128x128xf32, #tpu.memory_space<vmem>> -> memref<128x128xf32, #tpu.memory_space<vmem>>
        %dma_wait3A_181 = arith.constant 0 : i32
        %dma_wait3A_182 = tpu.memref_slice %arg6[%select_n3A_71, %add3A_175, %dma_wait3A_181] : memref<2x18x128xi32, #tpu.memory_space<vmem>> -> memref<1x1x128xi32, #tpu.memory_space<vmem>>
        %dma_wait3A_183 = tpu.memref_squeeze %dma_wait3A_182 : memref<1x1x128xi32, #tpu.memory_space<vmem>> -> memref<128xi32, #tpu.memory_space<vmem>>
        %dma_wait3A_184 = arith.constant 0 : i32
        %dma_wait3A_185 = arith.constant 0 : i32
        %dma_wait3A_186 = tpu.memref_slice %arg2[%dma_wait3A_184, %dma_wait3A_185] : memref<20480x128xf32, #tpu.memory_space<hbm>> -> memref<20480x128xf32, #tpu.memory_space<hbm>>
        tpu.wait_indirect_dma semaphore(%arg11 : memref<!tpu.dma_semaphore, #tpu.memory_space<semaphore_mem>>) src(%dma_wait3A_186 : memref<20480x128xf32, #tpu.memory_space<hbm>>) dst(%dma_wait3A_180 : memref<128x128xf32, #tpu.memory_space<vmem>>)
        %add3A_187 = arith.constant 1 : i32
        %add3A_188 = arith.addi %mul3A_135, %add3A_187 : i32
        %run_scoped3A_189 = arith.constant 1 : i32
        "tpu.region"() ({
          %run_scoped3A_191 = tpu.sem_alloc : memref<!tpu.dma_semaphore, #tpu.memory_space<semaphore_mem>>
          %dma_start3A_192 = arith.constant 0 : i32
          %dma_start3A_193 = arith.constant 0 : i32
          %dma_start3A_194 = tpu.memref_slice %arg8[%run_scoped3A_189, %dma_start3A_192, %dma_start3A_193] : memref<2x128x128xf32, #tpu.memory_space<vmem>> -> memref<1x128x128xf32, #tpu.memory_space<vmem>>
          %dma_start3A_195 = tpu.memref_squeeze %dma_start3A_194 : memref<1x128x128xf32, #tpu.memory_space<vmem>> -> memref<128x128xf32, #tpu.memory_space<vmem>>
          %dma_start3A_196 = arith.constant 0 : i32
          %dma_start3A_197 = tpu.memref_slice %arg7[%select_n3A_71, %add3A_188, %dma_start3A_196] : memref<2x18x128xi32, #tpu.memory_space<vmem>> -> memref<1x1x128xi32, #tpu.memory_space<vmem>>
          %dma_start3A_198 = tpu.memref_squeeze %dma_start3A_197 : memref<1x1x128xi32, #tpu.memory_space<vmem>> -> memref<128xi32, #tpu.memory_space<vmem>>
          %dma_start3A_199 = arith.constant 0 : i32
          %dma_start3A_200 = arith.constant 0 : i32
          %dma_start3A_201 = tpu.memref_slice %arg9[%dma_start3A_199, %dma_start3A_200] : memref<10240x128xf32, #tpu.memory_space<vmem_shared>> -> memref<10240x128xf32, #tpu.memory_space<vmem_shared>>
          tpu.enqueue_indirect_dma source(%dma_start3A_195 : memref<128x128xf32, #tpu.memory_space<vmem>>) target(%dma_start3A_201 : memref<10240x128xf32, #tpu.memory_space<vmem_shared>>) offsets(%dma_start3A_198 : memref<128xi32, #tpu.memory_space<vmem>>) semaphore(%run_scoped3A_191 : memref<!tpu.dma_semaphore, #tpu.memory_space<semaphore_mem>>) {add = true}
          %dma_wait3A_202 = arith.constant 0 : i32
          %dma_wait3A_203 = arith.constant 0 : i32
          %dma_wait3A_204 = tpu.memref_slice %arg8[%run_scoped3A_189, %dma_wait3A_202, %dma_wait3A_203] : memref<2x128x128xf32, #tpu.memory_space<vmem>> -> memref<1x128x128xf32, #tpu.memory_space<vmem>>
          %dma_wait3A_205 = tpu.memref_squeeze %dma_wait3A_204 : memref<1x128x128xf32, #tpu.memory_space<vmem>> -> memref<128x128xf32, #tpu.memory_space<vmem>>
          %dma_wait3A_206 = arith.constant 0 : i32
          %dma_wait3A_207 = tpu.memref_slice %arg7[%select_n3A_71, %add3A_188, %dma_wait3A_206] : memref<2x18x128xi32, #tpu.memory_space<vmem>> -> memref<1x1x128xi32, #tpu.memory_space<vmem>>
          %dma_wait3A_208 = tpu.memref_squeeze %dma_wait3A_207 : memref<1x1x128xi32, #tpu.memory_space<vmem>> -> memref<128xi32, #tpu.memory_space<vmem>>
          %dma_wait3A_209 = arith.constant 0 : i32
          %dma_wait3A_210 = arith.constant 0 : i32
          %dma_wait3A_211 = tpu.memref_slice %arg9[%dma_wait3A_209, %dma_wait3A_210] : memref<10240x128xf32, #tpu.memory_space<vmem_shared>> -> memref<10240x128xf32, #tpu.memory_space<vmem_shared>>
          tpu.wait_indirect_dma semaphore(%run_scoped3A_191 : memref<!tpu.dma_semaphore, #tpu.memory_space<semaphore_mem>>) src(%dma_wait3A_205 : memref<128x128xf32, #tpu.memory_space<vmem>>) dst(%dma_wait3A_211 : memref<10240x128xf32, #tpu.memory_space<vmem_shared>>)
          tpu.yield
        }) : () -> ()
        %scan3A_190 = arith.constant 0 : i32
        scf.yield %scan3A_190 : i32
      }
      %scan3A_81 = arith.constant 8 : i32
      %lt3A_82 = arith.constant 8 : i32
      %lt3A_83 = arith.cmpi slt, %scan3A_61, %lt3A_82 : i32
      %convert_element_type3A_84 = arith.extui %lt3A_83 : i1 to i32
      %cond3A_85 = arith.constant 0 : i32
      %cond3A_86 = arith.cmpi ne, %convert_element_type3A_84, %cond3A_85 : i32
      scf.if %cond3A_86 {
        %add3A_132 = arith.constant 1 : i32
        %add3A_133 = arith.addi %scan3A_61, %add3A_132 : i32
        %sub3A = arith.constant 1 : i32
        %sub3A_134 = arith.subi %sub3A, %select_n3A_71 : i32
        %dma_wait3A_135 = arith.constant 0 : i32
        %dma_wait3A_136 = arith.constant 0 : i32
        %dma_wait3A_137 = tpu.memref_slice %arg6[%sub3A_134, %dma_wait3A_135, %dma_wait3A_136] : memref<2x18x128xi32, #tpu.memory_space<vmem>> -> memref<1x18x128xi32, #tpu.memory_space<vmem>>
        %dma_wait3A_138 = tpu.memref_squeeze %dma_wait3A_137 : memref<1x18x128xi32, #tpu.memory_space<vmem>> -> memref<18x128xi32, #tpu.memory_space<vmem>>
        %dma_wait3A_139 = arith.constant 0 : i32
        %dma_wait3A_140 = arith.constant 0 : i32
        %dma_wait3A_141 = tpu.memref_slice %arg3[%arg0, %arg1, %add3A_133, %dma_wait3A_139, %dma_wait3A_140] : memref<2x16x9x18x128xi32, #tpu.memory_space<hbm>> -> memref<1x1x1x18x128xi32, #tpu.memory_space<hbm>>
        %dma_wait3A_142 = tpu.memref_squeeze %dma_wait3A_141 : memref<1x1x1x18x128xi32, #tpu.memory_space<hbm>> -> memref<18x128xi32, #tpu.memory_space<hbm>>
        %dma_wait3A_143 = arith.constant 0 : i32
        %dma_wait3A_144 = arith.constant 0 : i32
        %dma_wait3A_145 = tpu.memref_slice %arg6[%sub3A_134, %dma_wait3A_143, %dma_wait3A_144] : memref<2x18x128xi32, #tpu.memory_space<vmem>> -> memref<1x18x128xi32, #tpu.memory_space<vmem>>
        %dma_wait3A_146 = tpu.memref_squeeze %dma_wait3A_145 : memref<1x18x128xi32, #tpu.memory_space<vmem>> -> memref<18x128xi32, #tpu.memory_space<vmem>>
        %dma_wait3A_147 = arith.constant 0 : i32
        %dma_wait3A_148 = arith.constant 0 : i32
        %dma_wait3A_149 = tpu.memref_slice %arg3[%arg0, %arg1, %add3A_133, %dma_wait3A_147, %dma_wait3A_148] : memref<2x16x9x18x128xi32, #tpu.memory_space<hbm>> -> memref<1x1x1x18x128xi32, #tpu.memory_space<hbm>>
        %dma_wait3A_150 = tpu.memref_squeeze %dma_wait3A_149 : memref<1x1x1x18x128xi32, #tpu.memory_space<hbm>> -> memref<18x128xi32, #tpu.memory_space<hbm>>
        tpu.wait_dma2 semaphore(%arg12 : memref<!tpu.dma_semaphore, #tpu.memory_space<semaphore_mem>>) src(%dma_wait3A_150 : memref<18x128xi32, #tpu.memory_space<hbm>>) dst(%dma_wait3A_146 : memref<18x128xi32, #tpu.memory_space<vmem>>)
        %add3A_151 = arith.constant 1 : i32
        %add3A_152 = arith.addi %scan3A_61, %add3A_151 : i32
        %sub3A_153 = arith.constant 1 : i32
        %sub3A_154 = arith.subi %sub3A_153, %select_n3A_71 : i32
        %dma_wait3A_155 = arith.constant 0 : i32
        %dma_wait3A_156 = arith.constant 0 : i32
        %dma_wait3A_157 = tpu.memref_slice %arg7[%sub3A_154, %dma_wait3A_155, %dma_wait3A_156] : memref<2x18x128xi32, #tpu.memory_space<vmem>> -> memref<1x18x128xi32, #tpu.memory_space<vmem>>
        %dma_wait3A_158 = tpu.memref_squeeze %dma_wait3A_157 : memref<1x18x128xi32, #tpu.memory_space<vmem>> -> memref<18x128xi32, #tpu.memory_space<vmem>>
        %dma_wait3A_159 = arith.constant 0 : i32
        %dma_wait3A_160 = arith.constant 0 : i32
        %dma_wait3A_161 = tpu.memref_slice %arg4[%arg1, %add3A_152, %dma_wait3A_159, %dma_wait3A_160] : memref<16x9x18x128xi32, #tpu.memory_space<hbm>> -> memref<1x1x18x128xi32, #tpu.memory_space<hbm>>
        %dma_wait3A_162 = tpu.memref_squeeze %dma_wait3A_161 : memref<1x1x18x128xi32, #tpu.memory_space<hbm>> -> memref<18x128xi32, #tpu.memory_space<hbm>>
        %dma_wait3A_163 = arith.constant 0 : i32
        %dma_wait3A_164 = arith.constant 0 : i32
        %dma_wait3A_165 = tpu.memref_slice %arg7[%sub3A_154, %dma_wait3A_163, %dma_wait3A_164] : memref<2x18x128xi32, #tpu.memory_space<vmem>> -> memref<1x18x128xi32, #tpu.memory_space<vmem>>
        %dma_wait3A_166 = tpu.memref_squeeze %dma_wait3A_165 : memref<1x18x128xi32, #tpu.memory_space<vmem>> -> memref<18x128xi32, #tpu.memory_space<vmem>>
        %dma_wait3A_167 = arith.constant 0 : i32
        %dma_wait3A_168 = arith.constant 0 : i32
        %dma_wait3A_169 = tpu.memref_slice %arg4[%arg1, %add3A_152, %dma_wait3A_167, %dma_wait3A_168] : memref<16x9x18x128xi32, #tpu.memory_space<hbm>> -> memref<1x1x18x128xi32, #tpu.memory_space<hbm>>
        %dma_wait3A_170 = tpu.memref_squeeze %dma_wait3A_169 : memref<1x1x18x128xi32, #tpu.memory_space<hbm>> -> memref<18x128xi32, #tpu.memory_space<hbm>>
        tpu.wait_dma2 semaphore(%arg12 : memref<!tpu.dma_semaphore, #tpu.memory_space<semaphore_mem>>) src(%dma_wait3A_170 : memref<18x128xi32, #tpu.memory_space<hbm>>) dst(%dma_wait3A_166 : memref<18x128xi32, #tpu.memory_space<vmem>>)
      } else {
      }
      %dma_start3A_87 = arith.constant 17 : i32
      %dma_start3A_88 = arith.constant 1 : i32
      %dma_start3A_89 = arith.constant 0 : i32
      %dma_start3A_90 = arith.constant 0 : i32
      %dma_start3A_91 = tpu.memref_slice %arg8[%dma_start3A_88, %dma_start3A_89, %dma_start3A_90] : memref<2x128x128xf32, #tpu.memory_space<vmem>> -> memref<1x128x128xf32, #tpu.memory_space<vmem>>
      %dma_start3A_92 = tpu.memref_squeeze %dma_start3A_91 : memref<1x128x128xf32, #tpu.memory_space<vmem>> -> memref<128x128xf32, #tpu.memory_space<vmem>>
      %dma_start3A_93 = arith.constant 0 : i32
      %dma_start3A_94 = tpu.memref_slice %arg6[%select_n3A_71, %dma_start3A_87, %dma_start3A_93] : memref<2x18x128xi32, #tpu.memory_space<vmem>> -> memref<1x1x128xi32, #tpu.memory_space<vmem>>
      %dma_start3A_95 = tpu.memref_squeeze %dma_start3A_94 : memref<1x1x128xi32, #tpu.memory_space<vmem>> -> memref<128xi32, #tpu.memory_space<vmem>>
      %dma_start3A_96 = arith.constant 0 : i32
      %dma_start3A_97 = arith.constant 0 : i32
      %dma_start3A_98 = tpu.memref_slice %arg2[%dma_start3A_96, %dma_start3A_97] : memref<20480x128xf32, #tpu.memory_space<hbm>> -> memref<20480x128xf32, #tpu.memory_space<hbm>>
      tpu.enqueue_indirect_dma source(%dma_start3A_98 : memref<20480x128xf32, #tpu.memory_space<hbm>>) target(%dma_start3A_92 : memref<128x128xf32, #tpu.memory_space<vmem>>) offsets(%dma_start3A_95 : memref<128xi32, #tpu.memory_space<vmem>>) semaphore(%arg11 : memref<!tpu.dma_semaphore, #tpu.memory_space<semaphore_mem>>)
      %dma_wait3A = arith.constant 16 : i32
      %dma_wait3A_99 = arith.constant 0 : i32
      %dma_wait3A_100 = arith.constant 0 : i32
      %dma_wait3A_101 = arith.constant 0 : i32
      %dma_wait3A_102 = tpu.memref_slice %arg8[%dma_wait3A_99, %dma_wait3A_100, %dma_wait3A_101] : memref<2x128x128xf32, #tpu.memory_space<vmem>> -> memref<1x128x128xf32, #tpu.memory_space<vmem>>
      %dma_wait3A_103 = tpu.memref_squeeze %dma_wait3A_102 : memref<1x128x128xf32, #tpu.memory_space<vmem>> -> memref<128x128xf32, #tpu.memory_space<vmem>>
      %dma_wait3A_104 = arith.constant 0 : i32
      %dma_wait3A_105 = tpu.memref_slice %arg6[%select_n3A_71, %dma_wait3A, %dma_wait3A_104] : memref<2x18x128xi32, #tpu.memory_space<vmem>> -> memref<1x1x128xi32, #tpu.memory_space<vmem>>
      %dma_wait3A_106 = tpu.memref_squeeze %dma_wait3A_105 : memref<1x1x128xi32, #tpu.memory_space<vmem>> -> memref<128xi32, #tpu.memory_space<vmem>>
      %dma_wait3A_107 = arith.constant 0 : i32
      %dma_wait3A_108 = arith.constant 0 : i32
      %dma_wait3A_109 = tpu.memref_slice %arg2[%dma_wait3A_107, %dma_wait3A_108] : memref<20480x128xf32, #tpu.memory_space<hbm>> -> memref<20480x128xf32, #tpu.memory_space<hbm>>
      tpu.wait_indirect_dma semaphore(%arg10 : memref<!tpu.dma_semaphore, #tpu.memory_space<semaphore_mem>>) src(%dma_wait3A_109 : memref<20480x128xf32, #tpu.memory_space<hbm>>) dst(%dma_wait3A_103 : memref<128x128xf32, #tpu.memory_space<vmem>>)
      %run_scoped3A_110 = arith.constant 0 : i32
      %run_scoped3A_111 = arith.constant 16 : i32
      "tpu.region"() ({
        %run_scoped3A_132 = tpu.sem_alloc : memref<!tpu.dma_semaphore, #tpu.memory_space<semaphore_mem>>
        %dma_start3A_133 = arith.constant 0 : i32
        %dma_start3A_134 = arith.constant 0 : i32
        %dma_start3A_135 = tpu.memref_slice %arg8[%run_scoped3A_110, %dma_start3A_133, %dma_start3A_134] : memref<2x128x128xf32, #tpu.memory_space<vmem>> -> memref<1x128x128xf32, #tpu.memory_space<vmem>>
        %dma_start3A_136 = tpu.memref_squeeze %dma_start3A_135 : memref<1x128x128xf32, #tpu.memory_space<vmem>> -> memref<128x128xf32, #tpu.memory_space<vmem>>
        %dma_start3A_137 = arith.constant 0 : i32
        %dma_start3A_138 = tpu.memref_slice %arg7[%select_n3A_71, %run_scoped3A_111, %dma_start3A_137] : memref<2x18x128xi32, #tpu.memory_space<vmem>> -> memref<1x1x128xi32, #tpu.memory_space<vmem>>
        %dma_start3A_139 = tpu.memref_squeeze %dma_start3A_138 : memref<1x1x128xi32, #tpu.memory_space<vmem>> -> memref<128xi32, #tpu.memory_space<vmem>>
        %dma_start3A_140 = arith.constant 0 : i32
        %dma_start3A_141 = arith.constant 0 : i32
        %dma_start3A_142 = tpu.memref_slice %arg9[%dma_start3A_140, %dma_start3A_141] : memref<10240x128xf32, #tpu.memory_space<vmem_shared>> -> memref<10240x128xf32, #tpu.memory_space<vmem_shared>>
        tpu.enqueue_indirect_dma source(%dma_start3A_136 : memref<128x128xf32, #tpu.memory_space<vmem>>) target(%dma_start3A_142 : memref<10240x128xf32, #tpu.memory_space<vmem_shared>>) offsets(%dma_start3A_139 : memref<128xi32, #tpu.memory_space<vmem>>) semaphore(%run_scoped3A_132 : memref<!tpu.dma_semaphore, #tpu.memory_space<semaphore_mem>>) {add = true}
        %dma_wait3A_143 = arith.constant 0 : i32
        %dma_wait3A_144 = arith.constant 0 : i32
        %dma_wait3A_145 = tpu.memref_slice %arg8[%run_scoped3A_110, %dma_wait3A_143, %dma_wait3A_144] : memref<2x128x128xf32, #tpu.memory_space<vmem>> -> memref<1x128x128xf32, #tpu.memory_space<vmem>>
        %dma_wait3A_146 = tpu.memref_squeeze %dma_wait3A_145 : memref<1x128x128xf32, #tpu.memory_space<vmem>> -> memref<128x128xf32, #tpu.memory_space<vmem>>
        %dma_wait3A_147 = arith.constant 0 : i32
        %dma_wait3A_148 = tpu.memref_slice %arg7[%select_n3A_71, %run_scoped3A_111, %dma_wait3A_147] : memref<2x18x128xi32, #tpu.memory_space<vmem>> -> memref<1x1x128xi32, #tpu.memory_space<vmem>>
        %dma_wait3A_149 = tpu.memref_squeeze %dma_wait3A_148 : memref<1x1x128xi32, #tpu.memory_space<vmem>> -> memref<128xi32, #tpu.memory_space<vmem>>
        %dma_wait3A_150 = arith.constant 0 : i32
        %dma_wait3A_151 = arith.constant 0 : i32
        %dma_wait3A_152 = tpu.memref_slice %arg9[%dma_wait3A_150, %dma_wait3A_151] : memref<10240x128xf32, #tpu.memory_space<vmem_shared>> -> memref<10240x128xf32, #tpu.memory_space<vmem_shared>>
        tpu.wait_indirect_dma semaphore(%run_scoped3A_132 : memref<!tpu.dma_semaphore, #tpu.memory_space<semaphore_mem>>) src(%dma_wait3A_146 : memref<128x128xf32, #tpu.memory_space<vmem>>) dst(%dma_wait3A_152 : memref<10240x128xf32, #tpu.memory_space<vmem_shared>>)
        tpu.yield
      }) : () -> ()
      %lt3A_112 = arith.constant 8 : i32
      %lt3A_113 = arith.cmpi slt, %scan3A_61, %lt3A_112 : i32
      %convert_element_type3A_114 = arith.extui %lt3A_113 : i1 to i32
      %cond3A_115 = arith.constant 0 : i32
      %cond3A_116 = arith.cmpi ne, %convert_element_type3A_114, %cond3A_115 : i32
      scf.if %cond3A_116 {
        %sub3A = arith.constant 1 : i32
        %sub3A_132 = arith.subi %sub3A, %select_n3A_71 : i32
        %dma_start3A_133 = arith.constant 0 : i32
        %dma_start3A_134 = arith.constant 0 : i32
        %dma_start3A_135 = arith.constant 0 : i32
        %dma_start3A_136 = arith.constant 0 : i32
        %dma_start3A_137 = tpu.memref_slice %arg8[%dma_start3A_134, %dma_start3A_135, %dma_start3A_136] : memref<2x128x128xf32, #tpu.memory_space<vmem>> -> memref<1x128x128xf32, #tpu.memory_space<vmem>>
        %dma_start3A_138 = tpu.memref_squeeze %dma_start3A_137 : memref<1x128x128xf32, #tpu.memory_space<vmem>> -> memref<128x128xf32, #tpu.memory_space<vmem>>
        %dma_start3A_139 = arith.constant 0 : i32
        %dma_start3A_140 = tpu.memref_slice %arg6[%sub3A_132, %dma_start3A_133, %dma_start3A_139] : memref<2x18x128xi32, #tpu.memory_space<vmem>> -> memref<1x1x128xi32, #tpu.memory_space<vmem>>
        %dma_start3A_141 = tpu.memref_squeeze %dma_start3A_140 : memref<1x1x128xi32, #tpu.memory_space<vmem>> -> memref<128xi32, #tpu.memory_space<vmem>>
        %dma_start3A_142 = arith.constant 0 : i32
        %dma_start3A_143 = arith.constant 0 : i32
        %dma_start3A_144 = tpu.memref_slice %arg2[%dma_start3A_142, %dma_start3A_143] : memref<20480x128xf32, #tpu.memory_space<hbm>> -> memref<20480x128xf32, #tpu.memory_space<hbm>>
        tpu.enqueue_indirect_dma source(%dma_start3A_144 : memref<20480x128xf32, #tpu.memory_space<hbm>>) target(%dma_start3A_138 : memref<128x128xf32, #tpu.memory_space<vmem>>) offsets(%dma_start3A_141 : memref<128xi32, #tpu.memory_space<vmem>>) semaphore(%arg10 : memref<!tpu.dma_semaphore, #tpu.memory_space<semaphore_mem>>)
      } else {
      }
      %dma_wait3A_117 = arith.constant 17 : i32
      %dma_wait3A_118 = arith.constant 1 : i32
      %dma_wait3A_119 = arith.constant 0 : i32
      %dma_wait3A_120 = arith.constant 0 : i32
      %dma_wait3A_121 = tpu.memref_slice %arg8[%dma_wait3A_118, %dma_wait3A_119, %dma_wait3A_120] : memref<2x128x128xf32, #tpu.memory_space<vmem>> -> memref<1x128x128xf32, #tpu.memory_space<vmem>>
      %dma_wait3A_122 = tpu.memref_squeeze %dma_wait3A_121 : memref<1x128x128xf32, #tpu.memory_space<vmem>> -> memref<128x128xf32, #tpu.memory_space<vmem>>
      %dma_wait3A_123 = arith.constant 0 : i32
      %dma_wait3A_124 = tpu.memref_slice %arg6[%select_n3A_71, %dma_wait3A_117, %dma_wait3A_123] : memref<2x18x128xi32, #tpu.memory_space<vmem>> -> memref<1x1x128xi32, #tpu.memory_space<vmem>>
      %dma_wait3A_125 = tpu.memref_squeeze %dma_wait3A_124 : memref<1x1x128xi32, #tpu.memory_space<vmem>> -> memref<128xi32, #tpu.memory_space<vmem>>
      %dma_wait3A_126 = arith.constant 0 : i32
      %dma_wait3A_127 = arith.constant 0 : i32
      %dma_wait3A_128 = tpu.memref_slice %arg2[%dma_wait3A_126, %dma_wait3A_127] : memref<20480x128xf32, #tpu.memory_space<hbm>> -> memref<20480x128xf32, #tpu.memory_space<hbm>>
      tpu.wait_indirect_dma semaphore(%arg11 : memref<!tpu.dma_semaphore, #tpu.memory_space<semaphore_mem>>) src(%dma_wait3A_128 : memref<20480x128xf32, #tpu.memory_space<hbm>>) dst(%dma_wait3A_122 : memref<128x128xf32, #tpu.memory_space<vmem>>)
      %run_scoped3A_129 = arith.constant 1 : i32
      %run_scoped3A_130 = arith.constant 17 : i32
      "tpu.region"() ({
        %run_scoped3A_132 = tpu.sem_alloc : memref<!tpu.dma_semaphore, #tpu.memory_space<semaphore_mem>>
        %dma_start3A_133 = arith.constant 0 : i32
        %dma_start3A_134 = arith.constant 0 : i32
        %dma_start3A_135 = tpu.memref_slice %arg8[%run_scoped3A_129, %dma_start3A_133, %dma_start3A_134] : memref<2x128x128xf32, #tpu.memory_space<vmem>> -> memref<1x128x128xf32, #tpu.memory_space<vmem>>
        %dma_start3A_136 = tpu.memref_squeeze %dma_start3A_135 : memref<1x128x128xf32, #tpu.memory_space<vmem>> -> memref<128x128xf32, #tpu.memory_space<vmem>>
        %dma_start3A_137 = arith.constant 0 : i32
        %dma_start3A_138 = tpu.memref_slice %arg7[%select_n3A_71, %run_scoped3A_130, %dma_start3A_137] : memref<2x18x128xi32, #tpu.memory_space<vmem>> -> memref<1x1x128xi32, #tpu.memory_space<vmem>>
        %dma_start3A_139 = tpu.memref_squeeze %dma_start3A_138 : memref<1x1x128xi32, #tpu.memory_space<vmem>> -> memref<128xi32, #tpu.memory_space<vmem>>
        %dma_start3A_140 = arith.constant 0 : i32
        %dma_start3A_141 = arith.constant 0 : i32
        %dma_start3A_142 = tpu.memref_slice %arg9[%dma_start3A_140, %dma_start3A_141] : memref<10240x128xf32, #tpu.memory_space<vmem_shared>> -> memref<10240x128xf32, #tpu.memory_space<vmem_shared>>
        tpu.enqueue_indirect_dma source(%dma_start3A_136 : memref<128x128xf32, #tpu.memory_space<vmem>>) target(%dma_start3A_142 : memref<10240x128xf32, #tpu.memory_space<vmem_shared>>) offsets(%dma_start3A_139 : memref<128xi32, #tpu.memory_space<vmem>>) semaphore(%run_scoped3A_132 : memref<!tpu.dma_semaphore, #tpu.memory_space<semaphore_mem>>) {add = true}
        %dma_wait3A_143 = arith.constant 0 : i32
        %dma_wait3A_144 = arith.constant 0 : i32
        %dma_wait3A_145 = tpu.memref_slice %arg8[%run_scoped3A_129, %dma_wait3A_143, %dma_wait3A_144] : memref<2x128x128xf32, #tpu.memory_space<vmem>> -> memref<1x128x128xf32, #tpu.memory_space<vmem>>
        %dma_wait3A_146 = tpu.memref_squeeze %dma_wait3A_145 : memref<1x128x128xf32, #tpu.memory_space<vmem>> -> memref<128x128xf32, #tpu.memory_space<vmem>>
        %dma_wait3A_147 = arith.constant 0 : i32
        %dma_wait3A_148 = tpu.memref_slice %arg7[%select_n3A_71, %run_scoped3A_130, %dma_wait3A_147] : memref<2x18x128xi32, #tpu.memory_space<vmem>> -> memref<1x1x128xi32, #tpu.memory_space<vmem>>
        %dma_wait3A_149 = tpu.memref_squeeze %dma_wait3A_148 : memref<1x1x128xi32, #tpu.memory_space<vmem>> -> memref<128xi32, #tpu.memory_space<vmem>>
        %dma_wait3A_150 = arith.constant 0 : i32
        %dma_wait3A_151 = arith.constant 0 : i32
        %dma_wait3A_152 = tpu.memref_slice %arg9[%dma_wait3A_150, %dma_wait3A_151] : memref<10240x128xf32, #tpu.memory_space<vmem_shared>> -> memref<10240x128xf32, #tpu.memory_space<vmem_shared>>
        tpu.wait_indirect_dma semaphore(%run_scoped3A_132 : memref<!tpu.dma_semaphore, #tpu.memory_space<semaphore_mem>>) src(%dma_wait3A_146 : memref<128x128xf32, #tpu.memory_space<vmem>>) dst(%dma_wait3A_152 : memref<10240x128xf32, #tpu.memory_space<vmem_shared>>)
        tpu.yield
      }) : () -> ()
      %scan3A_131 = arith.constant 0 : i32
      scf.yield %scan3A_131 : i32
    }
    %scan3A_52 = arith.constant 9 : i32
    %barrier3A_53 = arith.constant 0 : index
    tpu.barrier barrier_id(%barrier3A_53)
    %mul3A_54 = arith.constant 640 : i32
    %mul3A_55 = arith.muli %arg1, %mul3A_54 : i32
    %mul3A_56 = arith.constant 10240 : i32
    %mul3A_57 = arith.muli %arg0, %mul3A_56 : i32
    %mul3A_58 = arith.constant 640 : i32
    %mul3A_59 = arith.muli %arg1, %mul3A_58 : i32
    %add3A_60 = arith.addi %mul3A_57, %mul3A_59 : i32
    "tpu.region"() ({
      %run_scoped3A_61 = tpu.sem_alloc : memref<!tpu.dma_semaphore, #tpu.memory_space<semaphore_mem>>
      %dma_start3A_62 = arith.constant 0 : i32
      %dma_start3A_63 = tpu.memref_slice %arg5[%add3A_60, %dma_start3A_62] : memref<20480x128xf32, #tpu.memory_space<hbm>> -> memref<640x128xf32, #tpu.memory_space<hbm>>
      %dma_start3A_64 = arith.constant 0 : i32
      %dma_start3A_65 = tpu.memref_slice %arg9[%mul3A_55, %dma_start3A_64] : memref<10240x128xf32, #tpu.memory_space<vmem_shared>> -> memref<640x128xf32, #tpu.memory_space<vmem_shared>>
      tpu.enqueue_dma source(%dma_start3A_65 : memref<640x128xf32, #tpu.memory_space<vmem_shared>>) target(%dma_start3A_63 : memref<640x128xf32, #tpu.memory_space<hbm>>) target_semaphore(%run_scoped3A_61 : memref<!tpu.dma_semaphore, #tpu.memory_space<semaphore_mem>>)
      %dma_wait3A = arith.constant 0 : i32
      %dma_wait3A_66 = tpu.memref_slice %arg5[%add3A_60, %dma_wait3A] : memref<20480x128xf32, #tpu.memory_space<hbm>> -> memref<640x128xf32, #tpu.memory_space<hbm>>
      %dma_wait3A_67 = arith.constant 0 : i32
      %dma_wait3A_68 = tpu.memref_slice %arg9[%mul3A_55, %dma_wait3A_67] : memref<10240x128xf32, #tpu.memory_space<vmem_shared>> -> memref<640x128xf32, #tpu.memory_space<vmem_shared>>
      tpu.wait_dma2 semaphore(%run_scoped3A_61 : memref<!tpu.dma_semaphore, #tpu.memory_space<semaphore_mem>>) src(%dma_wait3A_68 : memref<640x128xf32, #tpu.memory_space<vmem_shared>>) dst(%dma_wait3A_66 : memref<640x128xf32, #tpu.memory_space<hbm>>)
      tpu.yield
    }) : () -> ()
    return
  }
}

#map = affine_map<(d0, d1) -> (0, 0)>
#map1 = affine_map<(d0, d1) -> (0, 0, 0, 0, 0)>
#map2 = affine_map<(d0, d1) -> (0, 0, 0, 0)>
module attributes {stable_mosaic.version = 14 : i64} {
  func.func @_agg_kernel(%arg0: i32, %arg1: i32, %arg2: memref<20480x128xf32, #tpu.memory_space<hbm>>, %arg3: memref<2x16x9x18x128xi32, #tpu.memory_space<hbm>>, %arg4: memref<16x9x18x128xi32, #tpu.memory_space<hbm>>, %arg5: memref<20480x128xf32, #tpu.memory_space<hbm>>, %arg6: memref<2x18x128xi32, #tpu.memory_space<vmem>>, %arg7: memref<2x18x128xi32, #tpu.memory_space<vmem>>, %arg8: memref<2x128x128xf32, #tpu.memory_space<vmem>>, %arg9: memref<10240x128xf32, #tpu.memory_space<vmem_shared>>, %arg10: memref<!tpu.dma_semaphore, #tpu.memory_space<semaphore_mem>>, %arg11: memref<!tpu.dma_semaphore, #tpu.memory_space<semaphore_mem>>, %arg12: memref<!tpu.dma_semaphore, #tpu.memory_space<semaphore_mem>>) attributes {dimension_semantics = [#tpu.dimension_semantics<core_parallel>, #tpu.dimension_semantics<subcore_parallel>], iteration_bounds = array<i64: 2, 16>, scalar_prefetch = 0 : i64, scratch_operands = 7 : i64, tpu.core_type = #tpu.core_type<sc_vector_subcore>, window_params = [{transform_indices = #map}, {transform_indices = #map1}, {transform_indices = #map2}, {transform_indices = #map}]} {
    %broadcast_in_dim3A = arith.constant 0.000000e+00 : f32
    %broadcast_in_dim3A_0 = vector.broadcast %broadcast_in_dim3A : f32 to vector<16xf32>
    %scan3A = arith.constant 0 : i32
    %scan3A_1 = arith.constant 0 : i32
    %scan3A_2 = arith.constant 0 : i32
    %scan3A_3 = arith.constant 128 : i32
    %scan3A_4 = arith.addi %scan3A_2, %scan3A_3 : i32
    %scan3A_5 = arith.constant 1 : i32
    %scan3A_6 = scf.for %scan3A_61 = %scan3A_2 to %scan3A_4 step %scan3A_5 iter_args(%scan3A_62 = %scan3A_1) -> (i32)  : i32 {
      %swap3A = arith.constant 0 : i32
      %swap3A_63 = arith.constant 0 : i32
      %swap3A_64 = tpu.memref_slice %arg8[%scan3A, %swap3A, %swap3A_63] : memref<2x128x128xf32, #tpu.memory_space<vmem>> -> memref<1x128x128xf32, #tpu.memory_space<vmem>>
      %swap3A_65 = tpu.memref_squeeze %swap3A_64 : memref<1x128x128xf32, #tpu.memory_space<vmem>> -> memref<128x128xf32, #tpu.memory_space<vmem>>
      %swap3A_66 = arith.index_cast %scan3A_61 : i32 to index
      %swap3A_67 = arith.constant 0 : index
      %swap3A_68 = tpu.vector_load %swap3A_65[%swap3A_66, %swap3A_67] {strides = array<i32>} : memref<128x128xf32, #tpu.memory_space<vmem>>, vector<1x16xf32>,
      %swap3A_69 = vector.shape_cast %swap3A_68 : vector<1x16xf32> to vector<16xf32>
      %swap3A_70 = vector.shape_cast %broadcast_in_dim3A_0 : vector<16xf32> to vector<1x16xf32>
      tpu.vector_store %swap3A_65[%swap3A_66, %swap3A_67], %swap3A_70 {strides = array<i32>} : memref<128x128xf32, #tpu.memory_space<vmem>>, vector<1x16xf32>,
      %swap3A_71 = arith.constant 0 : i32
      %swap3A_72 = arith.constant 0 : i32
      %swap3A_73 = tpu.memref_slice %arg8[%scan3A, %swap3A_71, %swap3A_72] : memref<2x128x128xf32, #tpu.memory_space<vmem>> -> memref<1x128x128xf32, #tpu.memory_space<vmem>>
      %swap3A_74 = tpu.memref_squeeze %swap3A_73 : memref<1x128x128xf32, #tpu.memory_space<vmem>> -> memref<128x128xf32, #tpu.memory_space<vmem>>
      %swap3A_75 = arith.index_cast %scan3A_61 : i32 to index
      %swap3A_76 = arith.constant 16 : index
      %swap3A_77 = tpu.vector_load %swap3A_74[%swap3A_75, %swap3A_76] {strides = array<i32>} : memref<128x128xf32, #tpu.memory_space<vmem>>, vector<1x16xf32>,
      %swap3A_78 = vector.shape_cast %swap3A_77 : vector<1x16xf32> to vector<16xf32>
      %swap3A_79 = vector.shape_cast %broadcast_in_dim3A_0 : vector<16xf32> to vector<1x16xf32>
      tpu.vector_store %swap3A_74[%swap3A_75, %swap3A_76], %swap3A_79 {strides = array<i32>} : memref<128x128xf32, #tpu.memory_space<vmem>>, vector<1x16xf32>,
      %swap3A_80 = arith.constant 0 : i32
      %swap3A_81 = arith.constant 0 : i32
      %swap3A_82 = tpu.memref_slice %arg8[%scan3A, %swap3A_80, %swap3A_81] : memref<2x128x128xf32, #tpu.memory_space<vmem>> -> memref<1x128x128xf32, #tpu.memory_space<vmem>>
      %swap3A_83 = tpu.memref_squeeze %swap3A_82 : memref<1x128x128xf32, #tpu.memory_space<vmem>> -> memref<128x128xf32, #tpu.memory_space<vmem>>
      %swap3A_84 = arith.index_cast %scan3A_61 : i32 to index
      %swap3A_85 = arith.constant 32 : index
      %swap3A_86 = tpu.vector_load %swap3A_83[%swap3A_84, %swap3A_85] {strides = array<i32>} : memref<128x128xf32, #tpu.memory_space<vmem>>, vector<1x16xf32>,
      %swap3A_87 = vector.shape_cast %swap3A_86 : vector<1x16xf32> to vector<16xf32>
      %swap3A_88 = vector.shape_cast %broadcast_in_dim3A_0 : vector<16xf32> to vector<1x16xf32>
      tpu.vector_store %swap3A_83[%swap3A_84, %swap3A_85], %swap3A_88 {strides = array<i32>} : memref<128x128xf32, #tpu.memory_space<vmem>>, vector<1x16xf32>,
      %swap3A_89 = arith.constant 0 : i32
      %swap3A_90 = arith.constant 0 : i32
      %swap3A_91 = tpu.memref_slice %arg8[%scan3A, %swap3A_89, %swap3A_90] : memref<2x128x128xf32, #tpu.memory_space<vmem>> -> memref<1x128x128xf32, #tpu.memory_space<vmem>>
      %swap3A_92 = tpu.memref_squeeze %swap3A_91 : memref<1x128x128xf32, #tpu.memory_space<vmem>> -> memref<128x128xf32, #tpu.memory_space<vmem>>
      %swap3A_93 = arith.index_cast %scan3A_61 : i32 to index
      %swap3A_94 = arith.constant 48 : index
      %swap3A_95 = tpu.vector_load %swap3A_92[%swap3A_93, %swap3A_94] {strides = array<i32>} : memref<128x128xf32, #tpu.memory_space<vmem>>, vector<1x16xf32>,
      %swap3A_96 = vector.shape_cast %swap3A_95 : vector<1x16xf32> to vector<16xf32>
      %swap3A_97 = vector.shape_cast %broadcast_in_dim3A_0 : vector<16xf32> to vector<1x16xf32>
      tpu.vector_store %swap3A_92[%swap3A_93, %swap3A_94], %swap3A_97 {strides = array<i32>} : memref<128x128xf32, #tpu.memory_space<vmem>>, vector<1x16xf32>,
      %swap3A_98 = arith.constant 0 : i32
      %swap3A_99 = arith.constant 0 : i32
      %swap3A_100 = tpu.memref_slice %arg8[%scan3A, %swap3A_98, %swap3A_99] : memref<2x128x128xf32, #tpu.memory_space<vmem>> -> memref<1x128x128xf32, #tpu.memory_space<vmem>>
      %swap3A_101 = tpu.memref_squeeze %swap3A_100 : memref<1x128x128xf32, #tpu.memory_space<vmem>> -> memref<128x128xf32, #tpu.memory_space<vmem>>
      %swap3A_102 = arith.index_cast %scan3A_61 : i32 to index
      %swap3A_103 = arith.constant 64 : index
      %swap3A_104 = tpu.vector_load %swap3A_101[%swap3A_102, %swap3A_103] {strides = array<i32>} : memref<128x128xf32, #tpu.memory_space<vmem>>, vector<1x16xf32>,
      %swap3A_105 = vector.shape_cast %swap3A_104 : vector<1x16xf32> to vector<16xf32>
      %swap3A_106 = vector.shape_cast %broadcast_in_dim3A_0 : vector<16xf32> to vector<1x16xf32>
      tpu.vector_store %swap3A_101[%swap3A_102, %swap3A_103], %swap3A_106 {strides = array<i32>} : memref<128x128xf32, #tpu.memory_space<vmem>>, vector<1x16xf32>,
      %swap3A_107 = arith.constant 0 : i32
      %swap3A_108 = arith.constant 0 : i32
      %swap3A_109 = tpu.memref_slice %arg8[%scan3A, %swap3A_107, %swap3A_108] : memref<2x128x128xf32, #tpu.memory_space<vmem>> -> memref<1x128x128xf32, #tpu.memory_space<vmem>>
      %swap3A_110 = tpu.memref_squeeze %swap3A_109 : memref<1x128x128xf32, #tpu.memory_space<vmem>> -> memref<128x128xf32, #tpu.memory_space<vmem>>
      %swap3A_111 = arith.index_cast %scan3A_61 : i32 to index
      %swap3A_112 = arith.constant 80 : index
      %swap3A_113 = tpu.vector_load %swap3A_110[%swap3A_111, %swap3A_112] {strides = array<i32>} : memref<128x128xf32, #tpu.memory_space<vmem>>, vector<1x16xf32>,
      %swap3A_114 = vector.shape_cast %swap3A_113 : vector<1x16xf32> to vector<16xf32>
      %swap3A_115 = vector.shape_cast %broadcast_in_dim3A_0 : vector<16xf32> to vector<1x16xf32>
      tpu.vector_store %swap3A_110[%swap3A_111, %swap3A_112], %swap3A_115 {strides = array<i32>} : memref<128x128xf32, #tpu.memory_space<vmem>>, vector<1x16xf32>,
      %swap3A_116 = arith.constant 0 : i32
      %swap3A_117 = arith.constant 0 : i32
      %swap3A_118 = tpu.memref_slice %arg8[%scan3A, %swap3A_116, %swap3A_117] : memref<2x128x128xf32, #tpu.memory_space<vmem>> -> memref<1x128x128xf32, #tpu.memory_space<vmem>>
      %swap3A_119 = tpu.memref_squeeze %swap3A_118 : memref<1x128x128xf32, #tpu.memory_space<vmem>> -> memref<128x128xf32, #tpu.memory_space<vmem>>
      %swap3A_120 = arith.index_cast %scan3A_61 : i32 to index
      %swap3A_121 = arith.constant 96 : index
      %swap3A_122 = tpu.vector_load %swap3A_119[%swap3A_120, %swap3A_121] {strides = array<i32>} : memref<128x128xf32, #tpu.memory_space<vmem>>, vector<1x16xf32>,
      %swap3A_123 = vector.shape_cast %swap3A_122 : vector<1x16xf32> to vector<16xf32>
      %swap3A_124 = vector.shape_cast %broadcast_in_dim3A_0 : vector<16xf32> to vector<1x16xf32>
      tpu.vector_store %swap3A_119[%swap3A_120, %swap3A_121], %swap3A_124 {strides = array<i32>} : memref<128x128xf32, #tpu.memory_space<vmem>>, vector<1x16xf32>,
      %swap3A_125 = arith.constant 0 : i32
      %swap3A_126 = arith.constant 0 : i32
      %swap3A_127 = tpu.memref_slice %arg8[%scan3A, %swap3A_125, %swap3A_126] : memref<2x128x128xf32, #tpu.memory_space<vmem>> -> memref<1x128x128xf32, #tpu.memory_space<vmem>>
      %swap3A_128 = tpu.memref_squeeze %swap3A_127 : memref<1x128x128xf32, #tpu.memory_space<vmem>> -> memref<128x128xf32, #tpu.memory_space<vmem>>
      %swap3A_129 = arith.index_cast %scan3A_61 : i32 to index
      %swap3A_130 = arith.constant 112 : index
      %swap3A_131 = tpu.vector_load %swap3A_128[%swap3A_129, %swap3A_130] {strides = array<i32>} : memref<128x128xf32, #tpu.memory_space<vmem>>, vector<1x16xf32>,
      %swap3A_132 = vector.shape_cast %swap3A_131 : vector<1x16xf32> to vector<16xf32>
      %swap3A_133 = vector.shape_cast %broadcast_in_dim3A_0 : vector<16xf32> to vector<1x16xf32>
      tpu.vector_store %swap3A_128[%swap3A_129, %swap3A_130], %swap3A_133 {strides = array<i32>} : memref<128x128xf32, #tpu.memory_space<vmem>>, vector<1x16xf32>,
      %scan3A_134 = arith.constant 0 : i32
      scf.yield %scan3A_134 : i32
    }
    %scan3A_7 = arith.constant 128 : i32
    %mul3A = arith.constant 640 : i32
    %mul3A_8 = arith.muli %arg1, %mul3A : i32
    %add3A = arith.constant 0 : i32
    %add3A_9 = arith.addi %mul3A_8, %add3A : i32
    %run_scoped3A = arith.constant 0 : i32
    "tpu.region"() ({
      %run_scoped3A_61 = tpu.sem_alloc : memref<!tpu.dma_semaphore, #tpu.memory_space<semaphore_mem>>
      %dma_start3A_62 = arith.constant 0 : i32
      %dma_start3A_63 = arith.constant 0 : i32
      %dma_start3A_64 = tpu.memref_slice %arg8[%run_scoped3A, %dma_start3A_62, %dma_start3A_63] : memref<2x128x128xf32, #tpu.memory_space<vmem>> -> memref<1x128x128xf32, #tpu.memory_space<vmem>>
      %dma_start3A_65 = tpu.memref_squeeze %dma_start3A_64 : memref<1x128x128xf32, #tpu.memory_space<vmem>> -> memref<128x128xf32, #tpu.memory_space<vmem>>
      %dma_start3A_66 = arith.constant 0 : i32
      %dma_start3A_67 = tpu.memref_slice %arg9[%add3A_9, %dma_start3A_66] : memref<10240x128xf32, #tpu.memory_space<vmem_shared>> -> memref<128x128xf32, #tpu.memory_space<vmem_shared>>
      %dma_start3A_68 = arith.constant 0 : i32
      %dma_start3A_69 = tpu.memref_slice %arg9[%add3A_9, %dma_start3A_68] : memref<10240x128xf32, #tpu.memory_space<vmem_shared>> -> memref<128x128xf32, #tpu.memory_space<vmem_shared>>
      %dma_start3A_70 = arith.constant 0 : i32
      %dma_start3A_71 = arith.constant 0 : i32
      %dma_start3A_72 = tpu.memref_slice %arg8[%run_scoped3A, %dma_start3A_70, %dma_start3A_71] : memref<2x128x128xf32, #tpu.memory_space<vmem>> -> memref<1x128x128xf32, #tpu.memory_space<vmem>>
      %dma_start3A_73 = tpu.memref_squeeze %dma_start3A_72 : memref<1x128x128xf32, #tpu.memory_space<vmem>> -> memref<128x128xf32, #tpu.memory_space<vmem>>
      tpu.enqueue_dma source(%dma_start3A_73 : memref<128x128xf32, #tpu.memory_space<vmem>>) target(%dma_start3A_69 : memref<128x128xf32, #tpu.memory_space<vmem_shared>>) target_semaphore(%run_scoped3A_61 : memref<!tpu.dma_semaphore, #tpu.memory_space<semaphore_mem>>)
      %dma_wait3A = arith.constant 0 : i32
      %dma_wait3A_74 = arith.constant 0 : i32
      %dma_wait3A_75 = tpu.memref_slice %arg8[%run_scoped3A, %dma_wait3A, %dma_wait3A_74] : memref<2x128x128xf32, #tpu.memory_space<vmem>> -> memref<1x128x128xf32, #tpu.memory_space<vmem>>
      %dma_wait3A_76 = tpu.memref_squeeze %dma_wait3A_75 : memref<1x128x128xf32, #tpu.memory_space<vmem>> -> memref<128x128xf32, #tpu.memory_space<vmem>>
      %dma_wait3A_77 = arith.constant 0 : i32
      %dma_wait3A_78 = tpu.memref_slice %arg9[%add3A_9, %dma_wait3A_77] : memref<10240x128xf32, #tpu.memory_space<vmem_shared>> -> memref<128x128xf32, #tpu.memory_space<vmem_shared>>
      %dma_wait3A_79 = arith.constant 0 : i32
      %dma_wait3A_80 = tpu.memref_slice %arg9[%add3A_9, %dma_wait3A_79] : memref<10240x128xf32, #tpu.memory_space<vmem_shared>> -> memref<128x128xf32, #tpu.memory_space<vmem_shared>>
      %dma_wait3A_81 = arith.constant 0 : i32
      %dma_wait3A_82 = arith.constant 0 : i32
      %dma_wait3A_83 = tpu.memref_slice %arg8[%run_scoped3A, %dma_wait3A_81, %dma_wait3A_82] : memref<2x128x128xf32, #tpu.memory_space<vmem>> -> memref<1x128x128xf32, #tpu.memory_space<vmem>>
      %dma_wait3A_84 = tpu.memref_squeeze %dma_wait3A_83 : memref<1x128x128xf32, #tpu.memory_space<vmem>> -> memref<128x128xf32, #tpu.memory_space<vmem>>
      tpu.wait_dma2 semaphore(%run_scoped3A_61 : memref<!tpu.dma_semaphore, #tpu.memory_space<semaphore_mem>>) src(%dma_wait3A_84 : memref<128x128xf32, #tpu.memory_space<vmem>>) dst(%dma_wait3A_80 : memref<128x128xf32, #tpu.memory_space<vmem_shared>>)
      tpu.yield
    }) : () -> ()
    %mul3A_10 = arith.constant 640 : i32
    %mul3A_11 = arith.muli %arg1, %mul3A_10 : i32
    %add3A_12 = arith.constant 128 : i32
    %add3A_13 = arith.addi %mul3A_11, %add3A_12 : i32
    %run_scoped3A_14 = arith.constant 0 : i32
    "tpu.region"() ({
      %run_scoped3A_61 = tpu.sem_alloc : memref<!tpu.dma_semaphore, #tpu.memory_space<semaphore_mem>>
      %dma_start3A_62 = arith.constant 0 : i32
      %dma_start3A_63 = arith.constant 0 : i32
      %dma_start3A_64 = tpu.memref_slice %arg8[%run_scoped3A_14, %dma_start3A_62, %dma_start3A_63] : memref<2x128x128xf32, #tpu.memory_space<vmem>> -> memref<1x128x128xf32, #tpu.memory_space<vmem>>
      %dma_start3A_65 = tpu.memref_squeeze %dma_start3A_64 : memref<1x128x128xf32, #tpu.memory_space<vmem>> -> memref<128x128xf32, #tpu.memory_space<vmem>>
      %dma_start3A_66 = arith.constant 0 : i32
      %dma_start3A_67 = tpu.memref_slice %arg9[%add3A_13, %dma_start3A_66] : memref<10240x128xf32, #tpu.memory_space<vmem_shared>> -> memref<128x128xf32, #tpu.memory_space<vmem_shared>>
      %dma_start3A_68 = arith.constant 0 : i32
      %dma_start3A_69 = tpu.memref_slice %arg9[%add3A_13, %dma_start3A_68] : memref<10240x128xf32, #tpu.memory_space<vmem_shared>> -> memref<128x128xf32, #tpu.memory_space<vmem_shared>>
      %dma_start3A_70 = arith.constant 0 : i32
      %dma_start3A_71 = arith.constant 0 : i32
      %dma_start3A_72 = tpu.memref_slice %arg8[%run_scoped3A_14, %dma_start3A_70, %dma_start3A_71] : memref<2x128x128xf32, #tpu.memory_space<vmem>> -> memref<1x128x128xf32, #tpu.memory_space<vmem>>
      %dma_start3A_73 = tpu.memref_squeeze %dma_start3A_72 : memref<1x128x128xf32, #tpu.memory_space<vmem>> -> memref<128x128xf32, #tpu.memory_space<vmem>>
      tpu.enqueue_dma source(%dma_start3A_73 : memref<128x128xf32, #tpu.memory_space<vmem>>) target(%dma_start3A_69 : memref<128x128xf32, #tpu.memory_space<vmem_shared>>) target_semaphore(%run_scoped3A_61 : memref<!tpu.dma_semaphore, #tpu.memory_space<semaphore_mem>>)
      %dma_wait3A = arith.constant 0 : i32
      %dma_wait3A_74 = arith.constant 0 : i32
      %dma_wait3A_75 = tpu.memref_slice %arg8[%run_scoped3A_14, %dma_wait3A, %dma_wait3A_74] : memref<2x128x128xf32, #tpu.memory_space<vmem>> -> memref<1x128x128xf32, #tpu.memory_space<vmem>>
      %dma_wait3A_76 = tpu.memref_squeeze %dma_wait3A_75 : memref<1x128x128xf32, #tpu.memory_space<vmem>> -> memref<128x128xf32, #tpu.memory_space<vmem>>
      %dma_wait3A_77 = arith.constant 0 : i32
      %dma_wait3A_78 = tpu.memref_slice %arg9[%add3A_13, %dma_wait3A_77] : memref<10240x128xf32, #tpu.memory_space<vmem_shared>> -> memref<128x128xf32, #tpu.memory_space<vmem_shared>>
      %dma_wait3A_79 = arith.constant 0 : i32
      %dma_wait3A_80 = tpu.memref_slice %arg9[%add3A_13, %dma_wait3A_79] : memref<10240x128xf32, #tpu.memory_space<vmem_shared>> -> memref<128x128xf32, #tpu.memory_space<vmem_shared>>
      %dma_wait3A_81 = arith.constant 0 : i32
      %dma_wait3A_82 = arith.constant 0 : i32
      %dma_wait3A_83 = tpu.memref_slice %arg8[%run_scoped3A_14, %dma_wait3A_81, %dma_wait3A_82] : memref<2x128x128xf32, #tpu.memory_space<vmem>> -> memref<1x128x128xf32, #tpu.memory_space<vmem>>
      %dma_wait3A_84 = tpu.memref_squeeze %dma_wait3A_83 : memref<1x128x128xf32, #tpu.memory_space<vmem>> -> memref<128x128xf32, #tpu.memory_space<vmem>>
      tpu.wait_dma2 semaphore(%run_scoped3A_61 : memref<!tpu.dma_semaphore, #tpu.memory_space<semaphore_mem>>) src(%dma_wait3A_84 : memref<128x128xf32, #tpu.memory_space<vmem>>) dst(%dma_wait3A_80 : memref<128x128xf32, #tpu.memory_space<vmem_shared>>)
      tpu.yield
    }) : () -> ()
    %mul3A_15 = arith.constant 640 : i32
    %mul3A_16 = arith.muli %arg1, %mul3A_15 : i32
    %add3A_17 = arith.constant 256 : i32
    %add3A_18 = arith.addi %mul3A_16, %add3A_17 : i32
    %run_scoped3A_19 = arith.constant 0 : i32
    "tpu.region"() ({
      %run_scoped3A_61 = tpu.sem_alloc : memref<!tpu.dma_semaphore, #tpu.memory_space<semaphore_mem>>
      %dma_start3A_62 = arith.constant 0 : i32
      %dma_start3A_63 = arith.constant 0 : i32
      %dma_start3A_64 = tpu.memref_slice %arg8[%run_scoped3A_19, %dma_start3A_62, %dma_start3A_63] : memref<2x128x128xf32, #tpu.memory_space<vmem>> -> memref<1x128x128xf32, #tpu.memory_space<vmem>>
      %dma_start3A_65 = tpu.memref_squeeze %dma_start3A_64 : memref<1x128x128xf32, #tpu.memory_space<vmem>> -> memref<128x128xf32, #tpu.memory_space<vmem>>
      %dma_start3A_66 = arith.constant 0 : i32
      %dma_start3A_67 = tpu.memref_slice %arg9[%add3A_18, %dma_start3A_66] : memref<10240x128xf32, #tpu.memory_space<vmem_shared>> -> memref<128x128xf32, #tpu.memory_space<vmem_shared>>
      %dma_start3A_68 = arith.constant 0 : i32
      %dma_start3A_69 = tpu.memref_slice %arg9[%add3A_18, %dma_start3A_68] : memref<10240x128xf32, #tpu.memory_space<vmem_shared>> -> memref<128x128xf32, #tpu.memory_space<vmem_shared>>
      %dma_start3A_70 = arith.constant 0 : i32
      %dma_start3A_71 = arith.constant 0 : i32
      %dma_start3A_72 = tpu.memref_slice %arg8[%run_scoped3A_19, %dma_start3A_70, %dma_start3A_71] : memref<2x128x128xf32, #tpu.memory_space<vmem>> -> memref<1x128x128xf32, #tpu.memory_space<vmem>>
      %dma_start3A_73 = tpu.memref_squeeze %dma_start3A_72 : memref<1x128x128xf32, #tpu.memory_space<vmem>> -> memref<128x128xf32, #tpu.memory_space<vmem>>
      tpu.enqueue_dma source(%dma_start3A_73 : memref<128x128xf32, #tpu.memory_space<vmem>>) target(%dma_start3A_69 : memref<128x128xf32, #tpu.memory_space<vmem_shared>>) target_semaphore(%run_scoped3A_61 : memref<!tpu.dma_semaphore, #tpu.memory_space<semaphore_mem>>)
      %dma_wait3A = arith.constant 0 : i32
      %dma_wait3A_74 = arith.constant 0 : i32
      %dma_wait3A_75 = tpu.memref_slice %arg8[%run_scoped3A_19, %dma_wait3A, %dma_wait3A_74] : memref<2x128x128xf32, #tpu.memory_space<vmem>> -> memref<1x128x128xf32, #tpu.memory_space<vmem>>
      %dma_wait3A_76 = tpu.memref_squeeze %dma_wait3A_75 : memref<1x128x128xf32, #tpu.memory_space<vmem>> -> memref<128x128xf32, #tpu.memory_space<vmem>>
      %dma_wait3A_77 = arith.constant 0 : i32
      %dma_wait3A_78 = tpu.memref_slice %arg9[%add3A_18, %dma_wait3A_77] : memref<10240x128xf32, #tpu.memory_space<vmem_shared>> -> memref<128x128xf32, #tpu.memory_space<vmem_shared>>
      %dma_wait3A_79 = arith.constant 0 : i32
      %dma_wait3A_80 = tpu.memref_slice %arg9[%add3A_18, %dma_wait3A_79] : memref<10240x128xf32, #tpu.memory_space<vmem_shared>> -> memref<128x128xf32, #tpu.memory_space<vmem_shared>>
      %dma_wait3A_81 = arith.constant 0 : i32
      %dma_wait3A_82 = arith.constant 0 : i32
      %dma_wait3A_83 = tpu.memref_slice %arg8[%run_scoped3A_19, %dma_wait3A_81, %dma_wait3A_82] : memref<2x128x128xf32, #tpu.memory_space<vmem>> -> memref<1x128x128xf32, #tpu.memory_space<vmem>>
      %dma_wait3A_84 = tpu.memref_squeeze %dma_wait3A_83 : memref<1x128x128xf32, #tpu.memory_space<vmem>> -> memref<128x128xf32, #tpu.memory_space<vmem>>
      tpu.wait_dma2 semaphore(%run_scoped3A_61 : memref<!tpu.dma_semaphore, #tpu.memory_space<semaphore_mem>>) src(%dma_wait3A_84 : memref<128x128xf32, #tpu.memory_space<vmem>>) dst(%dma_wait3A_80 : memref<128x128xf32, #tpu.memory_space<vmem_shared>>)
      tpu.yield
    }) : () -> ()
    %mul3A_20 = arith.constant 640 : i32
    %mul3A_21 = arith.muli %arg1, %mul3A_20 : i32
    %add3A_22 = arith.constant 384 : i32
    %add3A_23 = arith.addi %mul3A_21, %add3A_22 : i32
    %run_scoped3A_24 = arith.constant 0 : i32
    "tpu.region"() ({
      %run_scoped3A_61 = tpu.sem_alloc : memref<!tpu.dma_semaphore, #tpu.memory_space<semaphore_mem>>
      %dma_start3A_62 = arith.constant 0 : i32
      %dma_start3A_63 = arith.constant 0 : i32
      %dma_start3A_64 = tpu.memref_slice %arg8[%run_scoped3A_24, %dma_start3A_62, %dma_start3A_63] : memref<2x128x128xf32, #tpu.memory_space<vmem>> -> memref<1x128x128xf32, #tpu.memory_space<vmem>>
      %dma_start3A_65 = tpu.memref_squeeze %dma_start3A_64 : memref<1x128x128xf32, #tpu.memory_space<vmem>> -> memref<128x128xf32, #tpu.memory_space<vmem>>
      %dma_start3A_66 = arith.constant 0 : i32
      %dma_start3A_67 = tpu.memref_slice %arg9[%add3A_23, %dma_start3A_66] : memref<10240x128xf32, #tpu.memory_space<vmem_shared>> -> memref<128x128xf32, #tpu.memory_space<vmem_shared>>
      %dma_start3A_68 = arith.constant 0 : i32
      %dma_start3A_69 = tpu.memref_slice %arg9[%add3A_23, %dma_start3A_68] : memref<10240x128xf32, #tpu.memory_space<vmem_shared>> -> memref<128x128xf32, #tpu.memory_space<vmem_shared>>
      %dma_start3A_70 = arith.constant 0 : i32
      %dma_start3A_71 = arith.constant 0 : i32
      %dma_start3A_72 = tpu.memref_slice %arg8[%run_scoped3A_24, %dma_start3A_70, %dma_start3A_71] : memref<2x128x128xf32, #tpu.memory_space<vmem>> -> memref<1x128x128xf32, #tpu.memory_space<vmem>>
      %dma_start3A_73 = tpu.memref_squeeze %dma_start3A_72 : memref<1x128x128xf32, #tpu.memory_space<vmem>> -> memref<128x128xf32, #tpu.memory_space<vmem>>
      tpu.enqueue_dma source(%dma_start3A_73 : memref<128x128xf32, #tpu.memory_space<vmem>>) target(%dma_start3A_69 : memref<128x128xf32, #tpu.memory_space<vmem_shared>>) target_semaphore(%run_scoped3A_61 : memref<!tpu.dma_semaphore, #tpu.memory_space<semaphore_mem>>)
      %dma_wait3A = arith.constant 0 : i32
      %dma_wait3A_74 = arith.constant 0 : i32
      %dma_wait3A_75 = tpu.memref_slice %arg8[%run_scoped3A_24, %dma_wait3A, %dma_wait3A_74] : memref<2x128x128xf32, #tpu.memory_space<vmem>> -> memref<1x128x128xf32, #tpu.memory_space<vmem>>
      %dma_wait3A_76 = tpu.memref_squeeze %dma_wait3A_75 : memref<1x128x128xf32, #tpu.memory_space<vmem>> -> memref<128x128xf32, #tpu.memory_space<vmem>>
      %dma_wait3A_77 = arith.constant 0 : i32
      %dma_wait3A_78 = tpu.memref_slice %arg9[%add3A_23, %dma_wait3A_77] : memref<10240x128xf32, #tpu.memory_space<vmem_shared>> -> memref<128x128xf32, #tpu.memory_space<vmem_shared>>
      %dma_wait3A_79 = arith.constant 0 : i32
      %dma_wait3A_80 = tpu.memref_slice %arg9[%add3A_23, %dma_wait3A_79] : memref<10240x128xf32, #tpu.memory_space<vmem_shared>> -> memref<128x128xf32, #tpu.memory_space<vmem_shared>>
      %dma_wait3A_81 = arith.constant 0 : i32
      %dma_wait3A_82 = arith.constant 0 : i32
      %dma_wait3A_83 = tpu.memref_slice %arg8[%run_scoped3A_24, %dma_wait3A_81, %dma_wait3A_82] : memref<2x128x128xf32, #tpu.memory_space<vmem>> -> memref<1x128x128xf32, #tpu.memory_space<vmem>>
      %dma_wait3A_84 = tpu.memref_squeeze %dma_wait3A_83 : memref<1x128x128xf32, #tpu.memory_space<vmem>> -> memref<128x128xf32, #tpu.memory_space<vmem>>
      tpu.wait_dma2 semaphore(%run_scoped3A_61 : memref<!tpu.dma_semaphore, #tpu.memory_space<semaphore_mem>>) src(%dma_wait3A_84 : memref<128x128xf32, #tpu.memory_space<vmem>>) dst(%dma_wait3A_80 : memref<128x128xf32, #tpu.memory_space<vmem_shared>>)
      tpu.yield
    }) : () -> ()
    %mul3A_25 = arith.constant 640 : i32
    %mul3A_26 = arith.muli %arg1, %mul3A_25 : i32
    %add3A_27 = arith.constant 512 : i32
    %add3A_28 = arith.addi %mul3A_26, %add3A_27 : i32
    %run_scoped3A_29 = arith.constant 0 : i32
    "tpu.region"() ({
      %run_scoped3A_61 = tpu.sem_alloc : memref<!tpu.dma_semaphore, #tpu.memory_space<semaphore_mem>>
      %dma_start3A_62 = arith.constant 0 : i32
      %dma_start3A_63 = arith.constant 0 : i32
      %dma_start3A_64 = tpu.memref_slice %arg8[%run_scoped3A_29, %dma_start3A_62, %dma_start3A_63] : memref<2x128x128xf32, #tpu.memory_space<vmem>> -> memref<1x128x128xf32, #tpu.memory_space<vmem>>
      %dma_start3A_65 = tpu.memref_squeeze %dma_start3A_64 : memref<1x128x128xf32, #tpu.memory_space<vmem>> -> memref<128x128xf32, #tpu.memory_space<vmem>>
      %dma_start3A_66 = arith.constant 0 : i32
      %dma_start3A_67 = tpu.memref_slice %arg9[%add3A_28, %dma_start3A_66] : memref<10240x128xf32, #tpu.memory_space<vmem_shared>> -> memref<128x128xf32, #tpu.memory_space<vmem_shared>>
      %dma_start3A_68 = arith.constant 0 : i32
      %dma_start3A_69 = tpu.memref_slice %arg9[%add3A_28, %dma_start3A_68] : memref<10240x128xf32, #tpu.memory_space<vmem_shared>> -> memref<128x128xf32, #tpu.memory_space<vmem_shared>>
      %dma_start3A_70 = arith.constant 0 : i32
      %dma_start3A_71 = arith.constant 0 : i32
      %dma_start3A_72 = tpu.memref_slice %arg8[%run_scoped3A_29, %dma_start3A_70, %dma_start3A_71] : memref<2x128x128xf32, #tpu.memory_space<vmem>> -> memref<1x128x128xf32, #tpu.memory_space<vmem>>
      %dma_start3A_73 = tpu.memref_squeeze %dma_start3A_72 : memref<1x128x128xf32, #tpu.memory_space<vmem>> -> memref<128x128xf32, #tpu.memory_space<vmem>>
      tpu.enqueue_dma source(%dma_start3A_73 : memref<128x128xf32, #tpu.memory_space<vmem>>) target(%dma_start3A_69 : memref<128x128xf32, #tpu.memory_space<vmem_shared>>) target_semaphore(%run_scoped3A_61 : memref<!tpu.dma_semaphore, #tpu.memory_space<semaphore_mem>>)
      %dma_wait3A = arith.constant 0 : i32
      %dma_wait3A_74 = arith.constant 0 : i32
      %dma_wait3A_75 = tpu.memref_slice %arg8[%run_scoped3A_29, %dma_wait3A, %dma_wait3A_74] : memref<2x128x128xf32, #tpu.memory_space<vmem>> -> memref<1x128x128xf32, #tpu.memory_space<vmem>>
      %dma_wait3A_76 = tpu.memref_squeeze %dma_wait3A_75 : memref<1x128x128xf32, #tpu.memory_space<vmem>> -> memref<128x128xf32, #tpu.memory_space<vmem>>
      %dma_wait3A_77 = arith.constant 0 : i32
      %dma_wait3A_78 = tpu.memref_slice %arg9[%add3A_28, %dma_wait3A_77] : memref<10240x128xf32, #tpu.memory_space<vmem_shared>> -> memref<128x128xf32, #tpu.memory_space<vmem_shared>>
      %dma_wait3A_79 = arith.constant 0 : i32
      %dma_wait3A_80 = tpu.memref_slice %arg9[%add3A_28, %dma_wait3A_79] : memref<10240x128xf32, #tpu.memory_space<vmem_shared>> -> memref<128x128xf32, #tpu.memory_space<vmem_shared>>
      %dma_wait3A_81 = arith.constant 0 : i32
      %dma_wait3A_82 = arith.constant 0 : i32
      %dma_wait3A_83 = tpu.memref_slice %arg8[%run_scoped3A_29, %dma_wait3A_81, %dma_wait3A_82] : memref<2x128x128xf32, #tpu.memory_space<vmem>> -> memref<1x128x128xf32, #tpu.memory_space<vmem>>
      %dma_wait3A_84 = tpu.memref_squeeze %dma_wait3A_83 : memref<1x128x128xf32, #tpu.memory_space<vmem>> -> memref<128x128xf32, #tpu.memory_space<vmem>>
      tpu.wait_dma2 semaphore(%run_scoped3A_61 : memref<!tpu.dma_semaphore, #tpu.memory_space<semaphore_mem>>) src(%dma_wait3A_84 : memref<128x128xf32, #tpu.memory_space<vmem>>) dst(%dma_wait3A_80 : memref<128x128xf32, #tpu.memory_space<vmem_shared>>)
      tpu.yield
    }) : () -> ()
    %run_scoped3A_30 = arith.constant 0 : i32
    %run_scoped3A_31 = arith.constant 0 : i32
    "tpu.region"() ({
      %run_scoped3A_61 = tpu.sem_alloc : memref<!tpu.dma_semaphore, #tpu.memory_space<semaphore_mem>>
      %dma_start3A_62 = arith.constant 0 : i32
      %dma_start3A_63 = arith.constant 0 : i32
      %dma_start3A_64 = tpu.memref_slice %arg6[%run_scoped3A_31, %dma_start3A_62, %dma_start3A_63] : memref<2x18x128xi32, #tpu.memory_space<vmem>> -> memref<1x18x128xi32, #tpu.memory_space<vmem>>
      %dma_start3A_65 = tpu.memref_squeeze %dma_start3A_64 : memref<1x18x128xi32, #tpu.memory_space<vmem>> -> memref<18x128xi32, #tpu.memory_space<vmem>>
      %dma_start3A_66 = arith.constant 0 : i32
      %dma_start3A_67 = arith.constant 0 : i32
      %dma_start3A_68 = tpu.memref_slice %arg3[%arg0, %arg1, %run_scoped3A_30, %dma_start3A_66, %dma_start3A_67] : memref<2x16x9x18x128xi32, #tpu.memory_space<hbm>> -> memref<1x1x1x18x128xi32, #tpu.memory_space<hbm>>
      %dma_start3A_69 = tpu.memref_squeeze %dma_start3A_68 : memref<1x1x1x18x128xi32, #tpu.memory_space<hbm>> -> memref<18x128xi32, #tpu.memory_space<hbm>>
      %dma_start3A_70 = arith.constant 0 : i32
      %dma_start3A_71 = arith.constant 0 : i32
      %dma_start3A_72 = tpu.memref_slice %arg6[%run_scoped3A_31, %dma_start3A_70, %dma_start3A_71] : memref<2x18x128xi32, #tpu.memory_space<vmem>> -> memref<1x18x128xi32, #tpu.memory_space<vmem>>
      %dma_start3A_73 = tpu.memref_squeeze %dma_start3A_72 : memref<1x18x128xi32, #tpu.memory_space<vmem>> -> memref<18x128xi32, #tpu.memory_space<vmem>>
      %dma_start3A_74 = arith.constant 0 : i32
      %dma_start3A_75 = arith.constant 0 : i32
      %dma_start3A_76 = tpu.memref_slice %arg3[%arg0, %arg1, %run_scoped3A_30, %dma_start3A_74, %dma_start3A_75] : memref<2x16x9x18x128xi32, #tpu.memory_space<hbm>> -> memref<1x1x1x18x128xi32, #tpu.memory_space<hbm>>
      %dma_start3A_77 = tpu.memref_squeeze %dma_start3A_76 : memref<1x1x1x18x128xi32, #tpu.memory_space<hbm>> -> memref<18x128xi32, #tpu.memory_space<hbm>>
      tpu.enqueue_dma source(%dma_start3A_77 : memref<18x128xi32, #tpu.memory_space<hbm>>) target(%dma_start3A_73 : memref<18x128xi32, #tpu.memory_space<vmem>>) target_semaphore(%run_scoped3A_61 : memref<!tpu.dma_semaphore, #tpu.memory_space<semaphore_mem>>)
      %dma_wait3A = arith.constant 0 : i32
      %dma_wait3A_78 = arith.constant 0 : i32
      %dma_wait3A_79 = tpu.memref_slice %arg6[%run_scoped3A_31, %dma_wait3A, %dma_wait3A_78] : memref<2x18x128xi32, #tpu.memory_space<vmem>> -> memref<1x18x128xi32, #tpu.memory_space<vmem>>
      %dma_wait3A_80 = tpu.memref_squeeze %dma_wait3A_79 : memref<1x18x128xi32, #tpu.memory_space<vmem>> -> memref<18x128xi32, #tpu.memory_space<vmem>>
      %dma_wait3A_81 = arith.constant 0 : i32
      %dma_wait3A_82 = arith.constant 0 : i32
      %dma_wait3A_83 = tpu.memref_slice %arg3[%arg0, %arg1, %run_scoped3A_30, %dma_wait3A_81, %dma_wait3A_82] : memref<2x16x9x18x128xi32, #tpu.memory_space<hbm>> -> memref<1x1x1x18x128xi32, #tpu.memory_space<hbm>>
      %dma_wait3A_84 = tpu.memref_squeeze %dma_wait3A_83 : memref<1x1x1x18x128xi32, #tpu.memory_space<hbm>> -> memref<18x128xi32, #tpu.memory_space<hbm>>
      %dma_wait3A_85 = arith.constant 0 : i32
      %dma_wait3A_86 = arith.constant 0 : i32
      %dma_wait3A_87 = tpu.memref_slice %arg6[%run_scoped3A_31, %dma_wait3A_85, %dma_wait3A_86] : memref<2x18x128xi32, #tpu.memory_space<vmem>> -> memref<1x18x128xi32, #tpu.memory_space<vmem>>
      %dma_wait3A_88 = tpu.memref_squeeze %dma_wait3A_87 : memref<1x18x128xi32, #tpu.memory_space<vmem>> -> memref<18x128xi32, #tpu.memory_space<vmem>>
      %dma_wait3A_89 = arith.constant 0 : i32
      %dma_wait3A_90 = arith.constant 0 : i32
      %dma_wait3A_91 = tpu.memref_slice %arg3[%arg0, %arg1, %run_scoped3A_30, %dma_wait3A_89, %dma_wait3A_90] : memref<2x16x9x18x128xi32, #tpu.memory_space<hbm>> -> memref<1x1x1x18x128xi32, #tpu.memory_space<hbm>>
      %dma_wait3A_92 = tpu.memref_squeeze %dma_wait3A_91 : memref<1x1x1x18x128xi32, #tpu.memory_space<hbm>> -> memref<18x128xi32, #tpu.memory_space<hbm>>
      tpu.wait_dma2 semaphore(%run_scoped3A_61 : memref<!tpu.dma_semaphore, #tpu.memory_space<semaphore_mem>>) src(%dma_wait3A_92 : memref<18x128xi32, #tpu.memory_space<hbm>>) dst(%dma_wait3A_88 : memref<18x128xi32, #tpu.memory_space<vmem>>)
      tpu.yield
    }) : () -> ()
    %run_scoped3A_32 = arith.constant 0 : i32
    %run_scoped3A_33 = arith.constant 0 : i32
    "tpu.region"() ({
      %run_scoped3A_61 = tpu.sem_alloc : memref<!tpu.dma_semaphore, #tpu.memory_space<semaphore_mem>>
      %dma_start3A_62 = arith.constant 0 : i32
      %dma_start3A_63 = arith.constant 0 : i32
      %dma_start3A_64 = tpu.memref_slice %arg7[%run_scoped3A_33, %dma_start3A_62, %dma_start3A_63] : memref<2x18x128xi32, #tpu.memory_space<vmem>> -> memref<1x18x128xi32, #tpu.memory_space<vmem>>
      %dma_start3A_65 = tpu.memref_squeeze %dma_start3A_64 : memref<1x18x128xi32, #tpu.memory_space<vmem>> -> memref<18x128xi32, #tpu.memory_space<vmem>>
      %dma_start3A_66 = arith.constant 0 : i32
      %dma_start3A_67 = arith.constant 0 : i32
      %dma_start3A_68 = tpu.memref_slice %arg4[%arg1, %run_scoped3A_32, %dma_start3A_66, %dma_start3A_67] : memref<16x9x18x128xi32, #tpu.memory_space<hbm>> -> memref<1x1x18x128xi32, #tpu.memory_space<hbm>>
      %dma_start3A_69 = tpu.memref_squeeze %dma_start3A_68 : memref<1x1x18x128xi32, #tpu.memory_space<hbm>> -> memref<18x128xi32, #tpu.memory_space<hbm>>
      %dma_start3A_70 = arith.constant 0 : i32
      %dma_start3A_71 = arith.constant 0 : i32
      %dma_start3A_72 = tpu.memref_slice %arg7[%run_scoped3A_33, %dma_start3A_70, %dma_start3A_71] : memref<2x18x128xi32, #tpu.memory_space<vmem>> -> memref<1x18x128xi32, #tpu.memory_space<vmem>>
      %dma_start3A_73 = tpu.memref_squeeze %dma_start3A_72 : memref<1x18x128xi32, #tpu.memory_space<vmem>> -> memref<18x128xi32, #tpu.memory_space<vmem>>
      %dma_start3A_74 = arith.constant 0 : i32
      %dma_start3A_75 = arith.constant 0 : i32
      %dma_start3A_76 = tpu.memref_slice %arg4[%arg1, %run_scoped3A_32, %dma_start3A_74, %dma_start3A_75] : memref<16x9x18x128xi32, #tpu.memory_space<hbm>> -> memref<1x1x18x128xi32, #tpu.memory_space<hbm>>
      %dma_start3A_77 = tpu.memref_squeeze %dma_start3A_76 : memref<1x1x18x128xi32, #tpu.memory_space<hbm>> -> memref<18x128xi32, #tpu.memory_space<hbm>>
      tpu.enqueue_dma source(%dma_start3A_77 : memref<18x128xi32, #tpu.memory_space<hbm>>) target(%dma_start3A_73 : memref<18x128xi32, #tpu.memory_space<vmem>>) target_semaphore(%run_scoped3A_61 : memref<!tpu.dma_semaphore, #tpu.memory_space<semaphore_mem>>)
      %dma_wait3A = arith.constant 0 : i32
      %dma_wait3A_78 = arith.constant 0 : i32
      %dma_wait3A_79 = tpu.memref_slice %arg7[%run_scoped3A_33, %dma_wait3A, %dma_wait3A_78] : memref<2x18x128xi32, #tpu.memory_space<vmem>> -> memref<1x18x128xi32, #tpu.memory_space<vmem>>
      %dma_wait3A_80 = tpu.memref_squeeze %dma_wait3A_79 : memref<1x18x128xi32, #tpu.memory_space<vmem>> -> memref<18x128xi32, #tpu.memory_space<vmem>>
      %dma_wait3A_81 = arith.constant 0 : i32
      %dma_wait3A_82 = arith.constant 0 : i32
      %dma_wait3A_83 = tpu.memref_slice %arg4[%arg1, %run_scoped3A_32, %dma_wait3A_81, %dma_wait3A_82] : memref<16x9x18x128xi32, #tpu.memory_space<hbm>> -> memref<1x1x18x128xi32, #tpu.memory_space<hbm>>
      %dma_wait3A_84 = tpu.memref_squeeze %dma_wait3A_83 : memref<1x1x18x128xi32, #tpu.memory_space<hbm>> -> memref<18x128xi32, #tpu.memory_space<hbm>>
      %dma_wait3A_85 = arith.constant 0 : i32
      %dma_wait3A_86 = arith.constant 0 : i32
      %dma_wait3A_87 = tpu.memref_slice %arg7[%run_scoped3A_33, %dma_wait3A_85, %dma_wait3A_86] : memref<2x18x128xi32, #tpu.memory_space<vmem>> -> memref<1x18x128xi32, #tpu.memory_space<vmem>>
      %dma_wait3A_88 = tpu.memref_squeeze %dma_wait3A_87 : memref<1x18x128xi32, #tpu.memory_space<vmem>> -> memref<18x128xi32, #tpu.memory_space<vmem>>
      %dma_wait3A_89 = arith.constant 0 : i32
      %dma_wait3A_90 = arith.constant 0 : i32
      %dma_wait3A_91 = tpu.memref_slice %arg4[%arg1, %run_scoped3A_32, %dma_wait3A_89, %dma_wait3A_90] : memref<16x9x18x128xi32, #tpu.memory_space<hbm>> -> memref<1x1x18x128xi32, #tpu.memory_space<hbm>>
      %dma_wait3A_92 = tpu.memref_squeeze %dma_wait3A_91 : memref<1x1x18x128xi32, #tpu.memory_space<hbm>> -> memref<18x128xi32, #tpu.memory_space<hbm>>
      tpu.wait_dma2 semaphore(%run_scoped3A_61 : memref<!tpu.dma_semaphore, #tpu.memory_space<semaphore_mem>>) src(%dma_wait3A_92 : memref<18x128xi32, #tpu.memory_space<hbm>>) dst(%dma_wait3A_88 : memref<18x128xi32, #tpu.memory_space<vmem>>)
      tpu.yield
    }) : () -> ()
    %barrier3A = arith.constant 0 : index
    tpu.barrier barrier_id(%barrier3A)
    %dma_start3A = arith.constant 0 : i32
    %dma_start3A_34 = arith.constant 0 : i32
    %dma_start3A_35 = arith.constant 0 : i32
    %dma_start3A_36 = arith.constant 0 : i32
    %dma_start3A_37 = arith.constant 0 : i32
    %dma_start3A_38 = tpu.memref_slice %arg8[%dma_start3A_35, %dma_start3A_36, %dma_start3A_37] : memref<2x128x128xf32, #tpu.memory_space<vmem>> -> memref<1x128x128xf32, #tpu.memory_space<vmem>>
    %dma_start3A_39 = tpu.memref_squeeze %dma_start3A_38 : memref<1x128x128xf32, #tpu.memory_space<vmem>> -> memref<128x128xf32, #tpu.memory_space<vmem>>
    %dma_start3A_40 = arith.constant 0 : i32
    %dma_start3A_41 = tpu.memref_slice %arg6[%dma_start3A, %dma_start3A_34, %dma_start3A_40] : memref<2x18x128xi32, #tpu.memory_space<vmem>> -> memref<1x1x128xi32, #tpu.memory_space<vmem>>
    %dma_start3A_42 = tpu.memref_squeeze %dma_start3A_41 : memref<1x1x128xi32, #tpu.memory_space<vmem>> -> memref<128xi32, #tpu.memory_space<vmem>>
    %dma_start3A_43 = arith.constant 0 : i32
    %dma_start3A_44 = arith.constant 0 : i32
    %dma_start3A_45 = tpu.memref_slice %arg2[%dma_start3A_43, %dma_start3A_44] : memref<20480x128xf32, #tpu.memory_space<hbm>> -> memref<20480x128xf32, #tpu.memory_space<hbm>>
    tpu.enqueue_indirect_dma source(%dma_start3A_45 : memref<20480x128xf32, #tpu.memory_space<hbm>>) target(%dma_start3A_39 : memref<128x128xf32, #tpu.memory_space<vmem>>) offsets(%dma_start3A_42 : memref<128xi32, #tpu.memory_space<vmem>>) semaphore(%arg10 : memref<!tpu.dma_semaphore, #tpu.memory_space<semaphore_mem>>)
    %scan3A_46 = arith.constant 0 : i32
    %scan3A_47 = arith.constant 0 : i32
    %scan3A_48 = arith.constant 9 : i32
    %scan3A_49 = arith.addi %scan3A_47, %scan3A_48 : i32
    %scan3A_50 = arith.constant 1 : i32
    %scan3A_51 = scf.for %scan3A_61 = %scan3A_47 to %scan3A_49 step %scan3A_50 iter_args(%scan3A_62 = %scan3A_46) -> (i32)  : i32 {
      %jit3A = arith.constant 2 : i32
      %eq3A = arith.constant 0 : i32
      %eq3A_63 = arith.cmpi eq, %jit3A, %eq3A : i32
      %jit3A_64 = arith.constant 1 : i32
      %select_n3A = arith.select %eq3A_63, %jit3A_64, %jit3A : i32
      %rem3A = arith.remsi %scan3A_61, %select_n3A : i32
      %ne3A = arith.constant 0 : i32
      %ne3A_65 = arith.cmpi ne, %rem3A, %ne3A : i32
      %lt3A = arith.constant 0 : i32
      %lt3A_66 = arith.cmpi slt, %rem3A, %lt3A : i32
      %lt3A_67 = arith.constant 0 : i32
      %lt3A_68 = arith.cmpi slt, %select_n3A, %lt3A_67 : i32
      %ne3A_69 = arith.xori %lt3A_66, %lt3A_68 : i1
      %and3A = arith.andi %ne3A_69, %ne3A_65 : i1
      %add3A_70 = arith.addi %rem3A, %select_n3A : i32
      %select_n3A_71 = arith.select %and3A, %add3A_70, %rem3A : i32
      %lt3A_72 = arith.constant 8 : i32
      %lt3A_73 = arith.cmpi slt, %scan3A_61, %lt3A_72 : i32
      %convert_element_type3A = arith.extui %lt3A_73 : i1 to i32
      %cond3A = arith.constant 0 : i32
      %cond3A_74 = arith.cmpi ne, %convert_element_type3A, %cond3A : i32
      scf.if %cond3A_74 {
        %add3A_132 = arith.constant 1 : i32
        %add3A_133 = arith.addi %scan3A_61, %add3A_132 : i32
        %sub3A = arith.constant 1 : i32
        %sub3A_134 = arith.subi %sub3A, %select_n3A_71 : i32
        %dma_start3A_135 = arith.constant 0 : i32
        %dma_start3A_136 = arith.constant 0 : i32
        %dma_start3A_137 = tpu.memref_slice %arg6[%sub3A_134, %dma_start3A_135, %dma_start3A_136] : memref<2x18x128xi32, #tpu.memory_space<vmem>> -> memref<1x18x128xi32, #tpu.memory_space<vmem>>
        %dma_start3A_138 = tpu.memref_squeeze %dma_start3A_137 : memref<1x18x128xi32, #tpu.memory_space<vmem>> -> memref<18x128xi32, #tpu.memory_space<vmem>>
        %dma_start3A_139 = arith.constant 0 : i32
        %dma_start3A_140 = arith.constant 0 : i32
        %dma_start3A_141 = tpu.memref_slice %arg3[%arg0, %arg1, %add3A_133, %dma_start3A_139, %dma_start3A_140] : memref<2x16x9x18x128xi32, #tpu.memory_space<hbm>> -> memref<1x1x1x18x128xi32, #tpu.memory_space<hbm>>
        %dma_start3A_142 = tpu.memref_squeeze %dma_start3A_141 : memref<1x1x1x18x128xi32, #tpu.memory_space<hbm>> -> memref<18x128xi32, #tpu.memory_space<hbm>>
        %dma_start3A_143 = arith.constant 0 : i32
        %dma_start3A_144 = arith.constant 0 : i32
        %dma_start3A_145 = tpu.memref_slice %arg6[%sub3A_134, %dma_start3A_143, %dma_start3A_144] : memref<2x18x128xi32, #tpu.memory_space<vmem>> -> memref<1x18x128xi32, #tpu.memory_space<vmem>>
        %dma_start3A_146 = tpu.memref_squeeze %dma_start3A_145 : memref<1x18x128xi32, #tpu.memory_space<vmem>> -> memref<18x128xi32, #tpu.memory_space<vmem>>
        %dma_start3A_147 = arith.constant 0 : i32
        %dma_start3A_148 = arith.constant 0 : i32
        %dma_start3A_149 = tpu.memref_slice %arg3[%arg0, %arg1, %add3A_133, %dma_start3A_147, %dma_start3A_148] : memref<2x16x9x18x128xi32, #tpu.memory_space<hbm>> -> memref<1x1x1x18x128xi32, #tpu.memory_space<hbm>>
        %dma_start3A_150 = tpu.memref_squeeze %dma_start3A_149 : memref<1x1x1x18x128xi32, #tpu.memory_space<hbm>> -> memref<18x128xi32, #tpu.memory_space<hbm>>
        tpu.enqueue_dma source(%dma_start3A_150 : memref<18x128xi32, #tpu.memory_space<hbm>>) target(%dma_start3A_146 : memref<18x128xi32, #tpu.memory_space<vmem>>) target_semaphore(%arg12 : memref<!tpu.dma_semaphore, #tpu.memory_space<semaphore_mem>>)
        %add3A_151 = arith.constant 1 : i32
        %add3A_152 = arith.addi %scan3A_61, %add3A_151 : i32
        %sub3A_153 = arith.constant 1 : i32
        %sub3A_154 = arith.subi %sub3A_153, %select_n3A_71 : i32
        %dma_start3A_155 = arith.constant 0 : i32
        %dma_start3A_156 = arith.constant 0 : i32
        %dma_start3A_157 = tpu.memref_slice %arg7[%sub3A_154, %dma_start3A_155, %dma_start3A_156] : memref<2x18x128xi32, #tpu.memory_space<vmem>> -> memref<1x18x128xi32, #tpu.memory_space<vmem>>
        %dma_start3A_158 = tpu.memref_squeeze %dma_start3A_157 : memref<1x18x128xi32, #tpu.memory_space<vmem>> -> memref<18x128xi32, #tpu.memory_space<vmem>>
        %dma_start3A_159 = arith.constant 0 : i32
        %dma_start3A_160 = arith.constant 0 : i32
        %dma_start3A_161 = tpu.memref_slice %arg4[%arg1, %add3A_152, %dma_start3A_159, %dma_start3A_160] : memref<16x9x18x128xi32, #tpu.memory_space<hbm>> -> memref<1x1x18x128xi32, #tpu.memory_space<hbm>>
        %dma_start3A_162 = tpu.memref_squeeze %dma_start3A_161 : memref<1x1x18x128xi32, #tpu.memory_space<hbm>> -> memref<18x128xi32, #tpu.memory_space<hbm>>
        %dma_start3A_163 = arith.constant 0 : i32
        %dma_start3A_164 = arith.constant 0 : i32
        %dma_start3A_165 = tpu.memref_slice %arg7[%sub3A_154, %dma_start3A_163, %dma_start3A_164] : memref<2x18x128xi32, #tpu.memory_space<vmem>> -> memref<1x18x128xi32, #tpu.memory_space<vmem>>
        %dma_start3A_166 = tpu.memref_squeeze %dma_start3A_165 : memref<1x18x128xi32, #tpu.memory_space<vmem>> -> memref<18x128xi32, #tpu.memory_space<vmem>>
        %dma_start3A_167 = arith.constant 0 : i32
        %dma_start3A_168 = arith.constant 0 : i32
        %dma_start3A_169 = tpu.memref_slice %arg4[%arg1, %add3A_152, %dma_start3A_167, %dma_start3A_168] : memref<16x9x18x128xi32, #tpu.memory_space<hbm>> -> memref<1x1x18x128xi32, #tpu.memory_space<hbm>>
        %dma_start3A_170 = tpu.memref_squeeze %dma_start3A_169 : memref<1x1x18x128xi32, #tpu.memory_space<hbm>> -> memref<18x128xi32, #tpu.memory_space<hbm>>
        tpu.enqueue_dma source(%dma_start3A_170 : memref<18x128xi32, #tpu.memory_space<hbm>>) target(%dma_start3A_166 : memref<18x128xi32, #tpu.memory_space<vmem>>) target_semaphore(%arg12 : memref<!tpu.dma_semaphore, #tpu.memory_space<semaphore_mem>>)
      } else {
      }
      %scan3A_75 = arith.constant 0 : i32
      %scan3A_76 = arith.constant 0 : i32
      %scan3A_77 = arith.constant 8 : i32
      %scan3A_78 = arith.addi %scan3A_76, %scan3A_77 : i32
      %scan3A_79 = arith.constant 1 : i32
      %scan3A_80 = scf.for %scan3A_132 = %scan3A_76 to %scan3A_78 step %scan3A_79 iter_args(%scan3A_133 = %scan3A_75) -> (i32)  : i32 {
        %mul3A_134 = arith.constant 2 : i32
        %mul3A_135 = arith.muli %mul3A_134, %scan3A_132 : i32
        %add3A_136 = arith.constant 1 : i32
        %add3A_137 = arith.addi %mul3A_135, %add3A_136 : i32
        %dma_start3A_138 = arith.constant 1 : i32
        %dma_start3A_139 = arith.constant 0 : i32
        %dma_start3A_140 = arith.constant 0 : i32
        %dma_start3A_141 = tpu.memref_slice %arg8[%dma_start3A_138, %dma_start3A_139, %dma_start3A_140] : memref<2x128x128xf32, #tpu.memory_space<vmem>> -> memref<1x128x128xf32, #tpu.memory_space<vmem>>
        %dma_start3A_142 = tpu.memref_squeeze %dma_start3A_141 : memref<1x128x128xf32, #tpu.memory_space<vmem>> -> memref<128x128xf32, #tpu.memory_space<vmem>>
        %dma_start3A_143 = arith.constant 0 : i32
        %dma_start3A_144 = tpu.memref_slice %arg6[%select_n3A_71, %add3A_137, %dma_start3A_143] : memref<2x18x128xi32, #tpu.memory_space<vmem>> -> memref<1x1x128xi32, #tpu.memory_space<vmem>>
        %dma_start3A_145 = tpu.memref_squeeze %dma_start3A_144 : memref<1x1x128xi32, #tpu.memory_space<vmem>> -> memref<128xi32, #tpu.memory_space<vmem>>
        %dma_start3A_146 = arith.constant 0 : i32
        %dma_start3A_147 = arith.constant 0 : i32
        %dma_start3A_148 = tpu.memref_slice %arg2[%dma_start3A_146, %dma_start3A_147] : memref<20480x128xf32, #tpu.memory_space<hbm>> -> memref<20480x128xf32, #tpu.memory_space<hbm>>
        tpu.enqueue_indirect_dma source(%dma_start3A_148 : memref<20480x128xf32, #tpu.memory_space<hbm>>) target(%dma_start3A_142 : memref<128x128xf32, #tpu.memory_space<vmem>>) offsets(%dma_start3A_145 : memref<128xi32, #tpu.memory_space<vmem>>) semaphore(%arg11 : memref<!tpu.dma_semaphore, #tpu.memory_space<semaphore_mem>>)
        %dma_wait3A_149 = arith.constant 0 : i32
        %dma_wait3A_150 = arith.constant 0 : i32
        %dma_wait3A_151 = arith.constant 0 : i32
        %dma_wait3A_152 = tpu.memref_slice %arg8[%dma_wait3A_149, %dma_wait3A_150, %dma_wait3A_151] : memref<2x128x128xf32, #tpu.memory_space<vmem>> -> memref<1x128x128xf32, #tpu.memory_space<vmem>>
        %dma_wait3A_153 = tpu.memref_squeeze %dma_wait3A_152 : memref<1x128x128xf32, #tpu.memory_space<vmem>> -> memref<128x128xf32, #tpu.memory_space<vmem>>
        %dma_wait3A_154 = arith.constant 0 : i32
        %dma_wait3A_155 = tpu.memref_slice %arg6[%select_n3A_71, %mul3A_135, %dma_wait3A_154] : memref<2x18x128xi32, #tpu.memory_space<vmem>> -> memref<1x1x128xi32, #tpu.memory_space<vmem>>
        %dma_wait3A_156 = tpu.memref_squeeze %dma_wait3A_155 : memref<1x1x128xi32, #tpu.memory_space<vmem>> -> memref<128xi32, #tpu.memory_space<vmem>>
        %dma_wait3A_157 = arith.constant 0 : i32
        %dma_wait3A_158 = arith.constant 0 : i32
        %dma_wait3A_159 = tpu.memref_slice %arg2[%dma_wait3A_157, %dma_wait3A_158] : memref<20480x128xf32, #tpu.memory_space<hbm>> -> memref<20480x128xf32, #tpu.memory_space<hbm>>
        tpu.wait_indirect_dma semaphore(%arg10 : memref<!tpu.dma_semaphore, #tpu.memory_space<semaphore_mem>>) src(%dma_wait3A_159 : memref<20480x128xf32, #tpu.memory_space<hbm>>) dst(%dma_wait3A_153 : memref<128x128xf32, #tpu.memory_space<vmem>>)
        %run_scoped3A_160 = arith.constant 0 : i32
        "tpu.region"() ({
          %run_scoped3A_191 = tpu.sem_alloc : memref<!tpu.dma_semaphore, #tpu.memory_space<semaphore_mem>>
          %dma_start3A_192 = arith.constant 0 : i32
          %dma_start3A_193 = arith.constant 0 : i32
          %dma_start3A_194 = tpu.memref_slice %arg8[%run_scoped3A_160, %dma_start3A_192, %dma_start3A_193] : memref<2x128x128xf32, #tpu.memory_space<vmem>> -> memref<1x128x128xf32, #tpu.memory_space<vmem>>
          %dma_start3A_195 = tpu.memref_squeeze %dma_start3A_194 : memref<1x128x128xf32, #tpu.memory_space<vmem>> -> memref<128x128xf32, #tpu.memory_space<vmem>>
          %dma_start3A_196 = arith.constant 0 : i32
          %dma_start3A_197 = tpu.memref_slice %arg7[%select_n3A_71, %mul3A_135, %dma_start3A_196] : memref<2x18x128xi32, #tpu.memory_space<vmem>> -> memref<1x1x128xi32, #tpu.memory_space<vmem>>
          %dma_start3A_198 = tpu.memref_squeeze %dma_start3A_197 : memref<1x1x128xi32, #tpu.memory_space<vmem>> -> memref<128xi32, #tpu.memory_space<vmem>>
          %dma_start3A_199 = arith.constant 0 : i32
          %dma_start3A_200 = arith.constant 0 : i32
          %dma_start3A_201 = tpu.memref_slice %arg9[%dma_start3A_199, %dma_start3A_200] : memref<10240x128xf32, #tpu.memory_space<vmem_shared>> -> memref<10240x128xf32, #tpu.memory_space<vmem_shared>>
          tpu.enqueue_indirect_dma source(%dma_start3A_195 : memref<128x128xf32, #tpu.memory_space<vmem>>) target(%dma_start3A_201 : memref<10240x128xf32, #tpu.memory_space<vmem_shared>>) offsets(%dma_start3A_198 : memref<128xi32, #tpu.memory_space<vmem>>) semaphore(%run_scoped3A_191 : memref<!tpu.dma_semaphore, #tpu.memory_space<semaphore_mem>>) {add = true}
          %dma_wait3A_202 = arith.constant 0 : i32
          %dma_wait3A_203 = arith.constant 0 : i32
          %dma_wait3A_204 = tpu.memref_slice %arg8[%run_scoped3A_160, %dma_wait3A_202, %dma_wait3A_203] : memref<2x128x128xf32, #tpu.memory_space<vmem>> -> memref<1x128x128xf32, #tpu.memory_space<vmem>>
          %dma_wait3A_205 = tpu.memref_squeeze %dma_wait3A_204 : memref<1x128x128xf32, #tpu.memory_space<vmem>> -> memref<128x128xf32, #tpu.memory_space<vmem>>
          %dma_wait3A_206 = arith.constant 0 : i32
          %dma_wait3A_207 = tpu.memref_slice %arg7[%select_n3A_71, %mul3A_135, %dma_wait3A_206] : memref<2x18x128xi32, #tpu.memory_space<vmem>> -> memref<1x1x128xi32, #tpu.memory_space<vmem>>
          %dma_wait3A_208 = tpu.memref_squeeze %dma_wait3A_207 : memref<1x1x128xi32, #tpu.memory_space<vmem>> -> memref<128xi32, #tpu.memory_space<vmem>>
          %dma_wait3A_209 = arith.constant 0 : i32
          %dma_wait3A_210 = arith.constant 0 : i32
          %dma_wait3A_211 = tpu.memref_slice %arg9[%dma_wait3A_209, %dma_wait3A_210] : memref<10240x128xf32, #tpu.memory_space<vmem_shared>> -> memref<10240x128xf32, #tpu.memory_space<vmem_shared>>
          tpu.wait_indirect_dma semaphore(%run_scoped3A_191 : memref<!tpu.dma_semaphore, #tpu.memory_space<semaphore_mem>>) src(%dma_wait3A_205 : memref<128x128xf32, #tpu.memory_space<vmem>>) dst(%dma_wait3A_211 : memref<10240x128xf32, #tpu.memory_space<vmem_shared>>)
          tpu.yield
        }) : () -> ()
        %add3A_161 = arith.constant 2 : i32
        %add3A_162 = arith.addi %mul3A_135, %add3A_161 : i32
        %dma_start3A_163 = arith.constant 0 : i32
        %dma_start3A_164 = arith.constant 0 : i32
        %dma_start3A_165 = arith.constant 0 : i32
        %dma_start3A_166 = tpu.memref_slice %arg8[%dma_start3A_163, %dma_start3A_164, %dma_start3A_165] : memref<2x128x128xf32, #tpu.memory_space<vmem>> -> memref<1x128x128xf32, #tpu.memory_space<vmem>>
        %dma_start3A_167 = tpu.memref_squeeze %dma_start3A_166 : memref<1x128x128xf32, #tpu.memory_space<vmem>> -> memref<128x128xf32, #tpu.memory_space<vmem>>
        %dma_start3A_168 = arith.constant 0 : i32
        %dma_start3A_169 = tpu.memref_slice %arg6[%select_n3A_71, %add3A_162, %dma_start3A_168] : memref<2x18x128xi32, #tpu.memory_space<vmem>> -> memref<1x1x128xi32, #tpu.memory_space<vmem>>
        %dma_start3A_170 = tpu.memref_squeeze %dma_start3A_169 : memref<1x1x128xi32, #tpu.memory_space<vmem>> -> memref<128xi32, #tpu.memory_space<vmem>>
        %dma_start3A_171 = arith.constant 0 : i32
        %dma_start3A_172 = arith.constant 0 : i32
        %dma_start3A_173 = tpu.memref_slice %arg2[%dma_start3A_171, %dma_start3A_172] : memref<20480x128xf32, #tpu.memory_space<hbm>> -> memref<20480x128xf32, #tpu.memory_space<hbm>>
        tpu.enqueue_indirect_dma source(%dma_start3A_173 : memref<20480x128xf32, #tpu.memory_space<hbm>>) target(%dma_start3A_167 : memref<128x128xf32, #tpu.memory_space<vmem>>) offsets(%dma_start3A_170 : memref<128xi32, #tpu.memory_space<vmem>>) semaphore(%arg10 : memref<!tpu.dma_semaphore, #tpu.memory_space<semaphore_mem>>)
        %add3A_174 = arith.constant 1 : i32
        %add3A_175 = arith.addi %mul3A_135, %add3A_174 : i32
        %dma_wait3A_176 = arith.constant 1 : i32
        %dma_wait3A_177 = arith.constant 0 : i32
        %dma_wait3A_178 = arith.constant 0 : i32
        %dma_wait3A_179 = tpu.memref_slice %arg8[%dma_wait3A_176, %dma_wait3A_177, %dma_wait3A_178] : memref<2x128x128xf32, #tpu.memory_space<vmem>> -> memref<1x128x128xf32, #tpu.memory_space<vmem>>
        %dma_wait3A_180 = tpu.memref_squeeze %dma_wait3A_179 : memref<1x128x128xf32, #tpu.memory_space<vmem>> -> memref<128x128xf32, #tpu.memory_space<vmem>>
        %dma_wait3A_181 = arith.constant 0 : i32
        %dma_wait3A_182 = tpu.memref_slice %arg6[%select_n3A_71, %add3A_175, %dma_wait3A_181] : memref<2x18x128xi32, #tpu.memory_space<vmem>> -> memref<1x1x128xi32, #tpu.memory_space<vmem>>
        %dma_wait3A_183 = tpu.memref_squeeze %dma_wait3A_182 : memref<1x1x128xi32, #tpu.memory_space<vmem>> -> memref<128xi32, #tpu.memory_space<vmem>>
        %dma_wait3A_184 = arith.constant 0 : i32
        %dma_wait3A_185 = arith.constant 0 : i32
        %dma_wait3A_186 = tpu.memref_slice %arg2[%dma_wait3A_184, %dma_wait3A_185] : memref<20480x128xf32, #tpu.memory_space<hbm>> -> memref<20480x128xf32, #tpu.memory_space<hbm>>
        tpu.wait_indirect_dma semaphore(%arg11 : memref<!tpu.dma_semaphore, #tpu.memory_space<semaphore_mem>>) src(%dma_wait3A_186 : memref<20480x128xf32, #tpu.memory_space<hbm>>) dst(%dma_wait3A_180 : memref<128x128xf32, #tpu.memory_space<vmem>>)
        %add3A_187 = arith.constant 1 : i32
        %add3A_188 = arith.addi %mul3A_135, %add3A_187 : i32
        %run_scoped3A_189 = arith.constant 1 : i32
        "tpu.region"() ({
          %run_scoped3A_191 = tpu.sem_alloc : memref<!tpu.dma_semaphore, #tpu.memory_space<semaphore_mem>>
          %dma_start3A_192 = arith.constant 0 : i32
          %dma_start3A_193 = arith.constant 0 : i32
          %dma_start3A_194 = tpu.memref_slice %arg8[%run_scoped3A_189, %dma_start3A_192, %dma_start3A_193] : memref<2x128x128xf32, #tpu.memory_space<vmem>> -> memref<1x128x128xf32, #tpu.memory_space<vmem>>
          %dma_start3A_195 = tpu.memref_squeeze %dma_start3A_194 : memref<1x128x128xf32, #tpu.memory_space<vmem>> -> memref<128x128xf32, #tpu.memory_space<vmem>>
          %dma_start3A_196 = arith.constant 0 : i32
          %dma_start3A_197 = tpu.memref_slice %arg7[%select_n3A_71, %add3A_188, %dma_start3A_196] : memref<2x18x128xi32, #tpu.memory_space<vmem>> -> memref<1x1x128xi32, #tpu.memory_space<vmem>>
          %dma_start3A_198 = tpu.memref_squeeze %dma_start3A_197 : memref<1x1x128xi32, #tpu.memory_space<vmem>> -> memref<128xi32, #tpu.memory_space<vmem>>
          %dma_start3A_199 = arith.constant 0 : i32
          %dma_start3A_200 = arith.constant 0 : i32
          %dma_start3A_201 = tpu.memref_slice %arg9[%dma_start3A_199, %dma_start3A_200] : memref<10240x128xf32, #tpu.memory_space<vmem_shared>> -> memref<10240x128xf32, #tpu.memory_space<vmem_shared>>
          tpu.enqueue_indirect_dma source(%dma_start3A_195 : memref<128x128xf32, #tpu.memory_space<vmem>>) target(%dma_start3A_201 : memref<10240x128xf32, #tpu.memory_space<vmem_shared>>) offsets(%dma_start3A_198 : memref<128xi32, #tpu.memory_space<vmem>>) semaphore(%run_scoped3A_191 : memref<!tpu.dma_semaphore, #tpu.memory_space<semaphore_mem>>) {add = true}
          %dma_wait3A_202 = arith.constant 0 : i32
          %dma_wait3A_203 = arith.constant 0 : i32
          %dma_wait3A_204 = tpu.memref_slice %arg8[%run_scoped3A_189, %dma_wait3A_202, %dma_wait3A_203] : memref<2x128x128xf32, #tpu.memory_space<vmem>> -> memref<1x128x128xf32, #tpu.memory_space<vmem>>
          %dma_wait3A_205 = tpu.memref_squeeze %dma_wait3A_204 : memref<1x128x128xf32, #tpu.memory_space<vmem>> -> memref<128x128xf32, #tpu.memory_space<vmem>>
          %dma_wait3A_206 = arith.constant 0 : i32
          %dma_wait3A_207 = tpu.memref_slice %arg7[%select_n3A_71, %add3A_188, %dma_wait3A_206] : memref<2x18x128xi32, #tpu.memory_space<vmem>> -> memref<1x1x128xi32, #tpu.memory_space<vmem>>
          %dma_wait3A_208 = tpu.memref_squeeze %dma_wait3A_207 : memref<1x1x128xi32, #tpu.memory_space<vmem>> -> memref<128xi32, #tpu.memory_space<vmem>>
          %dma_wait3A_209 = arith.constant 0 : i32
          %dma_wait3A_210 = arith.constant 0 : i32
          %dma_wait3A_211 = tpu.memref_slice %arg9[%dma_wait3A_209, %dma_wait3A_210] : memref<10240x128xf32, #tpu.memory_space<vmem_shared>> -> memref<10240x128xf32, #tpu.memory_space<vmem_shared>>
          tpu.wait_indirect_dma semaphore(%run_scoped3A_191 : memref<!tpu.dma_semaphore, #tpu.memory_space<semaphore_mem>>) src(%dma_wait3A_205 : memref<128x128xf32, #tpu.memory_space<vmem>>) dst(%dma_wait3A_211 : memref<10240x128xf32, #tpu.memory_space<vmem_shared>>)
          tpu.yield
        }) : () -> ()
        %scan3A_190 = arith.constant 0 : i32
        scf.yield %scan3A_190 : i32
      }
      %scan3A_81 = arith.constant 8 : i32
      %lt3A_82 = arith.constant 8 : i32
      %lt3A_83 = arith.cmpi slt, %scan3A_61, %lt3A_82 : i32
      %convert_element_type3A_84 = arith.extui %lt3A_83 : i1 to i32
      %cond3A_85 = arith.constant 0 : i32
      %cond3A_86 = arith.cmpi ne, %convert_element_type3A_84, %cond3A_85 : i32
      scf.if %cond3A_86 {
        %add3A_132 = arith.constant 1 : i32
        %add3A_133 = arith.addi %scan3A_61, %add3A_132 : i32
        %sub3A = arith.constant 1 : i32
        %sub3A_134 = arith.subi %sub3A, %select_n3A_71 : i32
        %dma_wait3A_135 = arith.constant 0 : i32
        %dma_wait3A_136 = arith.constant 0 : i32
        %dma_wait3A_137 = tpu.memref_slice %arg6[%sub3A_134, %dma_wait3A_135, %dma_wait3A_136] : memref<2x18x128xi32, #tpu.memory_space<vmem>> -> memref<1x18x128xi32, #tpu.memory_space<vmem>>
        %dma_wait3A_138 = tpu.memref_squeeze %dma_wait3A_137 : memref<1x18x128xi32, #tpu.memory_space<vmem>> -> memref<18x128xi32, #tpu.memory_space<vmem>>
        %dma_wait3A_139 = arith.constant 0 : i32
        %dma_wait3A_140 = arith.constant 0 : i32
        %dma_wait3A_141 = tpu.memref_slice %arg3[%arg0, %arg1, %add3A_133, %dma_wait3A_139, %dma_wait3A_140] : memref<2x16x9x18x128xi32, #tpu.memory_space<hbm>> -> memref<1x1x1x18x128xi32, #tpu.memory_space<hbm>>
        %dma_wait3A_142 = tpu.memref_squeeze %dma_wait3A_141 : memref<1x1x1x18x128xi32, #tpu.memory_space<hbm>> -> memref<18x128xi32, #tpu.memory_space<hbm>>
        %dma_wait3A_143 = arith.constant 0 : i32
        %dma_wait3A_144 = arith.constant 0 : i32
        %dma_wait3A_145 = tpu.memref_slice %arg6[%sub3A_134, %dma_wait3A_143, %dma_wait3A_144] : memref<2x18x128xi32, #tpu.memory_space<vmem>> -> memref<1x18x128xi32, #tpu.memory_space<vmem>>
        %dma_wait3A_146 = tpu.memref_squeeze %dma_wait3A_145 : memref<1x18x128xi32, #tpu.memory_space<vmem>> -> memref<18x128xi32, #tpu.memory_space<vmem>>
        %dma_wait3A_147 = arith.constant 0 : i32
        %dma_wait3A_148 = arith.constant 0 : i32
        %dma_wait3A_149 = tpu.memref_slice %arg3[%arg0, %arg1, %add3A_133, %dma_wait3A_147, %dma_wait3A_148] : memref<2x16x9x18x128xi32, #tpu.memory_space<hbm>> -> memref<1x1x1x18x128xi32, #tpu.memory_space<hbm>>
        %dma_wait3A_150 = tpu.memref_squeeze %dma_wait3A_149 : memref<1x1x1x18x128xi32, #tpu.memory_space<hbm>> -> memref<18x128xi32, #tpu.memory_space<hbm>>
        tpu.wait_dma2 semaphore(%arg12 : memref<!tpu.dma_semaphore, #tpu.memory_space<semaphore_mem>>) src(%dma_wait3A_150 : memref<18x128xi32, #tpu.memory_space<hbm>>) dst(%dma_wait3A_146 : memref<18x128xi32, #tpu.memory_space<vmem>>)
        %add3A_151 = arith.constant 1 : i32
        %add3A_152 = arith.addi %scan3A_61, %add3A_151 : i32
        %sub3A_153 = arith.constant 1 : i32
        %sub3A_154 = arith.subi %sub3A_153, %select_n3A_71 : i32
        %dma_wait3A_155 = arith.constant 0 : i32
        %dma_wait3A_156 = arith.constant 0 : i32
        %dma_wait3A_157 = tpu.memref_slice %arg7[%sub3A_154, %dma_wait3A_155, %dma_wait3A_156] : memref<2x18x128xi32, #tpu.memory_space<vmem>> -> memref<1x18x128xi32, #tpu.memory_space<vmem>>
        %dma_wait3A_158 = tpu.memref_squeeze %dma_wait3A_157 : memref<1x18x128xi32, #tpu.memory_space<vmem>> -> memref<18x128xi32, #tpu.memory_space<vmem>>
        %dma_wait3A_159 = arith.constant 0 : i32
        %dma_wait3A_160 = arith.constant 0 : i32
        %dma_wait3A_161 = tpu.memref_slice %arg4[%arg1, %add3A_152, %dma_wait3A_159, %dma_wait3A_160] : memref<16x9x18x128xi32, #tpu.memory_space<hbm>> -> memref<1x1x18x128xi32, #tpu.memory_space<hbm>>
        %dma_wait3A_162 = tpu.memref_squeeze %dma_wait3A_161 : memref<1x1x18x128xi32, #tpu.memory_space<hbm>> -> memref<18x128xi32, #tpu.memory_space<hbm>>
        %dma_wait3A_163 = arith.constant 0 : i32
        %dma_wait3A_164 = arith.constant 0 : i32
        %dma_wait3A_165 = tpu.memref_slice %arg7[%sub3A_154, %dma_wait3A_163, %dma_wait3A_164] : memref<2x18x128xi32, #tpu.memory_space<vmem>> -> memref<1x18x128xi32, #tpu.memory_space<vmem>>
        %dma_wait3A_166 = tpu.memref_squeeze %dma_wait3A_165 : memref<1x18x128xi32, #tpu.memory_space<vmem>> -> memref<18x128xi32, #tpu.memory_space<vmem>>
        %dma_wait3A_167 = arith.constant 0 : i32
        %dma_wait3A_168 = arith.constant 0 : i32
        %dma_wait3A_169 = tpu.memref_slice %arg4[%arg1, %add3A_152, %dma_wait3A_167, %dma_wait3A_168] : memref<16x9x18x128xi32, #tpu.memory_space<hbm>> -> memref<1x1x18x128xi32, #tpu.memory_space<hbm>>
        %dma_wait3A_170 = tpu.memref_squeeze %dma_wait3A_169 : memref<1x1x18x128xi32, #tpu.memory_space<hbm>> -> memref<18x128xi32, #tpu.memory_space<hbm>>
        tpu.wait_dma2 semaphore(%arg12 : memref<!tpu.dma_semaphore, #tpu.memory_space<semaphore_mem>>) src(%dma_wait3A_170 : memref<18x128xi32, #tpu.memory_space<hbm>>) dst(%dma_wait3A_166 : memref<18x128xi32, #tpu.memory_space<vmem>>)
      } else {
      }
      %dma_start3A_87 = arith.constant 17 : i32
      %dma_start3A_88 = arith.constant 1 : i32
      %dma_start3A_89 = arith.constant 0 : i32
      %dma_start3A_90 = arith.constant 0 : i32
      %dma_start3A_91 = tpu.memref_slice %arg8[%dma_start3A_88, %dma_start3A_89, %dma_start3A_90] : memref<2x128x128xf32, #tpu.memory_space<vmem>> -> memref<1x128x128xf32, #tpu.memory_space<vmem>>
      %dma_start3A_92 = tpu.memref_squeeze %dma_start3A_91 : memref<1x128x128xf32, #tpu.memory_space<vmem>> -> memref<128x128xf32, #tpu.memory_space<vmem>>
      %dma_start3A_93 = arith.constant 0 : i32
      %dma_start3A_94 = tpu.memref_slice %arg6[%select_n3A_71, %dma_start3A_87, %dma_start3A_93] : memref<2x18x128xi32, #tpu.memory_space<vmem>> -> memref<1x1x128xi32, #tpu.memory_space<vmem>>
      %dma_start3A_95 = tpu.memref_squeeze %dma_start3A_94 : memref<1x1x128xi32, #tpu.memory_space<vmem>> -> memref<128xi32, #tpu.memory_space<vmem>>
      %dma_start3A_96 = arith.constant 0 : i32
      %dma_start3A_97 = arith.constant 0 : i32
      %dma_start3A_98 = tpu.memref_slice %arg2[%dma_start3A_96, %dma_start3A_97] : memref<20480x128xf32, #tpu.memory_space<hbm>> -> memref<20480x128xf32, #tpu.memory_space<hbm>>
      tpu.enqueue_indirect_dma source(%dma_start3A_98 : memref<20480x128xf32, #tpu.memory_space<hbm>>) target(%dma_start3A_92 : memref<128x128xf32, #tpu.memory_space<vmem>>) offsets(%dma_start3A_95 : memref<128xi32, #tpu.memory_space<vmem>>) semaphore(%arg11 : memref<!tpu.dma_semaphore, #tpu.memory_space<semaphore_mem>>)
      %dma_wait3A = arith.constant 16 : i32
      %dma_wait3A_99 = arith.constant 0 : i32
      %dma_wait3A_100 = arith.constant 0 : i32
      %dma_wait3A_101 = arith.constant 0 : i32
      %dma_wait3A_102 = tpu.memref_slice %arg8[%dma_wait3A_99, %dma_wait3A_100, %dma_wait3A_101] : memref<2x128x128xf32, #tpu.memory_space<vmem>> -> memref<1x128x128xf32, #tpu.memory_space<vmem>>
      %dma_wait3A_103 = tpu.memref_squeeze %dma_wait3A_102 : memref<1x128x128xf32, #tpu.memory_space<vmem>> -> memref<128x128xf32, #tpu.memory_space<vmem>>
      %dma_wait3A_104 = arith.constant 0 : i32
      %dma_wait3A_105 = tpu.memref_slice %arg6[%select_n3A_71, %dma_wait3A, %dma_wait3A_104] : memref<2x18x128xi32, #tpu.memory_space<vmem>> -> memref<1x1x128xi32, #tpu.memory_space<vmem>>
      %dma_wait3A_106 = tpu.memref_squeeze %dma_wait3A_105 : memref<1x1x128xi32, #tpu.memory_space<vmem>> -> memref<128xi32, #tpu.memory_space<vmem>>
      %dma_wait3A_107 = arith.constant 0 : i32
      %dma_wait3A_108 = arith.constant 0 : i32
      %dma_wait3A_109 = tpu.memref_slice %arg2[%dma_wait3A_107, %dma_wait3A_108] : memref<20480x128xf32, #tpu.memory_space<hbm>> -> memref<20480x128xf32, #tpu.memory_space<hbm>>
      tpu.wait_indirect_dma semaphore(%arg10 : memref<!tpu.dma_semaphore, #tpu.memory_space<semaphore_mem>>) src(%dma_wait3A_109 : memref<20480x128xf32, #tpu.memory_space<hbm>>) dst(%dma_wait3A_103 : memref<128x128xf32, #tpu.memory_space<vmem>>)
      %run_scoped3A_110 = arith.constant 0 : i32
      %run_scoped3A_111 = arith.constant 16 : i32
      "tpu.region"() ({
        %run_scoped3A_132 = tpu.sem_alloc : memref<!tpu.dma_semaphore, #tpu.memory_space<semaphore_mem>>
        %dma_start3A_133 = arith.constant 0 : i32
        %dma_start3A_134 = arith.constant 0 : i32
        %dma_start3A_135 = tpu.memref_slice %arg8[%run_scoped3A_110, %dma_start3A_133, %dma_start3A_134] : memref<2x128x128xf32, #tpu.memory_space<vmem>> -> memref<1x128x128xf32, #tpu.memory_space<vmem>>
        %dma_start3A_136 = tpu.memref_squeeze %dma_start3A_135 : memref<1x128x128xf32, #tpu.memory_space<vmem>> -> memref<128x128xf32, #tpu.memory_space<vmem>>
        %dma_start3A_137 = arith.constant 0 : i32
        %dma_start3A_138 = tpu.memref_slice %arg7[%select_n3A_71, %run_scoped3A_111, %dma_start3A_137] : memref<2x18x128xi32, #tpu.memory_space<vmem>> -> memref<1x1x128xi32, #tpu.memory_space<vmem>>
        %dma_start3A_139 = tpu.memref_squeeze %dma_start3A_138 : memref<1x1x128xi32, #tpu.memory_space<vmem>> -> memref<128xi32, #tpu.memory_space<vmem>>
        %dma_start3A_140 = arith.constant 0 : i32
        %dma_start3A_141 = arith.constant 0 : i32
        %dma_start3A_142 = tpu.memref_slice %arg9[%dma_start3A_140, %dma_start3A_141] : memref<10240x128xf32, #tpu.memory_space<vmem_shared>> -> memref<10240x128xf32, #tpu.memory_space<vmem_shared>>
        tpu.enqueue_indirect_dma source(%dma_start3A_136 : memref<128x128xf32, #tpu.memory_space<vmem>>) target(%dma_start3A_142 : memref<10240x128xf32, #tpu.memory_space<vmem_shared>>) offsets(%dma_start3A_139 : memref<128xi32, #tpu.memory_space<vmem>>) semaphore(%run_scoped3A_132 : memref<!tpu.dma_semaphore, #tpu.memory_space<semaphore_mem>>) {add = true}
        %dma_wait3A_143 = arith.constant 0 : i32
        %dma_wait3A_144 = arith.constant 0 : i32
        %dma_wait3A_145 = tpu.memref_slice %arg8[%run_scoped3A_110, %dma_wait3A_143, %dma_wait3A_144] : memref<2x128x128xf32, #tpu.memory_space<vmem>> -> memref<1x128x128xf32, #tpu.memory_space<vmem>>
        %dma_wait3A_146 = tpu.memref_squeeze %dma_wait3A_145 : memref<1x128x128xf32, #tpu.memory_space<vmem>> -> memref<128x128xf32, #tpu.memory_space<vmem>>
        %dma_wait3A_147 = arith.constant 0 : i32
        %dma_wait3A_148 = tpu.memref_slice %arg7[%select_n3A_71, %run_scoped3A_111, %dma_wait3A_147] : memref<2x18x128xi32, #tpu.memory_space<vmem>> -> memref<1x1x128xi32, #tpu.memory_space<vmem>>
        %dma_wait3A_149 = tpu.memref_squeeze %dma_wait3A_148 : memref<1x1x128xi32, #tpu.memory_space<vmem>> -> memref<128xi32, #tpu.memory_space<vmem>>
        %dma_wait3A_150 = arith.constant 0 : i32
        %dma_wait3A_151 = arith.constant 0 : i32
        %dma_wait3A_152 = tpu.memref_slice %arg9[%dma_wait3A_150, %dma_wait3A_151] : memref<10240x128xf32, #tpu.memory_space<vmem_shared>> -> memref<10240x128xf32, #tpu.memory_space<vmem_shared>>
        tpu.wait_indirect_dma semaphore(%run_scoped3A_132 : memref<!tpu.dma_semaphore, #tpu.memory_space<semaphore_mem>>) src(%dma_wait3A_146 : memref<128x128xf32, #tpu.memory_space<vmem>>) dst(%dma_wait3A_152 : memref<10240x128xf32, #tpu.memory_space<vmem_shared>>)
        tpu.yield
      }) : () -> ()
      %lt3A_112 = arith.constant 8 : i32
      %lt3A_113 = arith.cmpi slt, %scan3A_61, %lt3A_112 : i32
      %convert_element_type3A_114 = arith.extui %lt3A_113 : i1 to i32
      %cond3A_115 = arith.constant 0 : i32
      %cond3A_116 = arith.cmpi ne, %convert_element_type3A_114, %cond3A_115 : i32
      scf.if %cond3A_116 {
        %sub3A = arith.constant 1 : i32
        %sub3A_132 = arith.subi %sub3A, %select_n3A_71 : i32
        %dma_start3A_133 = arith.constant 0 : i32
        %dma_start3A_134 = arith.constant 0 : i32
        %dma_start3A_135 = arith.constant 0 : i32
        %dma_start3A_136 = arith.constant 0 : i32
        %dma_start3A_137 = tpu.memref_slice %arg8[%dma_start3A_134, %dma_start3A_135, %dma_start3A_136] : memref<2x128x128xf32, #tpu.memory_space<vmem>> -> memref<1x128x128xf32, #tpu.memory_space<vmem>>
        %dma_start3A_138 = tpu.memref_squeeze %dma_start3A_137 : memref<1x128x128xf32, #tpu.memory_space<vmem>> -> memref<128x128xf32, #tpu.memory_space<vmem>>
        %dma_start3A_139 = arith.constant 0 : i32
        %dma_start3A_140 = tpu.memref_slice %arg6[%sub3A_132, %dma_start3A_133, %dma_start3A_139] : memref<2x18x128xi32, #tpu.memory_space<vmem>> -> memref<1x1x128xi32, #tpu.memory_space<vmem>>
        %dma_start3A_141 = tpu.memref_squeeze %dma_start3A_140 : memref<1x1x128xi32, #tpu.memory_space<vmem>> -> memref<128xi32, #tpu.memory_space<vmem>>
        %dma_start3A_142 = arith.constant 0 : i32
        %dma_start3A_143 = arith.constant 0 : i32
        %dma_start3A_144 = tpu.memref_slice %arg2[%dma_start3A_142, %dma_start3A_143] : memref<20480x128xf32, #tpu.memory_space<hbm>> -> memref<20480x128xf32, #tpu.memory_space<hbm>>
        tpu.enqueue_indirect_dma source(%dma_start3A_144 : memref<20480x128xf32, #tpu.memory_space<hbm>>) target(%dma_start3A_138 : memref<128x128xf32, #tpu.memory_space<vmem>>) offsets(%dma_start3A_141 : memref<128xi32, #tpu.memory_space<vmem>>) semaphore(%arg10 : memref<!tpu.dma_semaphore, #tpu.memory_space<semaphore_mem>>)
      } else {
      }
      %dma_wait3A_117 = arith.constant 17 : i32
      %dma_wait3A_118 = arith.constant 1 : i32
      %dma_wait3A_119 = arith.constant 0 : i32
      %dma_wait3A_120 = arith.constant 0 : i32
      %dma_wait3A_121 = tpu.memref_slice %arg8[%dma_wait3A_118, %dma_wait3A_119, %dma_wait3A_120] : memref<2x128x128xf32, #tpu.memory_space<vmem>> -> memref<1x128x128xf32, #tpu.memory_space<vmem>>
      %dma_wait3A_122 = tpu.memref_squeeze %dma_wait3A_121 : memref<1x128x128xf32, #tpu.memory_space<vmem>> -> memref<128x128xf32, #tpu.memory_space<vmem>>
      %dma_wait3A_123 = arith.constant 0 : i32
      %dma_wait3A_124 = tpu.memref_slice %arg6[%select_n3A_71, %dma_wait3A_117, %dma_wait3A_123] : memref<2x18x128xi32, #tpu.memory_space<vmem>> -> memref<1x1x128xi32, #tpu.memory_space<vmem>>
      %dma_wait3A_125 = tpu.memref_squeeze %dma_wait3A_124 : memref<1x1x128xi32, #tpu.memory_space<vmem>> -> memref<128xi32, #tpu.memory_space<vmem>>
      %dma_wait3A_126 = arith.constant 0 : i32
      %dma_wait3A_127 = arith.constant 0 : i32
      %dma_wait3A_128 = tpu.memref_slice %arg2[%dma_wait3A_126, %dma_wait3A_127] : memref<20480x128xf32, #tpu.memory_space<hbm>> -> memref<20480x128xf32, #tpu.memory_space<hbm>>
      tpu.wait_indirect_dma semaphore(%arg11 : memref<!tpu.dma_semaphore, #tpu.memory_space<semaphore_mem>>) src(%dma_wait3A_128 : memref<20480x128xf32, #tpu.memory_space<hbm>>) dst(%dma_wait3A_122 : memref<128x128xf32, #tpu.memory_space<vmem>>)
      %run_scoped3A_129 = arith.constant 1 : i32
      %run_scoped3A_130 = arith.constant 17 : i32
      "tpu.region"() ({
        %run_scoped3A_132 = tpu.sem_alloc : memref<!tpu.dma_semaphore, #tpu.memory_space<semaphore_mem>>
        %dma_start3A_133 = arith.constant 0 : i32
        %dma_start3A_134 = arith.constant 0 : i32
        %dma_start3A_135 = tpu.memref_slice %arg8[%run_scoped3A_129, %dma_start3A_133, %dma_start3A_134] : memref<2x128x128xf32, #tpu.memory_space<vmem>> -> memref<1x128x128xf32, #tpu.memory_space<vmem>>
        %dma_start3A_136 = tpu.memref_squeeze %dma_start3A_135 : memref<1x128x128xf32, #tpu.memory_space<vmem>> -> memref<128x128xf32, #tpu.memory_space<vmem>>
        %dma_start3A_137 = arith.constant 0 : i32
        %dma_start3A_138 = tpu.memref_slice %arg7[%select_n3A_71, %run_scoped3A_130, %dma_start3A_137] : memref<2x18x128xi32, #tpu.memory_space<vmem>> -> memref<1x1x128xi32, #tpu.memory_space<vmem>>
        %dma_start3A_139 = tpu.memref_squeeze %dma_start3A_138 : memref<1x1x128xi32, #tpu.memory_space<vmem>> -> memref<128xi32, #tpu.memory_space<vmem>>
        %dma_start3A_140 = arith.constant 0 : i32
        %dma_start3A_141 = arith.constant 0 : i32
        %dma_start3A_142 = tpu.memref_slice %arg9[%dma_start3A_140, %dma_start3A_141] : memref<10240x128xf32, #tpu.memory_space<vmem_shared>> -> memref<10240x128xf32, #tpu.memory_space<vmem_shared>>
        tpu.enqueue_indirect_dma source(%dma_start3A_136 : memref<128x128xf32, #tpu.memory_space<vmem>>) target(%dma_start3A_142 : memref<10240x128xf32, #tpu.memory_space<vmem_shared>>) offsets(%dma_start3A_139 : memref<128xi32, #tpu.memory_space<vmem>>) semaphore(%run_scoped3A_132 : memref<!tpu.dma_semaphore, #tpu.memory_space<semaphore_mem>>) {add = true}
        %dma_wait3A_143 = arith.constant 0 : i32
        %dma_wait3A_144 = arith.constant 0 : i32
        %dma_wait3A_145 = tpu.memref_slice %arg8[%run_scoped3A_129, %dma_wait3A_143, %dma_wait3A_144] : memref<2x128x128xf32, #tpu.memory_space<vmem>> -> memref<1x128x128xf32, #tpu.memory_space<vmem>>
        %dma_wait3A_146 = tpu.memref_squeeze %dma_wait3A_145 : memref<1x128x128xf32, #tpu.memory_space<vmem>> -> memref<128x128xf32, #tpu.memory_space<vmem>>
        %dma_wait3A_147 = arith.constant 0 : i32
        %dma_wait3A_148 = tpu.memref_slice %arg7[%select_n3A_71, %run_scoped3A_130, %dma_wait3A_147] : memref<2x18x128xi32, #tpu.memory_space<vmem>> -> memref<1x1x128xi32, #tpu.memory_space<vmem>>
        %dma_wait3A_149 = tpu.memref_squeeze %dma_wait3A_148 : memref<1x1x128xi32, #tpu.memory_space<vmem>> -> memref<128xi32, #tpu.memory_space<vmem>>
        %dma_wait3A_150 = arith.constant 0 : i32
        %dma_wait3A_151 = arith.constant 0 : i32
        %dma_wait3A_152 = tpu.memref_slice %arg9[%dma_wait3A_150, %dma_wait3A_151] : memref<10240x128xf32, #tpu.memory_space<vmem_shared>> -> memref<10240x128xf32, #tpu.memory_space<vmem_shared>>
        tpu.wait_indirect_dma semaphore(%run_scoped3A_132 : memref<!tpu.dma_semaphore, #tpu.memory_space<semaphore_mem>>) src(%dma_wait3A_146 : memref<128x128xf32, #tpu.memory_space<vmem>>) dst(%dma_wait3A_152 : memref<10240x128xf32, #tpu.memory_space<vmem_shared>>)
        tpu.yield
      }) : () -> ()
      %scan3A_131 = arith.constant 0 : i32
      scf.yield %scan3A_131 : i32
    }
    %scan3A_52 = arith.constant 9 : i32
    %barrier3A_53 = arith.constant 0 : index
    tpu.barrier barrier_id(%barrier3A_53)
    %mul3A_54 = arith.constant 640 : i32
    %mul3A_55 = arith.muli %arg1, %mul3A_54 : i32
    %mul3A_56 = arith.constant 10240 : i32
    %mul3A_57 = arith.muli %arg0, %mul3A_56 : i32
    %mul3A_58 = arith.constant 640 : i32
    %mul3A_59 = arith.muli %arg1, %mul3A_58 : i32
    %add3A_60 = arith.addi %mul3A_57, %mul3A_59 : i32
    "tpu.region"() ({
      %run_scoped3A_61 = tpu.sem_alloc : memref<!tpu.dma_semaphore, #tpu.memory_space<semaphore_mem>>
      %dma_start3A_62 = arith.constant 0 : i32
      %dma_start3A_63 = tpu.memref_slice %arg5[%add3A_60, %dma_start3A_62] : memref<20480x128xf32, #tpu.memory_space<hbm>> -> memref<640x128xf32, #tpu.memory_space<hbm>>
      %dma_start3A_64 = arith.constant 0 : i32
      %dma_start3A_65 = tpu.memref_slice %arg9[%mul3A_55, %dma_start3A_64] : memref<10240x128xf32, #tpu.memory_space<vmem_shared>> -> memref<640x128xf32, #tpu.memory_space<vmem_shared>>
      tpu.enqueue_dma source(%dma_start3A_65 : memref<640x128xf32, #tpu.memory_space<vmem_shared>>) target(%dma_start3A_63 : memref<640x128xf32, #tpu.memory_space<hbm>>) target_semaphore(%run_scoped3A_61 : memref<!tpu.dma_semaphore, #tpu.memory_space<semaphore_mem>>)
      %dma_wait3A = arith.constant 0 : i32
      %dma_wait3A_66 = tpu.memref_slice %arg5[%add3A_60, %dma_wait3A] : memref<20480x128xf32, #tpu.memory_space<hbm>> -> memref<640x128xf32, #tpu.memory_space<hbm>>
      %dma_wait3A_67 = arith.constant 0 : i32
      %dma_wait3A_68 = tpu.memref_slice %arg9[%mul3A_55, %dma_wait3A_67] : memref<10240x128xf32, #tpu.memory_space<vmem_shared>> -> memref<640x128xf32, #tpu.memory_space<vmem_shared>>
      tpu.wait_dma2 semaphore(%run_scoped3A_61 : memref<!tpu.dma_semaphore, #tpu.memory_space<semaphore_mem>>) src(%dma_wait3A_68 : memref<640x128xf32, #tpu.memory_space<vmem_shared>>) dst(%dma_wait3A_66 : memref<640x128xf32, #tpu.memory_space<hbm>>)
      tpu.yield
    }) : () -> ()
    return
  }
}

module attributes {stable_mosaic.version = 14 : i64} {
  func.func @_tc1_body(%arg0: i32, %arg1: memref<2048x128xf32, #tpu.memory_space<vmem>>, %arg2: memref<128x256xf32, #tpu.memory_space<vmem>>, %arg3: memref<2048xf32, #tpu.memory_space<vmem>>, %arg4: memref<2048xf32, #tpu.memory_space<vmem>>, %arg5: memref<2x2048x128xf32, #tpu.memory_space<vmem>>) attributes {dimension_semantics = [#tpu.dimension_semantics<arbitrary>], iteration_bounds = array<i64: 5>, scalar_prefetch = 0 : i64, scratch_operands = 0 : i64, tpu.core_type = #tpu.core_type<tc>, window_params = [{transform_indices = @transform_0, window_bounds = array<i64: 2048, 128>}, {pipeline_mode = #tpu.pipeline_mode<synchronous>, transform_indices = @transform_1, window_bounds = array<i64: 128, 256>}, {transform_indices = @transform_2, window_bounds = array<i64: 2048>}, {transform_indices = @transform_3, window_bounds = array<i64: 2048>}, {transform_indices = @transform_4, window_bounds = array<i64: 2, 2048, 128>}]} {
    %get3A = arith.constant 0 : index
    %get3A_0 = vector.load %arg3[%get3A] : memref<2048xf32, #tpu.memory_space<vmem>>, vector<2048xf32>
    %get3A_1 = arith.constant 0 : index
    %get3A_2 = vector.load %arg4[%get3A_1] : memref<2048xf32, #tpu.memory_space<vmem>>, vector<2048xf32>
    %add3A = arith.addf %get3A_0, %get3A_2 : vector<2048xf32>
    %gt3A = arith.constant 0.000000e+00 : f32
    %gt3A_3 = vector.broadcast %gt3A : f32 to vector<2048xf32>
    %gt3A_4 = arith.cmpf ogt, %add3A, %gt3A_3 : vector<2048xf32>
    %rsqrt3A = math.rsqrt %add3A : vector<2048xf32>
    %jit3A = arith.constant 0.000000e+00 : f32
    %broadcast_in_dim3A = vector.broadcast %jit3A : f32 to vector<2048xf32>
    %select_n3A = arith.select %gt3A_4, %rsqrt3A, %broadcast_in_dim3A : vector<2048xi1>, vector<2048xf32>
    %get3A_5 = arith.constant 0 : index
    %get3A_6 = arith.constant 0 : index
    %get3A_7 = vector.load %arg1[%get3A_5, %get3A_6] : memref<2048x128xf32, #tpu.memory_space<vmem>>, vector<2048x128xf32>
    %get3A_8 = arith.constant 0 : index
    %get3A_9 = arith.constant 0 : index
    %get3A_10 = vector.load %arg2[%get3A_8, %get3A_9] : memref<128x256xf32, #tpu.memory_space<vmem>>, vector<128x256xf32>
    %dot_general3A = arith.constant dense<0.000000e+00> : vector<2048x256xf32>
    %dot_general3A_11 = tpu.matmul %get3A_7, %get3A_10, %dot_general3A {dimension_numbers = #tpu.dot_dimension_numbers<[1], [0], [0], [1], [0, 0, 1, 1], [], []>, transpose_lhs_hint = false} : vector<2048x128xf32>, vector<128x256xf32>, vector<2048x256xf32> -> vector<2048x256xf32>
    %broadcast_in_dim3A_12 = vector.shape_cast %select_n3A : vector<2048xf32> to vector<2048x1xf32>
    %mul3A = vector.broadcast %broadcast_in_dim3A_12 : vector<2048x1xf32> to vector<2048x256xf32>
    %mul3A_13 = arith.mulf %dot_general3A_11, %mul3A : vector<2048x256xf32>
    %slice3A = vector.extract_strided_slice %mul3A_13 {offsets = [0, 0], sizes = [2048, 128], strides = [1, 1]} : vector<2048x256xf32> to vector<2048x128xf32>
    %swap3A = arith.constant 0 : index
    %swap3A_14 = arith.constant 0 : index
    %swap3A_15 = arith.constant 0 : index
    %swap3A_16 = vector.load %arg5[%swap3A, %swap3A_14, %swap3A_15] : memref<2x2048x128xf32, #tpu.memory_space<vmem>>, vector<1x2048x128xf32>
    %swap3A_17 = vector.shape_cast %swap3A_16 : vector<1x2048x128xf32> to vector<2048x128xf32>
    %swap3A_18 = vector.shape_cast %slice3A : vector<2048x128xf32> to vector<1x2048x128xf32>
    tpu.vector_store %arg5[%swap3A, %swap3A_14, %swap3A_15], %swap3A_18 {strides = array<i32>} : memref<2x2048x128xf32, #tpu.memory_space<vmem>>, vector<1x2048x128xf32>,
    %slice3A_19 = vector.extract_strided_slice %mul3A_13 {offsets = [0, 128], sizes = [2048, 128], strides = [1, 1]} : vector<2048x256xf32> to vector<2048x128xf32>
    %swap3A_20 = arith.constant 1 : index
    %swap3A_21 = arith.constant 0 : index
    %swap3A_22 = arith.constant 0 : index
    %swap3A_23 = vector.load %arg5[%swap3A_20, %swap3A_21, %swap3A_22] : memref<2x2048x128xf32, #tpu.memory_space<vmem>>, vector<1x2048x128xf32>
    %swap3A_24 = vector.shape_cast %swap3A_23 : vector<1x2048x128xf32> to vector<2048x128xf32>
    %swap3A_25 = vector.shape_cast %slice3A_19 : vector<2048x128xf32> to vector<1x2048x128xf32>
    tpu.vector_store %arg5[%swap3A_20, %swap3A_21, %swap3A_22], %swap3A_25 {strides = array<i32>} : memref<2x2048x128xf32, #tpu.memory_space<vmem>>, vector<1x2048x128xf32>,
    return
  }
  func.func @transform_0(%arg0: i32) -> (i32, i32) {
    %c0_i32 = arith.constant 0 : i32
    %c0_i32_0 = arith.constant 0 : i32
    return %arg0, %c0_i32 : i32, i32
  }
  func.func @transform_1(%arg0: i32) -> (i32, i32) {
    %c0_i32 = arith.constant 0 : i32
    %c0_i32_0 = arith.constant 0 : i32
    %c0_i32_1 = arith.constant 0 : i32
    return %c0_i32, %c0_i32_0 : i32, i32
  }
  func.func @transform_2(%arg0: i32) -> i32 {
    %c0_i32 = arith.constant 0 : i32
    return %arg0 : i32
  }
  func.func @transform_3(%arg0: i32) -> i32 {
    %c0_i32 = arith.constant 0 : i32
    return %arg0 : i32
  }
  func.func @transform_4(%arg0: i32) -> (i32, i32, i32) {
    %c0_i32 = arith.constant 0 : i32
    %c0_i32_0 = arith.constant 0 : i32
    %c0_i32_1 = arith.constant 0 : i32
    return %c0_i32, %arg0, %c0_i32_0 : i32, i32, i32
  }
}

module attributes {stable_mosaic.version = 14 : i64} {
  func.func @_tc_mid_body(%arg0: i32, %arg1: memref<2x2048x128xf32, #tpu.memory_space<vmem>>, %arg2: memref<256x256xf32, #tpu.memory_space<vmem>>, %arg3: memref<1x256xf32, #tpu.memory_space<vmem>>, %arg4: memref<2048xf32, #tpu.memory_space<vmem>>, %arg5: memref<2048xf32, #tpu.memory_space<vmem>>, %arg6: memref<2x2048x128xf32, #tpu.memory_space<vmem>>) attributes {dimension_semantics = [#tpu.dimension_semantics<arbitrary>], iteration_bounds = array<i64: 5>, scalar_prefetch = 0 : i64, scratch_operands = 0 : i64, tpu.core_type = #tpu.core_type<tc>, window_params = [{transform_indices = @transform_0, window_bounds = array<i64: 2, 2048, 128>}, {pipeline_mode = #tpu.pipeline_mode<synchronous>, transform_indices = @transform_1, window_bounds = array<i64: 256, 256>}, {pipeline_mode = #tpu.pipeline_mode<synchronous>, transform_indices = @transform_2, window_bounds = array<i64: 1, 256>}, {transform_indices = @transform_3, window_bounds = array<i64: 2048>}, {transform_indices = @transform_4, window_bounds = array<i64: 2048>}, {transform_indices = @transform_5, window_bounds = array<i64: 2, 2048, 128>}]} {
    %get3A = arith.constant 0 : index
    %get3A_0 = vector.load %arg4[%get3A] : memref<2048xf32, #tpu.memory_space<vmem>>, vector<2048xf32>
    %get3A_1 = arith.constant 0 : index
    %get3A_2 = vector.load %arg5[%get3A_1] : memref<2048xf32, #tpu.memory_space<vmem>>, vector<2048xf32>
    %add3A = arith.addf %get3A_0, %get3A_2 : vector<2048xf32>
    %gt3A = arith.constant 0.000000e+00 : f32
    %gt3A_3 = vector.broadcast %gt3A : f32 to vector<2048xf32>
    %gt3A_4 = arith.cmpf ogt, %add3A, %gt3A_3 : vector<2048xf32>
    %rsqrt3A = math.rsqrt %add3A : vector<2048xf32>
    %jit3A = arith.constant 0.000000e+00 : f32
    %broadcast_in_dim3A = vector.broadcast %jit3A : f32 to vector<2048xf32>
    %select_n3A = arith.select %gt3A_4, %rsqrt3A, %broadcast_in_dim3A : vector<2048xi1>, vector<2048xf32>
    %get3A_5 = arith.constant 0 : index
    %get3A_6 = arith.constant 0 : index
    %get3A_7 = arith.constant 0 : index
    %get3A_8 = vector.load %arg1[%get3A_5, %get3A_6, %get3A_7] : memref<2x2048x128xf32, #tpu.memory_space<vmem>>, vector<1x2048x128xf32>
    %get3A_9 = vector.shape_cast %get3A_8 : vector<1x2048x128xf32> to vector<2048x128xf32>
    %broadcast_in_dim3A_10 = vector.shape_cast %select_n3A : vector<2048xf32> to vector<2048x1xf32>
    %mul3A = vector.broadcast %broadcast_in_dim3A_10 : vector<2048x1xf32> to vector<2048x128xf32>
    %mul3A_11 = arith.mulf %get3A_9, %mul3A : vector<2048x128xf32>
    %get3A_12 = arith.constant 0 : index
    %get3A_13 = arith.constant 0 : index
    %get3A_14 = vector.load %arg3[%get3A_12, %get3A_13] : memref<1x256xf32, #tpu.memory_space<vmem>>, vector<1x128xf32>
    %get3A_15 = vector.shape_cast %get3A_14 : vector<1x128xf32> to vector<128xf32>
    %broadcast_in_dim3A_16 = vector.shape_cast %get3A_15 : vector<128xf32> to vector<1x128xf32>
    %add3A_17 = vector.broadcast %broadcast_in_dim3A_16 : vector<1x128xf32> to vector<2048x128xf32>
    %add3A_18 = arith.addf %mul3A_11, %add3A_17 : vector<2048x128xf32>
    %max3A = arith.constant 0.000000e+00 : f32
    %max3A_19 = vector.broadcast %max3A : f32 to vector<2048x128xf32>
    %max3A_20 = arith.maximumf %add3A_18, %max3A_19 : vector<2048x128xf32>
    %get3A_21 = arith.constant 1 : index
    %get3A_22 = arith.constant 0 : index
    %get3A_23 = arith.constant 0 : index
    %get3A_24 = vector.load %arg1[%get3A_21, %get3A_22, %get3A_23] : memref<2x2048x128xf32, #tpu.memory_space<vmem>>, vector<1x2048x128xf32>
    %get3A_25 = vector.shape_cast %get3A_24 : vector<1x2048x128xf32> to vector<2048x128xf32>
    %broadcast_in_dim3A_26 = vector.shape_cast %select_n3A : vector<2048xf32> to vector<2048x1xf32>
    %mul3A_27 = vector.broadcast %broadcast_in_dim3A_26 : vector<2048x1xf32> to vector<2048x128xf32>
    %mul3A_28 = arith.mulf %get3A_25, %mul3A_27 : vector<2048x128xf32>
    %get3A_29 = arith.constant 0 : index
    %get3A_30 = arith.constant 128 : index
    %get3A_31 = vector.load %arg3[%get3A_29, %get3A_30] : memref<1x256xf32, #tpu.memory_space<vmem>>, vector<1x128xf32>
    %get3A_32 = vector.shape_cast %get3A_31 : vector<1x128xf32> to vector<128xf32>
    %broadcast_in_dim3A_33 = vector.shape_cast %get3A_32 : vector<128xf32> to vector<1x128xf32>
    %add3A_34 = vector.broadcast %broadcast_in_dim3A_33 : vector<1x128xf32> to vector<2048x128xf32>
    %add3A_35 = arith.addf %mul3A_28, %add3A_34 : vector<2048x128xf32>
    %max3A_36 = arith.constant 0.000000e+00 : f32
    %max3A_37 = vector.broadcast %max3A_36 : f32 to vector<2048x128xf32>
    %max3A_38 = arith.maximumf %add3A_35, %max3A_37 : vector<2048x128xf32>
    %concatenate3A = tpu.concatenate %max3A_20, %max3A_38 in 1 : vector<2048x128xf32>, vector<2048x128xf32> -> vector<2048x256xf32>
    %get3A_39 = arith.constant 0 : index
    %get3A_40 = arith.constant 0 : index
    %get3A_41 = vector.load %arg2[%get3A_39, %get3A_40] : memref<256x256xf32, #tpu.memory_space<vmem>>, vector<256x256xf32>
    %dot_general3A = arith.constant dense<0.000000e+00> : vector<2048x256xf32>
    %dot_general3A_42 = tpu.matmul %concatenate3A, %get3A_41, %dot_general3A {dimension_numbers = #tpu.dot_dimension_numbers<[1], [0], [0], [1], [0, 0, 1, 1], [], []>, transpose_lhs_hint = false} : vector<2048x256xf32>, vector<256x256xf32>, vector<2048x256xf32> -> vector<2048x256xf32>
    %broadcast_in_dim3A_43 = vector.shape_cast %select_n3A : vector<2048xf32> to vector<2048x1xf32>
    %mul3A_44 = vector.broadcast %broadcast_in_dim3A_43 : vector<2048x1xf32> to vector<2048x256xf32>
    %mul3A_45 = arith.mulf %dot_general3A_42, %mul3A_44 : vector<2048x256xf32>
    %slice3A = vector.extract_strided_slice %mul3A_45 {offsets = [0, 0], sizes = [2048, 128], strides = [1, 1]} : vector<2048x256xf32> to vector<2048x128xf32>
    %swap3A = arith.constant 0 : index
    %swap3A_46 = arith.constant 0 : index
    %swap3A_47 = arith.constant 0 : index
    %swap3A_48 = vector.load %arg6[%swap3A, %swap3A_46, %swap3A_47] : memref<2x2048x128xf32, #tpu.memory_space<vmem>>, vector<1x2048x128xf32>
    %swap3A_49 = vector.shape_cast %swap3A_48 : vector<1x2048x128xf32> to vector<2048x128xf32>
    %swap3A_50 = vector.shape_cast %slice3A : vector<2048x128xf32> to vector<1x2048x128xf32>
    tpu.vector_store %arg6[%swap3A, %swap3A_46, %swap3A_47], %swap3A_50 {strides = array<i32>} : memref<2x2048x128xf32, #tpu.memory_space<vmem>>, vector<1x2048x128xf32>,
    %slice3A_51 = vector.extract_strided_slice %mul3A_45 {offsets = [0, 128], sizes = [2048, 128], strides = [1, 1]} : vector<2048x256xf32> to vector<2048x128xf32>
    %swap3A_52 = arith.constant 1 : index
    %swap3A_53 = arith.constant 0 : index
    %swap3A_54 = arith.constant 0 : index
    %swap3A_55 = vector.load %arg6[%swap3A_52, %swap3A_53, %swap3A_54] : memref<2x2048x128xf32, #tpu.memory_space<vmem>>, vector<1x2048x128xf32>
    %swap3A_56 = vector.shape_cast %swap3A_55 : vector<1x2048x128xf32> to vector<2048x128xf32>
    %swap3A_57 = vector.shape_cast %slice3A_51 : vector<2048x128xf32> to vector<1x2048x128xf32>
    tpu.vector_store %arg6[%swap3A_52, %swap3A_53, %swap3A_54], %swap3A_57 {strides = array<i32>} : memref<2x2048x128xf32, #tpu.memory_space<vmem>>, vector<1x2048x128xf32>,
    return
  }
  func.func @transform_0(%arg0: i32) -> (i32, i32, i32) {
    %c0_i32 = arith.constant 0 : i32
    %c0_i32_0 = arith.constant 0 : i32
    %c0_i32_1 = arith.constant 0 : i32
    return %c0_i32, %arg0, %c0_i32_0 : i32, i32, i32
  }
  func.func @transform_1(%arg0: i32) -> (i32, i32) {
    %c0_i32 = arith.constant 0 : i32
    %c0_i32_0 = arith.constant 0 : i32
    %c0_i32_1 = arith.constant 0 : i32
    return %c0_i32, %c0_i32_0 : i32, i32
  }
  func.func @transform_2(%arg0: i32) -> (i32, i32) {
    %c0_i32 = arith.constant 0 : i32
    %c0_i32_0 = arith.constant 0 : i32
    %c0_i32_1 = arith.constant 0 : i32
    return %c0_i32, %c0_i32_0 : i32, i32
  }
  func.func @transform_3(%arg0: i32) -> i32 {
    %c0_i32 = arith.constant 0 : i32
    return %arg0 : i32
  }
  func.func @transform_4(%arg0: i32) -> i32 {
    %c0_i32 = arith.constant 0 : i32
    return %arg0 : i32
  }
  func.func @transform_5(%arg0: i32) -> (i32, i32, i32) {
    %c0_i32 = arith.constant 0 : i32
    %c0_i32_0 = arith.constant 0 : i32
    %c0_i32_1 = arith.constant 0 : i32
    return %c0_i32, %arg0, %c0_i32_0 : i32, i32, i32
  }
}

module attributes {stable_mosaic.version = 14 : i64} {
  func.func @_tc_final_body(%arg0: i32, %arg1: memref<2x2048x128xf32, #tpu.memory_space<vmem>>, %arg2: memref<1x256xf32, #tpu.memory_space<vmem>>, %arg3: memref<2048xf32, #tpu.memory_space<vmem>>, %arg4: memref<2048xf32, #tpu.memory_space<vmem>>, %arg5: memref<2048xi32, #tpu.memory_space<vmem>>, %arg6: memref<256x256xf32, #tpu.memory_space<vmem>>, %arg7: memref<1x256xf32, #tpu.memory_space<vmem>>, %arg8: memref<256x128xf32, #tpu.memory_space<vmem>>, %arg9: memref<1x128xf32, #tpu.memory_space<vmem>>, %arg10: memref<128x128xf32, #tpu.memory_space<vmem>>, %arg11: memref<128x256xf32, #tpu.memory_space<vmem>>, %arg12: memref<128x8xf32, #tpu.memory_space<vmem>>) attributes {dimension_semantics = [#tpu.dimension_semantics<arbitrary>], iteration_bounds = array<i64: 5>, scalar_prefetch = 0 : i64, scratch_operands = 2 : i64, tpu.core_type = #tpu.core_type<tc>, window_params = [{transform_indices = @transform_0, window_bounds = array<i64: 2, 2048, 128>}, {pipeline_mode = #tpu.pipeline_mode<synchronous>, transform_indices = @transform_1, window_bounds = array<i64: 1, 256>}, {transform_indices = @transform_2, window_bounds = array<i64: 2048>}, {transform_indices = @transform_3, window_bounds = array<i64: 2048>}, {transform_indices = @transform_4, window_bounds = array<i64: 2048>}, {pipeline_mode = #tpu.pipeline_mode<synchronous>, transform_indices = @transform_5, window_bounds = array<i64: 256, 256>}, {pipeline_mode = #tpu.pipeline_mode<synchronous>, transform_indices = @transform_6, window_bounds = array<i64: 1, 256>}, {pipeline_mode = #tpu.pipeline_mode<synchronous>, transform_indices = @transform_7, window_bounds = array<i64: 256, 128>}, {pipeline_mode = #tpu.pipeline_mode<synchronous>, transform_indices = @transform_8, window_bounds = array<i64: 1, 128>}, {pipeline_mode = #tpu.pipeline_mode<synchronous>, transform_indices = @transform_9, window_bounds = array<i64: 128, 128>}]} {
    %eq3A = arith.constant 0 : i32
    %eq3A_0 = arith.cmpi eq, %arg0, %eq3A : i32
    %convert_element_type3A = arith.extui %eq3A_0 : i1 to i32
    %cond3A = arith.constant 0 : i32
    %cond3A_1 = arith.cmpi ne, %convert_element_type3A, %cond3A : i32
    scf.if %cond3A_1 {
      %broadcast_in_dim3A_73 = arith.constant 0.000000e+00 : f32
      %broadcast_in_dim3A_74 = vector.broadcast %broadcast_in_dim3A_73 : f32 to vector<128x256xf32>
      %swap3A_75 = arith.constant 0 : index
      %swap3A_76 = arith.constant 0 : index
      %swap3A_77 = vector.load %arg11[%swap3A_75, %swap3A_76] : memref<128x256xf32, #tpu.memory_space<vmem>>, vector<128x256xf32>
      tpu.vector_store %arg11[%swap3A_75, %swap3A_76], %broadcast_in_dim3A_74 {strides = array<i32>} : memref<128x256xf32, #tpu.memory_space<vmem>>, vector<128x256xf32>,
      %broadcast_in_dim3A_78 = arith.constant 0.000000e+00 : f32
      %broadcast_in_dim3A_79 = vector.broadcast %broadcast_in_dim3A_78 : f32 to vector<128x8xf32>
      %swap3A_80 = arith.constant 0 : index
      %swap3A_81 = arith.constant 0 : index
      %swap3A_82 = vector.load %arg12[%swap3A_80, %swap3A_81] : memref<128x8xf32, #tpu.memory_space<vmem>>, vector<128x8xf32>
      tpu.vector_store %arg12[%swap3A_80, %swap3A_81], %broadcast_in_dim3A_79 {strides = array<i32>} : memref<128x8xf32, #tpu.memory_space<vmem>>, vector<128x8xf32>,
    } else {
    }
    %get3A = arith.constant 0 : index
    %get3A_2 = vector.load %arg3[%get3A] : memref<2048xf32, #tpu.memory_space<vmem>>, vector<2048xf32>
    %get3A_3 = arith.constant 0 : index
    %get3A_4 = vector.load %arg4[%get3A_3] : memref<2048xf32, #tpu.memory_space<vmem>>, vector<2048xf32>
    %add3A = arith.addf %get3A_2, %get3A_4 : vector<2048xf32>
    %gt3A = arith.constant 0.000000e+00 : f32
    %gt3A_5 = vector.broadcast %gt3A : f32 to vector<2048xf32>
    %gt3A_6 = arith.cmpf ogt, %add3A, %gt3A_5 : vector<2048xf32>
    %rsqrt3A = math.rsqrt %add3A : vector<2048xf32>
    %jit3A = arith.constant 0.000000e+00 : f32
    %broadcast_in_dim3A = vector.broadcast %jit3A : f32 to vector<2048xf32>
    %select_n3A = arith.select %gt3A_6, %rsqrt3A, %broadcast_in_dim3A : vector<2048xi1>, vector<2048xf32>
    %get3A_7 = arith.constant 0 : index
    %get3A_8 = arith.constant 0 : index
    %get3A_9 = arith.constant 0 : index
    %get3A_10 = vector.load %arg1[%get3A_7, %get3A_8, %get3A_9] : memref<2x2048x128xf32, #tpu.memory_space<vmem>>, vector<1x2048x128xf32>
    %get3A_11 = vector.shape_cast %get3A_10 : vector<1x2048x128xf32> to vector<2048x128xf32>
    %broadcast_in_dim3A_12 = vector.shape_cast %select_n3A : vector<2048xf32> to vector<2048x1xf32>
    %mul3A = vector.broadcast %broadcast_in_dim3A_12 : vector<2048x1xf32> to vector<2048x128xf32>
    %mul3A_13 = arith.mulf %get3A_11, %mul3A : vector<2048x128xf32>
    %get3A_14 = arith.constant 0 : index
    %get3A_15 = arith.constant 0 : index
    %get3A_16 = vector.load %arg2[%get3A_14, %get3A_15] : memref<1x256xf32, #tpu.memory_space<vmem>>, vector<1x128xf32>
    %get3A_17 = vector.shape_cast %get3A_16 : vector<1x128xf32> to vector<128xf32>
    %broadcast_in_dim3A_18 = vector.shape_cast %get3A_17 : vector<128xf32> to vector<1x128xf32>
    %add3A_19 = vector.broadcast %broadcast_in_dim3A_18 : vector<1x128xf32> to vector<2048x128xf32>
    %add3A_20 = arith.addf %mul3A_13, %add3A_19 : vector<2048x128xf32>
    %max3A = arith.constant 0.000000e+00 : f32
    %max3A_21 = vector.broadcast %max3A : f32 to vector<2048x128xf32>
    %max3A_22 = arith.maximumf %add3A_20, %max3A_21 : vector<2048x128xf32>
    %get3A_23 = arith.constant 1 : index
    %get3A_24 = arith.constant 0 : index
    %get3A_25 = arith.constant 0 : index
    %get3A_26 = vector.load %arg1[%get3A_23, %get3A_24, %get3A_25] : memref<2x2048x128xf32, #tpu.memory_space<vmem>>, vector<1x2048x128xf32>
    %get3A_27 = vector.shape_cast %get3A_26 : vector<1x2048x128xf32> to vector<2048x128xf32>
    %broadcast_in_dim3A_28 = vector.shape_cast %select_n3A : vector<2048xf32> to vector<2048x1xf32>
    %mul3A_29 = vector.broadcast %broadcast_in_dim3A_28 : vector<2048x1xf32> to vector<2048x128xf32>
    %mul3A_30 = arith.mulf %get3A_27, %mul3A_29 : vector<2048x128xf32>
    %get3A_31 = arith.constant 0 : index
    %get3A_32 = arith.constant 128 : index
    %get3A_33 = vector.load %arg2[%get3A_31, %get3A_32] : memref<1x256xf32, #tpu.memory_space<vmem>>, vector<1x128xf32>
    %get3A_34 = vector.shape_cast %get3A_33 : vector<1x128xf32> to vector<128xf32>
    %broadcast_in_dim3A_35 = vector.shape_cast %get3A_34 : vector<128xf32> to vector<1x128xf32>
    %add3A_36 = vector.broadcast %broadcast_in_dim3A_35 : vector<1x128xf32> to vector<2048x128xf32>
    %add3A_37 = arith.addf %mul3A_30, %add3A_36 : vector<2048x128xf32>
    %max3A_38 = arith.constant 0.000000e+00 : f32
    %max3A_39 = vector.broadcast %max3A_38 : f32 to vector<2048x128xf32>
    %max3A_40 = arith.maximumf %add3A_37, %max3A_39 : vector<2048x128xf32>
    %get3A_41 = arith.constant 0 : index
    %get3A_42 = vector.load %arg5[%get3A_41] : memref<2048xi32, #tpu.memory_space<vmem>>, vector<2048xi32>
    %broadcast_in_dim3A_43 = vector.shape_cast %get3A_42 : vector<2048xi32> to vector<2048x1xi32>
    %iota3A = tpu.iota {dimensions = array<i32: 1>} : vector<2048x128xi32>
    %eq3A_44 = vector.broadcast %broadcast_in_dim3A_43 : vector<2048x1xi32> to vector<2048x128xi32>
    %eq3A_45 = arith.cmpi eq, %eq3A_44, %iota3A : vector<2048x128xi32>
    %convert_element_type3A_46 = arith.extui %eq3A_45 : vector<2048x128xi1> to vector<2048x128xi32>
    %convert_element_type3A_47 = arith.sitofp %convert_element_type3A_46 : vector<2048x128xi32> to vector<2048x128xf32>
    %broadcast_in_dim3A_48 = arith.constant 1.000000e+00 : f32
    %broadcast_in_dim3A_49 = vector.broadcast %broadcast_in_dim3A_48 : f32 to vector<2048x8xf32>
    %dot_general3A = arith.constant dense<0.000000e+00> : vector<128x8xf32>
    %dot_general3A_50 = tpu.matmul %convert_element_type3A_47, %broadcast_in_dim3A_49, %dot_general3A {dimension_numbers = #tpu.dot_dimension_numbers<[0], [0], [1], [1], [0, 1, 1, 1], [], []>, precision = #tpu.contract_precision<fp32>, transpose_lhs_hint = false} : vector<2048x128xf32>, vector<2048x8xf32>, vector<128x8xf32> -> vector<128x8xf32>
    %dot_general3A_51 = arith.constant dense<0.000000e+00> : vector<128x128xf32>
    %dot_general3A_52 = tpu.matmul %convert_element_type3A_47, %max3A_22, %dot_general3A_51 {dimension_numbers = #tpu.dot_dimension_numbers<[0], [0], [1], [1], [0, 1, 1, 1], [], []>, precision = #tpu.contract_precision<fp32>, transpose_lhs_hint = false} : vector<2048x128xf32>, vector<2048x128xf32>, vector<128x128xf32> -> vector<128x128xf32>
    %dot_general3A_53 = arith.constant dense<0.000000e+00> : vector<128x128xf32>
    %dot_general3A_54 = tpu.matmul %convert_element_type3A_47, %max3A_40, %dot_general3A_53 {dimension_numbers = #tpu.dot_dimension_numbers<[0], [0], [1], [1], [0, 1, 1, 1], [], []>, precision = #tpu.contract_precision<fp32>, transpose_lhs_hint = false} : vector<2048x128xf32>, vector<2048x128xf32>, vector<128x128xf32> -> vector<128x128xf32>
    %get3A_55 = arith.constant 0 : index
    %get3A_56 = arith.constant 0 : index
    %get3A_57 = vector.load %arg11[%get3A_55, %get3A_56] : memref<128x256xf32, #tpu.memory_space<vmem>>, vector<128x256xf32>
    %concatenate3A = tpu.concatenate %dot_general3A_52, %dot_general3A_54 in 1 : vector<128x128xf32>, vector<128x128xf32> -> vector<128x256xf32>
    %add3A_58 = arith.addf %get3A_57, %concatenate3A : vector<128x256xf32>
    %swap3A = arith.constant 0 : index
    %swap3A_59 = arith.constant 0 : index
    %swap3A_60 = vector.load %arg11[%swap3A, %swap3A_59] : memref<128x256xf32, #tpu.memory_space<vmem>>, vector<128x256xf32>
    tpu.vector_store %arg11[%swap3A, %swap3A_59], %add3A_58 {strides = array<i32>} : memref<128x256xf32, #tpu.memory_space<vmem>>, vector<128x256xf32>,
    %get3A_61 = arith.constant 0 : index
    %get3A_62 = arith.constant 0 : index
    %get3A_63 = vector.load %arg12[%get3A_61, %get3A_62] : memref<128x8xf32, #tpu.memory_space<vmem>>, vector<128x8xf32>
    %add3A_64 = arith.addf %get3A_63, %dot_general3A_50 : vector<128x8xf32>
    %swap3A_65 = arith.constant 0 : index
    %swap3A_66 = arith.constant 0 : index
    %swap3A_67 = vector.load %arg12[%swap3A_65, %swap3A_66] : memref<128x8xf32, #tpu.memory_space<vmem>>, vector<128x8xf32>
    tpu.vector_store %arg12[%swap3A_65, %swap3A_66], %add3A_64 {strides = array<i32>} : memref<128x8xf32, #tpu.memory_space<vmem>>, vector<128x8xf32>,
    %eq3A_68 = arith.constant 4 : i32
    %eq3A_69 = arith.cmpi eq, %arg0, %eq3A_68 : i32
    %convert_element_type3A_70 = arith.extui %eq3A_69 : i1 to i32
    %cond3A_71 = arith.constant 0 : i32
    %cond3A_72 = arith.cmpi ne, %convert_element_type3A_70, %cond3A_71 : i32
    scf.if %cond3A_72 {
      %get3A_73 = arith.constant 0 : index
      %get3A_74 = arith.constant 0 : index
      %get3A_75 = vector.load %arg11[%get3A_73, %get3A_74] : memref<128x256xf32, #tpu.memory_space<vmem>>, vector<128x256xf32>
      %get3A_76 = arith.constant 0 : index
      %get3A_77 = arith.constant 0 : index
      %get3A_78 = vector.load %arg12[%get3A_76, %get3A_77] : memref<128x8xf32, #tpu.memory_space<vmem>>, vector<128x1xf32>
      %max3A_79 = arith.constant 1.000000e+00 : f32
      %max3A_80 = vector.broadcast %max3A_79 : f32 to vector<128x1xf32>
      %max3A_81 = arith.maximumf %get3A_78, %max3A_80 : vector<128x1xf32>
      %div3A = vector.broadcast %max3A_81 : vector<128x1xf32> to vector<128x256xf32>
      %div3A_82 = arith.divf %get3A_75, %div3A : vector<128x256xf32>
      %get3A_83 = arith.constant 0 : index
      %get3A_84 = arith.constant 0 : index
      %get3A_85 = vector.load %arg6[%get3A_83, %get3A_84] : memref<256x256xf32, #tpu.memory_space<vmem>>, vector<256x256xf32>
      %dot_general3A_86 = arith.constant dense<0.000000e+00> : vector<128x256xf32>
      %dot_general3A_87 = tpu.matmul %div3A_82, %get3A_85, %dot_general3A_86 {dimension_numbers = #tpu.dot_dimension_numbers<[1], [0], [0], [1], [0, 0, 1, 1], [], []>, transpose_lhs_hint = false} : vector<128x256xf32>, vector<256x256xf32>, vector<128x256xf32> -> vector<128x256xf32>
      %get3A_88 = arith.constant 0 : index
      %get3A_89 = arith.constant 0 : index
      %get3A_90 = vector.load %arg7[%get3A_88, %get3A_89] : memref<1x256xf32, #tpu.memory_space<vmem>>, vector<1x256xf32>
      %add3A_91 = vector.broadcast %get3A_90 : vector<1x256xf32> to vector<128x256xf32>
      %add3A_92 = arith.addf %dot_general3A_87, %add3A_91 : vector<128x256xf32>
      %max3A_93 = arith.constant 0.000000e+00 : f32
      %max3A_94 = vector.broadcast %max3A_93 : f32 to vector<128x256xf32>
      %max3A_95 = arith.maximumf %add3A_92, %max3A_94 : vector<128x256xf32>
      %get3A_96 = arith.constant 0 : index
      %get3A_97 = arith.constant 0 : index
      %get3A_98 = vector.load %arg8[%get3A_96, %get3A_97] : memref<256x128xf32, #tpu.memory_space<vmem>>, vector<256x128xf32>
      %dot_general3A_99 = arith.constant dense<0.000000e+00> : vector<128x128xf32>
      %dot_general3A_100 = tpu.matmul %max3A_95, %get3A_98, %dot_general3A_99 {dimension_numbers = #tpu.dot_dimension_numbers<[1], [0], [0], [1], [0, 0, 1, 1], [], []>, transpose_lhs_hint = false} : vector<128x256xf32>, vector<256x128xf32>, vector<128x128xf32> -> vector<128x128xf32>
      %get3A_101 = arith.constant 0 : index
      %get3A_102 = arith.constant 0 : index
      %get3A_103 = vector.load %arg9[%get3A_101, %get3A_102] : memref<1x128xf32, #tpu.memory_space<vmem>>, vector<1x128xf32>
      %add3A_104 = vector.broadcast %get3A_103 : vector<1x128xf32> to vector<128x128xf32>
      %add3A_105 = arith.addf %dot_general3A_100, %add3A_104 : vector<128x128xf32>
      %swap3A_106 = arith.constant 0 : index
      %swap3A_107 = arith.constant 0 : index
      %swap3A_108 = vector.load %arg10[%swap3A_106, %swap3A_107] : memref<128x128xf32, #tpu.memory_space<vmem>>, vector<128x128xf32>
      tpu.vector_store %arg10[%swap3A_106, %swap3A_107], %add3A_105 {strides = array<i32>} : memref<128x128xf32, #tpu.memory_space<vmem>>, vector<128x128xf32>,
    } else {
    }
    return
  }
  func.func @transform_0(%arg0: i32) -> (i32, i32, i32) {
    %c0_i32 = arith.constant 0 : i32
    %c0_i32_0 = arith.constant 0 : i32
    %c0_i32_1 = arith.constant 0 : i32
    return %c0_i32, %arg0, %c0_i32_0 : i32, i32, i32
  }
  func.func @transform_1(%arg0: i32) -> (i32, i32) {
    %c0_i32 = arith.constant 0 : i32
    %c0_i32_0 = arith.constant 0 : i32
    %c0_i32_1 = arith.constant 0 : i32
    return %c0_i32, %c0_i32_0 : i32, i32
  }
  func.func @transform_2(%arg0: i32) -> i32 {
    %c0_i32 = arith.constant 0 : i32
    return %arg0 : i32
  }
  func.func @transform_3(%arg0: i32) -> i32 {
    %c0_i32 = arith.constant 0 : i32
    return %arg0 : i32
  }
  func.func @transform_4(%arg0: i32) -> i32 {
    %c0_i32 = arith.constant 0 : i32
    return %arg0 : i32
  }
  func.func @transform_5(%arg0: i32) -> (i32, i32) {
    %c0_i32 = arith.constant 0 : i32
    %c0_i32_0 = arith.constant 0 : i32
    %c0_i32_1 = arith.constant 0 : i32
    return %c0_i32, %c0_i32_0 : i32, i32
  }
  func.func @transform_6(%arg0: i32) -> (i32, i32) {
    %c0_i32 = arith.constant 0 : i32
    %c0_i32_0 = arith.constant 0 : i32
    %c0_i32_1 = arith.constant 0 : i32
    return %c0_i32, %c0_i32_0 : i32, i32
  }
  func.func @transform_7(%arg0: i32) -> (i32, i32) {
    %c0_i32 = arith.constant 0 : i32
    %c0_i32_0 = arith.constant 0 : i32
    %c0_i32_1 = arith.constant 0 : i32
    return %c0_i32, %c0_i32_0 : i32, i32
  }
  func.func @transform_8(%arg0: i32) -> (i32, i32) {
    %c0_i32 = arith.constant 0 : i32
    %c0_i32_0 = arith.constant 0 : i32
    %c0_i32_1 = arith.constant 0 : i32
    return %c0_i32, %c0_i32_0 : i32, i32
  }
  func.func @transform_9(%arg0: i32) -> (i32, i32) {
    %c0_i32 = arith.constant 0 : i32
    %c0_i32_0 = arith.constant 0 : i32
    %c0_i32_1 = arith.constant 0 : i32
    return %c0_i32, %c0_i32_0 : i32, i32
  }
}

</mosaic_0001>

<sc_bundles>
// kernel: kernel.10.cloned.1.call-start
scs
__scs_entry_jumppad:
0x0: {  	(pc) =	sbr.rel $0x88, $3  }
0x1: {  	(tag) =	ssettag $0x0;
	lr =	simm.s32 $0x1  }
0x2: {  	[smem:$0x3F94] =	sst lr;
	_ =	strace $0xD0000000  }
0x3: {  	_ = 	snop  }
0x4: {  	_ = 	snop  }
0x5: {  	_ = 	snop  }
0x6: {  	_ = 	snop  }
0x7: {  	_ = 	snop  }
__scs_overlays_trampoline_lowered:
0x8: {  	[smem:$0x3FA3] =	sst s0  }
0x9: {  	[smem:$0x3FA4] =	sst s1  }
0xa: {  	[smem:$0x3FA5] =	sst s2  }
0xb: {  	[smem:$0x3FA6] =	sst s3  }
0xc: {  	[smem:$0x3FA7] =	sst s4  }
0xd: {  	[smem:$0x3FA8] =	sst s5  }
0xe: {  	[smem:$0x3FA9] =	sst s6  }
0xf: {  	[smem:$0x3FAA] =	sst s7  }
0x10: {  	[smem:$0x3FAB] =	sst s8  }
0x11: {  	[smem:$0x3FAC] =	sst s9;
	s0 =	simm.s32 @!p0 $0x0  }
0x12: {  	s1 =	sld [smem:$0x3F92];
	s0 =	simm.s32 @p0 $0x1  }
0x13: {  	[smem:$0x3FAD] =	sst s0;
	s0 =	simm.s32 @!p1 $0x0  }
0x14: {  	s2 =	sld [smem:$0x3F91];
	s0 =	simm.s32 @p1 $0x1  }
0x15: {  	[smem:$0x3FAE] =	sst s0;
	s0 =	simm.s32 @!p2 $0x0  }
0x16: {  	s3 =	sld [smem:$0x3FDB];
	s0 =	simm.s32 @p2 $0x1  }
0x17: {  	s4 =	simm.s32 $0x1BF5;
	[smem:$0x3FB0] =	sst s0  }
0x18: {  	s0 =	sld [smem:$0x3F93];
	_ =	swait.ge [sflag:s4], $0x0  }
0x19: {  	s7 =	sld [smem:$0x3F94]  }
0x1a: {  	s8 =	sadd.s32 $0xFFFFE003, lr  }
0x1b: {  	s9 =	sadd.s32 $0xFFFFFEF7, lr;
	s5 =	simm.s32 $0xFFFFFFFF;
	p2 =	slt.u32 s8, $0xFFFFF086  }
0x1c: {  	p1 =	slt.u32 s9, $0xF7A;
	s5 =	simm.s32 @!p2 $0x0  }
0x1d: {  	s5 =	simm.s32 @p1 $0x1;
	p0 =	seq.s32 s7, s2  }
0x1e: {  	s7 =	smul.u32 @!p0 $0xF7A, s2;
	p2 =	seq.s32 @!p0 s5, $0x0  }
0x1f: {  	s9 =	smul.u32 $0xF7A, s1;
	s8 =	simm.s32 @!p0 $0x1BF5;
	p2 =	por !p2, p0  }
0x20: {  	[sflag:s8] =	ssyncset.s32 @!p0 $0xFFFFF086;
	s6 =	sadd.s32 @!p0 s3, s7;
	s7 =	simm.s32 @!p0 $0x108  }
0x21: {  	s3 =	sadd.s32 s3, s9;
	s6 =	sadd.s32 @!p0 $0x88, s6;
	s7 =	simm.s32 @p2 $0x1082  }
0x22: {  	[simem:s7], [sflag:s8] =	dma.local @!p0 [hbm:s6], $0xF7A  }
0x23: {  	s9 =	sor.u32 $0xD0000000, s2;
	s6 =	simm.s32 $0x108;
	_ =	swait.ge @!p0 [sflag:s8], $0x0  }
0x24: {  	s3 =	sadd.s32 $0x88, s3;
	s6 =	simm.s32 @!p1 $0x1082;
	[sflag:s4] =	ssyncset.s32 $0xFFFFF086  }
0x25: {  	[simem:s6], [sflag:s4] =	dma.local [hbm:s3], $0xF7A  }
0x26: {  	[smem:$0x3F94] =	sst s1;
	(tag) =	ssettag s2;
	_ =	strace s9  }
0x27: {  	s1 =	sld [smem:$0x3FA4]  }
0x28: {  	s2 =	sld [smem:$0x3FA5]  }
0x29: {  	s4 =	sld [smem:$0x3FA7]  }
0x2a: {  	p0 =	seq.s32 s5, $0x0;
	s5 =	sld [smem:$0x3FA8]  }
0x2b: {  	s6 =	sld [smem:$0x3FA9]  }
0x2c: {  	s7 =	sld [smem:$0x3FAA]  }
0x2d: {  	s3 =	simm.s32 $0x108;
	s8 =	sld [smem:$0x3FAB]  }
0x2e: {  	s3 =	simm.s32 @!p0 $0x1082;
	s9 =	sld [smem:$0x3FAC]  }
0x2f: {  	lr =	sadd.s32 s0, s3;
	s0 =	sld [smem:$0x3FA3]  }
0x30: {  	s3 =	sld [smem:$0x3FA6]  }
0x31: {  	[smem:$0x3FAF] =	sst s10  }
0x32: {  	s10 =	sld [smem:$0x3FAD];
	_ =	sdelay $0x3  }
0x33: {  	p0 =	seq.s32 s10, $0x1;
	s10 =	sld [smem:$0x3FAF];
	_ =	sdelay $0x3  }
0x34: {  	[smem:$0x3FAF] =	sst s10  }
0x35: {  	s10 =	sld [smem:$0x3FAE];
	_ =	sdelay $0x3  }
0x36: {  	p1 =	seq.s32 s10, $0x1;
	s10 =	sld [smem:$0x3FAF];
	_ =	sdelay $0x3  }
0x37: {  	[smem:$0x3FAF] =	sst s10  }
0x38: {  	s10 =	sld [smem:$0x3FB0]  }
0x39: {  	_ = 	snop;
	(pc) =	sbr.ind lr, $3  }
0x3a: {  	_ = 	snop  }
0x3b: {  	_ = 	snop  }
0x3c: {  	p2 =	seq.s32 s10, $0x1;
	s10 =	sld [smem:$0x3FAF]  }
0x3d: {  	_ =	shalt  }
0x3e: {  	_ =	shalt  }
0x3f: {  	_ =	shalt  }
0x40: {  	_ =	shalt  }
0x41: {  	_ =	shalt  }
0x42: {  	_ =	shalt  }
0x43: {  	_ =	shalt  }
0x44: {  	_ =	shalt  }
0x45: {  	_ =	shalt  }
0x46: {  	_ =	shalt  }
0x47: {  	_ =	shalt  }
0x48: {  	_ =	shalt  }
0x49: {  	_ =	shalt  }
0x4a: {  	_ =	shalt  }
0x4b: {  	_ =	shalt  }
0x4c: {  	_ =	shalt  }
0x4d: {  	_ =	shalt  }
0x4e: {  	_ =	shalt  }
0x4f: {  	_ =	shalt  }
0x50: {  	_ =	shalt  }
0x51: {  	_ =	shalt  }
0x52: {  	_ =	shalt  }
0x53: {  	_ =	shalt  }
0x54: {  	_ =	shalt  }
0x55: {  	_ =	shalt  }
0x56: {  	_ =	shalt  }
0x57: {  	_ =	shalt  }
0x58: {  	_ =	shalt  }
0x59: {  	_ =	shalt  }
0x5a: {  	_ =	shalt  }
0x5b: {  	_ =	shalt  }
0x5c: {  	_ =	shalt  }
0x5d: {  	_ =	shalt  }
0x5e: {  	_ =	shalt  }
0x5f: {  	_ =	shalt  }
0x60: {  	_ =	shalt  }
0x61: {  	_ =	shalt  }
0x62: {  	_ =	shalt  }
0x63: {  	_ =	shalt  }
0x64: {  	_ =	shalt  }
0x65: {  	_ =	shalt  }
0x66: {  	_ =	shalt  }
0x67: {  	_ =	shalt  }
0x68: {  	_ =	shalt  }
0x69: {  	_ =	shalt  }
0x6a: {  	_ =	shalt  }
0x6b: {  	_ =	shalt  }
0x6c: {  	_ =	shalt  }
0x6d: {  	_ =	shalt  }
0x6e: {  	_ =	shalt  }
0x6f: {  	_ =	shalt  }
0x70: {  	_ =	shalt  }
0x71: {  	_ =	shalt  }
0x72: {  	_ =	shalt  }
0x73: {  	_ =	shalt  }
0x74: {  	_ =	shalt  }
0x75: {  	_ =	shalt  }
0x76: {  	_ =	shalt  }
0x77: {  	_ =	shalt  }
0x78: {  	_ =	shalt  }
0x79: {  	_ =	shalt  }
0x7a: {  	_ =	shalt  }
0x7b: {  	_ =	shalt  }
0x7c: {  	_ =	shalt  }
0x7d: {  	_ =	shalt  }
0x7e: {  	_ =	shalt  }
0x7f: {  	_ =	shalt  }
0x80: {  	_ =	shalt  }
0x81: {  	_ =	shalt  }
0x82: {  	_ =	shalt  }
0x83: {  	_ =	shalt  }
0x84: {  	_ =	shalt  }
0x85: {  	_ =	shalt  }
0x86: {  	_ =	shalt  }
0x87: {  	_ =	shalt  }
.Lfunc_end0:
.L_simem_size_0:
called_computation_lowered:
.L_overlay_start_0:
0x88: {  	s2 =	sld [smem:$0x3FD9]  }
0x89: {  	s3 =	sld [smem:$0x3FFE];
	_ =	sdelay $0x1  }
0x8a: {  	s1 =	srdreg.scid  }
0x8b: {  	s0 =	sand.u32 $0x1, s1  }
0x8c: {  	s16 =	sshll.u32 s0, $0xA;
	s2 =	sadd.s32 s3, s2  }
0x8d: {  	s2 =	sadd.s32 s2, s16  }
0x8e: {  	[smem:$0x3FBB] =	sst s2  }
0x8f: {  	_ = 	snop  }
0x90: {  	(tm) =	ssettm $0x1  }
0x91: {  	s17 =	sld [smem:$0x3FFB];
	_ =	sdelay $0x3  }
0x92: {  	_ =	strace s17  }
0x93: {  	s2 =	sld [smem:$0x3FFC];
	_ =	sdelay $0x3  }
0x94: {  	_ =	strace s2  }
0x95: {  	s2 =	sld [smem:$0x3FFD];
	_ =	sdelay $0x3  }
0x96: {  	_ =	strace s2  }
0x97: {  	_ =	strace $0x8FFFFFFF  }
0x98: {  	s18 =	sld [smem:$0x3FDB];
	_ =	sdelay $0x1  }
0x99: {  	s19 =	simm.s32 $_scs_section_size  }
0x9a: {  	s4 =	simm.s32 $_size__tile_overlayer_lowered;
	s5 =	simm.s32 $_tile_overlayer_lowered  }
0x9b: {  	s22 =	simm.s32 $0x1BFF;
	s21 =	sshll.u32 s5, $0x1;
	s2 =	sadd.s32 s19, s18  }
0x9c: {  	s6 =	simm.s32 $0x0;
	s20 =	sshll.u32 s4, $0x1;
	s4 =	sadd.s32 s21, s2  }
0x9d: {  	[timem:s6], [sflag:s22] =	dma.local [hbm:s4], s20  }
0x9e: {  	_ =	swait.ge [sflag:s22], s20  }
0x9f: {  	s3 =	ssub.s32 $0x0, s20;
	[sflag:s22] =	ssyncset.done $0x0  }
0xa0: {  	[sflag:s22] =	ssyncadd.s32 s3;
	_ =	sdelay $0x1  }
0xa1: {  	s23 =	simm.s32 $0x1B8B  }
0xa2: {  	_ =	swait.ge [sflag:s23], $0x1  }
0xa3: {  	[sflag:s23] =	ssyncset.done $0x0  }
0xa4: {  	s25 =	simm.s32 $0x1B8E;
	s24 =	sld [smem:$0x3FFE];
	[sflag:s23] =	ssyncadd.s32 $0xFFFFFFFF  }
0xa5: {  	s26 =	simm.s32 $execute0_lowered;
	[smem:$0x3FD2] =	sst s25  }
0xa6: {  	s4 =	sshll.u32 s26, $0x1;
	_ =	strace $0x80000046;
	[dreg:$0x1] =	wrdreg $0xFFFFFFFF  }
0xa7: {  	s28 =	simm.s32 $_size_execute0_lowered;
	s2 =	sadd.s32 s2, s4;
	[dreg:$0x0] =	wrdreg $0x0  }
0xa8: {  	s4 =	sshll.u32 s28, $0x1;
	[dreg:$0x2] =	wrdreg s2  }
0xa9: {  	[dreg:$0x3] =	wrdreg s4  }
0xaa: {  	[dreg:$0x4] =	wrdreg $0xC0  }
0xab: {  	_ =	task [dreg:s6], $0x5FFFF  }
0xac: {  	[dreg:$0x1] =	wrdreg $0xFFFFFFFF  }
0xad: {  	[dreg:$0x0] =	wrdreg $0x60  }
0xae: {  	[dreg:$0x2] =	wrdreg s24  }
0xaf: {  	[dreg:$0x3] =	wrdreg $0x2F000  }
0xb0: {  	[dreg:$0x4] =	wrdreg $0x9  }
0xb1: {  	_ =	task.clear_ibuf [dreg:s6], $0x5FFFF;
	_ =	strace $0x90000046  }
0xb2: {  	s29 =	simm.s32 $0x9;
	_ =	strace $0x80000048  }
0xb3: {  	_ =	swait.ge [sflag:s29], $0x1  }
0xb4: {  	[sflag:s29] =	ssyncadd.s32 $0xFFFFFFFF  }
0xb5: {  	_ =	strace $0x90000048  }
0xb6: {  	_ =	sfence  }
0xb7: {  	s30 =	sld [smem:$0x0];
	_ =	sdelay $0x2  }
0xb8: {  	s31 =	sshll.u32 s1, $0xD;
	s1 =	sshrl.u32 s1, $0x2  }
0xb9: {  	s3 =	sand.u32 $0x4000, s31;
	s1 =	sadd.s32 s1, s30  }
0xba: {  	s0 =	sor.u32 s3, s0;
	s1 =	sshll.u32 s1, $0x11  }
0xbb: {  	s0 =	sor.u32 s1, s0  }
0xbc: {  	s0 =	sadd.s32 $0x8F2B, s0  }
0xbd: {  	[sflag:s0] =	ssyncadd.remote.s32 $0x1  }
0xbe: {  	_ =	sfence.sel $0xFFFF  }
0xbf: {  	[dreg:$0x0] =	wrdreg $0xFFFFFFFF;
	(pc) =	sbr.abs _section_cstart, $3  }
0xc0: {  	[dreg:$0x1] =	wrdreg $0xFFFFFFFF  }
0xc1: {  	_ =	task.clear_ibuf [dreg:s6], $0x2FFFF;
	_ =	strace $0x9FFFFFFF  }
0xc2: {  	(tm) =	ssettm $0x7FFFFFFF  }
0xc3: {  	_ =	shalt  }
tec
execute0_lowered:
.L_overlay_start_1:
0x0: {  	(tag) =	ssettag $0x1  }
0x1: {  	s4 =	rddreg [dreg:$0x0]  }
0x2: {  	s0 =	srdreg.scid;
	s2 =	rddreg [dreg:$0x1]  }
0x3: {  	s1 =	rddreg [dreg:$0x2];
	s5 =	sand.u32 $0x1, s0  }
0x4: {  	s3 =	simm.s32 $0x0;
	s0 =	stileid.u32;
	s6 =	smul.u32 $0x2C000, s5  }
0x5: {  	s10 =	simm.s32 $0x80;
	s11 =	simm.s32 $0x2C00;
	s7 =	smul.u32 $0x2C00, s0  }
0x6: {  	s12 =	simm.s32 $0x1;
	s15 =	simm.s32 $0x0;
	s8 =	smul.u32 $0x280, s0  }
0x7: {  	[smem:$0x7FF] =	sst s3;
	s9 =	smul.u32 $0x2800, s5;
	s5 =	ssub.s32 $0x2, s5  }
0x8: {  	_ =	strace $0x80000047;
	s13 =	sshll.u32 s0, $0x6;
	s31 =	sshrl.u32 s5, $0x1  }
0x9: {  	s13 =	sor.u32 $0x1C02, s13;
	s6 =	sadd.s32 s7, s6;
	s30 =	sadd.s32 s8, s9  }
0xa: {  	s9 =	ssub.s32 s5, s31;
	s6 =	sshrl.u32 s6, $0x3;
	s7 =	sshrl.u32 s30, $0x3  }
0xb: {  	s6 =	sadd.s32 s6, s4;
	s7 =	sadd.s32 s7, s4;
	s4 =	sadd.s32 s8, s2  }
0xc: {  	s8 =	simm.s32 $0x2C80;
	s5 =	sadd.s32 $0x3000, s6;
	s6 =	sadd.s32 $0xE000, s7  }
0xd: {  	v0 =	vimm.f32 $1.000000000e+00;
	v1 =	vimm.f32 $0.0e+00;
	s7 =	smax.u32 s9, $0x1;
	s9 =	simm.s32 $0x2;
	s14 =	sshrl.u32 s4, $0x3  }
.LBB2_1:
0xe: {  	[tilespmem:$0x2C00] =	vst v0  }
0xf: {  	[tilespmem:$0x2C10] =	vst v0  }
0x10: {  	[tilespmem:$0x2C20] =	vst v0  }
0x11: {  	[tilespmem:$0x2C30] =	vst v0  }
0x12: {  	[tilespmem:$0x2C40] =	vst v0  }
0x13: {  	[tilespmem:$0x2C50] =	vst v0  }
0x14: {  	[tilespmem:$0x2C60] =	vst v0  }
0x15: {  	[tilespmem:$0x2C70] =	vst v0  }
0x16: {  	[tilespmem:$0x2C80] =	vst v1  }
0x17: {  	[tilespmem:$0x2C90] =	vst v1  }
0x18: {  	[tilespmem:$0x2CA0] =	vst v1  }
0x19: {  	[tilespmem:$0x2CB0] =	vst v1  }
0x1a: {  	[tilespmem:$0x2CC0] =	vst v1  }
0x1b: {  	[tilespmem:$0x2CD0] =	vst v1  }
0x1c: {  	[tilespmem:$0x2CE0] =	vst v1  }
0x1d: {  	[tilespmem:$0x2CF0] =	vst v1  }
0x1e: {  	[tilespmem:$0x2D00] =	vst v1  }
0x1f: {  	[tilespmem:$0x2D10] =	vst v1  }
0x20: {  	[tilespmem:$0x2D20] =	vst v1  }
0x21: {  	[tilespmem:$0x2D30] =	vst v1  }
0x22: {  	[tilespmem:$0x2D40] =	vst v1  }
0x23: {  	[tilespmem:$0x2D50] =	vst v1  }
0x24: {  	[tilespmem:$0x2D60] =	vst v1  }
0x25: {  	[tilespmem:$0x2D70] =	vst v1  }
0x26: {  	[tilespmem:$0x2D80] =	vst v1  }
0x27: {  	[tilespmem:$0x2D90] =	vst v1  }
0x28: {  	[tilespmem:$0x2DA0] =	vst v1  }
0x29: {  	[tilespmem:$0x2DB0] =	vst v1  }
0x2a: {  	[tilespmem:$0x2DC0] =	vst v1  }
0x2b: {  	[tilespmem:$0x2DD0] =	vst v1  }
0x2c: {  	[tilespmem:$0x2DE0] =	vst v1  }
0x2d: {  	[tilespmem:$0x2DF0] =	vst v1  }
0x2e: {  	[tilespmem:$0x2E00] =	vst v1  }
0x2f: {  	[tilespmem:$0x2E10] =	vst v1  }
0x30: {  	[tilespmem:$0x2E20] =	vst v1  }
0x31: {  	[tilespmem:$0x2E30] =	vst v1  }
0x32: {  	[tilespmem:$0x2E40] =	vst v1  }
0x33: {  	[tilespmem:$0x2E50] =	vst v1  }
0x34: {  	[tilespmem:$0x2E60] =	vst v1  }
0x35: {  	[tilespmem:$0x2E70] =	vst v1  }
0x36: {  	[tilespmem:$0x2E80] =	vst v1  }
0x37: {  	[tilespmem:$0x2E90] =	vst v1  }
0x38: {  	[tilespmem:$0x2EA0] =	vst v1  }
0x39: {  	[tilespmem:$0x2EB0] =	vst v1  }
0x3a: {  	[tilespmem:$0x2EC0] =	vst v1  }
0x3b: {  	[tilespmem:$0x2ED0] =	vst v1  }
0x3c: {  	[tilespmem:$0x2EE0] =	vst v1  }
0x3d: {  	[tilespmem:$0x2EF0] =	vst v1  }
0x3e: {  	[spmem:s4] =	stream.linear.scatter [tilespmem:s8], [sflag:$0x2], $0x280, $0x38;
	[tilespmem:$0x3180] =	vst v63  }
0x3f: {  	_ =	swait.ge [sflag:s9], $0x280  }
0x40: {  	[sflag:s9] =	ssyncset.done $0x0  }
0x41: {  	[sflag:s9] =	ssyncadd.s32 $0xFFFFFD80  }
0x42: {  	[tilespmem:s3], [sflag:$0x2] =	stream.linear.gather [hbm4b:s5+s3], $0x2880, $0x38;
	[tilespmem:$0x3180] =	vst v63  }
0x43: {  	_ =	swait.ge [sflag:s9], $0x2880  }
0x44: {  	[sflag:s9] =	ssyncset.done $0x0  }
0x45: {  	p0 =	por $0x1, $0x1;
	[sflag:s9] =	ssyncadd.s32 $0xFFFFD780  }
0x46: {  	s18 =	simm.s32 @!p0 $0x1;
	[bflag:$0x0] =	sbarrier.arrive $0xFFFF  }
0x47: {  	[spmem:s2] =	stream.indirect.scatter.add.f32 [tilespmem:s11], [sflag:$0x1], $0x1, s3, s10, $0xb8;
	[tilespmem:$0x3180] =	vst v63  }
0x48: {  	_ =	swait.ge @!p0 [sflag:s18], $0x80  }
0x49: {  	s16 =	simm.s32 $0x1;
	s17 =	simm.s32 $0x0;
	[sflag:s18] =	ssyncset.done @!p0 $0x0  }
.LBB2_2:
0x4a: {  	[sflag:s18] =	ssyncadd.s32 @!p0 $0xFFFFFF80  }
0x4b: {  	s17 =	sadd.s32 $0x80, s17;
	s18 =	smov.u32 s16;
	s16 =	sadd.s32 $0x1, s16  }
0x4c: {  	p1 =	sne.s32 s16, $0x51  }
0x4d: {  	[spmem:s2] =	stream.indirect.scatter.add.f32 [tilespmem:s11], [sflag:$0x1], $0x1, s17, s10, $0xb8;
	[tilespmem:$0x3180] =	vst v63  }
.Ltmp0:
0x4e: {  	_ = 	snop;
	(pc) =	sbr.rel @p1 .LBB2_2-.Ltmp0, $4  }
0x4f: {  	p0 =	slt.u32 s18, $0x8  }
0x50: {  	s18 =	simm.s32 @!p0 $0x1  }
0x51: {  	_ =	swait.ge @!p0 [sflag:s18], $0x80  }
0x52: {  	[sflag:s18] =	ssyncset.done @!p0 $0x0  }
0x53: {  	[sflag:s18] =	ssyncadd.s32 @!p0 $0xFFFFFF80  }
0x54: {  	_ =	swait.ge [sflag:s12], $0x80  }
0x55: {  	[sflag:s12] =	ssyncset.done $0x0  }
0x56: {  	[sflag:s12] =	ssyncadd.s32 $0xFFFFFF80  }
0x57: {  	_ =	swait.ge [sflag:s12], $0x80  }
0x58: {  	[sflag:s12] =	ssyncset.done $0x0  }
0x59: {  	[sflag:s12] =	ssyncadd.s32 $0xFFFFFF80  }
0x5a: {  	_ =	swait.ge [sflag:s12], $0x80  }
0x5b: {  	[sflag:s12] =	ssyncset.done $0x0  }
0x5c: {  	[sflag:s12] =	ssyncadd.s32 $0xFFFFFF80  }
0x5d: {  	_ =	swait.ge [sflag:s12], $0x80  }
0x5e: {  	[sflag:s12] =	ssyncset.done $0x0  }
0x5f: {  	[sflag:s12] =	ssyncadd.s32 $0xFFFFFF80  }
0x60: {  	_ =	swait.ge [sflag:s12], $0x80  }
0x61: {  	[sflag:s12] =	ssyncset.done $0x0  }
0x62: {  	[sflag:s12] =	ssyncadd.s32 $0xFFFFFF80  }
0x63: {  	_ =	swait.ge [sflag:s12], $0x80  }
0x64: {  	[sflag:s12] =	ssyncset.done $0x0  }
0x65: {  	[sflag:s12] =	ssyncadd.s32 $0xFFFFFF80  }
0x66: {  	_ =	swait.ge [sflag:s12], $0x80  }
0x67: {  	[sflag:s12] =	ssyncset.done $0x0  }
0x68: {  	[sflag:s12] =	ssyncadd.s32 $0xFFFFFF80  }
0x69: {  	_ =	swait.ge [sflag:s12], $0x80  }
0x6a: {  	s15 =	sadd.s32 $0x1, s15;
	[sflag:s12] =	ssyncset.done $0x0  }
0x6b: {  	p0 =	sne.s32 s15, s7;
	[sflag:s12] =	ssyncadd.s32 $0xFFFFFF80  }
.Ltmp1:
0x6c: {  	[bflag:$0x0] =	sbarrier.arrive $0xFFFF;
	(pc) =	sbr.rel @p0 .LBB2_1-.Ltmp1, $4  }
0x6d: {  	[hbm:s6], [sflag:s13] =	dma.local [spmem:s14], $0x50  }
0x6e: {  	_ =	swait.ge [sflag:s9], $0x50  }
0x6f: {  	[sflag:s9] =	ssyncset.done $0x0  }
0x70: {  	[sflag:s9] =	ssyncadd.s32 $0xFFFFFFB0  }
0x71: {  	_ =	sfence.sel $0x180000  }
0x72: {  	[bflag:$0x0] =	sbarrier.arrive $0xFFFF  }
0x73: {  	p0 =	sne.s32 s0, $0x0;
	_ =	strace $0x90000047  }
0x74: {  	s0 =	sadd.s32 @!p0 $0x100000, s1;
	[bflag:$0x2] =	sbarrier.arrive $0xFFFF  }
0x75: {  	[sflag:s0] =	ssyncadd.tile.s32 @!p0 $0x1;
	_ =	shalt  }
.Lfunc_end2:
_tile_overlayer_lowered:
.L_overlay_start_2:
0x76: {  	(tag) =	ssettag $0x2  }
0x77: {  	s0 =	rddreg [dreg:$0x0];
	s2 =	stileid.u32  }
0x78: {  	s1 =	rddreg [dreg:$0x1];
	p0 =	sne.s32 s2, $0x0  }
0x79: {  	s3 =	rddreg [dreg:$0x2];
	[bflag:$0x3] =	sbarrier.arrive $0xFFFF;
	s2 =	simm.s32 @!p0 $0x1C02  }
0x7a: {  	[timem:s3], [sflag:s2] =	dma.local @!p0 [hbm:s0], s1  }
0x7b: {  	s0 =	simm.s32 @!p0 $0x2  }
0x7c: {  	_ =	swait.ge @!p0 [sflag:s0], s1  }
0x7d: {  	s1 =	ssub.s32 @!p0 $0x0, s1;
	[sflag:s0] =	ssyncset.done @!p0 $0x0  }
0x7e: {  	[sflag:s0] =	ssyncadd.s32 @!p0 s1  }
0x7f: {  	[bflag:$0x3] =	sbarrier.arrive $0xFFFF  }
0x80: {  	_ =	shalt  }

// kernel: kernel.13.cloned.1.call-start
scs
__scs_entry_jumppad:
0x0: {  	(pc) =	sbr.rel $0x88, $3  }
0x1: {  	(tag) =	ssettag $0x0;
	lr =	simm.s32 $0x1  }
0x2: {  	[smem:$0x3F94] =	sst lr;
	_ =	strace $0xD0000000  }
0x3: {  	_ = 	snop  }
0x4: {  	_ = 	snop  }
0x5: {  	_ = 	snop  }
0x6: {  	_ = 	snop  }
0x7: {  	_ = 	snop  }
__scs_overlays_trampoline_lowered:
0x8: {  	[smem:$0x3FA3] =	sst s0  }
0x9: {  	[smem:$0x3FA4] =	sst s1  }
0xa: {  	[smem:$0x3FA5] =	sst s2  }
0xb: {  	[smem:$0x3FA6] =	sst s3  }
0xc: {  	[smem:$0x3FA7] =	sst s4  }
0xd: {  	[smem:$0x3FA8] =	sst s5  }
0xe: {  	[smem:$0x3FA9] =	sst s6  }
0xf: {  	[smem:$0x3FAA] =	sst s7  }
0x10: {  	[smem:$0x3FAB] =	sst s8  }
0x11: {  	[smem:$0x3FAC] =	sst s9;
	s0 =	simm.s32 @!p0 $0x0  }
0x12: {  	s1 =	sld [smem:$0x3F92];
	s0 =	simm.s32 @p0 $0x1  }
0x13: {  	[smem:$0x3FAD] =	sst s0;
	s0 =	simm.s32 @!p1 $0x0  }
0x14: {  	s2 =	sld [smem:$0x3F91];
	s0 =	simm.s32 @p1 $0x1  }
0x15: {  	[smem:$0x3FAE] =	sst s0;
	s0 =	simm.s32 @!p2 $0x0  }
0x16: {  	s3 =	sld [smem:$0x3FDB];
	s0 =	simm.s32 @p2 $0x1  }
0x17: {  	s4 =	simm.s32 $0x1BF5;
	[smem:$0x3FB0] =	sst s0  }
0x18: {  	s0 =	sld [smem:$0x3F93];
	_ =	swait.ge [sflag:s4], $0x0  }
0x19: {  	s7 =	sld [smem:$0x3F94]  }
0x1a: {  	s8 =	sadd.s32 $0xFFFFE003, lr  }
0x1b: {  	s9 =	sadd.s32 $0xFFFFFEF7, lr;
	s5 =	simm.s32 $0xFFFFFFFF;
	p2 =	slt.u32 s8, $0xFFFFF086  }
0x1c: {  	p1 =	slt.u32 s9, $0xF7A;
	s5 =	simm.s32 @!p2 $0x0  }
0x1d: {  	s5 =	simm.s32 @p1 $0x1;
	p0 =	seq.s32 s7, s2  }
0x1e: {  	s7 =	smul.u32 @!p0 $0xF7A, s2;
	p2 =	seq.s32 @!p0 s5, $0x0  }
0x1f: {  	s9 =	smul.u32 $0xF7A, s1;
	s8 =	simm.s32 @!p0 $0x1BF5;
	p2 =	por !p2, p0  }
0x20: {  	[sflag:s8] =	ssyncset.s32 @!p0 $0xFFFFF086;
	s6 =	sadd.s32 @!p0 s3, s7;
	s7 =	simm.s32 @!p0 $0x108  }
0x21: {  	s3 =	sadd.s32 s3, s9;
	s6 =	sadd.s32 @!p0 $0x88, s6;
	s7 =	simm.s32 @p2 $0x1082  }
0x22: {  	[simem:s7], [sflag:s8] =	dma.local @!p0 [hbm:s6], $0xF7A  }
0x23: {  	s9 =	sor.u32 $0xD0000000, s2;
	s6 =	simm.s32 $0x108;
	_ =	swait.ge @!p0 [sflag:s8], $0x0  }
0x24: {  	s3 =	sadd.s32 $0x88, s3;
	s6 =	simm.s32 @!p1 $0x1082;
	[sflag:s4] =	ssyncset.s32 $0xFFFFF086  }
0x25: {  	[simem:s6], [sflag:s4] =	dma.local [hbm:s3], $0xF7A  }
0x26: {  	[smem:$0x3F94] =	sst s1;
	(tag) =	ssettag s2;
	_ =	strace s9  }
0x27: {  	s1 =	sld [smem:$0x3FA4]  }
0x28: {  	s2 =	sld [smem:$0x3FA5]  }
0x29: {  	s4 =	sld [smem:$0x3FA7]  }
0x2a: {  	p0 =	seq.s32 s5, $0x0;
	s5 =	sld [smem:$0x3FA8]  }
0x2b: {  	s6 =	sld [smem:$0x3FA9]  }
0x2c: {  	s7 =	sld [smem:$0x3FAA]  }
0x2d: {  	s3 =	simm.s32 $0x108;
	s8 =	sld [smem:$0x3FAB]  }
0x2e: {  	s3 =	simm.s32 @!p0 $0x1082;
	s9 =	sld [smem:$0x3FAC]  }
0x2f: {  	lr =	sadd.s32 s0, s3;
	s0 =	sld [smem:$0x3FA3]  }
0x30: {  	s3 =	sld [smem:$0x3FA6]  }
0x31: {  	[smem:$0x3FAF] =	sst s10  }
0x32: {  	s10 =	sld [smem:$0x3FAD];
	_ =	sdelay $0x3  }
0x33: {  	p0 =	seq.s32 s10, $0x1;
	s10 =	sld [smem:$0x3FAF];
	_ =	sdelay $0x3  }
0x34: {  	[smem:$0x3FAF] =	sst s10  }
0x35: {  	s10 =	sld [smem:$0x3FAE];
	_ =	sdelay $0x3  }
0x36: {  	p1 =	seq.s32 s10, $0x1;
	s10 =	sld [smem:$0x3FAF];
	_ =	sdelay $0x3  }
0x37: {  	[smem:$0x3FAF] =	sst s10  }
0x38: {  	s10 =	sld [smem:$0x3FB0]  }
0x39: {  	_ = 	snop;
	(pc) =	sbr.ind lr, $3  }
0x3a: {  	_ = 	snop  }
0x3b: {  	_ = 	snop  }
0x3c: {  	p2 =	seq.s32 s10, $0x1;
	s10 =	sld [smem:$0x3FAF]  }
0x3d: {  	_ =	shalt  }
0x3e: {  	_ =	shalt  }
0x3f: {  	_ =	shalt  }
0x40: {  	_ =	shalt  }
0x41: {  	_ =	shalt  }
0x42: {  	_ =	shalt  }
0x43: {  	_ =	shalt  }
0x44: {  	_ =	shalt  }
0x45: {  	_ =	shalt  }
0x46: {  	_ =	shalt  }
0x47: {  	_ =	shalt  }
0x48: {  	_ =	shalt  }
0x49: {  	_ =	shalt  }
0x4a: {  	_ =	shalt  }
0x4b: {  	_ =	shalt  }
0x4c: {  	_ =	shalt  }
0x4d: {  	_ =	shalt  }
0x4e: {  	_ =	shalt  }
0x4f: {  	_ =	shalt  }
0x50: {  	_ =	shalt  }
0x51: {  	_ =	shalt  }
0x52: {  	_ =	shalt  }
0x53: {  	_ =	shalt  }
0x54: {  	_ =	shalt  }
0x55: {  	_ =	shalt  }
0x56: {  	_ =	shalt  }
0x57: {  	_ =	shalt  }
0x58: {  	_ =	shalt  }
0x59: {  	_ =	shalt  }
0x5a: {  	_ =	shalt  }
0x5b: {  	_ =	shalt  }
0x5c: {  	_ =	shalt  }
0x5d: {  	_ =	shalt  }
0x5e: {  	_ =	shalt  }
0x5f: {  	_ =	shalt  }
0x60: {  	_ =	shalt  }
0x61: {  	_ =	shalt  }
0x62: {  	_ =	shalt  }
0x63: {  	_ =	shalt  }
0x64: {  	_ =	shalt  }
0x65: {  	_ =	shalt  }
0x66: {  	_ =	shalt  }
0x67: {  	_ =	shalt  }
0x68: {  	_ =	shalt  }
0x69: {  	_ =	shalt  }
0x6a: {  	_ =	shalt  }
0x6b: {  	_ =	shalt  }
0x6c: {  	_ =	shalt  }
0x6d: {  	_ =	shalt  }
0x6e: {  	_ =	shalt  }
0x6f: {  	_ =	shalt  }
0x70: {  	_ =	shalt  }
0x71: {  	_ =	shalt  }
0x72: {  	_ =	shalt  }
0x73: {  	_ =	shalt  }
0x74: {  	_ =	shalt  }
0x75: {  	_ =	shalt  }
0x76: {  	_ =	shalt  }
0x77: {  	_ =	shalt  }
0x78: {  	_ =	shalt  }
0x79: {  	_ =	shalt  }
0x7a: {  	_ =	shalt  }
0x7b: {  	_ =	shalt  }
0x7c: {  	_ =	shalt  }
0x7d: {  	_ =	shalt  }
0x7e: {  	_ =	shalt  }
0x7f: {  	_ =	shalt  }
0x80: {  	_ =	shalt  }
0x81: {  	_ =	shalt  }
0x82: {  	_ =	shalt  }
0x83: {  	_ =	shalt  }
0x84: {  	_ =	shalt  }
0x85: {  	_ =	shalt  }
0x86: {  	_ =	shalt  }
0x87: {  	_ =	shalt  }
.Lfunc_end0:
.L_simem_size_0:
called_computation.1_lowered:
.L_overlay_start_0:
0x88: {  	s2 =	sld [smem:$0x3FD9]  }
0x89: {  	s3 =	sld [smem:$0x3FFE];
	_ =	sdelay $0x1  }
0x8a: {  	s1 =	srdreg.scid  }
0x8b: {  	s0 =	sand.u32 $0x1, s1  }
0x8c: {  	s16 =	sshll.u32 s0, $0xA;
	s2 =	sadd.s32 s3, s2  }
0x8d: {  	s2 =	sadd.s32 s2, s16  }
0x8e: {  	[smem:$0x3FBB] =	sst s2  }
0x8f: {  	_ = 	snop  }
0x90: {  	(tm) =	ssettm $0x1  }
0x91: {  	s17 =	sld [smem:$0x3FFB];
	_ =	sdelay $0x3  }
0x92: {  	_ =	strace s17  }
0x93: {  	s2 =	sld [smem:$0x3FFC];
	_ =	sdelay $0x3  }
0x94: {  	_ =	strace s2  }
0x95: {  	s2 =	sld [smem:$0x3FFD];
	_ =	sdelay $0x3  }
0x96: {  	_ =	strace s2  }
0x97: {  	_ =	strace $0x8FFFFFFF  }
0x98: {  	s18 =	sld [smem:$0x3FDB];
	_ =	sdelay $0x1  }
0x99: {  	s19 =	simm.s32 $_scs_section_size  }
0x9a: {  	s4 =	simm.s32 $_size__tile_overlayer_lowered;
	s5 =	simm.s32 $_tile_overlayer_lowered  }
0x9b: {  	s22 =	simm.s32 $0x1BFF;
	s21 =	sshll.u32 s5, $0x1;
	s2 =	sadd.s32 s19, s18  }
0x9c: {  	s6 =	simm.s32 $0x0;
	s20 =	sshll.u32 s4, $0x1;
	s4 =	sadd.s32 s21, s2  }
0x9d: {  	[timem:s6], [sflag:s22] =	dma.local [hbm:s4], s20  }
0x9e: {  	_ =	swait.ge [sflag:s22], s20  }
0x9f: {  	s3 =	ssub.s32 $0x0, s20;
	[sflag:s22] =	ssyncset.done $0x0  }
0xa0: {  	[sflag:s22] =	ssyncadd.s32 s3;
	_ =	sdelay $0x1  }
0xa1: {  	s23 =	simm.s32 $0x1B8B  }
0xa2: {  	_ =	swait.ge [sflag:s23], $0x1  }
0xa3: {  	[sflag:s23] =	ssyncset.done $0x0  }
0xa4: {  	s25 =	simm.s32 $0x1B8E;
	s24 =	sld [smem:$0x3FFE];
	[sflag:s23] =	ssyncadd.s32 $0xFFFFFFFF  }
0xa5: {  	s26 =	simm.s32 $execute0_lowered;
	[smem:$0x3FD2] =	sst s25  }
0xa6: {  	s4 =	sshll.u32 s26, $0x1;
	_ =	strace $0x80000049;
	[dreg:$0x1] =	wrdreg $0xFFFFFFFF  }
0xa7: {  	s28 =	simm.s32 $_size_execute0_lowered;
	s2 =	sadd.s32 s2, s4;
	[dreg:$0x0] =	wrdreg $0x0  }
0xa8: {  	s4 =	sshll.u32 s28, $0x1;
	[dreg:$0x2] =	wrdreg s2  }
0xa9: {  	[dreg:$0x3] =	wrdreg s4  }
0xaa: {  	[dreg:$0x4] =	wrdreg $0xC0  }
0xab: {  	_ =	task [dreg:s6], $0x5FFFF  }
0xac: {  	[dreg:$0x1] =	wrdreg $0xFFFFFFFF  }
0xad: {  	[dreg:$0x0] =	wrdreg $0x60  }
0xae: {  	[dreg:$0x2] =	wrdreg s24  }
0xaf: {  	[dreg:$0x3] =	wrdreg $0xB0000  }
0xb0: {  	[dreg:$0x4] =	wrdreg $0x9  }
0xb1: {  	_ =	task.clear_ibuf [dreg:s6], $0x5FFFF;
	_ =	strace $0x90000049  }
0xb2: {  	s29 =	simm.s32 $0x9;
	_ =	strace $0x8000004B  }
0xb3: {  	_ =	swait.ge [sflag:s29], $0x1  }
0xb4: {  	[sflag:s29] =	ssyncadd.s32 $0xFFFFFFFF  }
0xb5: {  	_ =	strace $0x9000004B  }
0xb6: {  	_ =	sfence  }
0xb7: {  	s30 =	sld [smem:$0x0];
	_ =	sdelay $0x2  }
0xb8: {  	s31 =	sshll.u32 s1, $0xD;
	s1 =	sshrl.u32 s1, $0x2  }
0xb9: {  	s3 =	sand.u32 $0x4000, s31;
	s1 =	sadd.s32 s1, s30  }
0xba: {  	s0 =	sor.u32 s3, s0;
	s1 =	sshll.u32 s1, $0x11  }
0xbb: {  	s0 =	sor.u32 s1, s0  }
0xbc: {  	s0 =	sadd.s32 $0x8F2B, s0  }
0xbd: {  	[sflag:s0] =	ssyncadd.remote.s32 $0x1  }
0xbe: {  	_ =	sfence.sel $0xFFFF  }
0xbf: {  	[dreg:$0x0] =	wrdreg $0xFFFFFFFF;
	(pc) =	sbr.abs _section_cstart, $3  }
0xc0: {  	[dreg:$0x1] =	wrdreg $0xFFFFFFFF  }
0xc1: {  	_ =	task.clear_ibuf [dreg:s6], $0x2FFFF;
	_ =	strace $0x9FFFFFFF  }
0xc2: {  	(tm) =	ssettm $0x7FFFFFFF  }
0xc3: {  	_ =	shalt  }
tec
execute0_lowered:
.L_overlay_start_1:
0x0: {  	(tag) =	ssettag $0x1  }
0x1: {  	s0 =	rddreg [dreg:$0x0]  }
0x2: {  	s2 =	rddreg [dreg:$0x1]  }
0x3: {  	s4 =	srdreg.scid;
	s1 =	stileid.u32;
	s3 =	simm.s32 $0x0  }
0x4: {  	s18 =	simm.s32 $0x4;
	s20 =	simm.s32 $0x80;
	s7 =	smul.u32 $0x2800, s1  }
0x5: {  	s21 =	simm.s32 $0x7000;
	s22 =	simm.s32 $0x1;
	s9 =	smul.u32 $0x50000, s1  }
0x6: {  	s23 =	simm.s32 $0x2;
	s6 =	sand.u32 $0x1, s4;
	s12 =	smul.u32 $0x6C00, s1  }
0x7: {  	[smem:$0x7FF] =	sst s3;
	s4 =	sadd.s32 $0x37200, s0;
	s17 =	smul.u32 $0xD80, s1  }
0x8: {  	s5 =	sadd.s32 $0x1C200, s0;
	s15 =	sadd.s32 $0xEA00, s0;
	s8 =	smul.u32 $0x28000, s6  }
0x9: {  	_ =	strace $0x8000004A;
	s29 =	ssub.s32 $0x2, s6;
	s10 =	smul.u32 $0x6C000, s6  }
0xa: {  	s9 =	sshrl.u32 s9, $0x2;
	s11 =	sshrl.u32 s29, $0x1;
	s31 =	sadd.s32 s17, s15  }
0xb: {  	s17 =	simm.s32 $0x3000;
	s7 =	sadd.s32 s7, s8;
	s6 =	sadd.s32 s9, s2  }
0xc: {  	s14 =	ssub.s32 s29, s11;
	s16 =	sadd.s32 s12, s10;
	s12 =	sshrl.u32 s12, $0x3  }
0xd: {  	s0 =	sadd.s32 s7, s0;
	s7 =	sadd.s32 $0x4000, s6;
	s8 =	sadd.s32 $0x8000, s6  }
0xe: {  	s9 =	sadd.s32 $0xC000, s6;
	s30 =	sshrl.u32 s16, $0x3;
	s10 =	sadd.s32 $0x10000, s6  }
0xf: {  	s12 =	sadd.s32 s15, s12;
	s14 =	smax.u32 s14, $0x1;
	s15 =	sadd.s32 $0xC00, s16  }
0x10: {  	v0 =	vimm.f32 $0.0e+00;
	s16 =	sadd.s32 $0x180, s31;
	s11 =	sadd.s32 s5, s30;
	s13 =	sadd.s32 $0x87200, s0  }
.LBB2_1:
0x11: {  	s24 =	simm.s32 $0x0;
	s25 =	simm.s32 $0x200  }
.LBB2_2:
0x12: {  	p0 =	sne.s32 s25, $0xFE00;
	[tilespmem:s24+$0x3070] =	vst v0  }
0x13: {  	[tilespmem:s24+$0x3000] =	vst v0  }
0x14: {  	[tilespmem:s24+$0x3010] =	vst v0  }
.Ltmp0:
0x15: {  	[tilespmem:s24+$0x3020] =	vst v0;
	(pc) =	sbr.rel @p0 .LBB2_2-.Ltmp0, $4  }
0x16: {  	[tilespmem:s24+$0x3030] =	vst v0  }
0x17: {  	[tilespmem:s24+$0x3040] =	vst v0  }
0x18: {  	[tilespmem:s24+$0x3050] =	vst v0  }
0x19: {  	[tilespmem:s24+$0x3060] =	vst v0;
	s24 =	sshra.s32 s25, $0x2;
	s25 =	sadd.s32 $0x200, s25  }
0x1a: {  	[tilespmem:s24+$0x3070] =	vst v0  }
0x1b: {  	[tilespmem:s24+$0x3000] =	vst v0  }
0x1c: {  	[tilespmem:s24+$0x3010] =	vst v0  }
0x1d: {  	[tilespmem:s24+$0x3020] =	vst v0  }
0x1e: {  	[tilespmem:s24+$0x3030] =	vst v0  }
0x1f: {  	[tilespmem:s24+$0x3040] =	vst v0  }
0x20: {  	[tilespmem:s24+$0x3050] =	vst v0  }
0x21: {  	[tilespmem:s24+$0x3060] =	vst v0  }
0x22: {  	[spmem:s6] =	stream.linear.scatter [tilespmem:s17], [sflag:$0x4], $0x4000, $0x38;
	[tilespmem:$0x1F000] =	vst v63  }
0x23: {  	_ =	swait.ge [sflag:s18], $0x4000  }
0x24: {  	[sflag:s18] =	ssyncset.done $0x0  }
0x25: {  	[sflag:s18] =	ssyncadd.s32 $0xFFFFC000  }
0x26: {  	[spmem:s7] =	stream.linear.scatter [tilespmem:s17], [sflag:$0x4], $0x4000, $0x38;
	[tilespmem:$0x1F000] =	vst v63  }
0x27: {  	_ =	swait.ge [sflag:s18], $0x4000  }
0x28: {  	[sflag:s18] =	ssyncset.done $0x0  }
0x29: {  	[sflag:s18] =	ssyncadd.s32 $0xFFFFC000  }
0x2a: {  	[spmem:s8] =	stream.linear.scatter [tilespmem:s17], [sflag:$0x4], $0x4000, $0x38;
	[tilespmem:$0x1F000] =	vst v63  }
0x2b: {  	_ =	swait.ge [sflag:s18], $0x4000  }
0x2c: {  	[sflag:s18] =	ssyncset.done $0x0  }
0x2d: {  	[sflag:s18] =	ssyncadd.s32 $0xFFFFC000  }
0x2e: {  	[spmem:s9] =	stream.linear.scatter [tilespmem:s17], [sflag:$0x4], $0x4000, $0x38;
	[tilespmem:$0x1F000] =	vst v63  }
0x2f: {  	_ =	swait.ge [sflag:s18], $0x4000  }
0x30: {  	[sflag:s18] =	ssyncset.done $0x0  }
0x31: {  	[sflag:s18] =	ssyncadd.s32 $0xFFFFC000  }
0x32: {  	[spmem:s10] =	stream.linear.scatter [tilespmem:s17], [sflag:$0x4], $0x4000, $0x38;
	[tilespmem:$0x1F000] =	vst v63  }
0x33: {  	_ =	swait.ge [sflag:s18], $0x4000  }
0x34: {  	[sflag:s18] =	ssyncset.done $0x0  }
0x35: {  	s0 =	simm.s32 $0x0;
	[sflag:s18] =	ssyncadd.s32 $0xFFFFC000  }
0x36: {  	[tilespmem:s0], [sflag:$0x4] =	stream.linear.gather [hbm4b:s11+s0], $0x900, $0x38;
	[tilespmem:$0x1F000] =	vst v63  }
0x37: {  	_ =	swait.ge [sflag:s18], $0x900  }
0x38: {  	[sflag:s18] =	ssyncset.done $0x0  }
0x39: {  	s19 =	simm.s32 $0x1800;
	[sflag:s18] =	ssyncadd.s32 $0xFFFFF700  }
0x3a: {  	[tilespmem:s19], [sflag:$0x4] =	stream.linear.gather [hbm4b:s12+s0], $0x900, $0x38;
	[tilespmem:$0x1F000] =	vst v63  }
0x3b: {  	_ =	swait.ge [sflag:s18], $0x900  }
0x3c: {  	[sflag:s18] =	ssyncset.done $0x0  }
0x3d: {  	[sflag:s18] =	ssyncadd.s32 $0xFFFFF700  }
0x3e: {  	[bflag:$0x0] =	sbarrier.arrive $0xFFFF  }
0x3f: {  	[tilespmem:s17], [sflag:$0x1] =	stream.indirect.gather [hbm4b:s4+s20], $0x80, s0, s20, $0xb8;
	[tilespmem:$0x1F000] =	vst v63  }
0x40: {  	p0 =	por $0x0, $0x0;
	s0 =	sand.u32 $0x1, s0  }
0x41: {  	s24 =	sxor.u32 @!p0 $0x1, s0  }
0x42: {  	s25 =	sshrl.u32 @!p0 s15, $0x3;
	s26 =	smul.u32 @!p0 $0xC00, s24  }
0x43: {  	s28 =	simm.s32 @!p0 $0x0;
	s25 =	sadd.s32 @!p0 s5, s25  }
0x44: {  	[tilespmem:s26], [sflag:$0x3] =	stream.linear.gather @!p0 [hbm4b:s25+s28], $0x900, $0x38;
	[tilespmem:$0x1F000] =	vst v63  }
0x45: {  	s26 =	sadd.s32 @!p0 $0x1800, s26;
	s25 =	smul.u32 $0xC00, s0  }
0x46: {  	[tilespmem:s26], [sflag:$0x3] =	stream.linear.gather @!p0 [hbm4b:s16+s28], $0x900, $0x38;
	[tilespmem:$0x1F000] =	vst v63  }
0x47: {  	s0 =	sor.u32 $0x80, s25  }
0x48: {  	[tilespmem:s21], [sflag:$0x2] =	stream.indirect.gather [hbm4b:s4+s20], $0x80, s0, s20, $0xb8;
	[tilespmem:$0x1F000] =	vst v63  }
0x49: {  	_ =	swait.ge [sflag:s22], $0x4000  }
0x4a: {  	[sflag:s22] =	ssyncset.done $0x0  }
0x4b: {  	s26 =	sadd.s32 $0x1800, s25;
	[sflag:s22] =	ssyncadd.s32 $0xFFFFC000  }
0x4c: {  	[spmem:s2] =	stream.indirect.scatter.add.f32 [tilespmem:s17], [sflag:$0x4], $0x80, s26, s20, $0xb8;
	[tilespmem:$0x1F000] =	vst v63  }
0x4d: {  	_ =	swait.ge [sflag:s18], $0x4000  }
0x4e: {  	[sflag:s18] =	ssyncset.done $0x0  }
0x4f: {  	s29 =	sor.u32 $0x100, s25;
	[sflag:s18] =	ssyncadd.s32 $0xFFFFC000  }
0x50: {  	[tilespmem:s17], [sflag:$0x1] =	stream.indirect.gather [hbm4b:s4+s20], $0x80, s29, s20, $0xb8;
	[tilespmem:$0x1F000] =	vst v63  }
0x51: {  	_ =	swait.ge [sflag:s23], $0x4000  }
0x52: {  	[sflag:s23] =	ssyncset.done $0x0  }
0x53: {  	s19 =	sadd.s32 $0x1880, s25;
	[sflag:s23] =	ssyncadd.s32 $0xFFFFC000  }
0x54: {  	[spmem:s2] =	stream.indirect.scatter.add.f32 [tilespmem:s21], [sflag:$0x4], $0x80, s19, s20, $0xb8;
	[tilespmem:$0x1F000] =	vst v63  }
0x55: {  	_ =	swait.ge [sflag:s18], $0x4000  }
0x56: {  	[sflag:s18] =	ssyncset.done $0x0  }
0x57: {  	s26 =	sor.u32 $0x180, s25;
	[sflag:s18] =	ssyncadd.s32 $0xFFFFC000  }
0x58: {  	[tilespmem:s21], [sflag:$0x2] =	stream.indirect.gather [hbm4b:s4+s20], $0x80, s26, s20, $0xb8;
	[tilespmem:$0x1F000] =	vst v63  }
0x59: {  	_ =	swait.ge [sflag:s22], $0x4000  }
0x5a: {  	[sflag:s22] =	ssyncset.done $0x0  }
0x5b: {  	s29 =	sadd.s32 $0x1900, s25;
	[sflag:s22] =	ssyncadd.s32 $0xFFFFC000  }
0x5c: {  	[spmem:s2] =	stream.indirect.scatter.add.f32 [tilespmem:s17], [sflag:$0x4], $0x80, s29, s20, $0xb8;
	[tilespmem:$0x1F000] =	vst v63  }
0x5d: {  	_ =	swait.ge [sflag:s18], $0x4000  }
0x5e: {  	[sflag:s18] =	ssyncset.done $0x0  }
0x5f: {  	s19 =	sor.u32 $0x200, s25;
	[sflag:s18] =	ssyncadd.s32 $0xFFFFC000  }
0x60: {  	[tilespmem:s17], [sflag:$0x1] =	stream.indirect.gather [hbm4b:s4+s20], $0x80, s19, s20, $0xb8;
	[tilespmem:$0x1F000] =	vst v63  }
0x61: {  	_ =	swait.ge [sflag:s23], $0x4000  }
0x62: {  	[sflag:s23] =	ssyncset.done $0x0  }
0x63: {  	s26 =	sadd.s32 $0x1980, s25;
	[sflag:s23] =	ssyncadd.s32 $0xFFFFC000  }
0x64: {  	[spmem:s2] =	stream.indirect.scatter.add.f32 [tilespmem:s21], [sflag:$0x4], $0x80, s26, s20, $0xb8;
	[tilespmem:$0x1F000] =	vst v63  }
0x65: {  	_ =	swait.ge [sflag:s18], $0x4000  }
0x66: {  	[sflag:s18] =	ssyncset.done $0x0  }
0x67: {  	s29 =	sor.u32 $0x280, s25;
	[sflag:s18] =	ssyncadd.s32 $0xFFFFC000  }
0x68: {  	[tilespmem:s21], [sflag:$0x2] =	stream.indirect.gather [hbm4b:s4+s20], $0x80, s29, s20, $0xb8;
	[tilespmem:$0x1F000] =	vst v63  }
0x69: {  	_ =	swait.ge [sflag:s22], $0x4000  }
0x6a: {  	[sflag:s22] =	ssyncset.done $0x0  }
0x6b: {  	s19 =	sadd.s32 $0x1A00, s25;
	[sflag:s22] =	ssyncadd.s32 $0xFFFFC000  }
0x6c: {  	[spmem:s2] =	stream.indirect.scatter.add.f32 [tilespmem:s17], [sflag:$0x4], $0x80, s19, s20, $0xb8;
	[tilespmem:$0x1F000] =	vst v63  }
0x6d: {  	_ =	swait.ge [sflag:s18], $0x4000  }
0x6e: {  	[sflag:s18] =	ssyncset.done $0x0  }
0x6f: {  	s26 =	sor.u32 $0x300, s25;
	[sflag:s18] =	ssyncadd.s32 $0xFFFFC000  }
0x70: {  	[tilespmem:s17], [sflag:$0x1] =	stream.indirect.gather [hbm4b:s4+s20], $0x80, s26, s20, $0xb8;
	[tilespmem:$0x1F000] =	vst v63  }
0x71: {  	_ =	swait.ge [sflag:s23], $0x4000  }
0x72: {  	[sflag:s23] =	ssyncset.done $0x0  }
0x73: {  	s29 =	sadd.s32 $0x1A80, s25;
	[sflag:s23] =	ssyncadd.s32 $0xFFFFC000  }
0x74: {  	[spmem:s2] =	stream.indirect.scatter.add.f32 [tilespmem:s21], [sflag:$0x4], $0x80, s29, s20, $0xb8;
	[tilespmem:$0x1F000] =	vst v63  }
0x75: {  	_ =	swait.ge [sflag:s18], $0x4000  }
0x76: {  	[sflag:s18] =	ssyncset.done $0x0  }
0x77: {  	s19 =	sor.u32 $0x380, s25;
	[sflag:s18] =	ssyncadd.s32 $0xFFFFC000  }
0x78: {  	[tilespmem:s21], [sflag:$0x2] =	stream.indirect.gather [hbm4b:s4+s20], $0x80, s19, s20, $0xb8;
	[tilespmem:$0x1F000] =	vst v63  }
0x79: {  	_ =	swait.ge [sflag:s22], $0x4000  }
0x7a: {  	[sflag:s22] =	ssyncset.done $0x0  }
0x7b: {  	s26 =	sadd.s32 $0x1B00, s25;
	[sflag:s22] =	ssyncadd.s32 $0xFFFFC000  }
0x7c: {  	[spmem:s2] =	stream.indirect.scatter.add.f32 [tilespmem:s17], [sflag:$0x4], $0x80, s26, s20, $0xb8;
	[tilespmem:$0x1F000] =	vst v63  }
0x7d: {  	_ =	swait.ge [sflag:s18], $0x4000  }
0x7e: {  	[sflag:s18] =	ssyncset.done $0x0  }
0x7f: {  	s29 =	sadd.s32 $0x400, s25;
	[sflag:s18] =	ssyncadd.s32 $0xFFFFC000  }
0x80: {  	[tilespmem:s17], [sflag:$0x1] =	stream.indirect.gather [hbm4b:s4+s20], $0x80, s29, s20, $0xb8;
	[tilespmem:$0x1F000] =	vst v63  }
0x81: {  	_ =	swait.ge [sflag:s23], $0x4000  }
0x82: {  	[sflag:s23] =	ssyncset.done $0x0  }
0x83: {  	s19 =	sadd.s32 $0x1B80, s25;
	[sflag:s23] =	ssyncadd.s32 $0xFFFFC000  }
0x84: {  	[spmem:s2] =	stream.indirect.scatter.add.f32 [tilespmem:s21], [sflag:$0x4], $0x80, s19, s20, $0xb8;
	[tilespmem:$0x1F000] =	vst v63  }
0x85: {  	_ =	swait.ge [sflag:s18], $0x4000  }
0x86: {  	[sflag:s18] =	ssyncset.done $0x0  }
0x87: {  	s26 =	sadd.s32 $0x480, s25;
	[sflag:s18] =	ssyncadd.s32 $0xFFFFC000  }
0x88: {  	[tilespmem:s21], [sflag:$0x2] =	stream.indirect.gather [hbm4b:s4+s20], $0x80, s26, s20, $0xb8;
	[tilespmem:$0x1F000] =	vst v63  }
0x89: {  	_ =	swait.ge [sflag:s22], $0x4000  }
0x8a: {  	[sflag:s22] =	ssyncset.done $0x0  }
0x8b: {  	s29 =	sadd.s32 $0x1C00, s25;
	[sflag:s22] =	ssyncadd.s32 $0xFFFFC000  }
0x8c: {  	[spmem:s2] =	stream.indirect.scatter.add.f32 [tilespmem:s17], [sflag:$0x4], $0x80, s29, s20, $0xb8;
	[tilespmem:$0x1F000] =	vst v63  }
0x8d: {  	_ =	swait.ge [sflag:s18], $0x4000  }
0x8e: {  	[sflag:s18] =	ssyncset.done $0x0  }
0x8f: {  	s19 =	sadd.s32 $0x500, s25;
	[sflag:s18] =	ssyncadd.s32 $0xFFFFC000  }
0x90: {  	[tilespmem:s17], [sflag:$0x1] =	stream.indirect.gather [hbm4b:s4+s20], $0x80, s19, s20, $0xb8;
	[tilespmem:$0x1F000] =	vst v63  }
0x91: {  	_ =	swait.ge [sflag:s23], $0x4000  }
0x92: {  	[sflag:s23] =	ssyncset.done $0x0  }
0x93: {  	s26 =	sadd.s32 $0x1C80, s25;
	[sflag:s23] =	ssyncadd.s32 $0xFFFFC000  }
0x94: {  	[spmem:s2] =	stream.indirect.scatter.add.f32 [tilespmem:s21], [sflag:$0x4], $0x80, s26, s20, $0xb8;
	[tilespmem:$0x1F000] =	vst v63  }
0x95: {  	_ =	swait.ge [sflag:s18], $0x4000  }
0x96: {  	[sflag:s18] =	ssyncset.done $0x0  }
0x97: {  	s29 =	sadd.s32 $0x580, s25;
	[sflag:s18] =	ssyncadd.s32 $0xFFFFC000  }
0x98: {  	[tilespmem:s21], [sflag:$0x2] =	stream.indirect.gather [hbm4b:s4+s20], $0x80, s29, s20, $0xb8;
	[tilespmem:$0x1F000] =	vst v63  }
0x99: {  	_ =	swait.ge [sflag:s22], $0x4000  }
0x9a: {  	[sflag:s22] =	ssyncset.done $0x0  }
0x9b: {  	s19 =	sadd.s32 $0x1D00, s25;
	[sflag:s22] =	ssyncadd.s32 $0xFFFFC000  }
0x9c: {  	[spmem:s2] =	stream.indirect.scatter.add.f32 [tilespmem:s17], [sflag:$0x4], $0x80, s19, s20, $0xb8;
	[tilespmem:$0x1F000] =	vst v63  }
0x9d: {  	_ =	swait.ge [sflag:s18], $0x4000  }
0x9e: {  	[sflag:s18] =	ssyncset.done $0x0  }
0x9f: {  	s26 =	sadd.s32 $0x600, s25;
	[sflag:s18] =	ssyncadd.s32 $0xFFFFC000  }
0xa0: {  	[tilespmem:s17], [sflag:$0x1] =	stream.indirect.gather [hbm4b:s4+s20], $0x80, s26, s20, $0xb8;
	[tilespmem:$0x1F000] =	vst v63  }
0xa1: {  	_ =	swait.ge [sflag:s23], $0x4000  }
0xa2: {  	[sflag:s23] =	ssyncset.done $0x0  }
0xa3: {  	s29 =	sadd.s32 $0x1D80, s25;
	[sflag:s23] =	ssyncadd.s32 $0xFFFFC000  }
0xa4: {  	[spmem:s2] =	stream.indirect.scatter.add.f32 [tilespmem:s21], [sflag:$0x4], $0x80, s29, s20, $0xb8;
	[tilespmem:$0x1F000] =	vst v63  }
0xa5: {  	_ =	swait.ge [sflag:s18], $0x4000  }
0xa6: {  	[sflag:s18] =	ssyncset.done $0x0  }
0xa7: {  	s19 =	sadd.s32 $0x680, s25;
	[sflag:s18] =	ssyncadd.s32 $0xFFFFC000  }
0xa8: {  	[tilespmem:s21], [sflag:$0x2] =	stream.indirect.gather [hbm4b:s4+s20], $0x80, s19, s20, $0xb8;
	[tilespmem:$0x1F000] =	vst v63  }
0xa9: {  	_ =	swait.ge [sflag:s22], $0x4000  }
0xaa: {  	[sflag:s22] =	ssyncset.done $0x0  }
0xab: {  	s26 =	sadd.s32 $0x1E00, s25;
	[sflag:s22] =	ssyncadd.s32 $0xFFFFC000  }
0xac: {  	[spmem:s2] =	stream.indirect.scatter.add.f32 [tilespmem:s17], [sflag:$0x4], $0x80, s26, s20, $0xb8;
	[tilespmem:$0x1F000] =	vst v63  }
0xad: {  	_ =	swait.ge [sflag:s18], $0x4000  }
0xae: {  	[sflag:s18] =	ssyncset.done $0x0  }
0xaf: {  	s29 =	sadd.s32 $0x700, s25;
	[sflag:s18] =	ssyncadd.s32 $0xFFFFC000  }
0xb0: {  	[tilespmem:s17], [sflag:$0x1] =	stream.indirect.gather [hbm4b:s4+s20], $0x80, s29, s20, $0xb8;
	[tilespmem:$0x1F000] =	vst v63  }
0xb1: {  	_ =	swait.ge [sflag:s23], $0x4000  }
0xb2: {  	[sflag:s23] =	ssyncset.done $0x0  }
0xb3: {  	s19 =	sadd.s32 $0x1E80, s25;
	[sflag:s23] =	ssyncadd.s32 $0xFFFFC000  }
0xb4: {  	[spmem:s2] =	stream.indirect.scatter.add.f32 [tilespmem:s21], [sflag:$0x4], $0x80, s19, s20, $0xb8;
	[tilespmem:$0x1F000] =	vst v63  }
0xb5: {  	_ =	swait.ge [sflag:s18], $0x4000  }
0xb6: {  	[sflag:s18] =	ssyncset.done $0x0  }
0xb7: {  	s26 =	sadd.s32 $0x780, s25;
	[sflag:s18] =	ssyncadd.s32 $0xFFFFC000  }
0xb8: {  	[tilespmem:s21], [sflag:$0x2] =	stream.indirect.gather [hbm4b:s4+s20], $0x80, s26, s20, $0xb8;
	[tilespmem:$0x1F000] =	vst v63  }
0xb9: {  	_ =	swait.ge [sflag:s22], $0x4000  }
0xba: {  	[sflag:s22] =	ssyncset.done $0x0  }
0xbb: {  	s29 =	sadd.s32 $0x1F00, s25;
	[sflag:s22] =	ssyncadd.s32 $0xFFFFC000  }
0xbc: {  	[spmem:s2] =	stream.indirect.scatter.add.f32 [tilespmem:s17], [sflag:$0x4], $0x80, s29, s20, $0xb8;
	[tilespmem:$0x1F000] =	vst v63  }
0xbd: {  	_ =	swait.ge [sflag:s18], $0x4000  }
0xbe: {  	[sflag:s18] =	ssyncset.done $0x0  }
0xbf: {  	s19 =	sadd.s32 $0x800, s25;
	[sflag:s18] =	ssyncadd.s32 $0xFFFFC000  }
0xc0: {  	[tilespmem:s17], [sflag:$0x1] =	stream.indirect.gather [hbm4b:s4+s20], $0x80, s19, s20, $0xb8;
	[tilespmem:$0x1F000] =	vst v63  }
0xc1: {  	_ =	swait.ge [sflag:s23], $0x4000  }
0xc2: {  	[sflag:s23] =	ssyncset.done $0x0  }
0xc3: {  	s26 =	sadd.s32 $0x1F80, s25;
	[sflag:s23] =	ssyncadd.s32 $0xFFFFC000  }
0xc4: {  	[spmem:s2] =	stream.indirect.scatter.add.f32 [tilespmem:s21], [sflag:$0x4], $0x80, s26, s20, $0xb8;
	[tilespmem:$0x1F000] =	vst v63  }
0xc5: {  	_ =	swait.ge [sflag:s18], $0x4000  }
0xc6: {  	[sflag:s18] =	ssyncset.done $0x0  }
0xc7: {  	s0 =	simm.s32 @!p0 $0x3;
	[sflag:s18] =	ssyncadd.s32 $0xFFFFC000  }
0xc8: {  	_ =	swait.ge @!p0 [sflag:s0], $0x900  }
0xc9: {  	[sflag:s0] =	ssyncset.done @!p0 $0x0  }
0xca: {  	[sflag:s0] =	ssyncadd.s32 @!p0 $0xFFFFF700  }
0xcb: {  	_ =	swait.ge @!p0 [sflag:s0], $0x900  }
0xcc: {  	[sflag:s0] =	ssyncset.done @!p0 $0x0  }
0xcd: {  	s29 =	sadd.s32 $0x880, s25;
	[sflag:s0] =	ssyncadd.s32 @!p0 $0xFFFFF700  }
0xce: {  	[tilespmem:s21], [sflag:$0x2] =	stream.indirect.gather [hbm4b:s4+s20], $0x80, s29, s20, $0xb8;
	[tilespmem:$0x1F000] =	vst v63  }
0xcf: {  	_ =	swait.ge [sflag:s22], $0x4000  }
0xd0: {  	[sflag:s22] =	ssyncset.done $0x0  }
0xd1: {  	s24 =	smul.u32 @!p0 $0x3000, s24;
	s25 =	sor.u32 $0x2000, s25;
	[sflag:s22] =	ssyncadd.s32 $0xFFFFC000  }
0xd2: {  	[spmem:s2] =	stream.indirect.scatter.add.f32 [tilespmem:s17], [sflag:$0x4], $0x80, s25, s20, $0xb8;
	[tilespmem:$0x1F000] =	vst v63  }
0xd3: {  	_ =	swait.ge [sflag:s18], $0x4000  }
0xd4: {  	s24 =	sshrl.u32 @!p0 s24, $0x2;
	s28 =	simm.s32 $0x1;
	[sflag:s18] =	ssyncset.done $0x0  }
0xd5: {  	s26 =	simm.s32 @!p0 $0x80;
	s25 =	simm.s32 @!p0 $0x3000;
	[sflag:s18] =	ssyncadd.s32 $0xFFFFC000  }
0xd6: {  	[tilespmem:s25], [sflag:$0x1] =	stream.indirect.gather @!p0 [hbm4b:s4+s26], $0x80, s24, s26, $0xb8;
	[tilespmem:$0x1F000] =	vst v63  }
0xd7: {  	s30 =	sand.u32 $0x1, s28;
	s0 =	sadd.s32 $0x1800, s29;
	_ =	swait.ge [sflag:s23], $0x4000  }
0xd8: {  	s25 =	simm.s32 $0x2;
	s26 =	sadd.s32 $0xC00, s15;
	[sflag:s23] =	ssyncset.done $0x0  }
0xd9: {  	s24 =	sadd.s32 $0x180, s16;
	p0 =	por $0x0, $0x0;
	[sflag:s23] =	ssyncadd.s32 $0xFFFFC000  }
0xda: {  	[spmem:s2] =	stream.indirect.scatter.add.f32 [tilespmem:s21], [sflag:$0x4], $0x80, s0, s20, $0xb8;
	[tilespmem:$0x1F000] =	vst v63  }
0xdb: {  	s28 =	sxor.u32 @!p0 $0x1, s30;
	s0 =	sshrl.u32 @!p0 s26, $0x3;
	_ =	swait.ge [sflag:s18], $0x4000  }
0xdc: {  	s31 =	smul.u32 @!p0 $0xC00, s28;
	s0 =	sadd.s32 @!p0 s5, s0;
	[sflag:s18] =	ssyncset.done $0x0  }
.LBB2_4:
0xdd: {  	s19 =	simm.s32 @!p0 $0x0  }
0xde: {  	s29 =	smul.u32 @!p0 $0x3000, s28;
	[sflag:s18] =	ssyncadd.s32 $0xFFFFC000;
	s28 =	smov.u32 s25  }
0xdf: {  	[tilespmem:s31], [sflag:$0x3] =	stream.linear.gather @!p0 [hbm4b:s0+s19], $0x900, $0x38;
	[tilespmem:$0x1F000] =	vst v63  }
0xe0: {  	s25 =	sadd.s32 $0x1, s25;
	s30 =	smul.u32 $0xC00, s30;
	s0 =	sadd.s32 @!p0 $0x1800, s31  }
0xe1: {  	[tilespmem:s0], [sflag:$0x3] =	stream.linear.gather @!p0 [hbm4b:s24+s19], $0x900, $0x38;
	[tilespmem:$0x1F000] =	vst v63  }
0xe2: {  	p1 =	sne.s32 s25, $0x9;
	s0 =	sor.u32 $0x80, s30  }
0xe3: {  	[tilespmem:s21], [sflag:$0x2] =	stream.indirect.gather [hbm4b:s4+s20], $0x80, s0, s20, $0xb8;
	[tilespmem:$0x1F000] =	vst v63  }
0xe4: {  	_ =	swait.ge [sflag:s22], $0x4000  }
0xe5: {  	[sflag:s22] =	ssyncset.done $0x0  }
0xe6: {  	s0 =	sadd.s32 $0x1800, s30;
	[sflag:s22] =	ssyncadd.s32 $0xFFFFC000  }
0xe7: {  	[spmem:s2] =	stream.indirect.scatter.add.f32 [tilespmem:s17], [sflag:$0x4], $0x80, s0, s20, $0xb8;
	[tilespmem:$0x1F000] =	vst v63  }
0xe8: {  	_ =	swait.ge [sflag:s18], $0x4000  }
0xe9: {  	[sflag:s18] =	ssyncset.done $0x0  }
0xea: {  	s0 =	sor.u32 $0x100, s30;
	[sflag:s18] =	ssyncadd.s32 $0xFFFFC000  }
0xeb: {  	[tilespmem:s17], [sflag:$0x1] =	stream.indirect.gather [hbm4b:s4+s20], $0x80, s0, s20, $0xb8;
	[tilespmem:$0x1F000] =	vst v63  }
0xec: {  	_ =	swait.ge [sflag:s23], $0x4000  }
0xed: {  	[sflag:s23] =	ssyncset.done $0x0  }
0xee: {  	s0 =	sadd.s32 $0x1880, s30;
	[sflag:s23] =	ssyncadd.s32 $0xFFFFC000  }
0xef: {  	[spmem:s2] =	stream.indirect.scatter.add.f32 [tilespmem:s21], [sflag:$0x4], $0x80, s0, s20, $0xb8;
	[tilespmem:$0x1F000] =	vst v63  }
0xf0: {  	_ =	swait.ge [sflag:s18], $0x4000  }
0xf1: {  	[sflag:s18] =	ssyncset.done $0x0  }
0xf2: {  	s0 =	sor.u32 $0x180, s30;
	[sflag:s18] =	ssyncadd.s32 $0xFFFFC000  }
0xf3: {  	[tilespmem:s21], [sflag:$0x2] =	stream.indirect.gather [hbm4b:s4+s20], $0x80, s0, s20, $0xb8;
	[tilespmem:$0x1F000] =	vst v63  }
0xf4: {  	_ =	swait.ge [sflag:s22], $0x4000  }
0xf5: {  	[sflag:s22] =	ssyncset.done $0x0  }
0xf6: {  	s0 =	sadd.s32 $0x1900, s30;
	[sflag:s22] =	ssyncadd.s32 $0xFFFFC000  }
0xf7: {  	[spmem:s2] =	stream.indirect.scatter.add.f32 [tilespmem:s17], [sflag:$0x4], $0x80, s0, s20, $0xb8;
	[tilespmem:$0x1F000] =	vst v63  }
0xf8: {  	_ =	swait.ge [sflag:s18], $0x4000  }
0xf9: {  	[sflag:s18] =	ssyncset.done $0x0  }
0xfa: {  	s0 =	sor.u32 $0x200, s30;
	[sflag:s18] =	ssyncadd.s32 $0xFFFFC000  }
0xfb: {  	[tilespmem:s17], [sflag:$0x1] =	stream.indirect.gather [hbm4b:s4+s20], $0x80, s0, s20, $0xb8;
	[tilespmem:$0x1F000] =	vst v63  }
0xfc: {  	_ =	swait.ge [sflag:s23], $0x4000  }
0xfd: {  	[sflag:s23] =	ssyncset.done $0x0  }
0xfe: {  	s0 =	sadd.s32 $0x1980, s30;
	[sflag:s23] =	ssyncadd.s32 $0xFFFFC000  }
0xff: {  	[spmem:s2] =	stream.indirect.scatter.add.f32 [tilespmem:s21], [sflag:$0x4], $0x80, s0, s20, $0xb8;
	[tilespmem:$0x1F000] =	vst v63  }
0x100: {  	_ =	swait.ge [sflag:s18], $0x4000  }
0x101: {  	[sflag:s18] =	ssyncset.done $0x0  }
0x102: {  	s0 =	sor.u32 $0x280, s30;
	[sflag:s18] =	ssyncadd.s32 $0xFFFFC000  }
0x103: {  	[tilespmem:s21], [sflag:$0x2] =	stream.indirect.gather [hbm4b:s4+s20], $0x80, s0, s20, $0xb8;
	[tilespmem:$0x1F000] =	vst v63  }
0x104: {  	_ =	swait.ge [sflag:s22], $0x4000  }
0x105: {  	[sflag:s22] =	ssyncset.done $0x0  }
0x106: {  	s0 =	sadd.s32 $0x1A00, s30;
	[sflag:s22] =	ssyncadd.s32 $0xFFFFC000  }
0x107: {  	[spmem:s2] =	stream.indirect.scatter.add.f32 [tilespmem:s17], [sflag:$0x4], $0x80, s0, s20, $0xb8;
	[tilespmem:$0x1F000] =	vst v63  }
0x108: {  	_ =	swait.ge [sflag:s18], $0x4000  }
0x109: {  	[sflag:s18] =	ssyncset.done $0x0  }
0x10a: {  	s0 =	sor.u32 $0x300, s30;
	[sflag:s18] =	ssyncadd.s32 $0xFFFFC000  }
0x10b: {  	[tilespmem:s17], [sflag:$0x1] =	stream.indirect.gather [hbm4b:s4+s20], $0x80, s0, s20, $0xb8;
	[tilespmem:$0x1F000] =	vst v63  }
0x10c: {  	_ =	swait.ge [sflag:s23], $0x4000  }
0x10d: {  	[sflag:s23] =	ssyncset.done $0x0  }
0x10e: {  	s0 =	sadd.s32 $0x1A80, s30;
	[sflag:s23] =	ssyncadd.s32 $0xFFFFC000  }
0x10f: {  	[spmem:s2] =	stream.indirect.scatter.add.f32 [tilespmem:s21], [sflag:$0x4], $0x80, s0, s20, $0xb8;
	[tilespmem:$0x1F000] =	vst v63  }
0x110: {  	_ =	swait.ge [sflag:s18], $0x4000  }
0x111: {  	[sflag:s18] =	ssyncset.done $0x0  }
0x112: {  	s0 =	sor.u32 $0x380, s30;
	[sflag:s18] =	ssyncadd.s32 $0xFFFFC000  }
0x113: {  	[tilespmem:s21], [sflag:$0x2] =	stream.indirect.gather [hbm4b:s4+s20], $0x80, s0, s20, $0xb8;
	[tilespmem:$0x1F000] =	vst v63  }
0x114: {  	_ =	swait.ge [sflag:s22], $0x4000  }
0x115: {  	[sflag:s22] =	ssyncset.done $0x0  }
0x116: {  	s0 =	sadd.s32 $0x1B00, s30;
	[sflag:s22] =	ssyncadd.s32 $0xFFFFC000  }
0x117: {  	[spmem:s2] =	stream.indirect.scatter.add.f32 [tilespmem:s17], [sflag:$0x4], $0x80, s0, s20, $0xb8;
	[tilespmem:$0x1F000] =	vst v63  }
0x118: {  	_ =	swait.ge [sflag:s18], $0x4000  }
0x119: {  	[sflag:s18] =	ssyncset.done $0x0  }
0x11a: {  	s0 =	sadd.s32 $0x400, s30;
	[sflag:s18] =	ssyncadd.s32 $0xFFFFC000  }
0x11b: {  	[tilespmem:s17], [sflag:$0x1] =	stream.indirect.gather [hbm4b:s4+s20], $0x80, s0, s20, $0xb8;
	[tilespmem:$0x1F000] =	vst v63  }
0x11c: {  	_ =	swait.ge [sflag:s23], $0x4000  }
0x11d: {  	[sflag:s23] =	ssyncset.done $0x0  }
0x11e: {  	s0 =	sadd.s32 $0x1B80, s30;
	[sflag:s23] =	ssyncadd.s32 $0xFFFFC000  }
0x11f: {  	[spmem:s2] =	stream.indirect.scatter.add.f32 [tilespmem:s21], [sflag:$0x4], $0x80, s0, s20, $0xb8;
	[tilespmem:$0x1F000] =	vst v63  }
0x120: {  	_ =	swait.ge [sflag:s18], $0x4000  }
0x121: {  	[sflag:s18] =	ssyncset.done $0x0  }
0x122: {  	s0 =	sadd.s32 $0x480, s30;
	[sflag:s18] =	ssyncadd.s32 $0xFFFFC000  }
0x123: {  	[tilespmem:s21], [sflag:$0x2] =	stream.indirect.gather [hbm4b:s4+s20], $0x80, s0, s20, $0xb8;
	[tilespmem:$0x1F000] =	vst v63  }
0x124: {  	_ =	swait.ge [sflag:s22], $0x4000  }
0x125: {  	[sflag:s22] =	ssyncset.done $0x0  }
0x126: {  	s0 =	sadd.s32 $0x1C00, s30;
	[sflag:s22] =	ssyncadd.s32 $0xFFFFC000  }
0x127: {  	[spmem:s2] =	stream.indirect.scatter.add.f32 [tilespmem:s17], [sflag:$0x4], $0x80, s0, s20, $0xb8;
	[tilespmem:$0x1F000] =	vst v63  }
0x128: {  	_ =	swait.ge [sflag:s18], $0x4000  }
0x129: {  	[sflag:s18] =	ssyncset.done $0x0  }
0x12a: {  	s0 =	sadd.s32 $0x500, s30;
	[sflag:s18] =	ssyncadd.s32 $0xFFFFC000  }
0x12b: {  	[tilespmem:s17], [sflag:$0x1] =	stream.indirect.gather [hbm4b:s4+s20], $0x80, s0, s20, $0xb8;
	[tilespmem:$0x1F000] =	vst v63  }
0x12c: {  	_ =	swait.ge [sflag:s23], $0x4000  }
0x12d: {  	[sflag:s23] =	ssyncset.done $0x0  }
0x12e: {  	s0 =	sadd.s32 $0x1C80, s30;
	[sflag:s23] =	ssyncadd.s32 $0xFFFFC000  }
0x12f: {  	[spmem:s2] =	stream.indirect.scatter.add.f32 [tilespmem:s21], [sflag:$0x4], $0x80, s0, s20, $0xb8;
	[tilespmem:$0x1F000] =	vst v63  }
0x130: {  	_ =	swait.ge [sflag:s18], $0x4000  }
0x131: {  	[sflag:s18] =	ssyncset.done $0x0  }
0x132: {  	s0 =	sadd.s32 $0x580, s30;
	[sflag:s18] =	ssyncadd.s32 $0xFFFFC000  }
0x133: {  	[tilespmem:s21], [sflag:$0x2] =	stream.indirect.gather [hbm4b:s4+s20], $0x80, s0, s20, $0xb8;
	[tilespmem:$0x1F000] =	vst v63  }
0x134: {  	_ =	swait.ge [sflag:s22], $0x4000  }
0x135: {  	[sflag:s22] =	ssyncset.done $0x0  }
0x136: {  	s0 =	sadd.s32 $0x1D00, s30;
	[sflag:s22] =	ssyncadd.s32 $0xFFFFC000  }
0x137: {  	[spmem:s2] =	stream.indirect.scatter.add.f32 [tilespmem:s17], [sflag:$0x4], $0x80, s0, s20, $0xb8;
	[tilespmem:$0x1F000] =	vst v63  }
0x138: {  	_ =	swait.ge [sflag:s18], $0x4000  }
0x139: {  	[sflag:s18] =	ssyncset.done $0x0  }
0x13a: {  	s0 =	sadd.s32 $0x600, s30;
	[sflag:s18] =	ssyncadd.s32 $0xFFFFC000  }
0x13b: {  	[tilespmem:s17], [sflag:$0x1] =	stream.indirect.gather [hbm4b:s4+s20], $0x80, s0, s20, $0xb8;
	[tilespmem:$0x1F000] =	vst v63  }
0x13c: {  	_ =	swait.ge [sflag:s23], $0x4000  }
0x13d: {  	[sflag:s23] =	ssyncset.done $0x0  }
0x13e: {  	s0 =	sadd.s32 $0x1D80, s30;
	[sflag:s23] =	ssyncadd.s32 $0xFFFFC000  }
0x13f: {  	[spmem:s2] =	stream.indirect.scatter.add.f32 [tilespmem:s21], [sflag:$0x4], $0x80, s0, s20, $0xb8;
	[tilespmem:$0x1F000] =	vst v63  }
0x140: {  	_ =	swait.ge [sflag:s18], $0x4000  }
0x141: {  	[sflag:s18] =	ssyncset.done $0x0  }
0x142: {  	s0 =	sadd.s32 $0x680, s30;
	[sflag:s18] =	ssyncadd.s32 $0xFFFFC000  }
0x143: {  	[tilespmem:s21], [sflag:$0x2] =	stream.indirect.gather [hbm4b:s4+s20], $0x80, s0, s20, $0xb8;
	[tilespmem:$0x1F000] =	vst v63  }
0x144: {  	_ =	swait.ge [sflag:s22], $0x4000  }
0x145: {  	[sflag:s22] =	ssyncset.done $0x0  }
0x146: {  	s0 =	sadd.s32 $0x1E00, s30;
	[sflag:s22] =	ssyncadd.s32 $0xFFFFC000  }
0x147: {  	[spmem:s2] =	stream.indirect.scatter.add.f32 [tilespmem:s17], [sflag:$0x4], $0x80, s0, s20, $0xb8;
	[tilespmem:$0x1F000] =	vst v63  }
0x148: {  	_ =	swait.ge [sflag:s18], $0x4000  }
0x149: {  	[sflag:s18] =	ssyncset.done $0x0  }
0x14a: {  	s0 =	sadd.s32 $0x700, s30;
	[sflag:s18] =	ssyncadd.s32 $0xFFFFC000  }
0x14b: {  	[tilespmem:s17], [sflag:$0x1] =	stream.indirect.gather [hbm4b:s4+s20], $0x80, s0, s20, $0xb8;
	[tilespmem:$0x1F000] =	vst v63  }
0x14c: {  	_ =	swait.ge [sflag:s23], $0x4000  }
0x14d: {  	[sflag:s23] =	ssyncset.done $0x0  }
0x14e: {  	s0 =	sadd.s32 $0x1E80, s30;
	[sflag:s23] =	ssyncadd.s32 $0xFFFFC000  }
0x14f: {  	[spmem:s2] =	stream.indirect.scatter.add.f32 [tilespmem:s21], [sflag:$0x4], $0x80, s0, s20, $0xb8;
	[tilespmem:$0x1F000] =	vst v63  }
0x150: {  	_ =	swait.ge [sflag:s18], $0x4000  }
0x151: {  	[sflag:s18] =	ssyncset.done $0x0  }
0x152: {  	s0 =	sadd.s32 $0x780, s30;
	[sflag:s18] =	ssyncadd.s32 $0xFFFFC000  }
0x153: {  	[tilespmem:s21], [sflag:$0x2] =	stream.indirect.gather [hbm4b:s4+s20], $0x80, s0, s20, $0xb8;
	[tilespmem:$0x1F000] =	vst v63  }
0x154: {  	_ =	swait.ge [sflag:s22], $0x4000  }
0x155: {  	[sflag:s22] =	ssyncset.done $0x0  }
0x156: {  	s0 =	sadd.s32 $0x1F00, s30;
	[sflag:s22] =	ssyncadd.s32 $0xFFFFC000  }
0x157: {  	[spmem:s2] =	stream.indirect.scatter.add.f32 [tilespmem:s17], [sflag:$0x4], $0x80, s0, s20, $0xb8;
	[tilespmem:$0x1F000] =	vst v63  }
0x158: {  	_ =	swait.ge [sflag:s18], $0x4000  }
0x159: {  	[sflag:s18] =	ssyncset.done $0x0  }
0x15a: {  	s0 =	sadd.s32 $0x800, s30;
	[sflag:s18] =	ssyncadd.s32 $0xFFFFC000  }
0x15b: {  	[tilespmem:s17], [sflag:$0x1] =	stream.indirect.gather [hbm4b:s4+s20], $0x80, s0, s20, $0xb8;
	[tilespmem:$0x1F000] =	vst v63  }
0x15c: {  	_ =	swait.ge [sflag:s23], $0x4000  }
0x15d: {  	[sflag:s23] =	ssyncset.done $0x0  }
0x15e: {  	s0 =	sadd.s32 $0x1F80, s30;
	[sflag:s23] =	ssyncadd.s32 $0xFFFFC000  }
0x15f: {  	[spmem:s2] =	stream.indirect.scatter.add.f32 [tilespmem:s21], [sflag:$0x4], $0x80, s0, s20, $0xb8;
	[tilespmem:$0x1F000] =	vst v63  }
0x160: {  	_ =	swait.ge [sflag:s18], $0x4000  }
0x161: {  	[sflag:s18] =	ssyncset.done $0x0  }
0x162: {  	s0 =	simm.s32 @!p0 $0x3;
	[sflag:s18] =	ssyncadd.s32 $0xFFFFC000  }
0x163: {  	_ =	swait.ge @!p0 [sflag:s0], $0x900  }
0x164: {  	[sflag:s0] =	ssyncset.done @!p0 $0x0  }
0x165: {  	[sflag:s0] =	ssyncadd.s32 @!p0 $0xFFFFF700  }
0x166: {  	_ =	swait.ge @!p0 [sflag:s0], $0x900  }
0x167: {  	[sflag:s0] =	ssyncset.done @!p0 $0x0  }
0x168: {  	[sflag:s0] =	ssyncadd.s32 @!p0 $0xFFFFF700;
	s0 =	sadd.s32 $0x880, s30  }
0x169: {  	[tilespmem:s21], [sflag:$0x2] =	stream.indirect.gather [hbm4b:s4+s20], $0x80, s0, s20, $0xb8;
	[tilespmem:$0x1F000] =	vst v63  }
0x16a: {  	_ =	swait.ge [sflag:s22], $0x4000  }
0x16b: {  	[sflag:s22] =	ssyncset.done $0x0  }
0x16c: {  	s19 =	sor.u32 $0x2000, s30;
	[sflag:s22] =	ssyncadd.s32 $0xFFFFC000  }
0x16d: {  	[spmem:s2] =	stream.indirect.scatter.add.f32 [tilespmem:s17], [sflag:$0x4], $0x80, s19, s20, $0xb8;
	[tilespmem:$0x1F000] =	vst v63  }
0x16e: {  	_ =	swait.ge [sflag:s18], $0x4000  }
0x16f: {  	s19 =	simm.s32 @!p0 $0x3000;
	[sflag:s18] =	ssyncset.done $0x0  }
0x170: {  	s29 =	sshrl.u32 @!p0 s29, $0x2;
	s30 =	simm.s32 @!p0 $0x80;
	[sflag:s18] =	ssyncadd.s32 $0xFFFFC000  }
0x171: {  	[tilespmem:s19], [sflag:$0x1] =	stream.indirect.gather @!p0 [hbm4b:s4+s30], $0x80, s29, s30, $0xb8;
	[tilespmem:$0x1F000] =	vst v63  }
0x172: {  	s26 =	sadd.s32 $0xC00, s26;
	s24 =	sadd.s32 $0x180, s24;
	_ =	swait.ge [sflag:s23], $0x4000  }
.Ltmp1:
0x173: {  	s0 =	sadd.s32 $0x1800, s0;
	[sflag:s23] =	ssyncset.done $0x0;
	(pc) =	sbr.rel @p1 .LBB2_4-.Ltmp1, $4  }
0x174: {  	s30 =	sand.u32 $0x1, s28;
	p0 =	seq.s32 s28, $0x8;
	[sflag:s23] =	ssyncadd.s32 $0xFFFFC000  }
0x175: {  	[spmem:s2] =	stream.indirect.scatter.add.f32 [tilespmem:s21], [sflag:$0x4], $0x80, s0, s20, $0xb8;
	[tilespmem:$0x1F000] =	vst v63  }
0x176: {  	s28 =	sxor.u32 @!p0 $0x1, s30;
	s0 =	sshrl.u32 @!p0 s26, $0x3;
	_ =	swait.ge [sflag:s18], $0x4000  }
0x177: {  	s31 =	smul.u32 @!p0 $0xC00, s28;
	s0 =	sadd.s32 @!p0 s5, s0;
	[sflag:s18] =	ssyncset.done $0x0  }
0x178: {  	s19 =	simm.s32 @!p0 $0x0;
	[sflag:s18] =	ssyncadd.s32 $0xFFFFC000  }
0x179: {  	[tilespmem:s31], [sflag:$0x3] =	stream.linear.gather @!p0 [hbm4b:s0+s19], $0x900, $0x38;
	[tilespmem:$0x1F000] =	vst v63  }
0x17a: {  	s25 =	smul.u32 $0xC00, s30;
	s0 =	sadd.s32 @!p0 $0x1800, s31  }
0x17b: {  	[tilespmem:s0], [sflag:$0x3] =	stream.linear.gather @!p0 [hbm4b:s24+s19], $0x900, $0x38;
	[tilespmem:$0x1F000] =	vst v63  }
0x17c: {  	s19 =	sor.u32 $0x80, s25  }
0x17d: {  	[tilespmem:s21], [sflag:$0x2] =	stream.indirect.gather [hbm4b:s4+s20], $0x80, s19, s20, $0xb8;
	[tilespmem:$0x1F000] =	vst v63  }
0x17e: {  	_ =	swait.ge [sflag:s22], $0x4000  }
0x17f: {  	[sflag:s22] =	ssyncset.done $0x0  }
0x180: {  	s24 =	sadd.s32 $0x1800, s25;
	[sflag:s22] =	ssyncadd.s32 $0xFFFFC000  }
0x181: {  	[spmem:s2] =	stream.indirect.scatter.add.f32 [tilespmem:s17], [sflag:$0x4], $0x80, s24, s20, $0xb8;
	[tilespmem:$0x1F000] =	vst v63  }
0x182: {  	_ =	swait.ge [sflag:s18], $0x4000  }
0x183: {  	[sflag:s18] =	ssyncset.done $0x0  }
0x184: {  	s26 =	sor.u32 $0x100, s25;
	[sflag:s18] =	ssyncadd.s32 $0xFFFFC000  }
0x185: {  	[tilespmem:s17], [sflag:$0x1] =	stream.indirect.gather [hbm4b:s4+s20], $0x80, s26, s20, $0xb8;
	[tilespmem:$0x1F000] =	vst v63  }
0x186: {  	_ =	swait.ge [sflag:s23], $0x4000  }
0x187: {  	[sflag:s23] =	ssyncset.done $0x0  }
0x188: {  	s29 =	sadd.s32 $0x1880, s25;
	[sflag:s23] =	ssyncadd.s32 $0xFFFFC000  }
0x189: {  	[spmem:s2] =	stream.indirect.scatter.add.f32 [tilespmem:s21], [sflag:$0x4], $0x80, s29, s20, $0xb8;
	[tilespmem:$0x1F000] =	vst v63  }
0x18a: {  	_ =	swait.ge [sflag:s18], $0x4000  }
0x18b: {  	[sflag:s18] =	ssyncset.done $0x0  }
0x18c: {  	s30 =	sor.u32 $0x180, s25;
	[sflag:s18] =	ssyncadd.s32 $0xFFFFC000  }
0x18d: {  	[tilespmem:s21], [sflag:$0x2] =	stream.indirect.gather [hbm4b:s4+s20], $0x80, s30, s20, $0xb8;
	[tilespmem:$0x1F000] =	vst v63  }
0x18e: {  	_ =	swait.ge [sflag:s22], $0x4000  }
0x18f: {  	[sflag:s22] =	ssyncset.done $0x0  }
0x190: {  	s31 =	sadd.s32 $0x1900, s25;
	[sflag:s22] =	ssyncadd.s32 $0xFFFFC000  }
0x191: {  	[spmem:s2] =	stream.indirect.scatter.add.f32 [tilespmem:s17], [sflag:$0x4], $0x80, s31, s20, $0xb8;
	[tilespmem:$0x1F000] =	vst v63  }
0x192: {  	_ =	swait.ge [sflag:s18], $0x4000  }
0x193: {  	[sflag:s18] =	ssyncset.done $0x0  }
0x194: {  	s19 =	sor.u32 $0x200, s25;
	[sflag:s18] =	ssyncadd.s32 $0xFFFFC000  }
0x195: {  	[tilespmem:s17], [sflag:$0x1] =	stream.indirect.gather [hbm4b:s4+s20], $0x80, s19, s20, $0xb8;
	[tilespmem:$0x1F000] =	vst v63  }
0x196: {  	_ =	swait.ge [sflag:s23], $0x4000  }
0x197: {  	[sflag:s23] =	ssyncset.done $0x0  }
0x198: {  	s24 =	sadd.s32 $0x1980, s25;
	[sflag:s23] =	ssyncadd.s32 $0xFFFFC000  }
0x199: {  	[spmem:s2] =	stream.indirect.scatter.add.f32 [tilespmem:s21], [sflag:$0x4], $0x80, s24, s20, $0xb8;
	[tilespmem:$0x1F000] =	vst v63  }
0x19a: {  	_ =	swait.ge [sflag:s18], $0x4000  }
0x19b: {  	[sflag:s18] =	ssyncset.done $0x0  }
0x19c: {  	s26 =	sor.u32 $0x280, s25;
	[sflag:s18] =	ssyncadd.s32 $0xFFFFC000  }
0x19d: {  	[tilespmem:s21], [sflag:$0x2] =	stream.indirect.gather [hbm4b:s4+s20], $0x80, s26, s20, $0xb8;
	[tilespmem:$0x1F000] =	vst v63  }
0x19e: {  	_ =	swait.ge [sflag:s22], $0x4000  }
0x19f: {  	[sflag:s22] =	ssyncset.done $0x0  }
0x1a0: {  	s29 =	sadd.s32 $0x1A00, s25;
	[sflag:s22] =	ssyncadd.s32 $0xFFFFC000  }
0x1a1: {  	[spmem:s2] =	stream.indirect.scatter.add.f32 [tilespmem:s17], [sflag:$0x4], $0x80, s29, s20, $0xb8;
	[tilespmem:$0x1F000] =	vst v63  }
0x1a2: {  	_ =	swait.ge [sflag:s18], $0x4000  }
0x1a3: {  	[sflag:s18] =	ssyncset.done $0x0  }
0x1a4: {  	s30 =	sor.u32 $0x300, s25;
	[sflag:s18] =	ssyncadd.s32 $0xFFFFC000  }
0x1a5: {  	[tilespmem:s17], [sflag:$0x1] =	stream.indirect.gather [hbm4b:s4+s20], $0x80, s30, s20, $0xb8;
	[tilespmem:$0x1F000] =	vst v63  }
0x1a6: {  	_ =	swait.ge [sflag:s23], $0x4000  }
0x1a7: {  	[sflag:s23] =	ssyncset.done $0x0  }
0x1a8: {  	s31 =	sadd.s32 $0x1A80, s25;
	[sflag:s23] =	ssyncadd.s32 $0xFFFFC000  }
0x1a9: {  	[spmem:s2] =	stream.indirect.scatter.add.f32 [tilespmem:s21], [sflag:$0x4], $0x80, s31, s20, $0xb8;
	[tilespmem:$0x1F000] =	vst v63  }
0x1aa: {  	_ =	swait.ge [sflag:s18], $0x4000  }
0x1ab: {  	[sflag:s18] =	ssyncset.done $0x0  }
0x1ac: {  	s19 =	sor.u32 $0x380, s25;
	[sflag:s18] =	ssyncadd.s32 $0xFFFFC000  }
0x1ad: {  	[tilespmem:s21], [sflag:$0x2] =	stream.indirect.gather [hbm4b:s4+s20], $0x80, s19, s20, $0xb8;
	[tilespmem:$0x1F000] =	vst v63  }
0x1ae: {  	_ =	swait.ge [sflag:s22], $0x4000  }
0x1af: {  	[sflag:s22] =	ssyncset.done $0x0  }
0x1b0: {  	s24 =	sadd.s32 $0x1B00, s25;
	[sflag:s22] =	ssyncadd.s32 $0xFFFFC000  }
0x1b1: {  	[spmem:s2] =	stream.indirect.scatter.add.f32 [tilespmem:s17], [sflag:$0x4], $0x80, s24, s20, $0xb8;
	[tilespmem:$0x1F000] =	vst v63  }
0x1b2: {  	_ =	swait.ge [sflag:s18], $0x4000  }
0x1b3: {  	[sflag:s18] =	ssyncset.done $0x0  }
0x1b4: {  	s26 =	sadd.s32 $0x400, s25;
	[sflag:s18] =	ssyncadd.s32 $0xFFFFC000  }
0x1b5: {  	[tilespmem:s17], [sflag:$0x1] =	stream.indirect.gather [hbm4b:s4+s20], $0x80, s26, s20, $0xb8;
	[tilespmem:$0x1F000] =	vst v63  }
0x1b6: {  	_ =	swait.ge [sflag:s23], $0x4000  }
0x1b7: {  	[sflag:s23] =	ssyncset.done $0x0  }
0x1b8: {  	s29 =	sadd.s32 $0x1B80, s25;
	[sflag:s23] =	ssyncadd.s32 $0xFFFFC000  }
0x1b9: {  	[spmem:s2] =	stream.indirect.scatter.add.f32 [tilespmem:s21], [sflag:$0x4], $0x80, s29, s20, $0xb8;
	[tilespmem:$0x1F000] =	vst v63  }
0x1ba: {  	_ =	swait.ge [sflag:s18], $0x4000  }
0x1bb: {  	[sflag:s18] =	ssyncset.done $0x0  }
0x1bc: {  	s30 =	sadd.s32 $0x480, s25;
	[sflag:s18] =	ssyncadd.s32 $0xFFFFC000  }
0x1bd: {  	[tilespmem:s21], [sflag:$0x2] =	stream.indirect.gather [hbm4b:s4+s20], $0x80, s30, s20, $0xb8;
	[tilespmem:$0x1F000] =	vst v63  }
0x1be: {  	_ =	swait.ge [sflag:s22], $0x4000  }
0x1bf: {  	[sflag:s22] =	ssyncset.done $0x0  }
0x1c0: {  	s31 =	sadd.s32 $0x1C00, s25;
	[sflag:s22] =	ssyncadd.s32 $0xFFFFC000  }
0x1c1: {  	[spmem:s2] =	stream.indirect.scatter.add.f32 [tilespmem:s17], [sflag:$0x4], $0x80, s31, s20, $0xb8;
	[tilespmem:$0x1F000] =	vst v63  }
0x1c2: {  	_ =	swait.ge [sflag:s18], $0x4000  }
0x1c3: {  	[sflag:s18] =	ssyncset.done $0x0  }
0x1c4: {  	s19 =	sadd.s32 $0x500, s25;
	[sflag:s18] =	ssyncadd.s32 $0xFFFFC000  }
0x1c5: {  	[tilespmem:s17], [sflag:$0x1] =	stream.indirect.gather [hbm4b:s4+s20], $0x80, s19, s20, $0xb8;
	[tilespmem:$0x1F000] =	vst v63  }
0x1c6: {  	_ =	swait.ge [sflag:s23], $0x4000  }
0x1c7: {  	[sflag:s23] =	ssyncset.done $0x0  }
0x1c8: {  	s24 =	sadd.s32 $0x1C80, s25;
	[sflag:s23] =	ssyncadd.s32 $0xFFFFC000  }
0x1c9: {  	[spmem:s2] =	stream.indirect.scatter.add.f32 [tilespmem:s21], [sflag:$0x4], $0x80, s24, s20, $0xb8;
	[tilespmem:$0x1F000] =	vst v63  }
0x1ca: {  	_ =	swait.ge [sflag:s18], $0x4000  }
0x1cb: {  	[sflag:s18] =	ssyncset.done $0x0  }
0x1cc: {  	s26 =	sadd.s32 $0x580, s25;
	[sflag:s18] =	ssyncadd.s32 $0xFFFFC000  }
0x1cd: {  	[tilespmem:s21], [sflag:$0x2] =	stream.indirect.gather [hbm4b:s4+s20], $0x80, s26, s20, $0xb8;
	[tilespmem:$0x1F000] =	vst v63  }
0x1ce: {  	_ =	swait.ge [sflag:s22], $0x4000  }
0x1cf: {  	[sflag:s22] =	ssyncset.done $0x0  }
0x1d0: {  	s29 =	sadd.s32 $0x1D00, s25;
	[sflag:s22] =	ssyncadd.s32 $0xFFFFC000  }
0x1d1: {  	[spmem:s2] =	stream.indirect.scatter.add.f32 [tilespmem:s17], [sflag:$0x4], $0x80, s29, s20, $0xb8;
	[tilespmem:$0x1F000] =	vst v63  }
0x1d2: {  	_ =	swait.ge [sflag:s18], $0x4000  }
0x1d3: {  	[sflag:s18] =	ssyncset.done $0x0  }
0x1d4: {  	s30 =	sadd.s32 $0x600, s25;
	[sflag:s18] =	ssyncadd.s32 $0xFFFFC000  }
0x1d5: {  	[tilespmem:s17], [sflag:$0x1] =	stream.indirect.gather [hbm4b:s4+s20], $0x80, s30, s20, $0xb8;
	[tilespmem:$0x1F000] =	vst v63  }
0x1d6: {  	_ =	swait.ge [sflag:s23], $0x4000  }
0x1d7: {  	[sflag:s23] =	ssyncset.done $0x0  }
0x1d8: {  	s31 =	sadd.s32 $0x1D80, s25;
	[sflag:s23] =	ssyncadd.s32 $0xFFFFC000  }
0x1d9: {  	[spmem:s2] =	stream.indirect.scatter.add.f32 [tilespmem:s21], [sflag:$0x4], $0x80, s31, s20, $0xb8;
	[tilespmem:$0x1F000] =	vst v63  }
0x1da: {  	_ =	swait.ge [sflag:s18], $0x4000  }
0x1db: {  	[sflag:s18] =	ssyncset.done $0x0  }
0x1dc: {  	s19 =	sadd.s32 $0x680, s25;
	[sflag:s18] =	ssyncadd.s32 $0xFFFFC000  }
0x1dd: {  	[tilespmem:s21], [sflag:$0x2] =	stream.indirect.gather [hbm4b:s4+s20], $0x80, s19, s20, $0xb8;
	[tilespmem:$0x1F000] =	vst v63  }
0x1de: {  	_ =	swait.ge [sflag:s22], $0x4000  }
0x1df: {  	[sflag:s22] =	ssyncset.done $0x0  }
0x1e0: {  	s24 =	sadd.s32 $0x1E00, s25;
	[sflag:s22] =	ssyncadd.s32 $0xFFFFC000  }
0x1e1: {  	[spmem:s2] =	stream.indirect.scatter.add.f32 [tilespmem:s17], [sflag:$0x4], $0x80, s24, s20, $0xb8;
	[tilespmem:$0x1F000] =	vst v63  }
0x1e2: {  	_ =	swait.ge [sflag:s18], $0x4000  }
0x1e3: {  	[sflag:s18] =	ssyncset.done $0x0  }
0x1e4: {  	s26 =	sadd.s32 $0x700, s25;
	[sflag:s18] =	ssyncadd.s32 $0xFFFFC000  }
0x1e5: {  	[tilespmem:s17], [sflag:$0x1] =	stream.indirect.gather [hbm4b:s4+s20], $0x80, s26, s20, $0xb8;
	[tilespmem:$0x1F000] =	vst v63  }
0x1e6: {  	_ =	swait.ge [sflag:s23], $0x4000  }
0x1e7: {  	[sflag:s23] =	ssyncset.done $0x0  }
0x1e8: {  	s29 =	sadd.s32 $0x1E80, s25;
	[sflag:s23] =	ssyncadd.s32 $0xFFFFC000  }
0x1e9: {  	[spmem:s2] =	stream.indirect.scatter.add.f32 [tilespmem:s21], [sflag:$0x4], $0x80, s29, s20, $0xb8;
	[tilespmem:$0x1F000] =	vst v63  }
0x1ea: {  	_ =	swait.ge [sflag:s18], $0x4000  }
0x1eb: {  	[sflag:s18] =	ssyncset.done $0x0  }
0x1ec: {  	s30 =	sadd.s32 $0x780, s25;
	[sflag:s18] =	ssyncadd.s32 $0xFFFFC000  }
0x1ed: {  	[tilespmem:s21], [sflag:$0x2] =	stream.indirect.gather [hbm4b:s4+s20], $0x80, s30, s20, $0xb8;
	[tilespmem:$0x1F000] =	vst v63  }
0x1ee: {  	_ =	swait.ge [sflag:s22], $0x4000  }
0x1ef: {  	[sflag:s22] =	ssyncset.done $0x0  }
0x1f0: {  	s31 =	sadd.s32 $0x1F00, s25;
	[sflag:s22] =	ssyncadd.s32 $0xFFFFC000  }
0x1f1: {  	[spmem:s2] =	stream.indirect.scatter.add.f32 [tilespmem:s17], [sflag:$0x4], $0x80, s31, s20, $0xb8;
	[tilespmem:$0x1F000] =	vst v63  }
0x1f2: {  	_ =	swait.ge [sflag:s18], $0x4000  }
0x1f3: {  	[sflag:s18] =	ssyncset.done $0x0  }
0x1f4: {  	s19 =	sadd.s32 $0x800, s25;
	[sflag:s18] =	ssyncadd.s32 $0xFFFFC000  }
0x1f5: {  	[tilespmem:s17], [sflag:$0x1] =	stream.indirect.gather [hbm4b:s4+s20], $0x80, s19, s20, $0xb8;
	[tilespmem:$0x1F000] =	vst v63  }
0x1f6: {  	_ =	swait.ge [sflag:s23], $0x4000  }
0x1f7: {  	[sflag:s23] =	ssyncset.done $0x0  }
0x1f8: {  	s24 =	sadd.s32 $0x1F80, s25;
	[sflag:s23] =	ssyncadd.s32 $0xFFFFC000  }
0x1f9: {  	[spmem:s2] =	stream.indirect.scatter.add.f32 [tilespmem:s21], [sflag:$0x4], $0x80, s24, s20, $0xb8;
	[tilespmem:$0x1F000] =	vst v63  }
0x1fa: {  	_ =	swait.ge [sflag:s18], $0x4000  }
0x1fb: {  	[sflag:s18] =	ssyncset.done $0x0  }
0x1fc: {  	s0 =	simm.s32 @!p0 $0x3;
	[sflag:s18] =	ssyncadd.s32 $0xFFFFC000  }
0x1fd: {  	_ =	swait.ge @!p0 [sflag:s0], $0x900  }
0x1fe: {  	[sflag:s0] =	ssyncset.done @!p0 $0x0  }
0x1ff: {  	[sflag:s0] =	ssyncadd.s32 @!p0 $0xFFFFF700  }
0x200: {  	_ =	swait.ge @!p0 [sflag:s0], $0x900  }
0x201: {  	[sflag:s0] =	ssyncset.done @!p0 $0x0  }
0x202: {  	s26 =	sadd.s32 $0x880, s25;
	[sflag:s0] =	ssyncadd.s32 @!p0 $0xFFFFF700  }
0x203: {  	[tilespmem:s21], [sflag:$0x2] =	stream.indirect.gather [hbm4b:s4+s20], $0x80, s26, s20, $0xb8;
	[tilespmem:$0x1F000] =	vst v63  }
0x204: {  	_ =	swait.ge [sflag:s22], $0x4000  }
0x205: {  	[sflag:s22] =	ssyncset.done $0x0  }
0x206: {  	s29 =	sor.u32 $0x2000, s25;
	[sflag:s22] =	ssyncadd.s32 $0xFFFFC000  }
0x207: {  	[spmem:s2] =	stream.indirect.scatter.add.f32 [tilespmem:s17], [sflag:$0x4], $0x80, s29, s20, $0xb8;
	[tilespmem:$0x1F000] =	vst v63  }
0x208: {  	s19 =	smul.u32 @!p0 $0x3000, s28;
	_ =	swait.ge [sflag:s18], $0x4000  }
0x209: {  	s25 =	simm.s32 @!p0 $0x80;
	[sflag:s18] =	ssyncset.done $0x0  }
0x20a: {  	s19 =	sshrl.u32 @!p0 s19, $0x2;
	s24 =	simm.s32 @!p0 $0x3000;
	[sflag:s18] =	ssyncadd.s32 $0xFFFFC000  }
0x20b: {  	[tilespmem:s24], [sflag:$0x1] =	stream.indirect.gather @!p0 [hbm4b:s4+s25], $0x80, s19, s25, $0xb8;
	[tilespmem:$0x1F000] =	vst v63  }
0x20c: {  	_ =	swait.ge [sflag:s23], $0x4000  }
0x20d: {  	[sflag:s23] =	ssyncset.done $0x0  }
0x20e: {  	s0 =	sadd.s32 $0x1800, s26;
	[sflag:s23] =	ssyncadd.s32 $0xFFFFC000  }
0x20f: {  	[spmem:s2] =	stream.indirect.scatter.add.f32 [tilespmem:s21], [sflag:$0x4], $0x80, s0, s20, $0xb8;
	[tilespmem:$0x1F000] =	vst v63  }
0x210: {  	_ =	swait.ge [sflag:s18], $0x4000  }
0x211: {  	s3 =	sadd.s32 $0x1, s3;
	s30 =	sshll.u32 s1, $0x6;
	[sflag:s18] =	ssyncset.done $0x0  }
0x212: {  	s31 =	sshrl.u32 s6, $0x3;
	p0 =	sne.s32 s3, s14;
	[sflag:s18] =	ssyncadd.s32 $0xFFFFC000  }
.Ltmp2:
0x213: {  	s0 =	sor.u32 $0x1C04, s30;
	[bflag:$0x0] =	sbarrier.arrive $0xFFFF;
	(pc) =	sbr.rel @p0 .LBB2_1-.Ltmp2, $4  }
0x214: {  	[hbm:s13], [sflag:s0] =	dma.local [spmem:s31], $0x2800  }
0x215: {  	_ =	swait.ge [sflag:s18], $0x2800  }
0x216: {  	[sflag:s18] =	ssyncset.done $0x0  }
0x217: {  	[sflag:s18] =	ssyncadd.s32 $0xFFFFD800  }
0x218: {  	_ =	sfence.sel $0x180000  }
0x219: {  	[bflag:$0x0] =	sbarrier.arrive $0xFFFF  }
0x21a: {  	_ =	strace $0x9000004A  }
0x21b: {  	[bflag:$0x2] =	sbarrier.arrive $0xFFFF  }
0x21c: {  	p0 =	sne.s32 s1, $0x0;
	s0 =	rddreg [dreg:$0x2]  }
0x21d: {  	s0 =	sadd.s32 @!p0 $0x100000, s0  }
0x21e: {  	[sflag:s0] =	ssyncadd.tile.s32 @!p0 $0x1;
	_ =	shalt  }
.Lfunc_end2:
_tile_overlayer_lowered:
.L_overlay_start_2:
0x21f: {  	(tag) =	ssettag $0x2  }
0x220: {  	s0 =	rddreg [dreg:$0x0];
	s2 =	stileid.u32  }
0x221: {  	s1 =	rddreg [dreg:$0x1];
	p0 =	sne.s32 s2, $0x0  }
0x222: {  	s3 =	rddreg [dreg:$0x2];
	[bflag:$0x3] =	sbarrier.arrive $0xFFFF;
	s2 =	simm.s32 @!p0 $0x1C04  }
0x223: {  	[timem:s3], [sflag:s2] =	dma.local @!p0 [hbm:s0], s1  }
0x224: {  	s0 =	simm.s32 @!p0 $0x4  }
0x225: {  	_ =	swait.ge @!p0 [sflag:s0], s1  }
0x226: {  	s1 =	ssub.s32 @!p0 $0x0, s1;
	[sflag:s0] =	ssyncset.done @!p0 $0x0  }
0x227: {  	[sflag:s0] =	ssyncadd.s32 @!p0 s1  }
0x228: {  	[bflag:$0x3] =	sbarrier.arrive $0xFFFF  }
0x229: {  	_ =	shalt  }

// kernel: kernel.16.cloned.1.call-start
scs
__scs_entry_jumppad:
0x0: {  	(pc) =	sbr.rel $0x88, $3  }
0x1: {  	(tag) =	ssettag $0x0;
	lr =	simm.s32 $0x1  }
0x2: {  	[smem:$0x3F94] =	sst lr;
	_ =	strace $0xD0000000  }
0x3: {  	_ = 	snop  }
0x4: {  	_ = 	snop  }
0x5: {  	_ = 	snop  }
0x6: {  	_ = 	snop  }
0x7: {  	_ = 	snop  }
__scs_overlays_trampoline_lowered:
0x8: {  	[smem:$0x3FA3] =	sst s0  }
0x9: {  	[smem:$0x3FA4] =	sst s1  }
0xa: {  	[smem:$0x3FA5] =	sst s2  }
0xb: {  	[smem:$0x3FA6] =	sst s3  }
0xc: {  	[smem:$0x3FA7] =	sst s4  }
0xd: {  	[smem:$0x3FA8] =	sst s5  }
0xe: {  	[smem:$0x3FA9] =	sst s6  }
0xf: {  	[smem:$0x3FAA] =	sst s7  }
0x10: {  	[smem:$0x3FAB] =	sst s8  }
0x11: {  	[smem:$0x3FAC] =	sst s9;
	s0 =	simm.s32 @!p0 $0x0  }
0x12: {  	s1 =	sld [smem:$0x3F92];
	s0 =	simm.s32 @p0 $0x1  }
0x13: {  	[smem:$0x3FAD] =	sst s0;
	s0 =	simm.s32 @!p1 $0x0  }
0x14: {  	s2 =	sld [smem:$0x3F91];
	s0 =	simm.s32 @p1 $0x1  }
0x15: {  	[smem:$0x3FAE] =	sst s0;
	s0 =	simm.s32 @!p2 $0x0  }
0x16: {  	s3 =	sld [smem:$0x3FDB];
	s0 =	simm.s32 @p2 $0x1  }
0x17: {  	s4 =	simm.s32 $0x1BF5;
	[smem:$0x3FB0] =	sst s0  }
0x18: {  	s0 =	sld [smem:$0x3F93];
	_ =	swait.ge [sflag:s4], $0x0  }
0x19: {  	s7 =	sld [smem:$0x3F94]  }
0x1a: {  	s8 =	sadd.s32 $0xFFFFE003, lr  }
0x1b: {  	s9 =	sadd.s32 $0xFFFFFEF7, lr;
	s5 =	simm.s32 $0xFFFFFFFF;
	p2 =	slt.u32 s8, $0xFFFFF086  }
0x1c: {  	p1 =	slt.u32 s9, $0xF7A;
	s5 =	simm.s32 @!p2 $0x0  }
0x1d: {  	s5 =	simm.s32 @p1 $0x1;
	p0 =	seq.s32 s7, s2  }
0x1e: {  	s7 =	smul.u32 @!p0 $0xF7A, s2;
	p2 =	seq.s32 @!p0 s5, $0x0  }
0x1f: {  	s9 =	smul.u32 $0xF7A, s1;
	s8 =	simm.s32 @!p0 $0x1BF5;
	p2 =	por !p2, p0  }
0x20: {  	[sflag:s8] =	ssyncset.s32 @!p0 $0xFFFFF086;
	s6 =	sadd.s32 @!p0 s3, s7;
	s7 =	simm.s32 @!p0 $0x108  }
0x21: {  	s3 =	sadd.s32 s3, s9;
	s6 =	sadd.s32 @!p0 $0x88, s6;
	s7 =	simm.s32 @p2 $0x1082  }
0x22: {  	[simem:s7], [sflag:s8] =	dma.local @!p0 [hbm:s6], $0xF7A  }
0x23: {  	s9 =	sor.u32 $0xD0000000, s2;
	s6 =	simm.s32 $0x108;
	_ =	swait.ge @!p0 [sflag:s8], $0x0  }
0x24: {  	s3 =	sadd.s32 $0x88, s3;
	s6 =	simm.s32 @!p1 $0x1082;
	[sflag:s4] =	ssyncset.s32 $0xFFFFF086  }
0x25: {  	[simem:s6], [sflag:s4] =	dma.local [hbm:s3], $0xF7A  }
0x26: {  	[smem:$0x3F94] =	sst s1;
	(tag) =	ssettag s2;
	_ =	strace s9  }
0x27: {  	s1 =	sld [smem:$0x3FA4]  }
0x28: {  	s2 =	sld [smem:$0x3FA5]  }
0x29: {  	s4 =	sld [smem:$0x3FA7]  }
0x2a: {  	p0 =	seq.s32 s5, $0x0;
	s5 =	sld [smem:$0x3FA8]  }
0x2b: {  	s6 =	sld [smem:$0x3FA9]  }
0x2c: {  	s7 =	sld [smem:$0x3FAA]  }
0x2d: {  	s3 =	simm.s32 $0x108;
	s8 =	sld [smem:$0x3FAB]  }
0x2e: {  	s3 =	simm.s32 @!p0 $0x1082;
	s9 =	sld [smem:$0x3FAC]  }
0x2f: {  	lr =	sadd.s32 s0, s3;
	s0 =	sld [smem:$0x3FA3]  }
0x30: {  	s3 =	sld [smem:$0x3FA6]  }
0x31: {  	[smem:$0x3FAF] =	sst s10  }
0x32: {  	s10 =	sld [smem:$0x3FAD];
	_ =	sdelay $0x3  }
0x33: {  	p0 =	seq.s32 s10, $0x1;
	s10 =	sld [smem:$0x3FAF];
	_ =	sdelay $0x3  }
0x34: {  	[smem:$0x3FAF] =	sst s10  }
0x35: {  	s10 =	sld [smem:$0x3FAE];
	_ =	sdelay $0x3  }
0x36: {  	p1 =	seq.s32 s10, $0x1;
	s10 =	sld [smem:$0x3FAF];
	_ =	sdelay $0x3  }
0x37: {  	[smem:$0x3FAF] =	sst s10  }
0x38: {  	s10 =	sld [smem:$0x3FB0]  }
0x39: {  	_ = 	snop;
	(pc) =	sbr.ind lr, $3  }
0x3a: {  	_ = 	snop  }
0x3b: {  	_ = 	snop  }
0x3c: {  	p2 =	seq.s32 s10, $0x1;
	s10 =	sld [smem:$0x3FAF]  }
0x3d: {  	_ =	shalt  }
0x3e: {  	_ =	shalt  }
0x3f: {  	_ =	shalt  }
0x40: {  	_ =	shalt  }
0x41: {  	_ =	shalt  }
0x42: {  	_ =	shalt  }
0x43: {  	_ =	shalt  }
0x44: {  	_ =	shalt  }
0x45: {  	_ =	shalt  }
0x46: {  	_ =	shalt  }
0x47: {  	_ =	shalt  }
0x48: {  	_ =	shalt  }
0x49: {  	_ =	shalt  }
0x4a: {  	_ =	shalt  }
0x4b: {  	_ =	shalt  }
0x4c: {  	_ =	shalt  }
0x4d: {  	_ =	shalt  }
0x4e: {  	_ =	shalt  }
0x4f: {  	_ =	shalt  }
0x50: {  	_ =	shalt  }
0x51: {  	_ =	shalt  }
0x52: {  	_ =	shalt  }
0x53: {  	_ =	shalt  }
0x54: {  	_ =	shalt  }
0x55: {  	_ =	shalt  }
0x56: {  	_ =	shalt  }
0x57: {  	_ =	shalt  }
0x58: {  	_ =	shalt  }
0x59: {  	_ =	shalt  }
0x5a: {  	_ =	shalt  }
0x5b: {  	_ =	shalt  }
0x5c: {  	_ =	shalt  }
0x5d: {  	_ =	shalt  }
0x5e: {  	_ =	shalt  }
0x5f: {  	_ =	shalt  }
0x60: {  	_ =	shalt  }
0x61: {  	_ =	shalt  }
0x62: {  	_ =	shalt  }
0x63: {  	_ =	shalt  }
0x64: {  	_ =	shalt  }
0x65: {  	_ =	shalt  }
0x66: {  	_ =	shalt  }
0x67: {  	_ =	shalt  }
0x68: {  	_ =	shalt  }
0x69: {  	_ =	shalt  }
0x6a: {  	_ =	shalt  }
0x6b: {  	_ =	shalt  }
0x6c: {  	_ =	shalt  }
0x6d: {  	_ =	shalt  }
0x6e: {  	_ =	shalt  }
0x6f: {  	_ =	shalt  }
0x70: {  	_ =	shalt  }
0x71: {  	_ =	shalt  }
0x72: {  	_ =	shalt  }
0x73: {  	_ =	shalt  }
0x74: {  	_ =	shalt  }
0x75: {  	_ =	shalt  }
0x76: {  	_ =	shalt  }
0x77: {  	_ =	shalt  }
0x78: {  	_ =	shalt  }
0x79: {  	_ =	shalt  }
0x7a: {  	_ =	shalt  }
0x7b: {  	_ =	shalt  }
0x7c: {  	_ =	shalt  }
0x7d: {  	_ =	shalt  }
0x7e: {  	_ =	shalt  }
0x7f: {  	_ =	shalt  }
0x80: {  	_ =	shalt  }
0x81: {  	_ =	shalt  }
0x82: {  	_ =	shalt  }
0x83: {  	_ =	shalt  }
0x84: {  	_ =	shalt  }
0x85: {  	_ =	shalt  }
0x86: {  	_ =	shalt  }
0x87: {  	_ =	shalt  }
.Lfunc_end0:
.L_simem_size_0:
called_computation.2_lowered:
.L_overlay_start_0:
0x88: {  	s2 =	sld [smem:$0x3FD9]  }
0x89: {  	s3 =	sld [smem:$0x3FFE];
	_ =	sdelay $0x1  }
0x8a: {  	s1 =	srdreg.scid  }
0x8b: {  	s0 =	sand.u32 $0x1, s1  }
0x8c: {  	s16 =	sshll.u32 s0, $0xA;
	s2 =	sadd.s32 s3, s2  }
0x8d: {  	s2 =	sadd.s32 s2, s16  }
0x8e: {  	[smem:$0x3FBB] =	sst s2  }
0x8f: {  	_ = 	snop  }
0x90: {  	(tm) =	ssettm $0x1  }
0x91: {  	s17 =	sld [smem:$0x3FFB];
	_ =	sdelay $0x3  }
0x92: {  	_ =	strace s17  }
0x93: {  	s2 =	sld [smem:$0x3FFC];
	_ =	sdelay $0x3  }
0x94: {  	_ =	strace s2  }
0x95: {  	s2 =	sld [smem:$0x3FFD];
	_ =	sdelay $0x3  }
0x96: {  	_ =	strace s2  }
0x97: {  	_ =	strace $0x8FFFFFFF  }
0x98: {  	s18 =	sld [smem:$0x3FDB];
	_ =	sdelay $0x1  }
0x99: {  	s19 =	simm.s32 $_scs_section_size  }
0x9a: {  	s4 =	simm.s32 $_size__tile_overlayer_lowered;
	s5 =	simm.s32 $_tile_overlayer_lowered  }
0x9b: {  	s22 =	simm.s32 $0x1BFF;
	s21 =	sshll.u32 s5, $0x1;
	s2 =	sadd.s32 s19, s18  }
0x9c: {  	s6 =	simm.s32 $0x0;
	s20 =	sshll.u32 s4, $0x1;
	s4 =	sadd.s32 s21, s2  }
0x9d: {  	[timem:s6], [sflag:s22] =	dma.local [hbm:s4], s20  }
0x9e: {  	_ =	swait.ge [sflag:s22], s20  }
0x9f: {  	s3 =	ssub.s32 $0x0, s20;
	[sflag:s22] =	ssyncset.done $0x0  }
0xa0: {  	[sflag:s22] =	ssyncadd.s32 s3;
	_ =	sdelay $0x1  }
0xa1: {  	s23 =	simm.s32 $0x1B8B  }
0xa2: {  	_ =	swait.ge [sflag:s23], $0x1  }
0xa3: {  	[sflag:s23] =	ssyncset.done $0x0  }
0xa4: {  	s25 =	simm.s32 $0x1B8E;
	s24 =	sld [smem:$0x3FFE];
	[sflag:s23] =	ssyncadd.s32 $0xFFFFFFFF  }
0xa5: {  	s26 =	simm.s32 $execute0_lowered;
	[smem:$0x3FD2] =	sst s25  }
0xa6: {  	s4 =	sshll.u32 s26, $0x1;
	_ =	strace $0x8000004C;
	[dreg:$0x1] =	wrdreg $0xFFFFFFFF  }
0xa7: {  	s28 =	simm.s32 $_size_execute0_lowered;
	s2 =	sadd.s32 s2, s4;
	[dreg:$0x0] =	wrdreg $0x0  }
0xa8: {  	s4 =	sshll.u32 s28, $0x1;
	[dreg:$0x2] =	wrdreg s2  }
0xa9: {  	[dreg:$0x3] =	wrdreg s4  }
0xaa: {  	[dreg:$0x4] =	wrdreg $0xC0  }
0xab: {  	_ =	task [dreg:s6], $0x5FFFF  }
0xac: {  	[dreg:$0x1] =	wrdreg $0xFFFFFFFF  }
0xad: {  	[dreg:$0x0] =	wrdreg $0x60  }
0xae: {  	[dreg:$0x2] =	wrdreg s24  }
0xaf: {  	[dreg:$0x3] =	wrdreg $0xB0000  }
0xb0: {  	[dreg:$0x4] =	wrdreg $0x9  }
0xb1: {  	_ =	task.clear_ibuf [dreg:s6], $0x5FFFF;
	_ =	strace $0x9000004C  }
0xb2: {  	s29 =	simm.s32 $0x9;
	_ =	strace $0x8000004E  }
0xb3: {  	_ =	swait.ge [sflag:s29], $0x1  }
0xb4: {  	[sflag:s29] =	ssyncadd.s32 $0xFFFFFFFF  }
0xb5: {  	_ =	strace $0x9000004E  }
0xb6: {  	_ =	sfence  }
0xb7: {  	s30 =	sld [smem:$0x0];
	_ =	sdelay $0x2  }
0xb8: {  	s31 =	sshll.u32 s1, $0xD;
	s1 =	sshrl.u32 s1, $0x2  }
0xb9: {  	s3 =	sand.u32 $0x4000, s31;
	s1 =	sadd.s32 s1, s30  }
0xba: {  	s0 =	sor.u32 s3, s0;
	s1 =	sshll.u32 s1, $0x11  }
0xbb: {  	s0 =	sor.u32 s1, s0  }
0xbc: {  	s0 =	sadd.s32 $0x8F2B, s0  }
0xbd: {  	[sflag:s0] =	ssyncadd.remote.s32 $0x1  }
0xbe: {  	_ =	sfence.sel $0xFFFF  }
0xbf: {  	[dreg:$0x0] =	wrdreg $0xFFFFFFFF;
	(pc) =	sbr.abs _section_cstart, $3  }
0xc0: {  	[dreg:$0x1] =	wrdreg $0xFFFFFFFF  }
0xc1: {  	_ =	task.clear_ibuf [dreg:s6], $0x2FFFF;
	_ =	strace $0x9FFFFFFF  }
0xc2: {  	(tm) =	ssettm $0x7FFFFFFF  }
0xc3: {  	_ =	shalt  }
tec
execute0_lowered:
.L_overlay_start_1:
0x0: {  	(tag) =	ssettag $0x1  }
0x1: {  	s0 =	rddreg [dreg:$0x0]  }
0x2: {  	s2 =	rddreg [dreg:$0x1]  }
0x3: {  	s4 =	srdreg.scid;
	s1 =	stileid.u32;
	s3 =	simm.s32 $0x0  }
0x4: {  	s18 =	simm.s32 $0x4;
	s20 =	simm.s32 $0x80;
	s7 =	smul.u32 $0x2800, s1  }
0x5: {  	s21 =	simm.s32 $0x7000;
	s22 =	simm.s32 $0x1;
	s9 =	smul.u32 $0x50000, s1  }
0x6: {  	s23 =	simm.s32 $0x2;
	s6 =	sand.u32 $0x1, s4;
	s12 =	smul.u32 $0x6C00, s1  }
0x7: {  	[smem:$0x7FF] =	sst s3;
	s4 =	sadd.s32 $0x37200, s0;
	s17 =	smul.u32 $0xD80, s1  }
0x8: {  	s5 =	sadd.s32 $0x1C200, s0;
	s15 =	sadd.s32 $0xEA00, s0;
	s8 =	smul.u32 $0x28000, s6  }
0x9: {  	_ =	strace $0x8000004D;
	s29 =	ssub.s32 $0x2, s6;
	s10 =	smul.u32 $0x6C000, s6  }
0xa: {  	s9 =	sshrl.u32 s9, $0x2;
	s11 =	sshrl.u32 s29, $0x1;
	s31 =	sadd.s32 s17, s15  }
0xb: {  	s17 =	simm.s32 $0x3000;
	s7 =	sadd.s32 s7, s8;
	s6 =	sadd.s32 s9, s2  }
0xc: {  	s14 =	ssub.s32 s29, s11;
	s16 =	sadd.s32 s12, s10;
	s12 =	sshrl.u32 s12, $0x3  }
0xd: {  	s0 =	sadd.s32 s7, s0;
	s7 =	sadd.s32 $0x4000, s6;
	s8 =	sadd.s32 $0x8000, s6  }
0xe: {  	s9 =	sadd.s32 $0xC000, s6;
	s30 =	sshrl.u32 s16, $0x3;
	s10 =	sadd.s32 $0x10000, s6  }
0xf: {  	s12 =	sadd.s32 s15, s12;
	s14 =	smax.u32 s14, $0x1;
	s15 =	sadd.s32 $0xC00, s16  }
0x10: {  	v0 =	vimm.f32 $0.0e+00;
	s16 =	sadd.s32 $0x180, s31;
	s11 =	sadd.s32 s5, s30;
	s13 =	sadd.s32 $0x87200, s0  }
.LBB2_1:
0x11: {  	s24 =	simm.s32 $0x0;
	s25 =	simm.s32 $0x200  }
.LBB2_2:
0x12: {  	p0 =	sne.s32 s25, $0xFE00;
	[tilespmem:s24+$0x3070] =	vst v0  }
0x13: {  	[tilespmem:s24+$0x3000] =	vst v0  }
0x14: {  	[tilespmem:s24+$0x3010] =	vst v0  }
.Ltmp0:
0x15: {  	[tilespmem:s24+$0x3020] =	vst v0;
	(pc) =	sbr.rel @p0 .LBB2_2-.Ltmp0, $4  }
0x16: {  	[tilespmem:s24+$0x3030] =	vst v0  }
0x17: {  	[tilespmem:s24+$0x3040] =	vst v0  }
0x18: {  	[tilespmem:s24+$0x3050] =	vst v0  }
0x19: {  	[tilespmem:s24+$0x3060] =	vst v0;
	s24 =	sshra.s32 s25, $0x2;
	s25 =	sadd.s32 $0x200, s25  }
0x1a: {  	[tilespmem:s24+$0x3070] =	vst v0  }
0x1b: {  	[tilespmem:s24+$0x3000] =	vst v0  }
0x1c: {  	[tilespmem:s24+$0x3010] =	vst v0  }
0x1d: {  	[tilespmem:s24+$0x3020] =	vst v0  }
0x1e: {  	[tilespmem:s24+$0x3030] =	vst v0  }
0x1f: {  	[tilespmem:s24+$0x3040] =	vst v0  }
0x20: {  	[tilespmem:s24+$0x3050] =	vst v0  }
0x21: {  	[tilespmem:s24+$0x3060] =	vst v0  }
0x22: {  	[spmem:s6] =	stream.linear.scatter [tilespmem:s17], [sflag:$0x4], $0x4000, $0x38;
	[tilespmem:$0x1F000] =	vst v63  }
0x23: {  	_ =	swait.ge [sflag:s18], $0x4000  }
0x24: {  	[sflag:s18] =	ssyncset.done $0x0  }
0x25: {  	[sflag:s18] =	ssyncadd.s32 $0xFFFFC000  }
0x26: {  	[spmem:s7] =	stream.linear.scatter [tilespmem:s17], [sflag:$0x4], $0x4000, $0x38;
	[tilespmem:$0x1F000] =	vst v63  }
0x27: {  	_ =	swait.ge [sflag:s18], $0x4000  }
0x28: {  	[sflag:s18] =	ssyncset.done $0x0  }
0x29: {  	[sflag:s18] =	ssyncadd.s32 $0xFFFFC000  }
0x2a: {  	[spmem:s8] =	stream.linear.scatter [tilespmem:s17], [sflag:$0x4], $0x4000, $0x38;
	[tilespmem:$0x1F000] =	vst v63  }
0x2b: {  	_ =	swait.ge [sflag:s18], $0x4000  }
0x2c: {  	[sflag:s18] =	ssyncset.done $0x0  }
0x2d: {  	[sflag:s18] =	ssyncadd.s32 $0xFFFFC000  }
0x2e: {  	[spmem:s9] =	stream.linear.scatter [tilespmem:s17], [sflag:$0x4], $0x4000, $0x38;
	[tilespmem:$0x1F000] =	vst v63  }
0x2f: {  	_ =	swait.ge [sflag:s18], $0x4000  }
0x30: {  	[sflag:s18] =	ssyncset.done $0x0  }
0x31: {  	[sflag:s18] =	ssyncadd.s32 $0xFFFFC000  }
0x32: {  	[spmem:s10] =	stream.linear.scatter [tilespmem:s17], [sflag:$0x4], $0x4000, $0x38;
	[tilespmem:$0x1F000] =	vst v63  }
0x33: {  	_ =	swait.ge [sflag:s18], $0x4000  }
0x34: {  	[sflag:s18] =	ssyncset.done $0x0  }
0x35: {  	s0 =	simm.s32 $0x0;
	[sflag:s18] =	ssyncadd.s32 $0xFFFFC000  }
0x36: {  	[tilespmem:s0], [sflag:$0x4] =	stream.linear.gather [hbm4b:s11+s0], $0x900, $0x38;
	[tilespmem:$0x1F000] =	vst v63  }
0x37: {  	_ =	swait.ge [sflag:s18], $0x900  }
0x38: {  	[sflag:s18] =	ssyncset.done $0x0  }
0x39: {  	s19 =	simm.s32 $0x1800;
	[sflag:s18] =	ssyncadd.s32 $0xFFFFF700  }
0x3a: {  	[tilespmem:s19], [sflag:$0x4] =	stream.linear.gather [hbm4b:s12+s0], $0x900, $0x38;
	[tilespmem:$0x1F000] =	vst v63  }
0x3b: {  	_ =	swait.ge [sflag:s18], $0x900  }
0x3c: {  	[sflag:s18] =	ssyncset.done $0x0  }
0x3d: {  	[sflag:s18] =	ssyncadd.s32 $0xFFFFF700  }
0x3e: {  	[bflag:$0x0] =	sbarrier.arrive $0xFFFF  }
0x3f: {  	[tilespmem:s17], [sflag:$0x1] =	stream.indirect.gather [hbm4b:s4+s20], $0x80, s0, s20, $0xb8;
	[tilespmem:$0x1F000] =	vst v63  }
0x40: {  	p0 =	por $0x0, $0x0;
	s0 =	sand.u32 $0x1, s0  }
0x41: {  	s24 =	sxor.u32 @!p0 $0x1, s0  }
0x42: {  	s25 =	sshrl.u32 @!p0 s15, $0x3;
	s26 =	smul.u32 @!p0 $0xC00, s24  }
0x43: {  	s28 =	simm.s32 @!p0 $0x0;
	s25 =	sadd.s32 @!p0 s5, s25  }
0x44: {  	[tilespmem:s26], [sflag:$0x3] =	stream.linear.gather @!p0 [hbm4b:s25+s28], $0x900, $0x38;
	[tilespmem:$0x1F000] =	vst v63  }
0x45: {  	s26 =	sadd.s32 @!p0 $0x1800, s26;
	s25 =	smul.u32 $0xC00, s0  }
0x46: {  	[tilespmem:s26], [sflag:$0x3] =	stream.linear.gather @!p0 [hbm4b:s16+s28], $0x900, $0x38;
	[tilespmem:$0x1F000] =	vst v63  }
0x47: {  	s0 =	sor.u32 $0x80, s25  }
0x48: {  	[tilespmem:s21], [sflag:$0x2] =	stream.indirect.gather [hbm4b:s4+s20], $0x80, s0, s20, $0xb8;
	[tilespmem:$0x1F000] =	vst v63  }
0x49: {  	_ =	swait.ge [sflag:s22], $0x4000  }
0x4a: {  	[sflag:s22] =	ssyncset.done $0x0  }
0x4b: {  	s26 =	sadd.s32 $0x1800, s25;
	[sflag:s22] =	ssyncadd.s32 $0xFFFFC000  }
0x4c: {  	[spmem:s2] =	stream.indirect.scatter.add.f32 [tilespmem:s17], [sflag:$0x4], $0x80, s26, s20, $0xb8;
	[tilespmem:$0x1F000] =	vst v63  }
0x4d: {  	_ =	swait.ge [sflag:s18], $0x4000  }
0x4e: {  	[sflag:s18] =	ssyncset.done $0x0  }
0x4f: {  	s29 =	sor.u32 $0x100, s25;
	[sflag:s18] =	ssyncadd.s32 $0xFFFFC000  }
0x50: {  	[tilespmem:s17], [sflag:$0x1] =	stream.indirect.gather [hbm4b:s4+s20], $0x80, s29, s20, $0xb8;
	[tilespmem:$0x1F000] =	vst v63  }
0x51: {  	_ =	swait.ge [sflag:s23], $0x4000  }
0x52: {  	[sflag:s23] =	ssyncset.done $0x0  }
0x53: {  	s19 =	sadd.s32 $0x1880, s25;
	[sflag:s23] =	ssyncadd.s32 $0xFFFFC000  }
0x54: {  	[spmem:s2] =	stream.indirect.scatter.add.f32 [tilespmem:s21], [sflag:$0x4], $0x80, s19, s20, $0xb8;
	[tilespmem:$0x1F000] =	vst v63  }
0x55: {  	_ =	swait.ge [sflag:s18], $0x4000  }
0x56: {  	[sflag:s18] =	ssyncset.done $0x0  }
0x57: {  	s26 =	sor.u32 $0x180, s25;
	[sflag:s18] =	ssyncadd.s32 $0xFFFFC000  }
0x58: {  	[tilespmem:s21], [sflag:$0x2] =	stream.indirect.gather [hbm4b:s4+s20], $0x80, s26, s20, $0xb8;
	[tilespmem:$0x1F000] =	vst v63  }
0x59: {  	_ =	swait.ge [sflag:s22], $0x4000  }
0x5a: {  	[sflag:s22] =	ssyncset.done $0x0  }
0x5b: {  	s29 =	sadd.s32 $0x1900, s25;
	[sflag:s22] =	ssyncadd.s32 $0xFFFFC000  }
0x5c: {  	[spmem:s2] =	stream.indirect.scatter.add.f32 [tilespmem:s17], [sflag:$0x4], $0x80, s29, s20, $0xb8;
	[tilespmem:$0x1F000] =	vst v63  }
0x5d: {  	_ =	swait.ge [sflag:s18], $0x4000  }
0x5e: {  	[sflag:s18] =	ssyncset.done $0x0  }
0x5f: {  	s19 =	sor.u32 $0x200, s25;
	[sflag:s18] =	ssyncadd.s32 $0xFFFFC000  }
0x60: {  	[tilespmem:s17], [sflag:$0x1] =	stream.indirect.gather [hbm4b:s4+s20], $0x80, s19, s20, $0xb8;
	[tilespmem:$0x1F000] =	vst v63  }
0x61: {  	_ =	swait.ge [sflag:s23], $0x4000  }
0x62: {  	[sflag:s23] =	ssyncset.done $0x0  }
0x63: {  	s26 =	sadd.s32 $0x1980, s25;
	[sflag:s23] =	ssyncadd.s32 $0xFFFFC000  }
0x64: {  	[spmem:s2] =	stream.indirect.scatter.add.f32 [tilespmem:s21], [sflag:$0x4], $0x80, s26, s20, $0xb8;
	[tilespmem:$0x1F000] =	vst v63  }
0x65: {  	_ =	swait.ge [sflag:s18], $0x4000  }
0x66: {  	[sflag:s18] =	ssyncset.done $0x0  }
0x67: {  	s29 =	sor.u32 $0x280, s25;
	[sflag:s18] =	ssyncadd.s32 $0xFFFFC000  }
0x68: {  	[tilespmem:s21], [sflag:$0x2] =	stream.indirect.gather [hbm4b:s4+s20], $0x80, s29, s20, $0xb8;
	[tilespmem:$0x1F000] =	vst v63  }
0x69: {  	_ =	swait.ge [sflag:s22], $0x4000  }
0x6a: {  	[sflag:s22] =	ssyncset.done $0x0  }
0x6b: {  	s19 =	sadd.s32 $0x1A00, s25;
	[sflag:s22] =	ssyncadd.s32 $0xFFFFC000  }
0x6c: {  	[spmem:s2] =	stream.indirect.scatter.add.f32 [tilespmem:s17], [sflag:$0x4], $0x80, s19, s20, $0xb8;
	[tilespmem:$0x1F000] =	vst v63  }
0x6d: {  	_ =	swait.ge [sflag:s18], $0x4000  }
0x6e: {  	[sflag:s18] =	ssyncset.done $0x0  }
0x6f: {  	s26 =	sor.u32 $0x300, s25;
	[sflag:s18] =	ssyncadd.s32 $0xFFFFC000  }
0x70: {  	[tilespmem:s17], [sflag:$0x1] =	stream.indirect.gather [hbm4b:s4+s20], $0x80, s26, s20, $0xb8;
	[tilespmem:$0x1F000] =	vst v63  }
0x71: {  	_ =	swait.ge [sflag:s23], $0x4000  }
0x72: {  	[sflag:s23] =	ssyncset.done $0x0  }
0x73: {  	s29 =	sadd.s32 $0x1A80, s25;
	[sflag:s23] =	ssyncadd.s32 $0xFFFFC000  }
0x74: {  	[spmem:s2] =	stream.indirect.scatter.add.f32 [tilespmem:s21], [sflag:$0x4], $0x80, s29, s20, $0xb8;
	[tilespmem:$0x1F000] =	vst v63  }
0x75: {  	_ =	swait.ge [sflag:s18], $0x4000  }
0x76: {  	[sflag:s18] =	ssyncset.done $0x0  }
0x77: {  	s19 =	sor.u32 $0x380, s25;
	[sflag:s18] =	ssyncadd.s32 $0xFFFFC000  }
0x78: {  	[tilespmem:s21], [sflag:$0x2] =	stream.indirect.gather [hbm4b:s4+s20], $0x80, s19, s20, $0xb8;
	[tilespmem:$0x1F000] =	vst v63  }
0x79: {  	_ =	swait.ge [sflag:s22], $0x4000  }
0x7a: {  	[sflag:s22] =	ssyncset.done $0x0  }
0x7b: {  	s26 =	sadd.s32 $0x1B00, s25;
	[sflag:s22] =	ssyncadd.s32 $0xFFFFC000  }
0x7c: {  	[spmem:s2] =	stream.indirect.scatter.add.f32 [tilespmem:s17], [sflag:$0x4], $0x80, s26, s20, $0xb8;
	[tilespmem:$0x1F000] =	vst v63  }
0x7d: {  	_ =	swait.ge [sflag:s18], $0x4000  }
0x7e: {  	[sflag:s18] =	ssyncset.done $0x0  }
0x7f: {  	s29 =	sadd.s32 $0x400, s25;
	[sflag:s18] =	ssyncadd.s32 $0xFFFFC000  }
0x80: {  	[tilespmem:s17], [sflag:$0x1] =	stream.indirect.gather [hbm4b:s4+s20], $0x80, s29, s20, $0xb8;
	[tilespmem:$0x1F000] =	vst v63  }
0x81: {  	_ =	swait.ge [sflag:s23], $0x4000  }
0x82: {  	[sflag:s23] =	ssyncset.done $0x0  }
0x83: {  	s19 =	sadd.s32 $0x1B80, s25;
	[sflag:s23] =	ssyncadd.s32 $0xFFFFC000  }
0x84: {  	[spmem:s2] =	stream.indirect.scatter.add.f32 [tilespmem:s21], [sflag:$0x4], $0x80, s19, s20, $0xb8;
	[tilespmem:$0x1F000] =	vst v63  }
0x85: {  	_ =	swait.ge [sflag:s18], $0x4000  }
0x86: {  	[sflag:s18] =	ssyncset.done $0x0  }
0x87: {  	s26 =	sadd.s32 $0x480, s25;
	[sflag:s18] =	ssyncadd.s32 $0xFFFFC000  }
0x88: {  	[tilespmem:s21], [sflag:$0x2] =	stream.indirect.gather [hbm4b:s4+s20], $0x80, s26, s20, $0xb8;
	[tilespmem:$0x1F000] =	vst v63  }
0x89: {  	_ =	swait.ge [sflag:s22], $0x4000  }
0x8a: {  	[sflag:s22] =	ssyncset.done $0x0  }
0x8b: {  	s29 =	sadd.s32 $0x1C00, s25;
	[sflag:s22] =	ssyncadd.s32 $0xFFFFC000  }
0x8c: {  	[spmem:s2] =	stream.indirect.scatter.add.f32 [tilespmem:s17], [sflag:$0x4], $0x80, s29, s20, $0xb8;
	[tilespmem:$0x1F000] =	vst v63  }
0x8d: {  	_ =	swait.ge [sflag:s18], $0x4000  }
0x8e: {  	[sflag:s18] =	ssyncset.done $0x0  }
0x8f: {  	s19 =	sadd.s32 $0x500, s25;
	[sflag:s18] =	ssyncadd.s32 $0xFFFFC000  }
0x90: {  	[tilespmem:s17], [sflag:$0x1] =	stream.indirect.gather [hbm4b:s4+s20], $0x80, s19, s20, $0xb8;
	[tilespmem:$0x1F000] =	vst v63  }
0x91: {  	_ =	swait.ge [sflag:s23], $0x4000  }
0x92: {  	[sflag:s23] =	ssyncset.done $0x0  }
0x93: {  	s26 =	sadd.s32 $0x1C80, s25;
	[sflag:s23] =	ssyncadd.s32 $0xFFFFC000  }
0x94: {  	[spmem:s2] =	stream.indirect.scatter.add.f32 [tilespmem:s21], [sflag:$0x4], $0x80, s26, s20, $0xb8;
	[tilespmem:$0x1F000] =	vst v63  }
0x95: {  	_ =	swait.ge [sflag:s18], $0x4000  }
0x96: {  	[sflag:s18] =	ssyncset.done $0x0  }
0x97: {  	s29 =	sadd.s32 $0x580, s25;
	[sflag:s18] =	ssyncadd.s32 $0xFFFFC000  }
0x98: {  	[tilespmem:s21], [sflag:$0x2] =	stream.indirect.gather [hbm4b:s4+s20], $0x80, s29, s20, $0xb8;
	[tilespmem:$0x1F000] =	vst v63  }
0x99: {  	_ =	swait.ge [sflag:s22], $0x4000  }
0x9a: {  	[sflag:s22] =	ssyncset.done $0x0  }
0x9b: {  	s19 =	sadd.s32 $0x1D00, s25;
	[sflag:s22] =	ssyncadd.s32 $0xFFFFC000  }
0x9c: {  	[spmem:s2] =	stream.indirect.scatter.add.f32 [tilespmem:s17], [sflag:$0x4], $0x80, s19, s20, $0xb8;
	[tilespmem:$0x1F000] =	vst v63  }
0x9d: {  	_ =	swait.ge [sflag:s18], $0x4000  }
0x9e: {  	[sflag:s18] =	ssyncset.done $0x0  }
0x9f: {  	s26 =	sadd.s32 $0x600, s25;
	[sflag:s18] =	ssyncadd.s32 $0xFFFFC000  }
0xa0: {  	[tilespmem:s17], [sflag:$0x1] =	stream.indirect.gather [hbm4b:s4+s20], $0x80, s26, s20, $0xb8;
	[tilespmem:$0x1F000] =	vst v63  }
0xa1: {  	_ =	swait.ge [sflag:s23], $0x4000  }
0xa2: {  	[sflag:s23] =	ssyncset.done $0x0  }
0xa3: {  	s29 =	sadd.s32 $0x1D80, s25;
	[sflag:s23] =	ssyncadd.s32 $0xFFFFC000  }
0xa4: {  	[spmem:s2] =	stream.indirect.scatter.add.f32 [tilespmem:s21], [sflag:$0x4], $0x80, s29, s20, $0xb8;
	[tilespmem:$0x1F000] =	vst v63  }
0xa5: {  	_ =	swait.ge [sflag:s18], $0x4000  }
0xa6: {  	[sflag:s18] =	ssyncset.done $0x0  }
0xa7: {  	s19 =	sadd.s32 $0x680, s25;
	[sflag:s18] =	ssyncadd.s32 $0xFFFFC000  }
0xa8: {  	[tilespmem:s21], [sflag:$0x2] =	stream.indirect.gather [hbm4b:s4+s20], $0x80, s19, s20, $0xb8;
	[tilespmem:$0x1F000] =	vst v63  }
0xa9: {  	_ =	swait.ge [sflag:s22], $0x4000  }
0xaa: {  	[sflag:s22] =	ssyncset.done $0x0  }
0xab: {  	s26 =	sadd.s32 $0x1E00, s25;
	[sflag:s22] =	ssyncadd.s32 $0xFFFFC000  }
0xac: {  	[spmem:s2] =	stream.indirect.scatter.add.f32 [tilespmem:s17], [sflag:$0x4], $0x80, s26, s20, $0xb8;
	[tilespmem:$0x1F000] =	vst v63  }
0xad: {  	_ =	swait.ge [sflag:s18], $0x4000  }
0xae: {  	[sflag:s18] =	ssyncset.done $0x0  }
0xaf: {  	s29 =	sadd.s32 $0x700, s25;
	[sflag:s18] =	ssyncadd.s32 $0xFFFFC000  }
0xb0: {  	[tilespmem:s17], [sflag:$0x1] =	stream.indirect.gather [hbm4b:s4+s20], $0x80, s29, s20, $0xb8;
	[tilespmem:$0x1F000] =	vst v63  }
0xb1: {  	_ =	swait.ge [sflag:s23], $0x4000  }
0xb2: {  	[sflag:s23] =	ssyncset.done $0x0  }
0xb3: {  	s19 =	sadd.s32 $0x1E80, s25;
	[sflag:s23] =	ssyncadd.s32 $0xFFFFC000  }
0xb4: {  	[spmem:s2] =	stream.indirect.scatter.add.f32 [tilespmem:s21], [sflag:$0x4], $0x80, s19, s20, $0xb8;
	[tilespmem:$0x1F000] =	vst v63  }
0xb5: {  	_ =	swait.ge [sflag:s18], $0x4000  }
0xb6: {  	[sflag:s18] =	ssyncset.done $0x0  }
0xb7: {  	s26 =	sadd.s32 $0x780, s25;
	[sflag:s18] =	ssyncadd.s32 $0xFFFFC000  }
0xb8: {  	[tilespmem:s21], [sflag:$0x2] =	stream.indirect.gather [hbm4b:s4+s20], $0x80, s26, s20, $0xb8;
	[tilespmem:$0x1F000] =	vst v63  }
0xb9: {  	_ =	swait.ge [sflag:s22], $0x4000  }
0xba: {  	[sflag:s22] =	ssyncset.done $0x0  }
0xbb: {  	s29 =	sadd.s32 $0x1F00, s25;
	[sflag:s22] =	ssyncadd.s32 $0xFFFFC000  }
0xbc: {  	[spmem:s2] =	stream.indirect.scatter.add.f32 [tilespmem:s17], [sflag:$0x4], $0x80, s29, s20, $0xb8;
	[tilespmem:$0x1F000] =	vst v63  }
0xbd: {  	_ =	swait.ge [sflag:s18], $0x4000  }
0xbe: {  	[sflag:s18] =	ssyncset.done $0x0  }
0xbf: {  	s19 =	sadd.s32 $0x800, s25;
	[sflag:s18] =	ssyncadd.s32 $0xFFFFC000  }
0xc0: {  	[tilespmem:s17], [sflag:$0x1] =	stream.indirect.gather [hbm4b:s4+s20], $0x80, s19, s20, $0xb8;
	[tilespmem:$0x1F000] =	vst v63  }
0xc1: {  	_ =	swait.ge [sflag:s23], $0x4000  }
0xc2: {  	[sflag:s23] =	ssyncset.done $0x0  }
0xc3: {  	s26 =	sadd.s32 $0x1F80, s25;
	[sflag:s23] =	ssyncadd.s32 $0xFFFFC000  }
0xc4: {  	[spmem:s2] =	stream.indirect.scatter.add.f32 [tilespmem:s21], [sflag:$0x4], $0x80, s26, s20, $0xb8;
	[tilespmem:$0x1F000] =	vst v63  }
0xc5: {  	_ =	swait.ge [sflag:s18], $0x4000  }
0xc6: {  	[sflag:s18] =	ssyncset.done $0x0  }
0xc7: {  	s0 =	simm.s32 @!p0 $0x3;
	[sflag:s18] =	ssyncadd.s32 $0xFFFFC000  }
0xc8: {  	_ =	swait.ge @!p0 [sflag:s0], $0x900  }
0xc9: {  	[sflag:s0] =	ssyncset.done @!p0 $0x0  }
0xca: {  	[sflag:s0] =	ssyncadd.s32 @!p0 $0xFFFFF700  }
0xcb: {  	_ =	swait.ge @!p0 [sflag:s0], $0x900  }
0xcc: {  	[sflag:s0] =	ssyncset.done @!p0 $0x0  }
0xcd: {  	s29 =	sadd.s32 $0x880, s25;
	[sflag:s0] =	ssyncadd.s32 @!p0 $0xFFFFF700  }
0xce: {  	[tilespmem:s21], [sflag:$0x2] =	stream.indirect.gather [hbm4b:s4+s20], $0x80, s29, s20, $0xb8;
	[tilespmem:$0x1F000] =	vst v63  }
0xcf: {  	_ =	swait.ge [sflag:s22], $0x4000  }
0xd0: {  	[sflag:s22] =	ssyncset.done $0x0  }
0xd1: {  	s24 =	smul.u32 @!p0 $0x3000, s24;
	s25 =	sor.u32 $0x2000, s25;
	[sflag:s22] =	ssyncadd.s32 $0xFFFFC000  }
0xd2: {  	[spmem:s2] =	stream.indirect.scatter.add.f32 [tilespmem:s17], [sflag:$0x4], $0x80, s25, s20, $0xb8;
	[tilespmem:$0x1F000] =	vst v63  }
0xd3: {  	_ =	swait.ge [sflag:s18], $0x4000  }
0xd4: {  	s24 =	sshrl.u32 @!p0 s24, $0x2;
	s28 =	simm.s32 $0x1;
	[sflag:s18] =	ssyncset.done $0x0  }
0xd5: {  	s26 =	simm.s32 @!p0 $0x80;
	s25 =	simm.s32 @!p0 $0x3000;
	[sflag:s18] =	ssyncadd.s32 $0xFFFFC000  }
0xd6: {  	[tilespmem:s25], [sflag:$0x1] =	stream.indirect.gather @!p0 [hbm4b:s4+s26], $0x80, s24, s26, $0xb8;
	[tilespmem:$0x1F000] =	vst v63  }
0xd7: {  	s30 =	sand.u32 $0x1, s28;
	s0 =	sadd.s32 $0x1800, s29;
	_ =	swait.ge [sflag:s23], $0x4000  }
0xd8: {  	s25 =	simm.s32 $0x2;
	s26 =	sadd.s32 $0xC00, s15;
	[sflag:s23] =	ssyncset.done $0x0  }
0xd9: {  	s24 =	sadd.s32 $0x180, s16;
	p0 =	por $0x0, $0x0;
	[sflag:s23] =	ssyncadd.s32 $0xFFFFC000  }
0xda: {  	[spmem:s2] =	stream.indirect.scatter.add.f32 [tilespmem:s21], [sflag:$0x4], $0x80, s0, s20, $0xb8;
	[tilespmem:$0x1F000] =	vst v63  }
0xdb: {  	s28 =	sxor.u32 @!p0 $0x1, s30;
	s0 =	sshrl.u32 @!p0 s26, $0x3;
	_ =	swait.ge [sflag:s18], $0x4000  }
0xdc: {  	s31 =	smul.u32 @!p0 $0xC00, s28;
	s0 =	sadd.s32 @!p0 s5, s0;
	[sflag:s18] =	ssyncset.done $0x0  }
.LBB2_4:
0xdd: {  	s19 =	simm.s32 @!p0 $0x0  }
0xde: {  	s29 =	smul.u32 @!p0 $0x3000, s28;
	[sflag:s18] =	ssyncadd.s32 $0xFFFFC000;
	s28 =	smov.u32 s25  }
0xdf: {  	[tilespmem:s31], [sflag:$0x3] =	stream.linear.gather @!p0 [hbm4b:s0+s19], $0x900, $0x38;
	[tilespmem:$0x1F000] =	vst v63  }
0xe0: {  	s25 =	sadd.s32 $0x1, s25;
	s30 =	smul.u32 $0xC00, s30;
	s0 =	sadd.s32 @!p0 $0x1800, s31  }
0xe1: {  	[tilespmem:s0], [sflag:$0x3] =	stream.linear.gather @!p0 [hbm4b:s24+s19], $0x900, $0x38;
	[tilespmem:$0x1F000] =	vst v63  }
0xe2: {  	p1 =	sne.s32 s25, $0x9;
	s0 =	sor.u32 $0x80, s30  }
0xe3: {  	[tilespmem:s21], [sflag:$0x2] =	stream.indirect.gather [hbm4b:s4+s20], $0x80, s0, s20, $0xb8;
	[tilespmem:$0x1F000] =	vst v63  }
0xe4: {  	_ =	swait.ge [sflag:s22], $0x4000  }
0xe5: {  	[sflag:s22] =	ssyncset.done $0x0  }
0xe6: {  	s0 =	sadd.s32 $0x1800, s30;
	[sflag:s22] =	ssyncadd.s32 $0xFFFFC000  }
0xe7: {  	[spmem:s2] =	stream.indirect.scatter.add.f32 [tilespmem:s17], [sflag:$0x4], $0x80, s0, s20, $0xb8;
	[tilespmem:$0x1F000] =	vst v63  }
0xe8: {  	_ =	swait.ge [sflag:s18], $0x4000  }
0xe9: {  	[sflag:s18] =	ssyncset.done $0x0  }
0xea: {  	s0 =	sor.u32 $0x100, s30;
	[sflag:s18] =	ssyncadd.s32 $0xFFFFC000  }
0xeb: {  	[tilespmem:s17], [sflag:$0x1] =	stream.indirect.gather [hbm4b:s4+s20], $0x80, s0, s20, $0xb8;
	[tilespmem:$0x1F000] =	vst v63  }
0xec: {  	_ =	swait.ge [sflag:s23], $0x4000  }
0xed: {  	[sflag:s23] =	ssyncset.done $0x0  }
0xee: {  	s0 =	sadd.s32 $0x1880, s30;
	[sflag:s23] =	ssyncadd.s32 $0xFFFFC000  }
0xef: {  	[spmem:s2] =	stream.indirect.scatter.add.f32 [tilespmem:s21], [sflag:$0x4], $0x80, s0, s20, $0xb8;
	[tilespmem:$0x1F000] =	vst v63  }
0xf0: {  	_ =	swait.ge [sflag:s18], $0x4000  }
0xf1: {  	[sflag:s18] =	ssyncset.done $0x0  }
0xf2: {  	s0 =	sor.u32 $0x180, s30;
	[sflag:s18] =	ssyncadd.s32 $0xFFFFC000  }
0xf3: {  	[tilespmem:s21], [sflag:$0x2] =	stream.indirect.gather [hbm4b:s4+s20], $0x80, s0, s20, $0xb8;
	[tilespmem:$0x1F000] =	vst v63  }
0xf4: {  	_ =	swait.ge [sflag:s22], $0x4000  }
0xf5: {  	[sflag:s22] =	ssyncset.done $0x0  }
0xf6: {  	s0 =	sadd.s32 $0x1900, s30;
	[sflag:s22] =	ssyncadd.s32 $0xFFFFC000  }
0xf7: {  	[spmem:s2] =	stream.indirect.scatter.add.f32 [tilespmem:s17], [sflag:$0x4], $0x80, s0, s20, $0xb8;
	[tilespmem:$0x1F000] =	vst v63  }
0xf8: {  	_ =	swait.ge [sflag:s18], $0x4000  }
0xf9: {  	[sflag:s18] =	ssyncset.done $0x0  }
0xfa: {  	s0 =	sor.u32 $0x200, s30;
	[sflag:s18] =	ssyncadd.s32 $0xFFFFC000  }
0xfb: {  	[tilespmem:s17], [sflag:$0x1] =	stream.indirect.gather [hbm4b:s4+s20], $0x80, s0, s20, $0xb8;
	[tilespmem:$0x1F000] =	vst v63  }
0xfc: {  	_ =	swait.ge [sflag:s23], $0x4000  }
0xfd: {  	[sflag:s23] =	ssyncset.done $0x0  }
0xfe: {  	s0 =	sadd.s32 $0x1980, s30;
	[sflag:s23] =	ssyncadd.s32 $0xFFFFC000  }
0xff: {  	[spmem:s2] =	stream.indirect.scatter.add.f32 [tilespmem:s21], [sflag:$0x4], $0x80, s0, s20, $0xb8;
	[tilespmem:$0x1F000] =	vst v63  }
0x100: {  	_ =	swait.ge [sflag:s18], $0x4000  }
0x101: {  	[sflag:s18] =	ssyncset.done $0x0  }
0x102: {  	s0 =	sor.u32 $0x280, s30;
	[sflag:s18] =	ssyncadd.s32 $0xFFFFC000  }
0x103: {  	[tilespmem:s21], [sflag:$0x2] =	stream.indirect.gather [hbm4b:s4+s20], $0x80, s0, s20, $0xb8;
	[tilespmem:$0x1F000] =	vst v63  }
0x104: {  	_ =	swait.ge [sflag:s22], $0x4000  }
0x105: {  	[sflag:s22] =	ssyncset.done $0x0  }
0x106: {  	s0 =	sadd.s32 $0x1A00, s30;
	[sflag:s22] =	ssyncadd.s32 $0xFFFFC000  }
0x107: {  	[spmem:s2] =	stream.indirect.scatter.add.f32 [tilespmem:s17], [sflag:$0x4], $0x80, s0, s20, $0xb8;
	[tilespmem:$0x1F000] =	vst v63  }
0x108: {  	_ =	swait.ge [sflag:s18], $0x4000  }
0x109: {  	[sflag:s18] =	ssyncset.done $0x0  }
0x10a: {  	s0 =	sor.u32 $0x300, s30;
	[sflag:s18] =	ssyncadd.s32 $0xFFFFC000  }
0x10b: {  	[tilespmem:s17], [sflag:$0x1] =	stream.indirect.gather [hbm4b:s4+s20], $0x80, s0, s20, $0xb8;
	[tilespmem:$0x1F000] =	vst v63  }
0x10c: {  	_ =	swait.ge [sflag:s23], $0x4000  }
0x10d: {  	[sflag:s23] =	ssyncset.done $0x0  }
0x10e: {  	s0 =	sadd.s32 $0x1A80, s30;
	[sflag:s23] =	ssyncadd.s32 $0xFFFFC000  }
0x10f: {  	[spmem:s2] =	stream.indirect.scatter.add.f32 [tilespmem:s21], [sflag:$0x4], $0x80, s0, s20, $0xb8;
	[tilespmem:$0x1F000] =	vst v63  }
0x110: {  	_ =	swait.ge [sflag:s18], $0x4000  }
0x111: {  	[sflag:s18] =	ssyncset.done $0x0  }
0x112: {  	s0 =	sor.u32 $0x380, s30;
	[sflag:s18] =	ssyncadd.s32 $0xFFFFC000  }
0x113: {  	[tilespmem:s21], [sflag:$0x2] =	stream.indirect.gather [hbm4b:s4+s20], $0x80, s0, s20, $0xb8;
	[tilespmem:$0x1F000] =	vst v63  }
0x114: {  	_ =	swait.ge [sflag:s22], $0x4000  }
0x115: {  	[sflag:s22] =	ssyncset.done $0x0  }
0x116: {  	s0 =	sadd.s32 $0x1B00, s30;
	[sflag:s22] =	ssyncadd.s32 $0xFFFFC000  }
0x117: {  	[spmem:s2] =	stream.indirect.scatter.add.f32 [tilespmem:s17], [sflag:$0x4], $0x80, s0, s20, $0xb8;
	[tilespmem:$0x1F000] =	vst v63  }
0x118: {  	_ =	swait.ge [sflag:s18], $0x4000  }
0x119: {  	[sflag:s18] =	ssyncset.done $0x0  }
0x11a: {  	s0 =	sadd.s32 $0x400, s30;
	[sflag:s18] =	ssyncadd.s32 $0xFFFFC000  }
0x11b: {  	[tilespmem:s17], [sflag:$0x1] =	stream.indirect.gather [hbm4b:s4+s20], $0x80, s0, s20, $0xb8;
	[tilespmem:$0x1F000] =	vst v63  }
0x11c: {  	_ =	swait.ge [sflag:s23], $0x4000  }
0x11d: {  	[sflag:s23] =	ssyncset.done $0x0  }
0x11e: {  	s0 =	sadd.s32 $0x1B80, s30;
	[sflag:s23] =	ssyncadd.s32 $0xFFFFC000  }
0x11f: {  	[spmem:s2] =	stream.indirect.scatter.add.f32 [tilespmem:s21], [sflag:$0x4], $0x80, s0, s20, $0xb8;
	[tilespmem:$0x1F000] =	vst v63  }
0x120: {  	_ =	swait.ge [sflag:s18], $0x4000  }
0x121: {  	[sflag:s18] =	ssyncset.done $0x0  }
0x122: {  	s0 =	sadd.s32 $0x480, s30;
	[sflag:s18] =	ssyncadd.s32 $0xFFFFC000  }
0x123: {  	[tilespmem:s21], [sflag:$0x2] =	stream.indirect.gather [hbm4b:s4+s20], $0x80, s0, s20, $0xb8;
	[tilespmem:$0x1F000] =	vst v63  }
0x124: {  	_ =	swait.ge [sflag:s22], $0x4000  }
0x125: {  	[sflag:s22] =	ssyncset.done $0x0  }
0x126: {  	s0 =	sadd.s32 $0x1C00, s30;
	[sflag:s22] =	ssyncadd.s32 $0xFFFFC000  }
0x127: {  	[spmem:s2] =	stream.indirect.scatter.add.f32 [tilespmem:s17], [sflag:$0x4], $0x80, s0, s20, $0xb8;
	[tilespmem:$0x1F000] =	vst v63  }
0x128: {  	_ =	swait.ge [sflag:s18], $0x4000  }
0x129: {  	[sflag:s18] =	ssyncset.done $0x0  }
0x12a: {  	s0 =	sadd.s32 $0x500, s30;
	[sflag:s18] =	ssyncadd.s32 $0xFFFFC000  }
0x12b: {  	[tilespmem:s17], [sflag:$0x1] =	stream.indirect.gather [hbm4b:s4+s20], $0x80, s0, s20, $0xb8;
	[tilespmem:$0x1F000] =	vst v63  }
0x12c: {  	_ =	swait.ge [sflag:s23], $0x4000  }
0x12d: {  	[sflag:s23] =	ssyncset.done $0x0  }
0x12e: {  	s0 =	sadd.s32 $0x1C80, s30;
	[sflag:s23] =	ssyncadd.s32 $0xFFFFC000  }
0x12f: {  	[spmem:s2] =	stream.indirect.scatter.add.f32 [tilespmem:s21], [sflag:$0x4], $0x80, s0, s20, $0xb8;
	[tilespmem:$0x1F000] =	vst v63  }
0x130: {  	_ =	swait.ge [sflag:s18], $0x4000  }
0x131: {  	[sflag:s18] =	ssyncset.done $0x0  }
0x132: {  	s0 =	sadd.s32 $0x580, s30;
	[sflag:s18] =	ssyncadd.s32 $0xFFFFC000  }
0x133: {  	[tilespmem:s21], [sflag:$0x2] =	stream.indirect.gather [hbm4b:s4+s20], $0x80, s0, s20, $0xb8;
	[tilespmem:$0x1F000] =	vst v63  }
0x134: {  	_ =	swait.ge [sflag:s22], $0x4000  }
0x135: {  	[sflag:s22] =	ssyncset.done $0x0  }
0x136: {  	s0 =	sadd.s32 $0x1D00, s30;
	[sflag:s22] =	ssyncadd.s32 $0xFFFFC000  }
0x137: {  	[spmem:s2] =	stream.indirect.scatter.add.f32 [tilespmem:s17], [sflag:$0x4], $0x80, s0, s20, $0xb8;
	[tilespmem:$0x1F000] =	vst v63  }
0x138: {  	_ =	swait.ge [sflag:s18], $0x4000  }
0x139: {  	[sflag:s18] =	ssyncset.done $0x0  }
0x13a: {  	s0 =	sadd.s32 $0x600, s30;
	[sflag:s18] =	ssyncadd.s32 $0xFFFFC000  }
0x13b: {  	[tilespmem:s17], [sflag:$0x1] =	stream.indirect.gather [hbm4b:s4+s20], $0x80, s0, s20, $0xb8;
	[tilespmem:$0x1F000] =	vst v63  }
0x13c: {  	_ =	swait.ge [sflag:s23], $0x4000  }
0x13d: {  	[sflag:s23] =	ssyncset.done $0x0  }
0x13e: {  	s0 =	sadd.s32 $0x1D80, s30;
	[sflag:s23] =	ssyncadd.s32 $0xFFFFC000  }
0x13f: {  	[spmem:s2] =	stream.indirect.scatter.add.f32 [tilespmem:s21], [sflag:$0x4], $0x80, s0, s20, $0xb8;
	[tilespmem:$0x1F000] =	vst v63  }
0x140: {  	_ =	swait.ge [sflag:s18], $0x4000  }
0x141: {  	[sflag:s18] =	ssyncset.done $0x0  }
0x142: {  	s0 =	sadd.s32 $0x680, s30;
	[sflag:s18] =	ssyncadd.s32 $0xFFFFC000  }
0x143: {  	[tilespmem:s21], [sflag:$0x2] =	stream.indirect.gather [hbm4b:s4+s20], $0x80, s0, s20, $0xb8;
	[tilespmem:$0x1F000] =	vst v63  }
0x144: {  	_ =	swait.ge [sflag:s22], $0x4000  }
0x145: {  	[sflag:s22] =	ssyncset.done $0x0  }
0x146: {  	s0 =	sadd.s32 $0x1E00, s30;
	[sflag:s22] =	ssyncadd.s32 $0xFFFFC000  }
0x147: {  	[spmem:s2] =	stream.indirect.scatter.add.f32 [tilespmem:s17], [sflag:$0x4], $0x80, s0, s20, $0xb8;
	[tilespmem:$0x1F000] =	vst v63  }
0x148: {  	_ =	swait.ge [sflag:s18], $0x4000  }
0x149: {  	[sflag:s18] =	ssyncset.done $0x0  }
0x14a: {  	s0 =	sadd.s32 $0x700, s30;
	[sflag:s18] =	ssyncadd.s32 $0xFFFFC000  }
0x14b: {  	[tilespmem:s17], [sflag:$0x1] =	stream.indirect.gather [hbm4b:s4+s20], $0x80, s0, s20, $0xb8;
	[tilespmem:$0x1F000] =	vst v63  }
0x14c: {  	_ =	swait.ge [sflag:s23], $0x4000  }
0x14d: {  	[sflag:s23] =	ssyncset.done $0x0  }
0x14e: {  	s0 =	sadd.s32 $0x1E80, s30;
	[sflag:s23] =	ssyncadd.s32 $0xFFFFC000  }
0x14f: {  	[spmem:s2] =	stream.indirect.scatter.add.f32 [tilespmem:s21], [sflag:$0x4], $0x80, s0, s20, $0xb8;
	[tilespmem:$0x1F000] =	vst v63  }
0x150: {  	_ =	swait.ge [sflag:s18], $0x4000  }
0x151: {  	[sflag:s18] =	ssyncset.done $0x0  }
0x152: {  	s0 =	sadd.s32 $0x780, s30;
	[sflag:s18] =	ssyncadd.s32 $0xFFFFC000  }
0x153: {  	[tilespmem:s21], [sflag:$0x2] =	stream.indirect.gather [hbm4b:s4+s20], $0x80, s0, s20, $0xb8;
	[tilespmem:$0x1F000] =	vst v63  }
0x154: {  	_ =	swait.ge [sflag:s22], $0x4000  }
0x155: {  	[sflag:s22] =	ssyncset.done $0x0  }
0x156: {  	s0 =	sadd.s32 $0x1F00, s30;
	[sflag:s22] =	ssyncadd.s32 $0xFFFFC000  }
0x157: {  	[spmem:s2] =	stream.indirect.scatter.add.f32 [tilespmem:s17], [sflag:$0x4], $0x80, s0, s20, $0xb8;
	[tilespmem:$0x1F000] =	vst v63  }
0x158: {  	_ =	swait.ge [sflag:s18], $0x4000  }
0x159: {  	[sflag:s18] =	ssyncset.done $0x0  }
0x15a: {  	s0 =	sadd.s32 $0x800, s30;
	[sflag:s18] =	ssyncadd.s32 $0xFFFFC000  }
0x15b: {  	[tilespmem:s17], [sflag:$0x1] =	stream.indirect.gather [hbm4b:s4+s20], $0x80, s0, s20, $0xb8;
	[tilespmem:$0x1F000] =	vst v63  }
0x15c: {  	_ =	swait.ge [sflag:s23], $0x4000  }
0x15d: {  	[sflag:s23] =	ssyncset.done $0x0  }
0x15e: {  	s0 =	sadd.s32 $0x1F80, s30;
	[sflag:s23] =	ssyncadd.s32 $0xFFFFC000  }
0x15f: {  	[spmem:s2] =	stream.indirect.scatter.add.f32 [tilespmem:s21], [sflag:$0x4], $0x80, s0, s20, $0xb8;
	[tilespmem:$0x1F000] =	vst v63  }
0x160: {  	_ =	swait.ge [sflag:s18], $0x4000  }
0x161: {  	[sflag:s18] =	ssyncset.done $0x0  }
0x162: {  	s0 =	simm.s32 @!p0 $0x3;
	[sflag:s18] =	ssyncadd.s32 $0xFFFFC000  }
0x163: {  	_ =	swait.ge @!p0 [sflag:s0], $0x900  }
0x164: {  	[sflag:s0] =	ssyncset.done @!p0 $0x0  }
0x165: {  	[sflag:s0] =	ssyncadd.s32 @!p0 $0xFFFFF700  }
0x166: {  	_ =	swait.ge @!p0 [sflag:s0], $0x900  }
0x167: {  	[sflag:s0] =	ssyncset.done @!p0 $0x0  }
0x168: {  	[sflag:s0] =	ssyncadd.s32 @!p0 $0xFFFFF700;
	s0 =	sadd.s32 $0x880, s30  }
0x169: {  	[tilespmem:s21], [sflag:$0x2] =	stream.indirect.gather [hbm4b:s4+s20], $0x80, s0, s20, $0xb8;
	[tilespmem:$0x1F000] =	vst v63  }
0x16a: {  	_ =	swait.ge [sflag:s22], $0x4000  }
0x16b: {  	[sflag:s22] =	ssyncset.done $0x0  }
0x16c: {  	s19 =	sor.u32 $0x2000, s30;
	[sflag:s22] =	ssyncadd.s32 $0xFFFFC000  }
0x16d: {  	[spmem:s2] =	stream.indirect.scatter.add.f32 [tilespmem:s17], [sflag:$0x4], $0x80, s19, s20, $0xb8;
	[tilespmem:$0x1F000] =	vst v63  }
0x16e: {  	_ =	swait.ge [sflag:s18], $0x4000  }
0x16f: {  	s19 =	simm.s32 @!p0 $0x3000;
	[sflag:s18] =	ssyncset.done $0x0  }
0x170: {  	s29 =	sshrl.u32 @!p0 s29, $0x2;
	s30 =	simm.s32 @!p0 $0x80;
	[sflag:s18] =	ssyncadd.s32 $0xFFFFC000  }
0x171: {  	[tilespmem:s19], [sflag:$0x1] =	stream.indirect.gather @!p0 [hbm4b:s4+s30], $0x80, s29, s30, $0xb8;
	[tilespmem:$0x1F000] =	vst v63  }
0x172: {  	s26 =	sadd.s32 $0xC00, s26;
	s24 =	sadd.s32 $0x180, s24;
	_ =	swait.ge [sflag:s23], $0x4000  }
.Ltmp1:
0x173: {  	s0 =	sadd.s32 $0x1800, s0;
	[sflag:s23] =	ssyncset.done $0x0;
	(pc) =	sbr.rel @p1 .LBB2_4-.Ltmp1, $4  }
0x174: {  	s30 =	sand.u32 $0x1, s28;
	p0 =	seq.s32 s28, $0x8;
	[sflag:s23] =	ssyncadd.s32 $0xFFFFC000  }
0x175: {  	[spmem:s2] =	stream.indirect.scatter.add.f32 [tilespmem:s21], [sflag:$0x4], $0x80, s0, s20, $0xb8;
	[tilespmem:$0x1F000] =	vst v63  }
0x176: {  	s28 =	sxor.u32 @!p0 $0x1, s30;
	s0 =	sshrl.u32 @!p0 s26, $0x3;
	_ =	swait.ge [sflag:s18], $0x4000  }
0x177: {  	s31 =	smul.u32 @!p0 $0xC00, s28;
	s0 =	sadd.s32 @!p0 s5, s0;
	[sflag:s18] =	ssyncset.done $0x0  }
0x178: {  	s19 =	simm.s32 @!p0 $0x0;
	[sflag:s18] =	ssyncadd.s32 $0xFFFFC000  }
0x179: {  	[tilespmem:s31], [sflag:$0x3] =	stream.linear.gather @!p0 [hbm4b:s0+s19], $0x900, $0x38;
	[tilespmem:$0x1F000] =	vst v63  }
0x17a: {  	s25 =	smul.u32 $0xC00, s30;
	s0 =	sadd.s32 @!p0 $0x1800, s31  }
0x17b: {  	[tilespmem:s0], [sflag:$0x3] =	stream.linear.gather @!p0 [hbm4b:s24+s19], $0x900, $0x38;
	[tilespmem:$0x1F000] =	vst v63  }
0x17c: {  	s19 =	sor.u32 $0x80, s25  }
0x17d: {  	[tilespmem:s21], [sflag:$0x2] =	stream.indirect.gather [hbm4b:s4+s20], $0x80, s19, s20, $0xb8;
	[tilespmem:$0x1F000] =	vst v63  }
0x17e: {  	_ =	swait.ge [sflag:s22], $0x4000  }
0x17f: {  	[sflag:s22] =	ssyncset.done $0x0  }
0x180: {  	s24 =	sadd.s32 $0x1800, s25;
	[sflag:s22] =	ssyncadd.s32 $0xFFFFC000  }
0x181: {  	[spmem:s2] =	stream.indirect.scatter.add.f32 [tilespmem:s17], [sflag:$0x4], $0x80, s24, s20, $0xb8;
	[tilespmem:$0x1F000] =	vst v63  }
0x182: {  	_ =	swait.ge [sflag:s18], $0x4000  }
0x183: {  	[sflag:s18] =	ssyncset.done $0x0  }
0x184: {  	s26 =	sor.u32 $0x100, s25;
	[sflag:s18] =	ssyncadd.s32 $0xFFFFC000  }
0x185: {  	[tilespmem:s17], [sflag:$0x1] =	stream.indirect.gather [hbm4b:s4+s20], $0x80, s26, s20, $0xb8;
	[tilespmem:$0x1F000] =	vst v63  }
0x186: {  	_ =	swait.ge [sflag:s23], $0x4000  }
0x187: {  	[sflag:s23] =	ssyncset.done $0x0  }
0x188: {  	s29 =	sadd.s32 $0x1880, s25;
	[sflag:s23] =	ssyncadd.s32 $0xFFFFC000  }
0x189: {  	[spmem:s2] =	stream.indirect.scatter.add.f32 [tilespmem:s21], [sflag:$0x4], $0x80, s29, s20, $0xb8;
	[tilespmem:$0x1F000] =	vst v63  }
0x18a: {  	_ =	swait.ge [sflag:s18], $0x4000  }
0x18b: {  	[sflag:s18] =	ssyncset.done $0x0  }
0x18c: {  	s30 =	sor.u32 $0x180, s25;
	[sflag:s18] =	ssyncadd.s32 $0xFFFFC000  }
0x18d: {  	[tilespmem:s21], [sflag:$0x2] =	stream.indirect.gather [hbm4b:s4+s20], $0x80, s30, s20, $0xb8;
	[tilespmem:$0x1F000] =	vst v63  }
0x18e: {  	_ =	swait.ge [sflag:s22], $0x4000  }
0x18f: {  	[sflag:s22] =	ssyncset.done $0x0  }
0x190: {  	s31 =	sadd.s32 $0x1900, s25;
	[sflag:s22] =	ssyncadd.s32 $0xFFFFC000  }
0x191: {  	[spmem:s2] =	stream.indirect.scatter.add.f32 [tilespmem:s17], [sflag:$0x4], $0x80, s31, s20, $0xb8;
	[tilespmem:$0x1F000] =	vst v63  }
0x192: {  	_ =	swait.ge [sflag:s18], $0x4000  }
0x193: {  	[sflag:s18] =	ssyncset.done $0x0  }
0x194: {  	s19 =	sor.u32 $0x200, s25;
	[sflag:s18] =	ssyncadd.s32 $0xFFFFC000  }
0x195: {  	[tilespmem:s17], [sflag:$0x1] =	stream.indirect.gather [hbm4b:s4+s20], $0x80, s19, s20, $0xb8;
	[tilespmem:$0x1F000] =	vst v63  }
0x196: {  	_ =	swait.ge [sflag:s23], $0x4000  }
0x197: {  	[sflag:s23] =	ssyncset.done $0x0  }
0x198: {  	s24 =	sadd.s32 $0x1980, s25;
	[sflag:s23] =	ssyncadd.s32 $0xFFFFC000  }
0x199: {  	[spmem:s2] =	stream.indirect.scatter.add.f32 [tilespmem:s21], [sflag:$0x4], $0x80, s24, s20, $0xb8;
	[tilespmem:$0x1F000] =	vst v63  }
0x19a: {  	_ =	swait.ge [sflag:s18], $0x4000  }
0x19b: {  	[sflag:s18] =	ssyncset.done $0x0  }
0x19c: {  	s26 =	sor.u32 $0x280, s25;
	[sflag:s18] =	ssyncadd.s32 $0xFFFFC000  }
0x19d: {  	[tilespmem:s21], [sflag:$0x2] =	stream.indirect.gather [hbm4b:s4+s20], $0x80, s26, s20, $0xb8;
	[tilespmem:$0x1F000] =	vst v63  }
0x19e: {  	_ =	swait.ge [sflag:s22], $0x4000  }
0x19f: {  	[sflag:s22] =	ssyncset.done $0x0  }
0x1a0: {  	s29 =	sadd.s32 $0x1A00, s25;
	[sflag:s22] =	ssyncadd.s32 $0xFFFFC000  }
0x1a1: {  	[spmem:s2] =	stream.indirect.scatter.add.f32 [tilespmem:s17], [sflag:$0x4], $0x80, s29, s20, $0xb8;
	[tilespmem:$0x1F000] =	vst v63  }
0x1a2: {  	_ =	swait.ge [sflag:s18], $0x4000  }
0x1a3: {  	[sflag:s18] =	ssyncset.done $0x0  }
0x1a4: {  	s30 =	sor.u32 $0x300, s25;
	[sflag:s18] =	ssyncadd.s32 $0xFFFFC000  }
0x1a5: {  	[tilespmem:s17], [sflag:$0x1] =	stream.indirect.gather [hbm4b:s4+s20], $0x80, s30, s20, $0xb8;
	[tilespmem:$0x1F000] =	vst v63  }
0x1a6: {  	_ =	swait.ge [sflag:s23], $0x4000  }
0x1a7: {  	[sflag:s23] =	ssyncset.done $0x0  }
0x1a8: {  	s31 =	sadd.s32 $0x1A80, s25;
	[sflag:s23] =	ssyncadd.s32 $0xFFFFC000  }
0x1a9: {  	[spmem:s2] =	stream.indirect.scatter.add.f32 [tilespmem:s21], [sflag:$0x4], $0x80, s31, s20, $0xb8;
	[tilespmem:$0x1F000] =	vst v63  }
0x1aa: {  	_ =	swait.ge [sflag:s18], $0x4000  }
0x1ab: {  	[sflag:s18] =	ssyncset.done $0x0  }
0x1ac: {  	s19 =	sor.u32 $0x380, s25;
	[sflag:s18] =	ssyncadd.s32 $0xFFFFC000  }
0x1ad: {  	[tilespmem:s21], [sflag:$0x2] =	stream.indirect.gather [hbm4b:s4+s20], $0x80, s19, s20, $0xb8;
	[tilespmem:$0x1F000] =	vst v63  }
0x1ae: {  	_ =	swait.ge [sflag:s22], $0x4000  }
0x1af: {  	[sflag:s22] =	ssyncset.done $0x0  }
0x1b0: {  	s24 =	sadd.s32 $0x1B00, s25;
	[sflag:s22] =	ssyncadd.s32 $0xFFFFC000  }
0x1b1: {  	[spmem:s2] =	stream.indirect.scatter.add.f32 [tilespmem:s17], [sflag:$0x4], $0x80, s24, s20, $0xb8;
	[tilespmem:$0x1F000] =	vst v63  }
0x1b2: {  	_ =	swait.ge [sflag:s18], $0x4000  }
0x1b3: {  	[sflag:s18] =	ssyncset.done $0x0  }
0x1b4: {  	s26 =	sadd.s32 $0x400, s25;
	[sflag:s18] =	ssyncadd.s32 $0xFFFFC000  }
0x1b5: {  	[tilespmem:s17], [sflag:$0x1] =	stream.indirect.gather [hbm4b:s4+s20], $0x80, s26, s20, $0xb8;
	[tilespmem:$0x1F000] =	vst v63  }
0x1b6: {  	_ =	swait.ge [sflag:s23], $0x4000  }
0x1b7: {  	[sflag:s23] =	ssyncset.done $0x0  }
0x1b8: {  	s29 =	sadd.s32 $0x1B80, s25;
	[sflag:s23] =	ssyncadd.s32 $0xFFFFC000  }
0x1b9: {  	[spmem:s2] =	stream.indirect.scatter.add.f32 [tilespmem:s21], [sflag:$0x4], $0x80, s29, s20, $0xb8;
	[tilespmem:$0x1F000] =	vst v63  }
0x1ba: {  	_ =	swait.ge [sflag:s18], $0x4000  }
0x1bb: {  	[sflag:s18] =	ssyncset.done $0x0  }
0x1bc: {  	s30 =	sadd.s32 $0x480, s25;
	[sflag:s18] =	ssyncadd.s32 $0xFFFFC000  }
0x1bd: {  	[tilespmem:s21], [sflag:$0x2] =	stream.indirect.gather [hbm4b:s4+s20], $0x80, s30, s20, $0xb8;
	[tilespmem:$0x1F000] =	vst v63  }
0x1be: {  	_ =	swait.ge [sflag:s22], $0x4000  }
0x1bf: {  	[sflag:s22] =	ssyncset.done $0x0  }
0x1c0: {  	s31 =	sadd.s32 $0x1C00, s25;
	[sflag:s22] =	ssyncadd.s32 $0xFFFFC000  }
0x1c1: {  	[spmem:s2] =	stream.indirect.scatter.add.f32 [tilespmem:s17], [sflag:$0x4], $0x80, s31, s20, $0xb8;
	[tilespmem:$0x1F000] =	vst v63  }
0x1c2: {  	_ =	swait.ge [sflag:s18], $0x4000  }
0x1c3: {  	[sflag:s18] =	ssyncset.done $0x0  }
0x1c4: {  	s19 =	sadd.s32 $0x500, s25;
	[sflag:s18] =	ssyncadd.s32 $0xFFFFC000  }
0x1c5: {  	[tilespmem:s17], [sflag:$0x1] =	stream.indirect.gather [hbm4b:s4+s20], $0x80, s19, s20, $0xb8;
	[tilespmem:$0x1F000] =	vst v63  }
0x1c6: {  	_ =	swait.ge [sflag:s23], $0x4000  }
0x1c7: {  	[sflag:s23] =	ssyncset.done $0x0  }
0x1c8: {  	s24 =	sadd.s32 $0x1C80, s25;
	[sflag:s23] =	ssyncadd.s32 $0xFFFFC000  }
0x1c9: {  	[spmem:s2] =	stream.indirect.scatter.add.f32 [tilespmem:s21], [sflag:$0x4], $0x80, s24, s20, $0xb8;
	[tilespmem:$0x1F000] =	vst v63  }
0x1ca: {  	_ =	swait.ge [sflag:s18], $0x4000  }
0x1cb: {  	[sflag:s18] =	ssyncset.done $0x0  }
0x1cc: {  	s26 =	sadd.s32 $0x580, s25;
	[sflag:s18] =	ssyncadd.s32 $0xFFFFC000  }
0x1cd: {  	[tilespmem:s21], [sflag:$0x2] =	stream.indirect.gather [hbm4b:s4+s20], $0x80, s26, s20, $0xb8;
	[tilespmem:$0x1F000] =	vst v63  }
0x1ce: {  	_ =	swait.ge [sflag:s22], $0x4000  }
0x1cf: {  	[sflag:s22] =	ssyncset.done $0x0  }
0x1d0: {  	s29 =	sadd.s32 $0x1D00, s25;
	[sflag:s22] =	ssyncadd.s32 $0xFFFFC000  }
0x1d1: {  	[spmem:s2] =	stream.indirect.scatter.add.f32 [tilespmem:s17], [sflag:$0x4], $0x80, s29, s20, $0xb8;
	[tilespmem:$0x1F000] =	vst v63  }
0x1d2: {  	_ =	swait.ge [sflag:s18], $0x4000  }
0x1d3: {  	[sflag:s18] =	ssyncset.done $0x0  }
0x1d4: {  	s30 =	sadd.s32 $0x600, s25;
	[sflag:s18] =	ssyncadd.s32 $0xFFFFC000  }
0x1d5: {  	[tilespmem:s17], [sflag:$0x1] =	stream.indirect.gather [hbm4b:s4+s20], $0x80, s30, s20, $0xb8;
	[tilespmem:$0x1F000] =	vst v63  }
0x1d6: {  	_ =	swait.ge [sflag:s23], $0x4000  }
0x1d7: {  	[sflag:s23] =	ssyncset.done $0x0  }
0x1d8: {  	s31 =	sadd.s32 $0x1D80, s25;
	[sflag:s23] =	ssyncadd.s32 $0xFFFFC000  }
0x1d9: {  	[spmem:s2] =	stream.indirect.scatter.add.f32 [tilespmem:s21], [sflag:$0x4], $0x80, s31, s20, $0xb8;
	[tilespmem:$0x1F000] =	vst v63  }
0x1da: {  	_ =	swait.ge [sflag:s18], $0x4000  }
0x1db: {  	[sflag:s18] =	ssyncset.done $0x0  }
0x1dc: {  	s19 =	sadd.s32 $0x680, s25;
	[sflag:s18] =	ssyncadd.s32 $0xFFFFC000  }
0x1dd: {  	[tilespmem:s21], [sflag:$0x2] =	stream.indirect.gather [hbm4b:s4+s20], $0x80, s19, s20, $0xb8;
	[tilespmem:$0x1F000] =	vst v63  }
0x1de: {  	_ =	swait.ge [sflag:s22], $0x4000  }
0x1df: {  	[sflag:s22] =	ssyncset.done $0x0  }
0x1e0: {  	s24 =	sadd.s32 $0x1E00, s25;
	[sflag:s22] =	ssyncadd.s32 $0xFFFFC000  }
0x1e1: {  	[spmem:s2] =	stream.indirect.scatter.add.f32 [tilespmem:s17], [sflag:$0x4], $0x80, s24, s20, $0xb8;
	[tilespmem:$0x1F000] =	vst v63  }
0x1e2: {  	_ =	swait.ge [sflag:s18], $0x4000  }
0x1e3: {  	[sflag:s18] =	ssyncset.done $0x0  }
0x1e4: {  	s26 =	sadd.s32 $0x700, s25;
	[sflag:s18] =	ssyncadd.s32 $0xFFFFC000  }
0x1e5: {  	[tilespmem:s17], [sflag:$0x1] =	stream.indirect.gather [hbm4b:s4+s20], $0x80, s26, s20, $0xb8;
	[tilespmem:$0x1F000] =	vst v63  }
0x1e6: {  	_ =	swait.ge [sflag:s23], $0x4000  }
0x1e7: {  	[sflag:s23] =	ssyncset.done $0x0  }
0x1e8: {  	s29 =	sadd.s32 $0x1E80, s25;
	[sflag:s23] =	ssyncadd.s32 $0xFFFFC000  }
0x1e9: {  	[spmem:s2] =	stream.indirect.scatter.add.f32 [tilespmem:s21], [sflag:$0x4], $0x80, s29, s20, $0xb8;
	[tilespmem:$0x1F000] =	vst v63  }
0x1ea: {  	_ =	swait.ge [sflag:s18], $0x4000  }
0x1eb: {  	[sflag:s18] =	ssyncset.done $0x0  }
0x1ec: {  	s30 =	sadd.s32 $0x780, s25;
	[sflag:s18] =	ssyncadd.s32 $0xFFFFC000  }
0x1ed: {  	[tilespmem:s21], [sflag:$0x2] =	stream.indirect.gather [hbm4b:s4+s20], $0x80, s30, s20, $0xb8;
	[tilespmem:$0x1F000] =	vst v63  }
0x1ee: {  	_ =	swait.ge [sflag:s22], $0x4000  }
0x1ef: {  	[sflag:s22] =	ssyncset.done $0x0  }
0x1f0: {  	s31 =	sadd.s32 $0x1F00, s25;
	[sflag:s22] =	ssyncadd.s32 $0xFFFFC000  }
0x1f1: {  	[spmem:s2] =	stream.indirect.scatter.add.f32 [tilespmem:s17], [sflag:$0x4], $0x80, s31, s20, $0xb8;
	[tilespmem:$0x1F000] =	vst v63  }
0x1f2: {  	_ =	swait.ge [sflag:s18], $0x4000  }
0x1f3: {  	[sflag:s18] =	ssyncset.done $0x0  }
0x1f4: {  	s19 =	sadd.s32 $0x800, s25;
	[sflag:s18] =	ssyncadd.s32 $0xFFFFC000  }
0x1f5: {  	[tilespmem:s17], [sflag:$0x1] =	stream.indirect.gather [hbm4b:s4+s20], $0x80, s19, s20, $0xb8;
	[tilespmem:$0x1F000] =	vst v63  }
0x1f6: {  	_ =	swait.ge [sflag:s23], $0x4000  }
0x1f7: {  	[sflag:s23] =	ssyncset.done $0x0  }
0x1f8: {  	s24 =	sadd.s32 $0x1F80, s25;
	[sflag:s23] =	ssyncadd.s32 $0xFFFFC000  }
0x1f9: {  	[spmem:s2] =	stream.indirect.scatter.add.f32 [tilespmem:s21], [sflag:$0x4], $0x80, s24, s20, $0xb8;
	[tilespmem:$0x1F000] =	vst v63  }
0x1fa: {  	_ =	swait.ge [sflag:s18], $0x4000  }
0x1fb: {  	[sflag:s18] =	ssyncset.done $0x0  }
0x1fc: {  	s0 =	simm.s32 @!p0 $0x3;
	[sflag:s18] =	ssyncadd.s32 $0xFFFFC000  }
0x1fd: {  	_ =	swait.ge @!p0 [sflag:s0], $0x900  }
0x1fe: {  	[sflag:s0] =	ssyncset.done @!p0 $0x0  }
0x1ff: {  	[sflag:s0] =	ssyncadd.s32 @!p0 $0xFFFFF700  }
0x200: {  	_ =	swait.ge @!p0 [sflag:s0], $0x900  }
0x201: {  	[sflag:s0] =	ssyncset.done @!p0 $0x0  }
0x202: {  	s26 =	sadd.s32 $0x880, s25;
	[sflag:s0] =	ssyncadd.s32 @!p0 $0xFFFFF700  }
0x203: {  	[tilespmem:s21], [sflag:$0x2] =	stream.indirect.gather [hbm4b:s4+s20], $0x80, s26, s20, $0xb8;
	[tilespmem:$0x1F000] =	vst v63  }
0x204: {  	_ =	swait.ge [sflag:s22], $0x4000  }
0x205: {  	[sflag:s22] =	ssyncset.done $0x0  }
0x206: {  	s29 =	sor.u32 $0x2000, s25;
	[sflag:s22] =	ssyncadd.s32 $0xFFFFC000  }
0x207: {  	[spmem:s2] =	stream.indirect.scatter.add.f32 [tilespmem:s17], [sflag:$0x4], $0x80, s29, s20, $0xb8;
	[tilespmem:$0x1F000] =	vst v63  }
0x208: {  	s19 =	smul.u32 @!p0 $0x3000, s28;
	_ =	swait.ge [sflag:s18], $0x4000  }
0x209: {  	s25 =	simm.s32 @!p0 $0x80;
	[sflag:s18] =	ssyncset.done $0x0  }
0x20a: {  	s19 =	sshrl.u32 @!p0 s19, $0x2;
	s24 =	simm.s32 @!p0 $0x3000;
	[sflag:s18] =	ssyncadd.s32 $0xFFFFC000  }
0x20b: {  	[tilespmem:s24], [sflag:$0x1] =	stream.indirect.gather @!p0 [hbm4b:s4+s25], $0x80, s19, s25, $0xb8;
	[tilespmem:$0x1F000] =	vst v63  }
0x20c: {  	_ =	swait.ge [sflag:s23], $0x4000  }
0x20d: {  	[sflag:s23] =	ssyncset.done $0x0  }
0x20e: {  	s0 =	sadd.s32 $0x1800, s26;
	[sflag:s23] =	ssyncadd.s32 $0xFFFFC000  }
0x20f: {  	[spmem:s2] =	stream.indirect.scatter.add.f32 [tilespmem:s21], [sflag:$0x4], $0x80, s0, s20, $0xb8;
	[tilespmem:$0x1F000] =	vst v63  }
0x210: {  	_ =	swait.ge [sflag:s18], $0x4000  }
0x211: {  	s3 =	sadd.s32 $0x1, s3;
	s30 =	sshll.u32 s1, $0x6;
	[sflag:s18] =	ssyncset.done $0x0  }
0x212: {  	s31 =	sshrl.u32 s6, $0x3;
	p0 =	sne.s32 s3, s14;
	[sflag:s18] =	ssyncadd.s32 $0xFFFFC000  }
.Ltmp2:
0x213: {  	s0 =	sor.u32 $0x1C04, s30;
	[bflag:$0x0] =	sbarrier.arrive $0xFFFF;
	(pc) =	sbr.rel @p0 .LBB2_1-.Ltmp2, $4  }
0x214: {  	[hbm:s13], [sflag:s0] =	dma.local [spmem:s31], $0x2800  }
0x215: {  	_ =	swait.ge [sflag:s18], $0x2800  }
0x216: {  	[sflag:s18] =	ssyncset.done $0x0  }
0x217: {  	[sflag:s18] =	ssyncadd.s32 $0xFFFFD800  }
0x218: {  	_ =	sfence.sel $0x180000  }
0x219: {  	[bflag:$0x0] =	sbarrier.arrive $0xFFFF  }
0x21a: {  	_ =	strace $0x9000004D  }
0x21b: {  	[bflag:$0x2] =	sbarrier.arrive $0xFFFF  }
0x21c: {  	p0 =	sne.s32 s1, $0x0;
	s0 =	rddreg [dreg:$0x2]  }
0x21d: {  	s0 =	sadd.s32 @!p0 $0x100000, s0  }
0x21e: {  	[sflag:s0] =	ssyncadd.tile.s32 @!p0 $0x1;
	_ =	shalt  }
.Lfunc_end2:
_tile_overlayer_lowered:
.L_overlay_start_2:
0x21f: {  	(tag) =	ssettag $0x2  }
0x220: {  	s0 =	rddreg [dreg:$0x0];
	s2 =	stileid.u32  }
0x221: {  	s1 =	rddreg [dreg:$0x1];
	p0 =	sne.s32 s2, $0x0  }
0x222: {  	s3 =	rddreg [dreg:$0x2];
	[bflag:$0x3] =	sbarrier.arrive $0xFFFF;
	s2 =	simm.s32 @!p0 $0x1C04  }
0x223: {  	[timem:s3], [sflag:s2] =	dma.local @!p0 [hbm:s0], s1  }
0x224: {  	s0 =	simm.s32 @!p0 $0x4  }
0x225: {  	_ =	swait.ge @!p0 [sflag:s0], s1  }
0x226: {  	s1 =	ssub.s32 @!p0 $0x0, s1;
	[sflag:s0] =	ssyncset.done @!p0 $0x0  }
0x227: {  	[sflag:s0] =	ssyncadd.s32 @!p0 s1  }
0x228: {  	[bflag:$0x3] =	sbarrier.arrive $0xFFFF  }
0x229: {  	_ =	shalt  }

// kernel: kernel.19.cloned.1.call-start
scs
__scs_entry_jumppad:
0x0: {  	(pc) =	sbr.rel $0x88, $3  }
0x1: {  	(tag) =	ssettag $0x0;
	lr =	simm.s32 $0x1  }
0x2: {  	[smem:$0x3F94] =	sst lr;
	_ =	strace $0xD0000000  }
0x3: {  	_ = 	snop  }
0x4: {  	_ = 	snop  }
0x5: {  	_ = 	snop  }
0x6: {  	_ = 	snop  }
0x7: {  	_ = 	snop  }
__scs_overlays_trampoline_lowered:
0x8: {  	[smem:$0x3FA3] =	sst s0  }
0x9: {  	[smem:$0x3FA4] =	sst s1  }
0xa: {  	[smem:$0x3FA5] =	sst s2  }
0xb: {  	[smem:$0x3FA6] =	sst s3  }
0xc: {  	[smem:$0x3FA7] =	sst s4  }
0xd: {  	[smem:$0x3FA8] =	sst s5  }
0xe: {  	[smem:$0x3FA9] =	sst s6  }
0xf: {  	[smem:$0x3FAA] =	sst s7  }
0x10: {  	[smem:$0x3FAB] =	sst s8  }
0x11: {  	[smem:$0x3FAC] =	sst s9;
	s0 =	simm.s32 @!p0 $0x0  }
0x12: {  	s1 =	sld [smem:$0x3F92];
	s0 =	simm.s32 @p0 $0x1  }
0x13: {  	[smem:$0x3FAD] =	sst s0;
	s0 =	simm.s32 @!p1 $0x0  }
0x14: {  	s2 =	sld [smem:$0x3F91];
	s0 =	simm.s32 @p1 $0x1  }
0x15: {  	[smem:$0x3FAE] =	sst s0;
	s0 =	simm.s32 @!p2 $0x0  }
0x16: {  	s3 =	sld [smem:$0x3FDB];
	s0 =	simm.s32 @p2 $0x1  }
0x17: {  	s4 =	simm.s32 $0x1BF5;
	[smem:$0x3FB0] =	sst s0  }
0x18: {  	s0 =	sld [smem:$0x3F93];
	_ =	swait.ge [sflag:s4], $0x0  }
0x19: {  	s7 =	sld [smem:$0x3F94]  }
0x1a: {  	s8 =	sadd.s32 $0xFFFFE003, lr  }
0x1b: {  	s9 =	sadd.s32 $0xFFFFFEF7, lr;
	s5 =	simm.s32 $0xFFFFFFFF;
	p2 =	slt.u32 s8, $0xFFFFF086  }
0x1c: {  	p1 =	slt.u32 s9, $0xF7A;
	s5 =	simm.s32 @!p2 $0x0  }
0x1d: {  	s5 =	simm.s32 @p1 $0x1;
	p0 =	seq.s32 s7, s2  }
0x1e: {  	s7 =	smul.u32 @!p0 $0xF7A, s2;
	p2 =	seq.s32 @!p0 s5, $0x0  }
0x1f: {  	s9 =	smul.u32 $0xF7A, s1;
	s8 =	simm.s32 @!p0 $0x1BF5;
	p2 =	por !p2, p0  }
0x20: {  	[sflag:s8] =	ssyncset.s32 @!p0 $0xFFFFF086;
	s6 =	sadd.s32 @!p0 s3, s7;
	s7 =	simm.s32 @!p0 $0x108  }
0x21: {  	s3 =	sadd.s32 s3, s9;
	s6 =	sadd.s32 @!p0 $0x88, s6;
	s7 =	simm.s32 @p2 $0x1082  }
0x22: {  	[simem:s7], [sflag:s8] =	dma.local @!p0 [hbm:s6], $0xF7A  }
0x23: {  	s9 =	sor.u32 $0xD0000000, s2;
	s6 =	simm.s32 $0x108;
	_ =	swait.ge @!p0 [sflag:s8], $0x0  }
0x24: {  	s3 =	sadd.s32 $0x88, s3;
	s6 =	simm.s32 @!p1 $0x1082;
	[sflag:s4] =	ssyncset.s32 $0xFFFFF086  }
0x25: {  	[simem:s6], [sflag:s4] =	dma.local [hbm:s3], $0xF7A  }
0x26: {  	[smem:$0x3F94] =	sst s1;
	(tag) =	ssettag s2;
	_ =	strace s9  }
0x27: {  	s1 =	sld [smem:$0x3FA4]  }
0x28: {  	s2 =	sld [smem:$0x3FA5]  }
0x29: {  	s4 =	sld [smem:$0x3FA7]  }
0x2a: {  	p0 =	seq.s32 s5, $0x0;
	s5 =	sld [smem:$0x3FA8]  }
0x2b: {  	s6 =	sld [smem:$0x3FA9]  }
0x2c: {  	s7 =	sld [smem:$0x3FAA]  }
0x2d: {  	s3 =	simm.s32 $0x108;
	s8 =	sld [smem:$0x3FAB]  }
0x2e: {  	s3 =	simm.s32 @!p0 $0x1082;
	s9 =	sld [smem:$0x3FAC]  }
0x2f: {  	lr =	sadd.s32 s0, s3;
	s0 =	sld [smem:$0x3FA3]  }
0x30: {  	s3 =	sld [smem:$0x3FA6]  }
0x31: {  	[smem:$0x3FAF] =	sst s10  }
0x32: {  	s10 =	sld [smem:$0x3FAD];
	_ =	sdelay $0x3  }
0x33: {  	p0 =	seq.s32 s10, $0x1;
	s10 =	sld [smem:$0x3FAF];
	_ =	sdelay $0x3  }
0x34: {  	[smem:$0x3FAF] =	sst s10  }
0x35: {  	s10 =	sld [smem:$0x3FAE];
	_ =	sdelay $0x3  }
0x36: {  	p1 =	seq.s32 s10, $0x1;
	s10 =	sld [smem:$0x3FAF];
	_ =	sdelay $0x3  }
0x37: {  	[smem:$0x3FAF] =	sst s10  }
0x38: {  	s10 =	sld [smem:$0x3FB0]  }
0x39: {  	_ = 	snop;
	(pc) =	sbr.ind lr, $3  }
0x3a: {  	_ = 	snop  }
0x3b: {  	_ = 	snop  }
0x3c: {  	p2 =	seq.s32 s10, $0x1;
	s10 =	sld [smem:$0x3FAF]  }
0x3d: {  	_ =	shalt  }
0x3e: {  	_ =	shalt  }
0x3f: {  	_ =	shalt  }
0x40: {  	_ =	shalt  }
0x41: {  	_ =	shalt  }
0x42: {  	_ =	shalt  }
0x43: {  	_ =	shalt  }
0x44: {  	_ =	shalt  }
0x45: {  	_ =	shalt  }
0x46: {  	_ =	shalt  }
0x47: {  	_ =	shalt  }
0x48: {  	_ =	shalt  }
0x49: {  	_ =	shalt  }
0x4a: {  	_ =	shalt  }
0x4b: {  	_ =	shalt  }
0x4c: {  	_ =	shalt  }
0x4d: {  	_ =	shalt  }
0x4e: {  	_ =	shalt  }
0x4f: {  	_ =	shalt  }
0x50: {  	_ =	shalt  }
0x51: {  	_ =	shalt  }
0x52: {  	_ =	shalt  }
0x53: {  	_ =	shalt  }
0x54: {  	_ =	shalt  }
0x55: {  	_ =	shalt  }
0x56: {  	_ =	shalt  }
0x57: {  	_ =	shalt  }
0x58: {  	_ =	shalt  }
0x59: {  	_ =	shalt  }
0x5a: {  	_ =	shalt  }
0x5b: {  	_ =	shalt  }
0x5c: {  	_ =	shalt  }
0x5d: {  	_ =	shalt  }
0x5e: {  	_ =	shalt  }
0x5f: {  	_ =	shalt  }
0x60: {  	_ =	shalt  }
0x61: {  	_ =	shalt  }
0x62: {  	_ =	shalt  }
0x63: {  	_ =	shalt  }
0x64: {  	_ =	shalt  }
0x65: {  	_ =	shalt  }
0x66: {  	_ =	shalt  }
0x67: {  	_ =	shalt  }
0x68: {  	_ =	shalt  }
0x69: {  	_ =	shalt  }
0x6a: {  	_ =	shalt  }
0x6b: {  	_ =	shalt  }
0x6c: {  	_ =	shalt  }
0x6d: {  	_ =	shalt  }
0x6e: {  	_ =	shalt  }
0x6f: {  	_ =	shalt  }
0x70: {  	_ =	shalt  }
0x71: {  	_ =	shalt  }
0x72: {  	_ =	shalt  }
0x73: {  	_ =	shalt  }
0x74: {  	_ =	shalt  }
0x75: {  	_ =	shalt  }
0x76: {  	_ =	shalt  }
0x77: {  	_ =	shalt  }
0x78: {  	_ =	shalt  }
0x79: {  	_ =	shalt  }
0x7a: {  	_ =	shalt  }
0x7b: {  	_ =	shalt  }
0x7c: {  	_ =	shalt  }
0x7d: {  	_ =	shalt  }
0x7e: {  	_ =	shalt  }
0x7f: {  	_ =	shalt  }
0x80: {  	_ =	shalt  }
0x81: {  	_ =	shalt  }
0x82: {  	_ =	shalt  }
0x83: {  	_ =	shalt  }
0x84: {  	_ =	shalt  }
0x85: {  	_ =	shalt  }
0x86: {  	_ =	shalt  }
0x87: {  	_ =	shalt  }
.Lfunc_end0:
.L_simem_size_0:
called_computation.3_lowered:
.L_overlay_start_0:
0x88: {  	s2 =	sld [smem:$0x3FD9]  }
0x89: {  	s3 =	sld [smem:$0x3FFE];
	_ =	sdelay $0x1  }
0x8a: {  	s1 =	srdreg.scid  }
0x8b: {  	s0 =	sand.u32 $0x1, s1  }
0x8c: {  	s16 =	sshll.u32 s0, $0xA;
	s2 =	sadd.s32 s3, s2  }
0x8d: {  	s2 =	sadd.s32 s2, s16  }
0x8e: {  	[smem:$0x3FBB] =	sst s2  }
0x8f: {  	_ = 	snop  }
0x90: {  	(tm) =	ssettm $0x1  }
0x91: {  	s17 =	sld [smem:$0x3FFB];
	_ =	sdelay $0x3  }
0x92: {  	_ =	strace s17  }
0x93: {  	s2 =	sld [smem:$0x3FFC];
	_ =	sdelay $0x3  }
0x94: {  	_ =	strace s2  }
0x95: {  	s2 =	sld [smem:$0x3FFD];
	_ =	sdelay $0x3  }
0x96: {  	_ =	strace s2  }
0x97: {  	_ =	strace $0x8FFFFFFF  }
0x98: {  	s18 =	sld [smem:$0x3FDB];
	_ =	sdelay $0x1  }
0x99: {  	s19 =	simm.s32 $_scs_section_size  }
0x9a: {  	s4 =	simm.s32 $_size__tile_overlayer_lowered;
	s5 =	simm.s32 $_tile_overlayer_lowered  }
0x9b: {  	s22 =	simm.s32 $0x1BFF;
	s21 =	sshll.u32 s5, $0x1;
	s2 =	sadd.s32 s19, s18  }
0x9c: {  	s6 =	simm.s32 $0x0;
	s20 =	sshll.u32 s4, $0x1;
	s4 =	sadd.s32 s21, s2  }
0x9d: {  	[timem:s6], [sflag:s22] =	dma.local [hbm:s4], s20  }
0x9e: {  	_ =	swait.ge [sflag:s22], s20  }
0x9f: {  	s3 =	ssub.s32 $0x0, s20;
	[sflag:s22] =	ssyncset.done $0x0  }
0xa0: {  	[sflag:s22] =	ssyncadd.s32 s3;
	_ =	sdelay $0x1  }
0xa1: {  	s23 =	simm.s32 $0x1B8B  }
0xa2: {  	_ =	swait.ge [sflag:s23], $0x1  }
0xa3: {  	[sflag:s23] =	ssyncset.done $0x0  }
0xa4: {  	s25 =	simm.s32 $0x1B8E;
	s24 =	sld [smem:$0x3FFE];
	[sflag:s23] =	ssyncadd.s32 $0xFFFFFFFF  }
0xa5: {  	s26 =	simm.s32 $execute0_lowered;
	[smem:$0x3FD2] =	sst s25  }
0xa6: {  	s4 =	sshll.u32 s26, $0x1;
	_ =	strace $0x8000004F;
	[dreg:$0x1] =	wrdreg $0xFFFFFFFF  }
0xa7: {  	s28 =	simm.s32 $_size_execute0_lowered;
	s2 =	sadd.s32 s2, s4;
	[dreg:$0x0] =	wrdreg $0x0  }
0xa8: {  	s4 =	sshll.u32 s28, $0x1;
	[dreg:$0x2] =	wrdreg s2  }
0xa9: {  	[dreg:$0x3] =	wrdreg s4  }
0xaa: {  	[dreg:$0x4] =	wrdreg $0xC0  }
0xab: {  	_ =	task [dreg:s6], $0x5FFFF  }
0xac: {  	[dreg:$0x1] =	wrdreg $0xFFFFFFFF  }
0xad: {  	[dreg:$0x0] =	wrdreg $0x60  }
0xae: {  	[dreg:$0x2] =	wrdreg s24  }
0xaf: {  	[dreg:$0x3] =	wrdreg $0xB0000  }
0xb0: {  	[dreg:$0x4] =	wrdreg $0x9  }
0xb1: {  	_ =	task.clear_ibuf [dreg:s6], $0x5FFFF;
	_ =	strace $0x9000004F  }
0xb2: {  	s29 =	simm.s32 $0x9;
	_ =	strace $0x80000051  }
0xb3: {  	_ =	swait.ge [sflag:s29], $0x1  }
0xb4: {  	[sflag:s29] =	ssyncadd.s32 $0xFFFFFFFF  }
0xb5: {  	_ =	strace $0x90000051  }
0xb6: {  	_ =	sfence  }
0xb7: {  	s30 =	sld [smem:$0x0];
	_ =	sdelay $0x2  }
0xb8: {  	s31 =	sshll.u32 s1, $0xD;
	s1 =	sshrl.u32 s1, $0x2  }
0xb9: {  	s3 =	sand.u32 $0x4000, s31;
	s1 =	sadd.s32 s1, s30  }
0xba: {  	s0 =	sor.u32 s3, s0;
	s1 =	sshll.u32 s1, $0x11  }
0xbb: {  	s0 =	sor.u32 s1, s0  }
0xbc: {  	s0 =	sadd.s32 $0x8F2B, s0  }
0xbd: {  	[sflag:s0] =	ssyncadd.remote.s32 $0x1  }
0xbe: {  	_ =	sfence.sel $0xFFFF  }
0xbf: {  	[dreg:$0x0] =	wrdreg $0xFFFFFFFF;
	(pc) =	sbr.abs _section_cstart, $3  }
0xc0: {  	[dreg:$0x1] =	wrdreg $0xFFFFFFFF  }
0xc1: {  	_ =	task.clear_ibuf [dreg:s6], $0x2FFFF;
	_ =	strace $0x9FFFFFFF  }
0xc2: {  	(tm) =	ssettm $0x7FFFFFFF  }
0xc3: {  	_ =	shalt  }
tec
execute0_lowered:
.L_overlay_start_1:
0x0: {  	(tag) =	ssettag $0x1  }
0x1: {  	s0 =	rddreg [dreg:$0x0]  }
0x2: {  	s2 =	rddreg [dreg:$0x1]  }
0x3: {  	s4 =	srdreg.scid;
	s1 =	stileid.u32;
	s3 =	simm.s32 $0x0  }
0x4: {  	s18 =	simm.s32 $0x4;
	s20 =	simm.s32 $0x80;
	s7 =	smul.u32 $0x2800, s1  }
0x5: {  	s21 =	simm.s32 $0x7000;
	s22 =	simm.s32 $0x1;
	s9 =	smul.u32 $0x50000, s1  }
0x6: {  	s23 =	simm.s32 $0x2;
	s6 =	sand.u32 $0x1, s4;
	s12 =	smul.u32 $0x6C00, s1  }
0x7: {  	[smem:$0x7FF] =	sst s3;
	s4 =	sadd.s32 $0x37200, s0;
	s17 =	smul.u32 $0xD80, s1  }
0x8: {  	s5 =	sadd.s32 $0x1C200, s0;
	s15 =	sadd.s32 $0xEA00, s0;
	s8 =	smul.u32 $0x28000, s6  }
0x9: {  	_ =	strace $0x80000050;
	s29 =	ssub.s32 $0x2, s6;
	s10 =	smul.u32 $0x6C000, s6  }
0xa: {  	s9 =	sshrl.u32 s9, $0x2;
	s11 =	sshrl.u32 s29, $0x1;
	s31 =	sadd.s32 s17, s15  }
0xb: {  	s17 =	simm.s32 $0x3000;
	s7 =	sadd.s32 s7, s8;
	s6 =	sadd.s32 s9, s2  }
0xc: {  	s14 =	ssub.s32 s29, s11;
	s16 =	sadd.s32 s12, s10;
	s12 =	sshrl.u32 s12, $0x3  }
0xd: {  	s0 =	sadd.s32 s7, s0;
	s7 =	sadd.s32 $0x4000, s6;
	s8 =	sadd.s32 $0x8000, s6  }
0xe: {  	s9 =	sadd.s32 $0xC000, s6;
	s30 =	sshrl.u32 s16, $0x3;
	s10 =	sadd.s32 $0x10000, s6  }
0xf: {  	s12 =	sadd.s32 s15, s12;
	s14 =	smax.u32 s14, $0x1;
	s15 =	sadd.s32 $0xC00, s16  }
0x10: {  	v0 =	vimm.f32 $0.0e+00;
	s16 =	sadd.s32 $0x180, s31;
	s11 =	sadd.s32 s5, s30;
	s13 =	sadd.s32 $0x87200, s0  }
.LBB2_1:
0x11: {  	s24 =	simm.s32 $0x0;
	s25 =	simm.s32 $0x200  }
.LBB2_2:
0x12: {  	p0 =	sne.s32 s25, $0xFE00;
	[tilespmem:s24+$0x3070] =	vst v0  }
0x13: {  	[tilespmem:s24+$0x3000] =	vst v0  }
0x14: {  	[tilespmem:s24+$0x3010] =	vst v0  }
.Ltmp0:
0x15: {  	[tilespmem:s24+$0x3020] =	vst v0;
	(pc) =	sbr.rel @p0 .LBB2_2-.Ltmp0, $4  }
0x16: {  	[tilespmem:s24+$0x3030] =	vst v0  }
0x17: {  	[tilespmem:s24+$0x3040] =	vst v0  }
0x18: {  	[tilespmem:s24+$0x3050] =	vst v0  }
0x19: {  	[tilespmem:s24+$0x3060] =	vst v0;
	s24 =	sshra.s32 s25, $0x2;
	s25 =	sadd.s32 $0x200, s25  }
0x1a: {  	[tilespmem:s24+$0x3070] =	vst v0  }
0x1b: {  	[tilespmem:s24+$0x3000] =	vst v0  }
0x1c: {  	[tilespmem:s24+$0x3010] =	vst v0  }
0x1d: {  	[tilespmem:s24+$0x3020] =	vst v0  }
0x1e: {  	[tilespmem:s24+$0x3030] =	vst v0  }
0x1f: {  	[tilespmem:s24+$0x3040] =	vst v0  }
0x20: {  	[tilespmem:s24+$0x3050] =	vst v0  }
0x21: {  	[tilespmem:s24+$0x3060] =	vst v0  }
0x22: {  	[spmem:s6] =	stream.linear.scatter [tilespmem:s17], [sflag:$0x4], $0x4000, $0x38;
	[tilespmem:$0x1F000] =	vst v63  }
0x23: {  	_ =	swait.ge [sflag:s18], $0x4000  }
0x24: {  	[sflag:s18] =	ssyncset.done $0x0  }
0x25: {  	[sflag:s18] =	ssyncadd.s32 $0xFFFFC000  }
0x26: {  	[spmem:s7] =	stream.linear.scatter [tilespmem:s17], [sflag:$0x4], $0x4000, $0x38;
	[tilespmem:$0x1F000] =	vst v63  }
0x27: {  	_ =	swait.ge [sflag:s18], $0x4000  }
0x28: {  	[sflag:s18] =	ssyncset.done $0x0  }
0x29: {  	[sflag:s18] =	ssyncadd.s32 $0xFFFFC000  }
0x2a: {  	[spmem:s8] =	stream.linear.scatter [tilespmem:s17], [sflag:$0x4], $0x4000, $0x38;
	[tilespmem:$0x1F000] =	vst v63  }
0x2b: {  	_ =	swait.ge [sflag:s18], $0x4000  }
0x2c: {  	[sflag:s18] =	ssyncset.done $0x0  }
0x2d: {  	[sflag:s18] =	ssyncadd.s32 $0xFFFFC000  }
0x2e: {  	[spmem:s9] =	stream.linear.scatter [tilespmem:s17], [sflag:$0x4], $0x4000, $0x38;
	[tilespmem:$0x1F000] =	vst v63  }
0x2f: {  	_ =	swait.ge [sflag:s18], $0x4000  }
0x30: {  	[sflag:s18] =	ssyncset.done $0x0  }
0x31: {  	[sflag:s18] =	ssyncadd.s32 $0xFFFFC000  }
0x32: {  	[spmem:s10] =	stream.linear.scatter [tilespmem:s17], [sflag:$0x4], $0x4000, $0x38;
	[tilespmem:$0x1F000] =	vst v63  }
0x33: {  	_ =	swait.ge [sflag:s18], $0x4000  }
0x34: {  	[sflag:s18] =	ssyncset.done $0x0  }
0x35: {  	s0 =	simm.s32 $0x0;
	[sflag:s18] =	ssyncadd.s32 $0xFFFFC000  }
0x36: {  	[tilespmem:s0], [sflag:$0x4] =	stream.linear.gather [hbm4b:s11+s0], $0x900, $0x38;
	[tilespmem:$0x1F000] =	vst v63  }
0x37: {  	_ =	swait.ge [sflag:s18], $0x900  }
0x38: {  	[sflag:s18] =	ssyncset.done $0x0  }
0x39: {  	s19 =	simm.s32 $0x1800;
	[sflag:s18] =	ssyncadd.s32 $0xFFFFF700  }
0x3a: {  	[tilespmem:s19], [sflag:$0x4] =	stream.linear.gather [hbm4b:s12+s0], $0x900, $0x38;
	[tilespmem:$0x1F000] =	vst v63  }
0x3b: {  	_ =	swait.ge [sflag:s18], $0x900  }
0x3c: {  	[sflag:s18] =	ssyncset.done $0x0  }
0x3d: {  	[sflag:s18] =	ssyncadd.s32 $0xFFFFF700  }
0x3e: {  	[bflag:$0x0] =	sbarrier.arrive $0xFFFF  }
0x3f: {  	[tilespmem:s17], [sflag:$0x1] =	stream.indirect.gather [hbm4b:s4+s20], $0x80, s0, s20, $0xb8;
	[tilespmem:$0x1F000] =	vst v63  }
0x40: {  	p0 =	por $0x0, $0x0;
	s0 =	sand.u32 $0x1, s0  }
0x41: {  	s24 =	sxor.u32 @!p0 $0x1, s0  }
0x42: {  	s25 =	sshrl.u32 @!p0 s15, $0x3;
	s26 =	smul.u32 @!p0 $0xC00, s24  }
0x43: {  	s28 =	simm.s32 @!p0 $0x0;
	s25 =	sadd.s32 @!p0 s5, s25  }
0x44: {  	[tilespmem:s26], [sflag:$0x3] =	stream.linear.gather @!p0 [hbm4b:s25+s28], $0x900, $0x38;
	[tilespmem:$0x1F000] =	vst v63  }
0x45: {  	s26 =	sadd.s32 @!p0 $0x1800, s26;
	s25 =	smul.u32 $0xC00, s0  }
0x46: {  	[tilespmem:s26], [sflag:$0x3] =	stream.linear.gather @!p0 [hbm4b:s16+s28], $0x900, $0x38;
	[tilespmem:$0x1F000] =	vst v63  }
0x47: {  	s0 =	sor.u32 $0x80, s25  }
0x48: {  	[tilespmem:s21], [sflag:$0x2] =	stream.indirect.gather [hbm4b:s4+s20], $0x80, s0, s20, $0xb8;
	[tilespmem:$0x1F000] =	vst v63  }
0x49: {  	_ =	swait.ge [sflag:s22], $0x4000  }
0x4a: {  	[sflag:s22] =	ssyncset.done $0x0  }
0x4b: {  	s26 =	sadd.s32 $0x1800, s25;
	[sflag:s22] =	ssyncadd.s32 $0xFFFFC000  }
0x4c: {  	[spmem:s2] =	stream.indirect.scatter.add.f32 [tilespmem:s17], [sflag:$0x4], $0x80, s26, s20, $0xb8;
	[tilespmem:$0x1F000] =	vst v63  }
0x4d: {  	_ =	swait.ge [sflag:s18], $0x4000  }
0x4e: {  	[sflag:s18] =	ssyncset.done $0x0  }
0x4f: {  	s29 =	sor.u32 $0x100, s25;
	[sflag:s18] =	ssyncadd.s32 $0xFFFFC000  }
0x50: {  	[tilespmem:s17], [sflag:$0x1] =	stream.indirect.gather [hbm4b:s4+s20], $0x80, s29, s20, $0xb8;
	[tilespmem:$0x1F000] =	vst v63  }
0x51: {  	_ =	swait.ge [sflag:s23], $0x4000  }
0x52: {  	[sflag:s23] =	ssyncset.done $0x0  }
0x53: {  	s19 =	sadd.s32 $0x1880, s25;
	[sflag:s23] =	ssyncadd.s32 $0xFFFFC000  }
0x54: {  	[spmem:s2] =	stream.indirect.scatter.add.f32 [tilespmem:s21], [sflag:$0x4], $0x80, s19, s20, $0xb8;
	[tilespmem:$0x1F000] =	vst v63  }
0x55: {  	_ =	swait.ge [sflag:s18], $0x4000  }
0x56: {  	[sflag:s18] =	ssyncset.done $0x0  }
0x57: {  	s26 =	sor.u32 $0x180, s25;
	[sflag:s18] =	ssyncadd.s32 $0xFFFFC000  }
0x58: {  	[tilespmem:s21], [sflag:$0x2] =	stream.indirect.gather [hbm4b:s4+s20], $0x80, s26, s20, $0xb8;
	[tilespmem:$0x1F000] =	vst v63  }
0x59: {  	_ =	swait.ge [sflag:s22], $0x4000  }
0x5a: {  	[sflag:s22] =	ssyncset.done $0x0  }
0x5b: {  	s29 =	sadd.s32 $0x1900, s25;
	[sflag:s22] =	ssyncadd.s32 $0xFFFFC000  }
0x5c: {  	[spmem:s2] =	stream.indirect.scatter.add.f32 [tilespmem:s17], [sflag:$0x4], $0x80, s29, s20, $0xb8;
	[tilespmem:$0x1F000] =	vst v63  }
0x5d: {  	_ =	swait.ge [sflag:s18], $0x4000  }
0x5e: {  	[sflag:s18] =	ssyncset.done $0x0  }
0x5f: {  	s19 =	sor.u32 $0x200, s25;
	[sflag:s18] =	ssyncadd.s32 $0xFFFFC000  }
0x60: {  	[tilespmem:s17], [sflag:$0x1] =	stream.indirect.gather [hbm4b:s4+s20], $0x80, s19, s20, $0xb8;
	[tilespmem:$0x1F000] =	vst v63  }
0x61: {  	_ =	swait.ge [sflag:s23], $0x4000  }
0x62: {  	[sflag:s23] =	ssyncset.done $0x0  }
0x63: {  	s26 =	sadd.s32 $0x1980, s25;
	[sflag:s23] =	ssyncadd.s32 $0xFFFFC000  }
0x64: {  	[spmem:s2] =	stream.indirect.scatter.add.f32 [tilespmem:s21], [sflag:$0x4], $0x80, s26, s20, $0xb8;
	[tilespmem:$0x1F000] =	vst v63  }
0x65: {  	_ =	swait.ge [sflag:s18], $0x4000  }
0x66: {  	[sflag:s18] =	ssyncset.done $0x0  }
0x67: {  	s29 =	sor.u32 $0x280, s25;
	[sflag:s18] =	ssyncadd.s32 $0xFFFFC000  }
0x68: {  	[tilespmem:s21], [sflag:$0x2] =	stream.indirect.gather [hbm4b:s4+s20], $0x80, s29, s20, $0xb8;
	[tilespmem:$0x1F000] =	vst v63  }
0x69: {  	_ =	swait.ge [sflag:s22], $0x4000  }
0x6a: {  	[sflag:s22] =	ssyncset.done $0x0  }
0x6b: {  	s19 =	sadd.s32 $0x1A00, s25;
	[sflag:s22] =	ssyncadd.s32 $0xFFFFC000  }
0x6c: {  	[spmem:s2] =	stream.indirect.scatter.add.f32 [tilespmem:s17], [sflag:$0x4], $0x80, s19, s20, $0xb8;
	[tilespmem:$0x1F000] =	vst v63  }
0x6d: {  	_ =	swait.ge [sflag:s18], $0x4000  }
0x6e: {  	[sflag:s18] =	ssyncset.done $0x0  }
0x6f: {  	s26 =	sor.u32 $0x300, s25;
	[sflag:s18] =	ssyncadd.s32 $0xFFFFC000  }
0x70: {  	[tilespmem:s17], [sflag:$0x1] =	stream.indirect.gather [hbm4b:s4+s20], $0x80, s26, s20, $0xb8;
	[tilespmem:$0x1F000] =	vst v63  }
0x71: {  	_ =	swait.ge [sflag:s23], $0x4000  }
0x72: {  	[sflag:s23] =	ssyncset.done $0x0  }
0x73: {  	s29 =	sadd.s32 $0x1A80, s25;
	[sflag:s23] =	ssyncadd.s32 $0xFFFFC000  }
0x74: {  	[spmem:s2] =	stream.indirect.scatter.add.f32 [tilespmem:s21], [sflag:$0x4], $0x80, s29, s20, $0xb8;
	[tilespmem:$0x1F000] =	vst v63  }
0x75: {  	_ =	swait.ge [sflag:s18], $0x4000  }
0x76: {  	[sflag:s18] =	ssyncset.done $0x0  }
0x77: {  	s19 =	sor.u32 $0x380, s25;
	[sflag:s18] =	ssyncadd.s32 $0xFFFFC000  }
0x78: {  	[tilespmem:s21], [sflag:$0x2] =	stream.indirect.gather [hbm4b:s4+s20], $0x80, s19, s20, $0xb8;
	[tilespmem:$0x1F000] =	vst v63  }
0x79: {  	_ =	swait.ge [sflag:s22], $0x4000  }
0x7a: {  	[sflag:s22] =	ssyncset.done $0x0  }
0x7b: {  	s26 =	sadd.s32 $0x1B00, s25;
	[sflag:s22] =	ssyncadd.s32 $0xFFFFC000  }
0x7c: {  	[spmem:s2] =	stream.indirect.scatter.add.f32 [tilespmem:s17], [sflag:$0x4], $0x80, s26, s20, $0xb8;
	[tilespmem:$0x1F000] =	vst v63  }
0x7d: {  	_ =	swait.ge [sflag:s18], $0x4000  }
0x7e: {  	[sflag:s18] =	ssyncset.done $0x0  }
0x7f: {  	s29 =	sadd.s32 $0x400, s25;
	[sflag:s18] =	ssyncadd.s32 $0xFFFFC000  }
0x80: {  	[tilespmem:s17], [sflag:$0x1] =	stream.indirect.gather [hbm4b:s4+s20], $0x80, s29, s20, $0xb8;
	[tilespmem:$0x1F000] =	vst v63  }
0x81: {  	_ =	swait.ge [sflag:s23], $0x4000  }
0x82: {  	[sflag:s23] =	ssyncset.done $0x0  }
0x83: {  	s19 =	sadd.s32 $0x1B80, s25;
	[sflag:s23] =	ssyncadd.s32 $0xFFFFC000  }
0x84: {  	[spmem:s2] =	stream.indirect.scatter.add.f32 [tilespmem:s21], [sflag:$0x4], $0x80, s19, s20, $0xb8;
	[tilespmem:$0x1F000] =	vst v63  }
0x85: {  	_ =	swait.ge [sflag:s18], $0x4000  }
0x86: {  	[sflag:s18] =	ssyncset.done $0x0  }
0x87: {  	s26 =	sadd.s32 $0x480, s25;
	[sflag:s18] =	ssyncadd.s32 $0xFFFFC000  }
0x88: {  	[tilespmem:s21], [sflag:$0x2] =	stream.indirect.gather [hbm4b:s4+s20], $0x80, s26, s20, $0xb8;
	[tilespmem:$0x1F000] =	vst v63  }
0x89: {  	_ =	swait.ge [sflag:s22], $0x4000  }
0x8a: {  	[sflag:s22] =	ssyncset.done $0x0  }
0x8b: {  	s29 =	sadd.s32 $0x1C00, s25;
	[sflag:s22] =	ssyncadd.s32 $0xFFFFC000  }
0x8c: {  	[spmem:s2] =	stream.indirect.scatter.add.f32 [tilespmem:s17], [sflag:$0x4], $0x80, s29, s20, $0xb8;
	[tilespmem:$0x1F000] =	vst v63  }
0x8d: {  	_ =	swait.ge [sflag:s18], $0x4000  }
0x8e: {  	[sflag:s18] =	ssyncset.done $0x0  }
0x8f: {  	s19 =	sadd.s32 $0x500, s25;
	[sflag:s18] =	ssyncadd.s32 $0xFFFFC000  }
0x90: {  	[tilespmem:s17], [sflag:$0x1] =	stream.indirect.gather [hbm4b:s4+s20], $0x80, s19, s20, $0xb8;
	[tilespmem:$0x1F000] =	vst v63  }
0x91: {  	_ =	swait.ge [sflag:s23], $0x4000  }
0x92: {  	[sflag:s23] =	ssyncset.done $0x0  }
0x93: {  	s26 =	sadd.s32 $0x1C80, s25;
	[sflag:s23] =	ssyncadd.s32 $0xFFFFC000  }
0x94: {  	[spmem:s2] =	stream.indirect.scatter.add.f32 [tilespmem:s21], [sflag:$0x4], $0x80, s26, s20, $0xb8;
	[tilespmem:$0x1F000] =	vst v63  }
0x95: {  	_ =	swait.ge [sflag:s18], $0x4000  }
0x96: {  	[sflag:s18] =	ssyncset.done $0x0  }
0x97: {  	s29 =	sadd.s32 $0x580, s25;
	[sflag:s18] =	ssyncadd.s32 $0xFFFFC000  }
0x98: {  	[tilespmem:s21], [sflag:$0x2] =	stream.indirect.gather [hbm4b:s4+s20], $0x80, s29, s20, $0xb8;
	[tilespmem:$0x1F000] =	vst v63  }
0x99: {  	_ =	swait.ge [sflag:s22], $0x4000  }
0x9a: {  	[sflag:s22] =	ssyncset.done $0x0  }
0x9b: {  	s19 =	sadd.s32 $0x1D00, s25;
	[sflag:s22] =	ssyncadd.s32 $0xFFFFC000  }
0x9c: {  	[spmem:s2] =	stream.indirect.scatter.add.f32 [tilespmem:s17], [sflag:$0x4], $0x80, s19, s20, $0xb8;
	[tilespmem:$0x1F000] =	vst v63  }
0x9d: {  	_ =	swait.ge [sflag:s18], $0x4000  }
0x9e: {  	[sflag:s18] =	ssyncset.done $0x0  }
0x9f: {  	s26 =	sadd.s32 $0x600, s25;
	[sflag:s18] =	ssyncadd.s32 $0xFFFFC000  }
0xa0: {  	[tilespmem:s17], [sflag:$0x1] =	stream.indirect.gather [hbm4b:s4+s20], $0x80, s26, s20, $0xb8;
	[tilespmem:$0x1F000] =	vst v63  }
0xa1: {  	_ =	swait.ge [sflag:s23], $0x4000  }
0xa2: {  	[sflag:s23] =	ssyncset.done $0x0  }
0xa3: {  	s29 =	sadd.s32 $0x1D80, s25;
	[sflag:s23] =	ssyncadd.s32 $0xFFFFC000  }
0xa4: {  	[spmem:s2] =	stream.indirect.scatter.add.f32 [tilespmem:s21], [sflag:$0x4], $0x80, s29, s20, $0xb8;
	[tilespmem:$0x1F000] =	vst v63  }
0xa5: {  	_ =	swait.ge [sflag:s18], $0x4000  }
0xa6: {  	[sflag:s18] =	ssyncset.done $0x0  }
0xa7: {  	s19 =	sadd.s32 $0x680, s25;
	[sflag:s18] =	ssyncadd.s32 $0xFFFFC000  }
0xa8: {  	[tilespmem:s21], [sflag:$0x2] =	stream.indirect.gather [hbm4b:s4+s20], $0x80, s19, s20, $0xb8;
	[tilespmem:$0x1F000] =	vst v63  }
0xa9: {  	_ =	swait.ge [sflag:s22], $0x4000  }
0xaa: {  	[sflag:s22] =	ssyncset.done $0x0  }
0xab: {  	s26 =	sadd.s32 $0x1E00, s25;
	[sflag:s22] =	ssyncadd.s32 $0xFFFFC000  }
0xac: {  	[spmem:s2] =	stream.indirect.scatter.add.f32 [tilespmem:s17], [sflag:$0x4], $0x80, s26, s20, $0xb8;
	[tilespmem:$0x1F000] =	vst v63  }
0xad: {  	_ =	swait.ge [sflag:s18], $0x4000  }
0xae: {  	[sflag:s18] =	ssyncset.done $0x0  }
0xaf: {  	s29 =	sadd.s32 $0x700, s25;
	[sflag:s18] =	ssyncadd.s32 $0xFFFFC000  }
0xb0: {  	[tilespmem:s17], [sflag:$0x1] =	stream.indirect.gather [hbm4b:s4+s20], $0x80, s29, s20, $0xb8;
	[tilespmem:$0x1F000] =	vst v63  }
0xb1: {  	_ =	swait.ge [sflag:s23], $0x4000  }
0xb2: {  	[sflag:s23] =	ssyncset.done $0x0  }
0xb3: {  	s19 =	sadd.s32 $0x1E80, s25;
	[sflag:s23] =	ssyncadd.s32 $0xFFFFC000  }
0xb4: {  	[spmem:s2] =	stream.indirect.scatter.add.f32 [tilespmem:s21], [sflag:$0x4], $0x80, s19, s20, $0xb8;
	[tilespmem:$0x1F000] =	vst v63  }
0xb5: {  	_ =	swait.ge [sflag:s18], $0x4000  }
0xb6: {  	[sflag:s18] =	ssyncset.done $0x0  }
0xb7: {  	s26 =	sadd.s32 $0x780, s25;
	[sflag:s18] =	ssyncadd.s32 $0xFFFFC000  }
0xb8: {  	[tilespmem:s21], [sflag:$0x2] =	stream.indirect.gather [hbm4b:s4+s20], $0x80, s26, s20, $0xb8;
	[tilespmem:$0x1F000] =	vst v63  }
0xb9: {  	_ =	swait.ge [sflag:s22], $0x4000  }
0xba: {  	[sflag:s22] =	ssyncset.done $0x0  }
0xbb: {  	s29 =	sadd.s32 $0x1F00, s25;
	[sflag:s22] =	ssyncadd.s32 $0xFFFFC000  }
0xbc: {  	[spmem:s2] =	stream.indirect.scatter.add.f32 [tilespmem:s17], [sflag:$0x4], $0x80, s29, s20, $0xb8;
	[tilespmem:$0x1F000] =	vst v63  }
0xbd: {  	_ =	swait.ge [sflag:s18], $0x4000  }
0xbe: {  	[sflag:s18] =	ssyncset.done $0x0  }
0xbf: {  	s19 =	sadd.s32 $0x800, s25;
	[sflag:s18] =	ssyncadd.s32 $0xFFFFC000  }
0xc0: {  	[tilespmem:s17], [sflag:$0x1] =	stream.indirect.gather [hbm4b:s4+s20], $0x80, s19, s20, $0xb8;
	[tilespmem:$0x1F000] =	vst v63  }
0xc1: {  	_ =	swait.ge [sflag:s23], $0x4000  }
0xc2: {  	[sflag:s23] =	ssyncset.done $0x0  }
0xc3: {  	s26 =	sadd.s32 $0x1F80, s25;
	[sflag:s23] =	ssyncadd.s32 $0xFFFFC000  }
0xc4: {  	[spmem:s2] =	stream.indirect.scatter.add.f32 [tilespmem:s21], [sflag:$0x4], $0x80, s26, s20, $0xb8;
	[tilespmem:$0x1F000] =	vst v63  }
0xc5: {  	_ =	swait.ge [sflag:s18], $0x4000  }
0xc6: {  	[sflag:s18] =	ssyncset.done $0x0  }
0xc7: {  	s0 =	simm.s32 @!p0 $0x3;
	[sflag:s18] =	ssyncadd.s32 $0xFFFFC000  }
0xc8: {  	_ =	swait.ge @!p0 [sflag:s0], $0x900  }
0xc9: {  	[sflag:s0] =	ssyncset.done @!p0 $0x0  }
0xca: {  	[sflag:s0] =	ssyncadd.s32 @!p0 $0xFFFFF700  }
0xcb: {  	_ =	swait.ge @!p0 [sflag:s0], $0x900  }
0xcc: {  	[sflag:s0] =	ssyncset.done @!p0 $0x0  }
0xcd: {  	s29 =	sadd.s32 $0x880, s25;
	[sflag:s0] =	ssyncadd.s32 @!p0 $0xFFFFF700  }
0xce: {  	[tilespmem:s21], [sflag:$0x2] =	stream.indirect.gather [hbm4b:s4+s20], $0x80, s29, s20, $0xb8;
	[tilespmem:$0x1F000] =	vst v63  }
0xcf: {  	_ =	swait.ge [sflag:s22], $0x4000  }
0xd0: {  	[sflag:s22] =	ssyncset.done $0x0  }
0xd1: {  	s24 =	smul.u32 @!p0 $0x3000, s24;
	s25 =	sor.u32 $0x2000, s25;
	[sflag:s22] =	ssyncadd.s32 $0xFFFFC000  }
0xd2: {  	[spmem:s2] =	stream.indirect.scatter.add.f32 [tilespmem:s17], [sflag:$0x4], $0x80, s25, s20, $0xb8;
	[tilespmem:$0x1F000] =	vst v63  }
0xd3: {  	_ =	swait.ge [sflag:s18], $0x4000  }
0xd4: {  	s24 =	sshrl.u32 @!p0 s24, $0x2;
	s28 =	simm.s32 $0x1;
	[sflag:s18] =	ssyncset.done $0x0  }
0xd5: {  	s26 =	simm.s32 @!p0 $0x80;
	s25 =	simm.s32 @!p0 $0x3000;
	[sflag:s18] =	ssyncadd.s32 $0xFFFFC000  }
0xd6: {  	[tilespmem:s25], [sflag:$0x1] =	stream.indirect.gather @!p0 [hbm4b:s4+s26], $0x80, s24, s26, $0xb8;
	[tilespmem:$0x1F000] =	vst v63  }
0xd7: {  	s30 =	sand.u32 $0x1, s28;
	s0 =	sadd.s32 $0x1800, s29;
	_ =	swait.ge [sflag:s23], $0x4000  }
0xd8: {  	s25 =	simm.s32 $0x2;
	s26 =	sadd.s32 $0xC00, s15;
	[sflag:s23] =	ssyncset.done $0x0  }
0xd9: {  	s24 =	sadd.s32 $0x180, s16;
	p0 =	por $0x0, $0x0;
	[sflag:s23] =	ssyncadd.s32 $0xFFFFC000  }
0xda: {  	[spmem:s2] =	stream.indirect.scatter.add.f32 [tilespmem:s21], [sflag:$0x4], $0x80, s0, s20, $0xb8;
	[tilespmem:$0x1F000] =	vst v63  }
0xdb: {  	s28 =	sxor.u32 @!p0 $0x1, s30;
	s0 =	sshrl.u32 @!p0 s26, $0x3;
	_ =	swait.ge [sflag:s18], $0x4000  }
0xdc: {  	s31 =	smul.u32 @!p0 $0xC00, s28;
	s0 =	sadd.s32 @!p0 s5, s0;
	[sflag:s18] =	ssyncset.done $0x0  }
.LBB2_4:
0xdd: {  	s19 =	simm.s32 @!p0 $0x0  }
0xde: {  	s29 =	smul.u32 @!p0 $0x3000, s28;
	[sflag:s18] =	ssyncadd.s32 $0xFFFFC000;
	s28 =	smov.u32 s25  }
0xdf: {  	[tilespmem:s31], [sflag:$0x3] =	stream.linear.gather @!p0 [hbm4b:s0+s19], $0x900, $0x38;
	[tilespmem:$0x1F000] =	vst v63  }
0xe0: {  	s25 =	sadd.s32 $0x1, s25;
	s30 =	smul.u32 $0xC00, s30;
	s0 =	sadd.s32 @!p0 $0x1800, s31  }
0xe1: {  	[tilespmem:s0], [sflag:$0x3] =	stream.linear.gather @!p0 [hbm4b:s24+s19], $0x900, $0x38;
	[tilespmem:$0x1F000] =	vst v63  }
0xe2: {  	p1 =	sne.s32 s25, $0x9;
	s0 =	sor.u32 $0x80, s30  }
0xe3: {  	[tilespmem:s21], [sflag:$0x2] =	stream.indirect.gather [hbm4b:s4+s20], $0x80, s0, s20, $0xb8;
	[tilespmem:$0x1F000] =	vst v63  }
0xe4: {  	_ =	swait.ge [sflag:s22], $0x4000  }
0xe5: {  	[sflag:s22] =	ssyncset.done $0x0  }
0xe6: {  	s0 =	sadd.s32 $0x1800, s30;
	[sflag:s22] =	ssyncadd.s32 $0xFFFFC000  }
0xe7: {  	[spmem:s2] =	stream.indirect.scatter.add.f32 [tilespmem:s17], [sflag:$0x4], $0x80, s0, s20, $0xb8;
	[tilespmem:$0x1F000] =	vst v63  }
0xe8: {  	_ =	swait.ge [sflag:s18], $0x4000  }
0xe9: {  	[sflag:s18] =	ssyncset.done $0x0  }
0xea: {  	s0 =	sor.u32 $0x100, s30;
	[sflag:s18] =	ssyncadd.s32 $0xFFFFC000  }
0xeb: {  	[tilespmem:s17], [sflag:$0x1] =	stream.indirect.gather [hbm4b:s4+s20], $0x80, s0, s20, $0xb8;
	[tilespmem:$0x1F000] =	vst v63  }
0xec: {  	_ =	swait.ge [sflag:s23], $0x4000  }
0xed: {  	[sflag:s23] =	ssyncset.done $0x0  }
0xee: {  	s0 =	sadd.s32 $0x1880, s30;
	[sflag:s23] =	ssyncadd.s32 $0xFFFFC000  }
0xef: {  	[spmem:s2] =	stream.indirect.scatter.add.f32 [tilespmem:s21], [sflag:$0x4], $0x80, s0, s20, $0xb8;
	[tilespmem:$0x1F000] =	vst v63  }
0xf0: {  	_ =	swait.ge [sflag:s18], $0x4000  }
0xf1: {  	[sflag:s18] =	ssyncset.done $0x0  }
0xf2: {  	s0 =	sor.u32 $0x180, s30;
	[sflag:s18] =	ssyncadd.s32 $0xFFFFC000  }
0xf3: {  	[tilespmem:s21], [sflag:$0x2] =	stream.indirect.gather [hbm4b:s4+s20], $0x80, s0, s20, $0xb8;
	[tilespmem:$0x1F000] =	vst v63  }
0xf4: {  	_ =	swait.ge [sflag:s22], $0x4000  }
0xf5: {  	[sflag:s22] =	ssyncset.done $0x0  }
0xf6: {  	s0 =	sadd.s32 $0x1900, s30;
	[sflag:s22] =	ssyncadd.s32 $0xFFFFC000  }
0xf7: {  	[spmem:s2] =	stream.indirect.scatter.add.f32 [tilespmem:s17], [sflag:$0x4], $0x80, s0, s20, $0xb8;
	[tilespmem:$0x1F000] =	vst v63  }
0xf8: {  	_ =	swait.ge [sflag:s18], $0x4000  }
0xf9: {  	[sflag:s18] =	ssyncset.done $0x0  }
0xfa: {  	s0 =	sor.u32 $0x200, s30;
	[sflag:s18] =	ssyncadd.s32 $0xFFFFC000  }
0xfb: {  	[tilespmem:s17], [sflag:$0x1] =	stream.indirect.gather [hbm4b:s4+s20], $0x80, s0, s20, $0xb8;
	[tilespmem:$0x1F000] =	vst v63  }
0xfc: {  	_ =	swait.ge [sflag:s23], $0x4000  }
0xfd: {  	[sflag:s23] =	ssyncset.done $0x0  }
0xfe: {  	s0 =	sadd.s32 $0x1980, s30;
	[sflag:s23] =	ssyncadd.s32 $0xFFFFC000  }
0xff: {  	[spmem:s2] =	stream.indirect.scatter.add.f32 [tilespmem:s21], [sflag:$0x4], $0x80, s0, s20, $0xb8;
	[tilespmem:$0x1F000] =	vst v63  }
0x100: {  	_ =	swait.ge [sflag:s18], $0x4000  }
0x101: {  	[sflag:s18] =	ssyncset.done $0x0  }
0x102: {  	s0 =	sor.u32 $0x280, s30;
	[sflag:s18] =	ssyncadd.s32 $0xFFFFC000  }
0x103: {  	[tilespmem:s21], [sflag:$0x2] =	stream.indirect.gather [hbm4b:s4+s20], $0x80, s0, s20, $0xb8;
	[tilespmem:$0x1F000] =	vst v63  }
0x104: {  	_ =	swait.ge [sflag:s22], $0x4000  }
0x105: {  	[sflag:s22] =	ssyncset.done $0x0  }
0x106: {  	s0 =	sadd.s32 $0x1A00, s30;
	[sflag:s22] =	ssyncadd.s32 $0xFFFFC000  }
0x107: {  	[spmem:s2] =	stream.indirect.scatter.add.f32 [tilespmem:s17], [sflag:$0x4], $0x80, s0, s20, $0xb8;
	[tilespmem:$0x1F000] =	vst v63  }
0x108: {  	_ =	swait.ge [sflag:s18], $0x4000  }
0x109: {  	[sflag:s18] =	ssyncset.done $0x0  }
0x10a: {  	s0 =	sor.u32 $0x300, s30;
	[sflag:s18] =	ssyncadd.s32 $0xFFFFC000  }
0x10b: {  	[tilespmem:s17], [sflag:$0x1] =	stream.indirect.gather [hbm4b:s4+s20], $0x80, s0, s20, $0xb8;
	[tilespmem:$0x1F000] =	vst v63  }
0x10c: {  	_ =	swait.ge [sflag:s23], $0x4000  }
0x10d: {  	[sflag:s23] =	ssyncset.done $0x0  }
0x10e: {  	s0 =	sadd.s32 $0x1A80, s30;
	[sflag:s23] =	ssyncadd.s32 $0xFFFFC000  }
0x10f: {  	[spmem:s2] =	stream.indirect.scatter.add.f32 [tilespmem:s21], [sflag:$0x4], $0x80, s0, s20, $0xb8;
	[tilespmem:$0x1F000] =	vst v63  }
0x110: {  	_ =	swait.ge [sflag:s18], $0x4000  }
0x111: {  	[sflag:s18] =	ssyncset.done $0x0  }
0x112: {  	s0 =	sor.u32 $0x380, s30;
	[sflag:s18] =	ssyncadd.s32 $0xFFFFC000  }
0x113: {  	[tilespmem:s21], [sflag:$0x2] =	stream.indirect.gather [hbm4b:s4+s20], $0x80, s0, s20, $0xb8;
	[tilespmem:$0x1F000] =	vst v63  }
0x114: {  	_ =	swait.ge [sflag:s22], $0x4000  }
0x115: {  	[sflag:s22] =	ssyncset.done $0x0  }
0x116: {  	s0 =	sadd.s32 $0x1B00, s30;
	[sflag:s22] =	ssyncadd.s32 $0xFFFFC000  }
0x117: {  	[spmem:s2] =	stream.indirect.scatter.add.f32 [tilespmem:s17], [sflag:$0x4], $0x80, s0, s20, $0xb8;
	[tilespmem:$0x1F000] =	vst v63  }
0x118: {  	_ =	swait.ge [sflag:s18], $0x4000  }
0x119: {  	[sflag:s18] =	ssyncset.done $0x0  }
0x11a: {  	s0 =	sadd.s32 $0x400, s30;
	[sflag:s18] =	ssyncadd.s32 $0xFFFFC000  }
0x11b: {  	[tilespmem:s17], [sflag:$0x1] =	stream.indirect.gather [hbm4b:s4+s20], $0x80, s0, s20, $0xb8;
	[tilespmem:$0x1F000] =	vst v63  }
0x11c: {  	_ =	swait.ge [sflag:s23], $0x4000  }
0x11d: {  	[sflag:s23] =	ssyncset.done $0x0  }
0x11e: {  	s0 =	sadd.s32 $0x1B80, s30;
	[sflag:s23] =	ssyncadd.s32 $0xFFFFC000  }
0x11f: {  	[spmem:s2] =	stream.indirect.scatter.add.f32 [tilespmem:s21], [sflag:$0x4], $0x80, s0, s20, $0xb8;
	[tilespmem:$0x1F000] =	vst v63  }
0x120: {  	_ =	swait.ge [sflag:s18], $0x4000  }
0x121: {  	[sflag:s18] =	ssyncset.done $0x0  }
0x122: {  	s0 =	sadd.s32 $0x480, s30;
	[sflag:s18] =	ssyncadd.s32 $0xFFFFC000  }
0x123: {  	[tilespmem:s21], [sflag:$0x2] =	stream.indirect.gather [hbm4b:s4+s20], $0x80, s0, s20, $0xb8;
	[tilespmem:$0x1F000] =	vst v63  }
0x124: {  	_ =	swait.ge [sflag:s22], $0x4000  }
0x125: {  	[sflag:s22] =	ssyncset.done $0x0  }
0x126: {  	s0 =	sadd.s32 $0x1C00, s30;
	[sflag:s22] =	ssyncadd.s32 $0xFFFFC000  }
0x127: {  	[spmem:s2] =	stream.indirect.scatter.add.f32 [tilespmem:s17], [sflag:$0x4], $0x80, s0, s20, $0xb8;
	[tilespmem:$0x1F000] =	vst v63  }
0x128: {  	_ =	swait.ge [sflag:s18], $0x4000  }
0x129: {  	[sflag:s18] =	ssyncset.done $0x0  }
0x12a: {  	s0 =	sadd.s32 $0x500, s30;
	[sflag:s18] =	ssyncadd.s32 $0xFFFFC000  }
0x12b: {  	[tilespmem:s17], [sflag:$0x1] =	stream.indirect.gather [hbm4b:s4+s20], $0x80, s0, s20, $0xb8;
	[tilespmem:$0x1F000] =	vst v63  }
0x12c: {  	_ =	swait.ge [sflag:s23], $0x4000  }
0x12d: {  	[sflag:s23] =	ssyncset.done $0x0  }
0x12e: {  	s0 =	sadd.s32 $0x1C80, s30;
	[sflag:s23] =	ssyncadd.s32 $0xFFFFC000  }
0x12f: {  	[spmem:s2] =	stream.indirect.scatter.add.f32 [tilespmem:s21], [sflag:$0x4], $0x80, s0, s20, $0xb8;
	[tilespmem:$0x1F000] =	vst v63  }
0x130: {  	_ =	swait.ge [sflag:s18], $0x4000  }
0x131: {  	[sflag:s18] =	ssyncset.done $0x0  }
0x132: {  	s0 =	sadd.s32 $0x580, s30;
	[sflag:s18] =	ssyncadd.s32 $0xFFFFC000  }
0x133: {  	[tilespmem:s21], [sflag:$0x2] =	stream.indirect.gather [hbm4b:s4+s20], $0x80, s0, s20, $0xb8;
	[tilespmem:$0x1F000] =	vst v63  }
0x134: {  	_ =	swait.ge [sflag:s22], $0x4000  }
0x135: {  	[sflag:s22] =	ssyncset.done $0x0  }
0x136: {  	s0 =	sadd.s32 $0x1D00, s30;
	[sflag:s22] =	ssyncadd.s32 $0xFFFFC000  }
0x137: {  	[spmem:s2] =	stream.indirect.scatter.add.f32 [tilespmem:s17], [sflag:$0x4], $0x80, s0, s20, $0xb8;
	[tilespmem:$0x1F000] =	vst v63  }
0x138: {  	_ =	swait.ge [sflag:s18], $0x4000  }
0x139: {  	[sflag:s18] =	ssyncset.done $0x0  }
0x13a: {  	s0 =	sadd.s32 $0x600, s30;
	[sflag:s18] =	ssyncadd.s32 $0xFFFFC000  }
0x13b: {  	[tilespmem:s17], [sflag:$0x1] =	stream.indirect.gather [hbm4b:s4+s20], $0x80, s0, s20, $0xb8;
	[tilespmem:$0x1F000] =	vst v63  }
0x13c: {  	_ =	swait.ge [sflag:s23], $0x4000  }
0x13d: {  	[sflag:s23] =	ssyncset.done $0x0  }
0x13e: {  	s0 =	sadd.s32 $0x1D80, s30;
	[sflag:s23] =	ssyncadd.s32 $0xFFFFC000  }
0x13f: {  	[spmem:s2] =	stream.indirect.scatter.add.f32 [tilespmem:s21], [sflag:$0x4], $0x80, s0, s20, $0xb8;
	[tilespmem:$0x1F000] =	vst v63  }
0x140: {  	_ =	swait.ge [sflag:s18], $0x4000  }
0x141: {  	[sflag:s18] =	ssyncset.done $0x0  }
0x142: {  	s0 =	sadd.s32 $0x680, s30;
	[sflag:s18] =	ssyncadd.s32 $0xFFFFC000  }
0x143: {  	[tilespmem:s21], [sflag:$0x2] =	stream.indirect.gather [hbm4b:s4+s20], $0x80, s0, s20, $0xb8;
	[tilespmem:$0x1F000] =	vst v63  }
0x144: {  	_ =	swait.ge [sflag:s22], $0x4000  }
0x145: {  	[sflag:s22] =	ssyncset.done $0x0  }
0x146: {  	s0 =	sadd.s32 $0x1E00, s30;
	[sflag:s22] =	ssyncadd.s32 $0xFFFFC000  }
0x147: {  	[spmem:s2] =	stream.indirect.scatter.add.f32 [tilespmem:s17], [sflag:$0x4], $0x80, s0, s20, $0xb8;
	[tilespmem:$0x1F000] =	vst v63  }
0x148: {  	_ =	swait.ge [sflag:s18], $0x4000  }
0x149: {  	[sflag:s18] =	ssyncset.done $0x0  }
0x14a: {  	s0 =	sadd.s32 $0x700, s30;
	[sflag:s18] =	ssyncadd.s32 $0xFFFFC000  }
0x14b: {  	[tilespmem:s17], [sflag:$0x1] =	stream.indirect.gather [hbm4b:s4+s20], $0x80, s0, s20, $0xb8;
	[tilespmem:$0x1F000] =	vst v63  }
0x14c: {  	_ =	swait.ge [sflag:s23], $0x4000  }
0x14d: {  	[sflag:s23] =	ssyncset.done $0x0  }
0x14e: {  	s0 =	sadd.s32 $0x1E80, s30;
	[sflag:s23] =	ssyncadd.s32 $0xFFFFC000  }
0x14f: {  	[spmem:s2] =	stream.indirect.scatter.add.f32 [tilespmem:s21], [sflag:$0x4], $0x80, s0, s20, $0xb8;
	[tilespmem:$0x1F000] =	vst v63  }
0x150: {  	_ =	swait.ge [sflag:s18], $0x4000  }
0x151: {  	[sflag:s18] =	ssyncset.done $0x0  }
0x152: {  	s0 =	sadd.s32 $0x780, s30;
	[sflag:s18] =	ssyncadd.s32 $0xFFFFC000  }
0x153: {  	[tilespmem:s21], [sflag:$0x2] =	stream.indirect.gather [hbm4b:s4+s20], $0x80, s0, s20, $0xb8;
	[tilespmem:$0x1F000] =	vst v63  }
0x154: {  	_ =	swait.ge [sflag:s22], $0x4000  }
0x155: {  	[sflag:s22] =	ssyncset.done $0x0  }
0x156: {  	s0 =	sadd.s32 $0x1F00, s30;
	[sflag:s22] =	ssyncadd.s32 $0xFFFFC000  }
0x157: {  	[spmem:s2] =	stream.indirect.scatter.add.f32 [tilespmem:s17], [sflag:$0x4], $0x80, s0, s20, $0xb8;
	[tilespmem:$0x1F000] =	vst v63  }
0x158: {  	_ =	swait.ge [sflag:s18], $0x4000  }
0x159: {  	[sflag:s18] =	ssyncset.done $0x0  }
0x15a: {  	s0 =	sadd.s32 $0x800, s30;
	[sflag:s18] =	ssyncadd.s32 $0xFFFFC000  }
0x15b: {  	[tilespmem:s17], [sflag:$0x1] =	stream.indirect.gather [hbm4b:s4+s20], $0x80, s0, s20, $0xb8;
	[tilespmem:$0x1F000] =	vst v63  }
0x15c: {  	_ =	swait.ge [sflag:s23], $0x4000  }
0x15d: {  	[sflag:s23] =	ssyncset.done $0x0  }
0x15e: {  	s0 =	sadd.s32 $0x1F80, s30;
	[sflag:s23] =	ssyncadd.s32 $0xFFFFC000  }
0x15f: {  	[spmem:s2] =	stream.indirect.scatter.add.f32 [tilespmem:s21], [sflag:$0x4], $0x80, s0, s20, $0xb8;
	[tilespmem:$0x1F000] =	vst v63  }
0x160: {  	_ =	swait.ge [sflag:s18], $0x4000  }
0x161: {  	[sflag:s18] =	ssyncset.done $0x0  }
0x162: {  	s0 =	simm.s32 @!p0 $0x3;
	[sflag:s18] =	ssyncadd.s32 $0xFFFFC000  }
0x163: {  	_ =	swait.ge @!p0 [sflag:s0], $0x900  }
0x164: {  	[sflag:s0] =	ssyncset.done @!p0 $0x0  }
0x165: {  	[sflag:s0] =	ssyncadd.s32 @!p0 $0xFFFFF700  }
0x166: {  	_ =	swait.ge @!p0 [sflag:s0], $0x900  }
0x167: {  	[sflag:s0] =	ssyncset.done @!p0 $0x0  }
0x168: {  	[sflag:s0] =	ssyncadd.s32 @!p0 $0xFFFFF700;
	s0 =	sadd.s32 $0x880, s30  }
0x169: {  	[tilespmem:s21], [sflag:$0x2] =	stream.indirect.gather [hbm4b:s4+s20], $0x80, s0, s20, $0xb8;
	[tilespmem:$0x1F000] =	vst v63  }
0x16a: {  	_ =	swait.ge [sflag:s22], $0x4000  }
0x16b: {  	[sflag:s22] =	ssyncset.done $0x0  }
0x16c: {  	s19 =	sor.u32 $0x2000, s30;
	[sflag:s22] =	ssyncadd.s32 $0xFFFFC000  }
0x16d: {  	[spmem:s2] =	stream.indirect.scatter.add.f32 [tilespmem:s17], [sflag:$0x4], $0x80, s19, s20, $0xb8;
	[tilespmem:$0x1F000] =	vst v63  }
0x16e: {  	_ =	swait.ge [sflag:s18], $0x4000  }
0x16f: {  	s19 =	simm.s32 @!p0 $0x3000;
	[sflag:s18] =	ssyncset.done $0x0  }
0x170: {  	s29 =	sshrl.u32 @!p0 s29, $0x2;
	s30 =	simm.s32 @!p0 $0x80;
	[sflag:s18] =	ssyncadd.s32 $0xFFFFC000  }
0x171: {  	[tilespmem:s19], [sflag:$0x1] =	stream.indirect.gather @!p0 [hbm4b:s4+s30], $0x80, s29, s30, $0xb8;
	[tilespmem:$0x1F000] =	vst v63  }
0x172: {  	s26 =	sadd.s32 $0xC00, s26;
	s24 =	sadd.s32 $0x180, s24;
	_ =	swait.ge [sflag:s23], $0x4000  }
.Ltmp1:
0x173: {  	s0 =	sadd.s32 $0x1800, s0;
	[sflag:s23] =	ssyncset.done $0x0;
	(pc) =	sbr.rel @p1 .LBB2_4-.Ltmp1, $4  }
0x174: {  	s30 =	sand.u32 $0x1, s28;
	p0 =	seq.s32 s28, $0x8;
	[sflag:s23] =	ssyncadd.s32 $0xFFFFC000  }
0x175: {  	[spmem:s2] =	stream.indirect.scatter.add.f32 [tilespmem:s21], [sflag:$0x4], $0x80, s0, s20, $0xb8;
	[tilespmem:$0x1F000] =	vst v63  }
0x176: {  	s28 =	sxor.u32 @!p0 $0x1, s30;
	s0 =	sshrl.u32 @!p0 s26, $0x3;
	_ =	swait.ge [sflag:s18], $0x4000  }
0x177: {  	s31 =	smul.u32 @!p0 $0xC00, s28;
	s0 =	sadd.s32 @!p0 s5, s0;
	[sflag:s18] =	ssyncset.done $0x0  }
0x178: {  	s19 =	simm.s32 @!p0 $0x0;
	[sflag:s18] =	ssyncadd.s32 $0xFFFFC000  }
0x179: {  	[tilespmem:s31], [sflag:$0x3] =	stream.linear.gather @!p0 [hbm4b:s0+s19], $0x900, $0x38;
	[tilespmem:$0x1F000] =	vst v63  }
0x17a: {  	s25 =	smul.u32 $0xC00, s30;
	s0 =	sadd.s32 @!p0 $0x1800, s31  }
0x17b: {  	[tilespmem:s0], [sflag:$0x3] =	stream.linear.gather @!p0 [hbm4b:s24+s19], $0x900, $0x38;
	[tilespmem:$0x1F000] =	vst v63  }
0x17c: {  	s19 =	sor.u32 $0x80, s25  }
0x17d: {  	[tilespmem:s21], [sflag:$0x2] =	stream.indirect.gather [hbm4b:s4+s20], $0x80, s19, s20, $0xb8;
	[tilespmem:$0x1F000] =	vst v63  }
0x17e: {  	_ =	swait.ge [sflag:s22], $0x4000  }
0x17f: {  	[sflag:s22] =	ssyncset.done $0x0  }
0x180: {  	s24 =	sadd.s32 $0x1800, s25;
	[sflag:s22] =	ssyncadd.s32 $0xFFFFC000  }
0x181: {  	[spmem:s2] =	stream.indirect.scatter.add.f32 [tilespmem:s17], [sflag:$0x4], $0x80, s24, s20, $0xb8;
	[tilespmem:$0x1F000] =	vst v63  }
0x182: {  	_ =	swait.ge [sflag:s18], $0x4000  }
0x183: {  	[sflag:s18] =	ssyncset.done $0x0  }
0x184: {  	s26 =	sor.u32 $0x100, s25;
	[sflag:s18] =	ssyncadd.s32 $0xFFFFC000  }
0x185: {  	[tilespmem:s17], [sflag:$0x1] =	stream.indirect.gather [hbm4b:s4+s20], $0x80, s26, s20, $0xb8;
	[tilespmem:$0x1F000] =	vst v63  }
0x186: {  	_ =	swait.ge [sflag:s23], $0x4000  }
0x187: {  	[sflag:s23] =	ssyncset.done $0x0  }
0x188: {  	s29 =	sadd.s32 $0x1880, s25;
	[sflag:s23] =	ssyncadd.s32 $0xFFFFC000  }
0x189: {  	[spmem:s2] =	stream.indirect.scatter.add.f32 [tilespmem:s21], [sflag:$0x4], $0x80, s29, s20, $0xb8;
	[tilespmem:$0x1F000] =	vst v63  }
0x18a: {  	_ =	swait.ge [sflag:s18], $0x4000  }
0x18b: {  	[sflag:s18] =	ssyncset.done $0x0  }
0x18c: {  	s30 =	sor.u32 $0x180, s25;
	[sflag:s18] =	ssyncadd.s32 $0xFFFFC000  }
0x18d: {  	[tilespmem:s21], [sflag:$0x2] =	stream.indirect.gather [hbm4b:s4+s20], $0x80, s30, s20, $0xb8;
	[tilespmem:$0x1F000] =	vst v63  }
0x18e: {  	_ =	swait.ge [sflag:s22], $0x4000  }
0x18f: {  	[sflag:s22] =	ssyncset.done $0x0  }
0x190: {  	s31 =	sadd.s32 $0x1900, s25;
	[sflag:s22] =	ssyncadd.s32 $0xFFFFC000  }
0x191: {  	[spmem:s2] =	stream.indirect.scatter.add.f32 [tilespmem:s17], [sflag:$0x4], $0x80, s31, s20, $0xb8;
	[tilespmem:$0x1F000] =	vst v63  }
0x192: {  	_ =	swait.ge [sflag:s18], $0x4000  }
0x193: {  	[sflag:s18] =	ssyncset.done $0x0  }
0x194: {  	s19 =	sor.u32 $0x200, s25;
	[sflag:s18] =	ssyncadd.s32 $0xFFFFC000  }
0x195: {  	[tilespmem:s17], [sflag:$0x1] =	stream.indirect.gather [hbm4b:s4+s20], $0x80, s19, s20, $0xb8;
	[tilespmem:$0x1F000] =	vst v63  }
0x196: {  	_ =	swait.ge [sflag:s23], $0x4000  }
0x197: {  	[sflag:s23] =	ssyncset.done $0x0  }
0x198: {  	s24 =	sadd.s32 $0x1980, s25;
	[sflag:s23] =	ssyncadd.s32 $0xFFFFC000  }
0x199: {  	[spmem:s2] =	stream.indirect.scatter.add.f32 [tilespmem:s21], [sflag:$0x4], $0x80, s24, s20, $0xb8;
	[tilespmem:$0x1F000] =	vst v63  }
0x19a: {  	_ =	swait.ge [sflag:s18], $0x4000  }
0x19b: {  	[sflag:s18] =	ssyncset.done $0x0  }
0x19c: {  	s26 =	sor.u32 $0x280, s25;
	[sflag:s18] =	ssyncadd.s32 $0xFFFFC000  }
0x19d: {  	[tilespmem:s21], [sflag:$0x2] =	stream.indirect.gather [hbm4b:s4+s20], $0x80, s26, s20, $0xb8;
	[tilespmem:$0x1F000] =	vst v63  }
0x19e: {  	_ =	swait.ge [sflag:s22], $0x4000  }
0x19f: {  	[sflag:s22] =	ssyncset.done $0x0  }
0x1a0: {  	s29 =	sadd.s32 $0x1A00, s25;
	[sflag:s22] =	ssyncadd.s32 $0xFFFFC000  }
0x1a1: {  	[spmem:s2] =	stream.indirect.scatter.add.f32 [tilespmem:s17], [sflag:$0x4], $0x80, s29, s20, $0xb8;
	[tilespmem:$0x1F000] =	vst v63  }
0x1a2: {  	_ =	swait.ge [sflag:s18], $0x4000  }
0x1a3: {  	[sflag:s18] =	ssyncset.done $0x0  }
0x1a4: {  	s30 =	sor.u32 $0x300, s25;
	[sflag:s18] =	ssyncadd.s32 $0xFFFFC000  }
0x1a5: {  	[tilespmem:s17], [sflag:$0x1] =	stream.indirect.gather [hbm4b:s4+s20], $0x80, s30, s20, $0xb8;
	[tilespmem:$0x1F000] =	vst v63  }
0x1a6: {  	_ =	swait.ge [sflag:s23], $0x4000  }
0x1a7: {  	[sflag:s23] =	ssyncset.done $0x0  }
0x1a8: {  	s31 =	sadd.s32 $0x1A80, s25;
	[sflag:s23] =	ssyncadd.s32 $0xFFFFC000  }
0x1a9: {  	[spmem:s2] =	stream.indirect.scatter.add.f32 [tilespmem:s21], [sflag:$0x4], $0x80, s31, s20, $0xb8;
	[tilespmem:$0x1F000] =	vst v63  }
0x1aa: {  	_ =	swait.ge [sflag:s18], $0x4000  }
0x1ab: {  	[sflag:s18] =	ssyncset.done $0x0  }
0x1ac: {  	s19 =	sor.u32 $0x380, s25;
	[sflag:s18] =	ssyncadd.s32 $0xFFFFC000  }
0x1ad: {  	[tilespmem:s21], [sflag:$0x2] =	stream.indirect.gather [hbm4b:s4+s20], $0x80, s19, s20, $0xb8;
	[tilespmem:$0x1F000] =	vst v63  }
0x1ae: {  	_ =	swait.ge [sflag:s22], $0x4000  }
0x1af: {  	[sflag:s22] =	ssyncset.done $0x0  }
0x1b0: {  	s24 =	sadd.s32 $0x1B00, s25;
	[sflag:s22] =	ssyncadd.s32 $0xFFFFC000  }
0x1b1: {  	[spmem:s2] =	stream.indirect.scatter.add.f32 [tilespmem:s17], [sflag:$0x4], $0x80, s24, s20, $0xb8;
	[tilespmem:$0x1F000] =	vst v63  }
0x1b2: {  	_ =	swait.ge [sflag:s18], $0x4000  }
0x1b3: {  	[sflag:s18] =	ssyncset.done $0x0  }
0x1b4: {  	s26 =	sadd.s32 $0x400, s25;
	[sflag:s18] =	ssyncadd.s32 $0xFFFFC000  }
0x1b5: {  	[tilespmem:s17], [sflag:$0x1] =	stream.indirect.gather [hbm4b:s4+s20], $0x80, s26, s20, $0xb8;
	[tilespmem:$0x1F000] =	vst v63  }
0x1b6: {  	_ =	swait.ge [sflag:s23], $0x4000  }
0x1b7: {  	[sflag:s23] =	ssyncset.done $0x0  }
0x1b8: {  	s29 =	sadd.s32 $0x1B80, s25;
	[sflag:s23] =	ssyncadd.s32 $0xFFFFC000  }
0x1b9: {  	[spmem:s2] =	stream.indirect.scatter.add.f32 [tilespmem:s21], [sflag:$0x4], $0x80, s29, s20, $0xb8;
	[tilespmem:$0x1F000] =	vst v63  }
0x1ba: {  	_ =	swait.ge [sflag:s18], $0x4000  }
0x1bb: {  	[sflag:s18] =	ssyncset.done $0x0  }
0x1bc: {  	s30 =	sadd.s32 $0x480, s25;
	[sflag:s18] =	ssyncadd.s32 $0xFFFFC000  }
0x1bd: {  	[tilespmem:s21], [sflag:$0x2] =	stream.indirect.gather [hbm4b:s4+s20], $0x80, s30, s20, $0xb8;
	[tilespmem:$0x1F000] =	vst v63  }
0x1be: {  	_ =	swait.ge [sflag:s22], $0x4000  }
0x1bf: {  	[sflag:s22] =	ssyncset.done $0x0  }
0x1c0: {  	s31 =	sadd.s32 $0x1C00, s25;
	[sflag:s22] =	ssyncadd.s32 $0xFFFFC000  }
0x1c1: {  	[spmem:s2] =	stream.indirect.scatter.add.f32 [tilespmem:s17], [sflag:$0x4], $0x80, s31, s20, $0xb8;
	[tilespmem:$0x1F000] =	vst v63  }
0x1c2: {  	_ =	swait.ge [sflag:s18], $0x4000  }
0x1c3: {  	[sflag:s18] =	ssyncset.done $0x0  }
0x1c4: {  	s19 =	sadd.s32 $0x500, s25;
	[sflag:s18] =	ssyncadd.s32 $0xFFFFC000  }
0x1c5: {  	[tilespmem:s17], [sflag:$0x1] =	stream.indirect.gather [hbm4b:s4+s20], $0x80, s19, s20, $0xb8;
	[tilespmem:$0x1F000] =	vst v63  }
0x1c6: {  	_ =	swait.ge [sflag:s23], $0x4000  }
0x1c7: {  	[sflag:s23] =	ssyncset.done $0x0  }
0x1c8: {  	s24 =	sadd.s32 $0x1C80, s25;
	[sflag:s23] =	ssyncadd.s32 $0xFFFFC000  }
0x1c9: {  	[spmem:s2] =	stream.indirect.scatter.add.f32 [tilespmem:s21], [sflag:$0x4], $0x80, s24, s20, $0xb8;
	[tilespmem:$0x1F000] =	vst v63  }
0x1ca: {  	_ =	swait.ge [sflag:s18], $0x4000  }
0x1cb: {  	[sflag:s18] =	ssyncset.done $0x0  }
0x1cc: {  	s26 =	sadd.s32 $0x580, s25;
	[sflag:s18] =	ssyncadd.s32 $0xFFFFC000  }
0x1cd: {  	[tilespmem:s21], [sflag:$0x2] =	stream.indirect.gather [hbm4b:s4+s20], $0x80, s26, s20, $0xb8;
	[tilespmem:$0x1F000] =	vst v63  }
0x1ce: {  	_ =	swait.ge [sflag:s22], $0x4000  }
0x1cf: {  	[sflag:s22] =	ssyncset.done $0x0  }
0x1d0: {  	s29 =	sadd.s32 $0x1D00, s25;
	[sflag:s22] =	ssyncadd.s32 $0xFFFFC000  }
0x1d1: {  	[spmem:s2] =	stream.indirect.scatter.add.f32 [tilespmem:s17], [sflag:$0x4], $0x80, s29, s20, $0xb8;
	[tilespmem:$0x1F000] =	vst v63  }
0x1d2: {  	_ =	swait.ge [sflag:s18], $0x4000  }
0x1d3: {  	[sflag:s18] =	ssyncset.done $0x0  }
0x1d4: {  	s30 =	sadd.s32 $0x600, s25;
	[sflag:s18] =	ssyncadd.s32 $0xFFFFC000  }
0x1d5: {  	[tilespmem:s17], [sflag:$0x1] =	stream.indirect.gather [hbm4b:s4+s20], $0x80, s30, s20, $0xb8;
	[tilespmem:$0x1F000] =	vst v63  }
0x1d6: {  	_ =	swait.ge [sflag:s23], $0x4000  }
0x1d7: {  	[sflag:s23] =	ssyncset.done $0x0  }
0x1d8: {  	s31 =	sadd.s32 $0x1D80, s25;
	[sflag:s23] =	ssyncadd.s32 $0xFFFFC000  }
0x1d9: {  	[spmem:s2] =	stream.indirect.scatter.add.f32 [tilespmem:s21], [sflag:$0x4], $0x80, s31, s20, $0xb8;
	[tilespmem:$0x1F000] =	vst v63  }
0x1da: {  	_ =	swait.ge [sflag:s18], $0x4000  }
0x1db: {  	[sflag:s18] =	ssyncset.done $0x0  }
0x1dc: {  	s19 =	sadd.s32 $0x680, s25;
	[sflag:s18] =	ssyncadd.s32 $0xFFFFC000  }
0x1dd: {  	[tilespmem:s21], [sflag:$0x2] =	stream.indirect.gather [hbm4b:s4+s20], $0x80, s19, s20, $0xb8;
	[tilespmem:$0x1F000] =	vst v63  }
0x1de: {  	_ =	swait.ge [sflag:s22], $0x4000  }
0x1df: {  	[sflag:s22] =	ssyncset.done $0x0  }
0x1e0: {  	s24 =	sadd.s32 $0x1E00, s25;
	[sflag:s22] =	ssyncadd.s32 $0xFFFFC000  }
0x1e1: {  	[spmem:s2] =	stream.indirect.scatter.add.f32 [tilespmem:s17], [sflag:$0x4], $0x80, s24, s20, $0xb8;
	[tilespmem:$0x1F000] =	vst v63  }
0x1e2: {  	_ =	swait.ge [sflag:s18], $0x4000  }
0x1e3: {  	[sflag:s18] =	ssyncset.done $0x0  }
0x1e4: {  	s26 =	sadd.s32 $0x700, s25;
	[sflag:s18] =	ssyncadd.s32 $0xFFFFC000  }
0x1e5: {  	[tilespmem:s17], [sflag:$0x1] =	stream.indirect.gather [hbm4b:s4+s20], $0x80, s26, s20, $0xb8;
	[tilespmem:$0x1F000] =	vst v63  }
0x1e6: {  	_ =	swait.ge [sflag:s23], $0x4000  }
0x1e7: {  	[sflag:s23] =	ssyncset.done $0x0  }
0x1e8: {  	s29 =	sadd.s32 $0x1E80, s25;
	[sflag:s23] =	ssyncadd.s32 $0xFFFFC000  }
0x1e9: {  	[spmem:s2] =	stream.indirect.scatter.add.f32 [tilespmem:s21], [sflag:$0x4], $0x80, s29, s20, $0xb8;
	[tilespmem:$0x1F000] =	vst v63  }
0x1ea: {  	_ =	swait.ge [sflag:s18], $0x4000  }
0x1eb: {  	[sflag:s18] =	ssyncset.done $0x0  }
0x1ec: {  	s30 =	sadd.s32 $0x780, s25;
	[sflag:s18] =	ssyncadd.s32 $0xFFFFC000  }
0x1ed: {  	[tilespmem:s21], [sflag:$0x2] =	stream.indirect.gather [hbm4b:s4+s20], $0x80, s30, s20, $0xb8;
	[tilespmem:$0x1F000] =	vst v63  }
0x1ee: {  	_ =	swait.ge [sflag:s22], $0x4000  }
0x1ef: {  	[sflag:s22] =	ssyncset.done $0x0  }
0x1f0: {  	s31 =	sadd.s32 $0x1F00, s25;
	[sflag:s22] =	ssyncadd.s32 $0xFFFFC000  }
0x1f1: {  	[spmem:s2] =	stream.indirect.scatter.add.f32 [tilespmem:s17], [sflag:$0x4], $0x80, s31, s20, $0xb8;
	[tilespmem:$0x1F000] =	vst v63  }
0x1f2: {  	_ =	swait.ge [sflag:s18], $0x4000  }
0x1f3: {  	[sflag:s18] =	ssyncset.done $0x0  }
0x1f4: {  	s19 =	sadd.s32 $0x800, s25;
	[sflag:s18] =	ssyncadd.s32 $0xFFFFC000  }
0x1f5: {  	[tilespmem:s17], [sflag:$0x1] =	stream.indirect.gather [hbm4b:s4+s20], $0x80, s19, s20, $0xb8;
	[tilespmem:$0x1F000] =	vst v63  }
0x1f6: {  	_ =	swait.ge [sflag:s23], $0x4000  }
0x1f7: {  	[sflag:s23] =	ssyncset.done $0x0  }
0x1f8: {  	s24 =	sadd.s32 $0x1F80, s25;
	[sflag:s23] =	ssyncadd.s32 $0xFFFFC000  }
0x1f9: {  	[spmem:s2] =	stream.indirect.scatter.add.f32 [tilespmem:s21], [sflag:$0x4], $0x80, s24, s20, $0xb8;
	[tilespmem:$0x1F000] =	vst v63  }
0x1fa: {  	_ =	swait.ge [sflag:s18], $0x4000  }
0x1fb: {  	[sflag:s18] =	ssyncset.done $0x0  }
0x1fc: {  	s0 =	simm.s32 @!p0 $0x3;
	[sflag:s18] =	ssyncadd.s32 $0xFFFFC000  }
0x1fd: {  	_ =	swait.ge @!p0 [sflag:s0], $0x900  }
0x1fe: {  	[sflag:s0] =	ssyncset.done @!p0 $0x0  }
0x1ff: {  	[sflag:s0] =	ssyncadd.s32 @!p0 $0xFFFFF700  }
0x200: {  	_ =	swait.ge @!p0 [sflag:s0], $0x900  }
0x201: {  	[sflag:s0] =	ssyncset.done @!p0 $0x0  }
0x202: {  	s26 =	sadd.s32 $0x880, s25;
	[sflag:s0] =	ssyncadd.s32 @!p0 $0xFFFFF700  }
0x203: {  	[tilespmem:s21], [sflag:$0x2] =	stream.indirect.gather [hbm4b:s4+s20], $0x80, s26, s20, $0xb8;
	[tilespmem:$0x1F000] =	vst v63  }
0x204: {  	_ =	swait.ge [sflag:s22], $0x4000  }
0x205: {  	[sflag:s22] =	ssyncset.done $0x0  }
0x206: {  	s29 =	sor.u32 $0x2000, s25;
	[sflag:s22] =	ssyncadd.s32 $0xFFFFC000  }
0x207: {  	[spmem:s2] =	stream.indirect.scatter.add.f32 [tilespmem:s17], [sflag:$0x4], $0x80, s29, s20, $0xb8;
	[tilespmem:$0x1F000] =	vst v63  }
0x208: {  	s19 =	smul.u32 @!p0 $0x3000, s28;
	_ =	swait.ge [sflag:s18], $0x4000  }
0x209: {  	s25 =	simm.s32 @!p0 $0x80;
	[sflag:s18] =	ssyncset.done $0x0  }
0x20a: {  	s19 =	sshrl.u32 @!p0 s19, $0x2;
	s24 =	simm.s32 @!p0 $0x3000;
	[sflag:s18] =	ssyncadd.s32 $0xFFFFC000  }
0x20b: {  	[tilespmem:s24], [sflag:$0x1] =	stream.indirect.gather @!p0 [hbm4b:s4+s25], $0x80, s19, s25, $0xb8;
	[tilespmem:$0x1F000] =	vst v63  }
0x20c: {  	_ =	swait.ge [sflag:s23], $0x4000  }
0x20d: {  	[sflag:s23] =	ssyncset.done $0x0  }
0x20e: {  	s0 =	sadd.s32 $0x1800, s26;
	[sflag:s23] =	ssyncadd.s32 $0xFFFFC000  }
0x20f: {  	[spmem:s2] =	stream.indirect.scatter.add.f32 [tilespmem:s21], [sflag:$0x4], $0x80, s0, s20, $0xb8;
	[tilespmem:$0x1F000] =	vst v63  }
0x210: {  	_ =	swait.ge [sflag:s18], $0x4000  }
0x211: {  	s3 =	sadd.s32 $0x1, s3;
	s30 =	sshll.u32 s1, $0x6;
	[sflag:s18] =	ssyncset.done $0x0  }
0x212: {  	s31 =	sshrl.u32 s6, $0x3;
	p0 =	sne.s32 s3, s14;
	[sflag:s18] =	ssyncadd.s32 $0xFFFFC000  }
.Ltmp2:
0x213: {  	s0 =	sor.u32 $0x1C04, s30;
	[bflag:$0x0] =	sbarrier.arrive $0xFFFF;
	(pc) =	sbr.rel @p0 .LBB2_1-.Ltmp2, $4  }
0x214: {  	[hbm:s13], [sflag:s0] =	dma.local [spmem:s31], $0x2800  }
0x215: {  	_ =	swait.ge [sflag:s18], $0x2800  }
0x216: {  	[sflag:s18] =	ssyncset.done $0x0  }
0x217: {  	[sflag:s18] =	ssyncadd.s32 $0xFFFFD800  }
0x218: {  	_ =	sfence.sel $0x180000  }
0x219: {  	[bflag:$0x0] =	sbarrier.arrive $0xFFFF  }
0x21a: {  	_ =	strace $0x90000050  }
0x21b: {  	[bflag:$0x2] =	sbarrier.arrive $0xFFFF  }
0x21c: {  	p0 =	sne.s32 s1, $0x0;
	s0 =	rddreg [dreg:$0x2]  }
0x21d: {  	s0 =	sadd.s32 @!p0 $0x100000, s0  }
0x21e: {  	[sflag:s0] =	ssyncadd.tile.s32 @!p0 $0x1;
	_ =	shalt  }
.Lfunc_end2:
_tile_overlayer_lowered:
.L_overlay_start_2:
0x21f: {  	(tag) =	ssettag $0x2  }
0x220: {  	s0 =	rddreg [dreg:$0x0];
	s2 =	stileid.u32  }
0x221: {  	s1 =	rddreg [dreg:$0x1];
	p0 =	sne.s32 s2, $0x0  }
0x222: {  	s3 =	rddreg [dreg:$0x2];
	[bflag:$0x3] =	sbarrier.arrive $0xFFFF;
	s2 =	simm.s32 @!p0 $0x1C04  }
0x223: {  	[timem:s3], [sflag:s2] =	dma.local @!p0 [hbm:s0], s1  }
0x224: {  	s0 =	simm.s32 @!p0 $0x4  }
0x225: {  	_ =	swait.ge @!p0 [sflag:s0], s1  }
0x226: {  	s1 =	ssub.s32 @!p0 $0x0, s1;
	[sflag:s0] =	ssyncset.done @!p0 $0x0  }
0x227: {  	[sflag:s0] =	ssyncadd.s32 @!p0 s1  }
0x228: {  	[bflag:$0x3] =	sbarrier.arrive $0xFFFF  }
0x229: {  	_ =	shalt  }

</sc_bundles>
